<compile_context>
chip_gen: v7x
topology: tpu7x:2x2x1
jax: 0.10.2.dev20260603
libtpu: 0.0.44.dev20260713+nightly
codegen_flags: <defaults>
</compile_context>

<pallas_src>
import jax
import jax.numpy as jnp
from jax import lax
from jax.experimental import pallas as pl
from jax.experimental.pallas import tpu as pltpu
from jax.experimental.pallas import tpu_sc as plsc

_C = 16
_BAND = 64
_L = 16
_NB = 8
_W = 2048
_NSRC = 32


def _sc_body(y_hbm, x_hbm, sx_hbm, sy_hbm, out_hbm,
             buf0, buf1, sxv, syv, xv,
             in_sem0, in_sem1, out_sem0, out_sem1):
    wid = lax.axis_index("s") * 2 + lax.axis_index("c")
    base = wid * _BAND
    pltpu.sync_copy(sx_hbm, sxv)
    pltpu.sync_copy(sy_hbm, syv)
    pltpu.sync_copy(x_hbm, xv)
    bufs = (buf0, buf1)
    in_sems = (in_sem0, in_sem1)
    out_sems = (out_sem0, out_sem1)
    n_cpb = _BAND // _C
    n_it = _NB * n_cpb

    def chunk(it):
        return it // n_cpb, base + (it % n_cpb) * _C

    in_copies = [None, None]
    out_copies = [None, None]

    b0, r0 = chunk(0)
    in_copies[0] = pltpu.async_copy(
        y_hbm.at[b0, pl.ds(r0, _C)], bufs[0], in_sems[0])
    for it in range(n_it):
        cur = it & 1
        nxt = cur ^ 1
        if it + 1 < n_it:
            if out_copies[nxt] is not None:
                out_copies[nxt].wait()
                out_copies[nxt] = None
            bn, rn = chunk(it + 1)
            in_copies[nxt] = pltpu.async_copy(
                y_hbm.at[bn, pl.ds(rn, _C)], bufs[nxt], in_sems[nxt])
        in_copies[cur].wait()
        b, row0 = chunk(it)
        for k in range(_NSRC // _L):
            sx = sxv[pl.ds(k * _L, _L)]
            sy = syv[pl.ds(k * _L, _L)]
            xval = xv[b, pl.ds(k * _L, _L)]
            mask = jnp.logical_and(sx >= row0, sx < row0 + _C)
            loc = jnp.where(mask, sx - row0, 0)
            plsc.addupdate_scatter(bufs[cur], [loc, sy], xval, mask=mask)
        out_copies[cur] = pltpu.async_copy(
            bufs[cur], out_hbm.at[b, pl.ds(row0, _C)], out_sems[cur])
    for c in out_copies:
        if c is not None:
            c.wait()


def kernel(Y, X, src_x, src_y):
    mesh = plsc.VectorSubcoreMesh(core_axis_name="c", subcore_axis_name="s")
    f = pl.kernel(
        _sc_body,
        out_type=jax.ShapeDtypeStruct(Y.shape, Y.dtype),
        mesh=mesh,
        scratch_types=[
            pltpu.VMEM((_C, _W), jnp.float32),
            pltpu.VMEM((_C, _W), jnp.float32),
            pltpu.VMEM((_NSRC,), jnp.int32),
            pltpu.VMEM((_NSRC,), jnp.int32),
            pltpu.VMEM((_NB, _NSRC), jnp.float32),
            pltpu.SemaphoreType.DMA,
            pltpu.SemaphoreType.DMA,
            pltpu.SemaphoreType.DMA,
            pltpu.SemaphoreType.DMA,
        ],
        compiler_params=pltpu.CompilerParams(
            use_tc_tiling_on_sc=False, needs_layout_passes=False),
    )
    return f(Y, X, src_x, src_y)

# --- scband reference (transcript-rebuilt; emitter-appended) ---
"""Pipeline reference for scband-wave-source-51891794870397 (READ-ONLY COPY).

The authoritative reference and input builder live on the scoring server;
editing this copy changes nothing except your own understanding.
"""

import jax, jax.numpy as jnp
import numpy as np


def setup_inputs(seed: int = 0) -> dict:
    key = jax.random.key(seed)
    k1, k2 = jax.random.split(key)
    Y = jax.random.normal(k1, (8, 2048, 2048), dtype=jnp.float32)
    X = jax.random.normal(k2, (8, 32), dtype=jnp.float32)
    src_x = jnp.arange(0, 2048, 64, dtype=jnp.int32)
    src_y = (src_x + 512) % 2048
    return {"Y": Y, "X": X, "src_x": src_x, "src_y": src_y}


def reference(Y, X, src_x, src_y):
    dt = 1.0
    # X_expanded = zeros(Y.size()); X_expanded[:, x, y] = X  (scatter-overwrite)
    X_expanded = jnp.zeros(Y.shape, dtype=Y.dtype).at[:, src_x, src_y].set(X)
    return Y + dt ** 2 * X_expanded

if __name__ == "__main__":
    import jax
    _d = setup_inputs()
    print(jax.jit(kernel)(*tuple(_d.values())))

</pallas_src>

<mosaic_0001>
#map = affine_map<(d0, d1) -> (0, 0, 0)>
#map1 = affine_map<(d0, d1) -> (0, 0)>
#map2 = affine_map<(d0, d1) -> (0)>
module attributes {stable_mosaic.version = 14 : i64} {
  func.func @_sc_body(%arg0: i32, %arg1: i32, %arg2: memref<8x2048x2048xf32, #tpu.memory_space<hbm>>, %arg3: memref<8x32xf32, #tpu.memory_space<hbm>>, %arg4: memref<32xi32, #tpu.memory_space<hbm>>, %arg5: memref<32xi32, #tpu.memory_space<hbm>>, %arg6: memref<8x2048x2048xf32, #tpu.memory_space<hbm>>, %arg7: memref<16x2048xf32, #tpu.memory_space<vmem>>, %arg8: memref<16x2048xf32, #tpu.memory_space<vmem>>, %arg9: memref<32xi32, #tpu.memory_space<vmem>>, %arg10: memref<32xi32, #tpu.memory_space<vmem>>, %arg11: memref<8x32xf32, #tpu.memory_space<vmem>>, %arg12: memref<!tpu.dma_semaphore, #tpu.memory_space<semaphore_mem>>, %arg13: memref<!tpu.dma_semaphore, #tpu.memory_space<semaphore_mem>>, %arg14: memref<!tpu.dma_semaphore, #tpu.memory_space<semaphore_mem>>, %arg15: memref<!tpu.dma_semaphore, #tpu.memory_space<semaphore_mem>>) attributes {dimension_semantics = [#tpu.dimension_semantics<core_parallel>, #tpu.dimension_semantics<subcore_parallel>], iteration_bounds = array<i64: 2, 16>, scalar_prefetch = 0 : i64, scratch_operands = 9 : i64, tpu.core_type = #tpu.core_type<sc_vector_subcore>, window_params = [{transform_indices = #map}, {transform_indices = #map1}, {transform_indices = #map2}, {transform_indices = #map2}, {transform_indices = #map}]} {
    %mul3A = arith.constant 2 : i32
    %mul3A_0 = arith.muli %arg1, %mul3A : i32
    %add3A = arith.addi %mul3A_0, %arg0 : i32
    %mul3A_1 = arith.constant 64 : i32
    %mul3A_2 = arith.muli %add3A, %mul3A_1 : i32
    "tpu.region"() ({
      %run_scoped3A = tpu.sem_alloc : memref<!tpu.dma_semaphore, #tpu.memory_space<semaphore_mem>>
      tpu.enqueue_dma source(%arg4 : memref<32xi32, #tpu.memory_space<hbm>>) target(%arg9 : memref<32xi32, #tpu.memory_space<vmem>>) target_semaphore(%run_scoped3A : memref<!tpu.dma_semaphore, #tpu.memory_space<semaphore_mem>>)
      tpu.wait_dma2 semaphore(%run_scoped3A : memref<!tpu.dma_semaphore, #tpu.memory_space<semaphore_mem>>) src(%arg4 : memref<32xi32, #tpu.memory_space<hbm>>) dst(%arg9 : memref<32xi32, #tpu.memory_space<vmem>>)
      tpu.yield
    }) : () -> ()
    "tpu.region"() ({
      %run_scoped3A = tpu.sem_alloc : memref<!tpu.dma_semaphore, #tpu.memory_space<semaphore_mem>>
      tpu.enqueue_dma source(%arg5 : memref<32xi32, #tpu.memory_space<hbm>>) target(%arg10 : memref<32xi32, #tpu.memory_space<vmem>>) target_semaphore(%run_scoped3A : memref<!tpu.dma_semaphore, #tpu.memory_space<semaphore_mem>>)
      tpu.wait_dma2 semaphore(%run_scoped3A : memref<!tpu.dma_semaphore, #tpu.memory_space<semaphore_mem>>) src(%arg5 : memref<32xi32, #tpu.memory_space<hbm>>) dst(%arg10 : memref<32xi32, #tpu.memory_space<vmem>>)
      tpu.yield
    }) : () -> ()
    "tpu.region"() ({
      %run_scoped3A = tpu.sem_alloc : memref<!tpu.dma_semaphore, #tpu.memory_space<semaphore_mem>>
      tpu.enqueue_dma source(%arg3 : memref<8x32xf32, #tpu.memory_space<hbm>>) target(%arg11 : memref<8x32xf32, #tpu.memory_space<vmem>>) target_semaphore(%run_scoped3A : memref<!tpu.dma_semaphore, #tpu.memory_space<semaphore_mem>>)
      tpu.wait_dma2 semaphore(%run_scoped3A : memref<!tpu.dma_semaphore, #tpu.memory_space<semaphore_mem>>) src(%arg3 : memref<8x32xf32, #tpu.memory_space<hbm>>) dst(%arg11 : memref<8x32xf32, #tpu.memory_space<vmem>>)
      tpu.yield
    }) : () -> ()
    %add3A_3 = arith.constant 0 : i32
    %add3A_4 = arith.addi %mul3A_2, %add3A_3 : i32
    %dma_start3A = arith.constant 0 : i32
    %dma_start3A_5 = arith.constant 0 : i32
    %dma_start3A_6 = tpu.memref_slice %arg2[%dma_start3A, %add3A_4, %dma_start3A_5] : memref<8x2048x2048xf32, #tpu.memory_space<hbm>> -> memref<1x16x2048xf32, #tpu.memory_space<hbm>>
    %dma_start3A_7 = tpu.memref_squeeze %dma_start3A_6 : memref<1x16x2048xf32, #tpu.memory_space<hbm>> -> memref<16x2048xf32, #tpu.memory_space<hbm>>
    %dma_start3A_8 = arith.constant 0 : i32
    %dma_start3A_9 = tpu.memref_slice %arg2[%dma_start3A, %add3A_4, %dma_start3A_8] : memref<8x2048x2048xf32, #tpu.memory_space<hbm>> -> memref<1x16x2048xf32, #tpu.memory_space<hbm>>
    %dma_start3A_10 = tpu.memref_squeeze %dma_start3A_9 : memref<1x16x2048xf32, #tpu.memory_space<hbm>> -> memref<16x2048xf32, #tpu.memory_space<hbm>>
    tpu.enqueue_dma source(%dma_start3A_10 : memref<16x2048xf32, #tpu.memory_space<hbm>>) target(%arg7 : memref<16x2048xf32, #tpu.memory_space<vmem>>) target_semaphore(%arg12 : memref<!tpu.dma_semaphore, #tpu.memory_space<semaphore_mem>>)
    %add3A_11 = arith.constant 16 : i32
    %add3A_12 = arith.addi %mul3A_2, %add3A_11 : i32
    %dma_start3A_13 = arith.constant 0 : i32
    %dma_start3A_14 = arith.constant 0 : i32
    %dma_start3A_15 = tpu.memref_slice %arg2[%dma_start3A_13, %add3A_12, %dma_start3A_14] : memref<8x2048x2048xf32, #tpu.memory_space<hbm>> -> memref<1x16x2048xf32, #tpu.memory_space<hbm>>
    %dma_start3A_16 = tpu.memref_squeeze %dma_start3A_15 : memref<1x16x2048xf32, #tpu.memory_space<hbm>> -> memref<16x2048xf32, #tpu.memory_space<hbm>>
    %dma_start3A_17 = arith.constant 0 : i32
    %dma_start3A_18 = tpu.memref_slice %arg2[%dma_start3A_13, %add3A_12, %dma_start3A_17] : memref<8x2048x2048xf32, #tpu.memory_space<hbm>> -> memref<1x16x2048xf32, #tpu.memory_space<hbm>>
    %dma_start3A_19 = tpu.memref_squeeze %dma_start3A_18 : memref<1x16x2048xf32, #tpu.memory_space<hbm>> -> memref<16x2048xf32, #tpu.memory_space<hbm>>
    tpu.enqueue_dma source(%dma_start3A_19 : memref<16x2048xf32, #tpu.memory_space<hbm>>) target(%arg8 : memref<16x2048xf32, #tpu.memory_space<vmem>>) target_semaphore(%arg13 : memref<!tpu.dma_semaphore, #tpu.memory_space<semaphore_mem>>)
    %dma_wait3A = arith.constant 0 : i32
    %dma_wait3A_20 = arith.constant 0 : i32
    %dma_wait3A_21 = tpu.memref_slice %arg2[%dma_wait3A, %add3A_4, %dma_wait3A_20] : memref<8x2048x2048xf32, #tpu.memory_space<hbm>> -> memref<1x16x2048xf32, #tpu.memory_space<hbm>>
    %dma_wait3A_22 = tpu.memref_squeeze %dma_wait3A_21 : memref<1x16x2048xf32, #tpu.memory_space<hbm>> -> memref<16x2048xf32, #tpu.memory_space<hbm>>
    %dma_wait3A_23 = arith.constant 0 : i32
    %dma_wait3A_24 = tpu.memref_slice %arg2[%dma_wait3A, %add3A_4, %dma_wait3A_23] : memref<8x2048x2048xf32, #tpu.memory_space<hbm>> -> memref<1x16x2048xf32, #tpu.memory_space<hbm>>
    %dma_wait3A_25 = tpu.memref_squeeze %dma_wait3A_24 : memref<1x16x2048xf32, #tpu.memory_space<hbm>> -> memref<16x2048xf32, #tpu.memory_space<hbm>>
    tpu.wait_dma2 semaphore(%arg12 : memref<!tpu.dma_semaphore, #tpu.memory_space<semaphore_mem>>) src(%dma_wait3A_25 : memref<16x2048xf32, #tpu.memory_space<hbm>>) dst(%arg7 : memref<16x2048xf32, #tpu.memory_space<vmem>>)
    %add3A_26 = arith.constant 0 : i32
    %add3A_27 = arith.addi %mul3A_2, %add3A_26 : i32
    %get3A = arith.constant 0 : index
    %get3A_28 = tpu.vector_load %arg9[%get3A] {strides = array<i32>} : memref<32xi32, #tpu.memory_space<vmem>>, vector<16xi32>,
    %get3A_29 = arith.constant 0 : index
    %get3A_30 = tpu.vector_load %arg10[%get3A_29] {strides = array<i32>} : memref<32xi32, #tpu.memory_space<vmem>>, vector<16xi32>,
    %get3A_31 = arith.constant 0 : i32
    %get3A_32 = arith.index_cast %get3A_31 : i32 to index
    %get3A_33 = arith.constant 0 : index
    %get3A_34 = tpu.vector_load %arg11[%get3A_32, %get3A_33] {strides = array<i32>} : memref<8x32xf32, #tpu.memory_space<vmem>>, vector<16xf32>,
    %ge3A = vector.broadcast %add3A_27 : i32 to vector<16xi32>
    %ge3A_35 = arith.cmpi sge, %get3A_28, %ge3A : vector<16xi32>
    %add3A_36 = arith.constant 16 : i32
    %add3A_37 = arith.addi %add3A_27, %add3A_36 : i32
    %lt3A = vector.broadcast %add3A_37 : i32 to vector<16xi32>
    %lt3A_38 = arith.cmpi slt, %get3A_28, %lt3A : vector<16xi32>
    %and3A = arith.andi %ge3A_35, %lt3A_38 : vector<16xi1>
    %sub3A = vector.broadcast %add3A_27 : i32 to vector<16xi32>
    %sub3A_39 = arith.subi %get3A_28, %sub3A : vector<16xi32>
    %jit3A = arith.constant 0 : i32
    %broadcast_in_dim3A = vector.broadcast %jit3A : i32 to vector<16xi32>
    %select_n3A = arith.select %and3A, %sub3A_39, %broadcast_in_dim3A : vector<16xi1>, vector<16xi32>
    tpu.vector_store_idx %arg7[%select_n3A, %get3A_30], %get3A_34 masked %and3A {add = true} : memref<16x2048xf32, #tpu.memory_space<vmem>>[vector<16xi32>, vector<16xi32>], vector<16xf32>, vector<16xi1>
    %get3A_40 = arith.constant 16 : index
    %get3A_41 = tpu.vector_load %arg9[%get3A_40] {strides = array<i32>} : memref<32xi32, #tpu.memory_space<vmem>>, vector<16xi32>,
    %get3A_42 = arith.constant 16 : index
    %get3A_43 = tpu.vector_load %arg10[%get3A_42] {strides = array<i32>} : memref<32xi32, #tpu.memory_space<vmem>>, vector<16xi32>,
    %get3A_44 = arith.constant 0 : i32
    %get3A_45 = arith.index_cast %get3A_44 : i32 to index
    %get3A_46 = arith.constant 16 : index
    %get3A_47 = tpu.vector_load %arg11[%get3A_45, %get3A_46] {strides = array<i32>} : memref<8x32xf32, #tpu.memory_space<vmem>>, vector<16xf32>,
    %ge3A_48 = vector.broadcast %add3A_27 : i32 to vector<16xi32>
    %ge3A_49 = arith.cmpi sge, %get3A_41, %ge3A_48 : vector<16xi32>
    %add3A_50 = arith.constant 16 : i32
    %add3A_51 = arith.addi %add3A_27, %add3A_50 : i32
    %lt3A_52 = vector.broadcast %add3A_51 : i32 to vector<16xi32>
    %lt3A_53 = arith.cmpi slt, %get3A_41, %lt3A_52 : vector<16xi32>
    %and3A_54 = arith.andi %ge3A_49, %lt3A_53 : vector<16xi1>
    %sub3A_55 = vector.broadcast %add3A_27 : i32 to vector<16xi32>
    %sub3A_56 = arith.subi %get3A_41, %sub3A_55 : vector<16xi32>
    %jit3A_57 = arith.constant 0 : i32
    %broadcast_in_dim3A_58 = vector.broadcast %jit3A_57 : i32 to vector<16xi32>
    %select_n3A_59 = arith.select %and3A_54, %sub3A_56, %broadcast_in_dim3A_58 : vector<16xi1>, vector<16xi32>
    tpu.vector_store_idx %arg7[%select_n3A_59, %get3A_43], %get3A_47 masked %and3A_54 {add = true} : memref<16x2048xf32, #tpu.memory_space<vmem>>[vector<16xi32>, vector<16xi32>], vector<16xf32>, vector<16xi1>
    %dma_start3A_60 = arith.constant 0 : i32
    %dma_start3A_61 = arith.constant 0 : i32
    %dma_start3A_62 = tpu.memref_slice %arg6[%dma_start3A_60, %add3A_27, %dma_start3A_61] : memref<8x2048x2048xf32, #tpu.memory_space<hbm>> -> memref<1x16x2048xf32, #tpu.memory_space<hbm>>
    %dma_start3A_63 = tpu.memref_squeeze %dma_start3A_62 : memref<1x16x2048xf32, #tpu.memory_space<hbm>> -> memref<16x2048xf32, #tpu.memory_space<hbm>>
    %dma_start3A_64 = arith.constant 0 : i32
    %dma_start3A_65 = tpu.memref_slice %arg6[%dma_start3A_60, %add3A_27, %dma_start3A_64] : memref<8x2048x2048xf32, #tpu.memory_space<hbm>> -> memref<1x16x2048xf32, #tpu.memory_space<hbm>>
    %dma_start3A_66 = tpu.memref_squeeze %dma_start3A_65 : memref<1x16x2048xf32, #tpu.memory_space<hbm>> -> memref<16x2048xf32, #tpu.memory_space<hbm>>
    tpu.enqueue_dma source(%arg7 : memref<16x2048xf32, #tpu.memory_space<vmem>>) target(%dma_start3A_66 : memref<16x2048xf32, #tpu.memory_space<hbm>>) target_semaphore(%arg14 : memref<!tpu.dma_semaphore, #tpu.memory_space<semaphore_mem>>)
    %dma_wait3A_67 = arith.constant 0 : i32
    %dma_wait3A_68 = arith.constant 0 : i32
    %dma_wait3A_69 = tpu.memref_slice %arg6[%dma_wait3A_67, %add3A_27, %dma_wait3A_68] : memref<8x2048x2048xf32, #tpu.memory_space<hbm>> -> memref<1x16x2048xf32, #tpu.memory_space<hbm>>
    %dma_wait3A_70 = tpu.memref_squeeze %dma_wait3A_69 : memref<1x16x2048xf32, #tpu.memory_space<hbm>> -> memref<16x2048xf32, #tpu.memory_space<hbm>>
    %dma_wait3A_71 = arith.constant 0 : i32
    %dma_wait3A_72 = tpu.memref_slice %arg6[%dma_wait3A_67, %add3A_27, %dma_wait3A_71] : memref<8x2048x2048xf32, #tpu.memory_space<hbm>> -> memref<1x16x2048xf32, #tpu.memory_space<hbm>>
    %dma_wait3A_73 = tpu.memref_squeeze %dma_wait3A_72 : memref<1x16x2048xf32, #tpu.memory_space<hbm>> -> memref<16x2048xf32, #tpu.memory_space<hbm>>
    tpu.wait_dma2 semaphore(%arg14 : memref<!tpu.dma_semaphore, #tpu.memory_space<semaphore_mem>>) src(%arg7 : memref<16x2048xf32, #tpu.memory_space<vmem>>) dst(%dma_wait3A_73 : memref<16x2048xf32, #tpu.memory_space<hbm>>)
    %add3A_74 = arith.constant 32 : i32
    %add3A_75 = arith.addi %mul3A_2, %add3A_74 : i32
    %dma_start3A_76 = arith.constant 0 : i32
    %dma_start3A_77 = arith.constant 0 : i32
    %dma_start3A_78 = tpu.memref_slice %arg2[%dma_start3A_76, %add3A_75, %dma_start3A_77] : memref<8x2048x2048xf32, #tpu.memory_space<hbm>> -> memref<1x16x2048xf32, #tpu.memory_space<hbm>>
    %dma_start3A_79 = tpu.memref_squeeze %dma_start3A_78 : memref<1x16x2048xf32, #tpu.memory_space<hbm>> -> memref<16x2048xf32, #tpu.memory_space<hbm>>
    %dma_start3A_80 = arith.constant 0 : i32
    %dma_start3A_81 = tpu.memref_slice %arg2[%dma_start3A_76, %add3A_75, %dma_start3A_80] : memref<8x2048x2048xf32, #tpu.memory_space<hbm>> -> memref<1x16x2048xf32, #tpu.memory_space<hbm>>
    %dma_start3A_82 = tpu.memref_squeeze %dma_start3A_81 : memref<1x16x2048xf32, #tpu.memory_space<hbm>> -> memref<16x2048xf32, #tpu.memory_space<hbm>>
    tpu.enqueue_dma source(%dma_start3A_82 : memref<16x2048xf32, #tpu.memory_space<hbm>>) target(%arg7 : memref<16x2048xf32, #tpu.memory_space<vmem>>) target_semaphore(%arg12 : memref<!tpu.dma_semaphore, #tpu.memory_space<semaphore_mem>>)
    %dma_wait3A_83 = arith.constant 0 : i32
    %dma_wait3A_84 = arith.constant 0 : i32
    %dma_wait3A_85 = tpu.memref_slice %arg2[%dma_wait3A_83, %add3A_12, %dma_wait3A_84] : memref<8x2048x2048xf32, #tpu.memory_space<hbm>> -> memref<1x16x2048xf32, #tpu.memory_space<hbm>>
    %dma_wait3A_86 = tpu.memref_squeeze %dma_wait3A_85 : memref<1x16x2048xf32, #tpu.memory_space<hbm>> -> memref<16x2048xf32, #tpu.memory_space<hbm>>
    %dma_wait3A_87 = arith.constant 0 : i32
    %dma_wait3A_88 = tpu.memref_slice %arg2[%dma_wait3A_83, %add3A_12, %dma_wait3A_87] : memref<8x2048x2048xf32, #tpu.memory_space<hbm>> -> memref<1x16x2048xf32, #tpu.memory_space<hbm>>
    %dma_wait3A_89 = tpu.memref_squeeze %dma_wait3A_88 : memref<1x16x2048xf32, #tpu.memory_space<hbm>> -> memref<16x2048xf32, #tpu.memory_space<hbm>>
    tpu.wait_dma2 semaphore(%arg13 : memref<!tpu.dma_semaphore, #tpu.memory_space<semaphore_mem>>) src(%dma_wait3A_89 : memref<16x2048xf32, #tpu.memory_space<hbm>>) dst(%arg8 : memref<16x2048xf32, #tpu.memory_space<vmem>>)
    %add3A_90 = arith.constant 16 : i32
    %add3A_91 = arith.addi %mul3A_2, %add3A_90 : i32
    %get3A_92 = arith.constant 0 : index
    %get3A_93 = tpu.vector_load %arg9[%get3A_92] {strides = array<i32>} : memref<32xi32, #tpu.memory_space<vmem>>, vector<16xi32>,
    %get3A_94 = arith.constant 0 : index
    %get3A_95 = tpu.vector_load %arg10[%get3A_94] {strides = array<i32>} : memref<32xi32, #tpu.memory_space<vmem>>, vector<16xi32>,
    %get3A_96 = arith.constant 0 : i32
    %get3A_97 = arith.index_cast %get3A_96 : i32 to index
    %get3A_98 = arith.constant 0 : index
    %get3A_99 = tpu.vector_load %arg11[%get3A_97, %get3A_98] {strides = array<i32>} : memref<8x32xf32, #tpu.memory_space<vmem>>, vector<16xf32>,
    %ge3A_100 = vector.broadcast %add3A_91 : i32 to vector<16xi32>
    %ge3A_101 = arith.cmpi sge, %get3A_93, %ge3A_100 : vector<16xi32>
    %add3A_102 = arith.constant 16 : i32
    %add3A_103 = arith.addi %add3A_91, %add3A_102 : i32
    %lt3A_104 = vector.broadcast %add3A_103 : i32 to vector<16xi32>
    %lt3A_105 = arith.cmpi slt, %get3A_93, %lt3A_104 : vector<16xi32>
    %and3A_106 = arith.andi %ge3A_101, %lt3A_105 : vector<16xi1>
    %sub3A_107 = vector.broadcast %add3A_91 : i32 to vector<16xi32>
    %sub3A_108 = arith.subi %get3A_93, %sub3A_107 : vector<16xi32>
    %jit3A_109 = arith.constant 0 : i32
    %broadcast_in_dim3A_110 = vector.broadcast %jit3A_109 : i32 to vector<16xi32>
    %select_n3A_111 = arith.select %and3A_106, %sub3A_108, %broadcast_in_dim3A_110 : vector<16xi1>, vector<16xi32>
    tpu.vector_store_idx %arg8[%select_n3A_111, %get3A_95], %get3A_99 masked %and3A_106 {add = true} : memref<16x2048xf32, #tpu.memory_space<vmem>>[vector<16xi32>, vector<16xi32>], vector<16xf32>, vector<16xi1>
    %get3A_112 = arith.constant 16 : index
    %get3A_113 = tpu.vector_load %arg9[%get3A_112] {strides = array<i32>} : memref<32xi32, #tpu.memory_space<vmem>>, vector<16xi32>,
    %get3A_114 = arith.constant 16 : index
    %get3A_115 = tpu.vector_load %arg10[%get3A_114] {strides = array<i32>} : memref<32xi32, #tpu.memory_space<vmem>>, vector<16xi32>,
    %get3A_116 = arith.constant 0 : i32
    %get3A_117 = arith.index_cast %get3A_116 : i32 to index
    %get3A_118 = arith.constant 16 : index
    %get3A_119 = tpu.vector_load %arg11[%get3A_117, %get3A_118] {strides = array<i32>} : memref<8x32xf32, #tpu.memory_space<vmem>>, vector<16xf32>,
    %ge3A_120 = vector.broadcast %add3A_91 : i32 to vector<16xi32>
    %ge3A_121 = arith.cmpi sge, %get3A_113, %ge3A_120 : vector<16xi32>
    %add3A_122 = arith.constant 16 : i32
    %add3A_123 = arith.addi %add3A_91, %add3A_122 : i32
    %lt3A_124 = vector.broadcast %add3A_123 : i32 to vector<16xi32>
    %lt3A_125 = arith.cmpi slt, %get3A_113, %lt3A_124 : vector<16xi32>
    %and3A_126 = arith.andi %ge3A_121, %lt3A_125 : vector<16xi1>
    %sub3A_127 = vector.broadcast %add3A_91 : i32 to vector<16xi32>
    %sub3A_128 = arith.subi %get3A_113, %sub3A_127 : vector<16xi32>
    %jit3A_129 = arith.constant 0 : i32
    %broadcast_in_dim3A_130 = vector.broadcast %jit3A_129 : i32 to vector<16xi32>
    %select_n3A_131 = arith.select %and3A_126, %sub3A_128, %broadcast_in_dim3A_130 : vector<16xi1>, vector<16xi32>
    tpu.vector_store_idx %arg8[%select_n3A_131, %get3A_115], %get3A_119 masked %and3A_126 {add = true} : memref<16x2048xf32, #tpu.memory_space<vmem>>[vector<16xi32>, vector<16xi32>], vector<16xf32>, vector<16xi1>
    %dma_start3A_132 = arith.constant 0 : i32
    %dma_start3A_133 = arith.constant 0 : i32
    %dma_start3A_134 = tpu.memref_slice %arg6[%dma_start3A_132, %add3A_91, %dma_start3A_133] : memref<8x2048x2048xf32, #tpu.memory_space<hbm>> -> memref<1x16x2048xf32, #tpu.memory_space<hbm>>
    %dma_start3A_135 = tpu.memref_squeeze %dma_start3A_134 : memref<1x16x2048xf32, #tpu.memory_space<hbm>> -> memref<16x2048xf32, #tpu.memory_space<hbm>>
    %dma_start3A_136 = arith.constant 0 : i32
    %dma_start3A_137 = tpu.memref_slice %arg6[%dma_start3A_132, %add3A_91, %dma_start3A_136] : memref<8x2048x2048xf32, #tpu.memory_space<hbm>> -> memref<1x16x2048xf32, #tpu.memory_space<hbm>>
    %dma_start3A_138 = tpu.memref_squeeze %dma_start3A_137 : memref<1x16x2048xf32, #tpu.memory_space<hbm>> -> memref<16x2048xf32, #tpu.memory_space<hbm>>
    tpu.enqueue_dma source(%arg8 : memref<16x2048xf32, #tpu.memory_space<vmem>>) target(%dma_start3A_138 : memref<16x2048xf32, #tpu.memory_space<hbm>>) target_semaphore(%arg15 : memref<!tpu.dma_semaphore, #tpu.memory_space<semaphore_mem>>)
    %dma_wait3A_139 = arith.constant 0 : i32
    %dma_wait3A_140 = arith.constant 0 : i32
    %dma_wait3A_141 = tpu.memref_slice %arg6[%dma_wait3A_139, %add3A_91, %dma_wait3A_140] : memref<8x2048x2048xf32, #tpu.memory_space<hbm>> -> memref<1x16x2048xf32, #tpu.memory_space<hbm>>
    %dma_wait3A_142 = tpu.memref_squeeze %dma_wait3A_141 : memref<1x16x2048xf32, #tpu.memory_space<hbm>> -> memref<16x2048xf32, #tpu.memory_space<hbm>>
    %dma_wait3A_143 = arith.constant 0 : i32
    %dma_wait3A_144 = tpu.memref_slice %arg6[%dma_wait3A_139, %add3A_91, %dma_wait3A_143] : memref<8x2048x2048xf32, #tpu.memory_space<hbm>> -> memref<1x16x2048xf32, #tpu.memory_space<hbm>>
    %dma_wait3A_145 = tpu.memref_squeeze %dma_wait3A_144 : memref<1x16x2048xf32, #tpu.memory_space<hbm>> -> memref<16x2048xf32, #tpu.memory_space<hbm>>
    tpu.wait_dma2 semaphore(%arg15 : memref<!tpu.dma_semaphore, #tpu.memory_space<semaphore_mem>>) src(%arg8 : memref<16x2048xf32, #tpu.memory_space<vmem>>) dst(%dma_wait3A_145 : memref<16x2048xf32, #tpu.memory_space<hbm>>)
    %add3A_146 = arith.constant 48 : i32
    %add3A_147 = arith.addi %mul3A_2, %add3A_146 : i32
    %dma_start3A_148 = arith.constant 0 : i32
    %dma_start3A_149 = arith.constant 0 : i32
    %dma_start3A_150 = tpu.memref_slice %arg2[%dma_start3A_148, %add3A_147, %dma_start3A_149] : memref<8x2048x2048xf32, #tpu.memory_space<hbm>> -> memref<1x16x2048xf32, #tpu.memory_space<hbm>>
    %dma_start3A_151 = tpu.memref_squeeze %dma_start3A_150 : memref<1x16x2048xf32, #tpu.memory_space<hbm>> -> memref<16x2048xf32, #tpu.memory_space<hbm>>
    %dma_start3A_152 = arith.constant 0 : i32
    %dma_start3A_153 = tpu.memref_slice %arg2[%dma_start3A_148, %add3A_147, %dma_start3A_152] : memref<8x2048x2048xf32, #tpu.memory_space<hbm>> -> memref<1x16x2048xf32, #tpu.memory_space<hbm>>
    %dma_start3A_154 = tpu.memref_squeeze %dma_start3A_153 : memref<1x16x2048xf32, #tpu.memory_space<hbm>> -> memref<16x2048xf32, #tpu.memory_space<hbm>>
    tpu.enqueue_dma source(%dma_start3A_154 : memref<16x2048xf32, #tpu.memory_space<hbm>>) target(%arg8 : memref<16x2048xf32, #tpu.memory_space<vmem>>) target_semaphore(%arg13 : memref<!tpu.dma_semaphore, #tpu.memory_space<semaphore_mem>>)
    %dma_wait3A_155 = arith.constant 0 : i32
    %dma_wait3A_156 = arith.constant 0 : i32
    %dma_wait3A_157 = tpu.memref_slice %arg2[%dma_wait3A_155, %add3A_75, %dma_wait3A_156] : memref<8x2048x2048xf32, #tpu.memory_space<hbm>> -> memref<1x16x2048xf32, #tpu.memory_space<hbm>>
    %dma_wait3A_158 = tpu.memref_squeeze %dma_wait3A_157 : memref<1x16x2048xf32, #tpu.memory_space<hbm>> -> memref<16x2048xf32, #tpu.memory_space<hbm>>
    %dma_wait3A_159 = arith.constant 0 : i32
    %dma_wait3A_160 = tpu.memref_slice %arg2[%dma_wait3A_155, %add3A_75, %dma_wait3A_159] : memref<8x2048x2048xf32, #tpu.memory_space<hbm>> -> memref<1x16x2048xf32, #tpu.memory_space<hbm>>
    %dma_wait3A_161 = tpu.memref_squeeze %dma_wait3A_160 : memref<1x16x2048xf32, #tpu.memory_space<hbm>> -> memref<16x2048xf32, #tpu.memory_space<hbm>>
    tpu.wait_dma2 semaphore(%arg12 : memref<!tpu.dma_semaphore, #tpu.memory_space<semaphore_mem>>) src(%dma_wait3A_161 : memref<16x2048xf32, #tpu.memory_space<hbm>>) dst(%arg7 : memref<16x2048xf32, #tpu.memory_space<vmem>>)
    %add3A_162 = arith.constant 32 : i32
    %add3A_163 = arith.addi %mul3A_2, %add3A_162 : i32
    %get3A_164 = arith.constant 0 : index
    %get3A_165 = tpu.vector_load %arg9[%get3A_164] {strides = array<i32>} : memref<32xi32, #tpu.memory_space<vmem>>, vector<16xi32>,
    %get3A_166 = arith.constant 0 : index
    %get3A_167 = tpu.vector_load %arg10[%get3A_166] {strides = array<i32>} : memref<32xi32, #tpu.memory_space<vmem>>, vector<16xi32>,
    %get3A_168 = arith.constant 0 : i32
    %get3A_169 = arith.index_cast %get3A_168 : i32 to index
    %get3A_170 = arith.constant 0 : index
    %get3A_171 = tpu.vector_load %arg11[%get3A_169, %get3A_170] {strides = array<i32>} : memref<8x32xf32, #tpu.memory_space<vmem>>, vector<16xf32>,
    %ge3A_172 = vector.broadcast %add3A_163 : i32 to vector<16xi32>
    %ge3A_173 = arith.cmpi sge, %get3A_165, %ge3A_172 : vector<16xi32>
    %add3A_174 = arith.constant 16 : i32
    %add3A_175 = arith.addi %add3A_163, %add3A_174 : i32
    %lt3A_176 = vector.broadcast %add3A_175 : i32 to vector<16xi32>
    %lt3A_177 = arith.cmpi slt, %get3A_165, %lt3A_176 : vector<16xi32>
    %and3A_178 = arith.andi %ge3A_173, %lt3A_177 : vector<16xi1>
    %sub3A_179 = vector.broadcast %add3A_163 : i32 to vector<16xi32>
    %sub3A_180 = arith.subi %get3A_165, %sub3A_179 : vector<16xi32>
    %jit3A_181 = arith.constant 0 : i32
    %broadcast_in_dim3A_182 = vector.broadcast %jit3A_181 : i32 to vector<16xi32>
    %select_n3A_183 = arith.select %and3A_178, %sub3A_180, %broadcast_in_dim3A_182 : vector<16xi1>, vector<16xi32>
    tpu.vector_store_idx %arg7[%select_n3A_183, %get3A_167], %get3A_171 masked %and3A_178 {add = true} : memref<16x2048xf32, #tpu.memory_space<vmem>>[vector<16xi32>, vector<16xi32>], vector<16xf32>, vector<16xi1>
    %get3A_184 = arith.constant 16 : index
    %get3A_185 = tpu.vector_load %arg9[%get3A_184] {strides = array<i32>} : memref<32xi32, #tpu.memory_space<vmem>>, vector<16xi32>,
    %get3A_186 = arith.constant 16 : index
    %get3A_187 = tpu.vector_load %arg10[%get3A_186] {strides = array<i32>} : memref<32xi32, #tpu.memory_space<vmem>>, vector<16xi32>,
    %get3A_188 = arith.constant 0 : i32
    %get3A_189 = arith.index_cast %get3A_188 : i32 to index
    %get3A_190 = arith.constant 16 : index
    %get3A_191 = tpu.vector_load %arg11[%get3A_189, %get3A_190] {strides = array<i32>} : memref<8x32xf32, #tpu.memory_space<vmem>>, vector<16xf32>,
    %ge3A_192 = vector.broadcast %add3A_163 : i32 to vector<16xi32>
    %ge3A_193 = arith.cmpi sge, %get3A_185, %ge3A_192 : vector<16xi32>
    %add3A_194 = arith.constant 16 : i32
    %add3A_195 = arith.addi %add3A_163, %add3A_194 : i32
    %lt3A_196 = vector.broadcast %add3A_195 : i32 to vector<16xi32>
    %lt3A_197 = arith.cmpi slt, %get3A_185, %lt3A_196 : vector<16xi32>
    %and3A_198 = arith.andi %ge3A_193, %lt3A_197 : vector<16xi1>
    %sub3A_199 = vector.broadcast %add3A_163 : i32 to vector<16xi32>
    %sub3A_200 = arith.subi %get3A_185, %sub3A_199 : vector<16xi32>
    %jit3A_201 = arith.constant 0 : i32
    %broadcast_in_dim3A_202 = vector.broadcast %jit3A_201 : i32 to vector<16xi32>
    %select_n3A_203 = arith.select %and3A_198, %sub3A_200, %broadcast_in_dim3A_202 : vector<16xi1>, vector<16xi32>
    tpu.vector_store_idx %arg7[%select_n3A_203, %get3A_187], %get3A_191 masked %and3A_198 {add = true} : memref<16x2048xf32, #tpu.memory_space<vmem>>[vector<16xi32>, vector<16xi32>], vector<16xf32>, vector<16xi1>
    %dma_start3A_204 = arith.constant 0 : i32
    %dma_start3A_205 = arith.constant 0 : i32
    %dma_start3A_206 = tpu.memref_slice %arg6[%dma_start3A_204, %add3A_163, %dma_start3A_205] : memref<8x2048x2048xf32, #tpu.memory_space<hbm>> -> memref<1x16x2048xf32, #tpu.memory_space<hbm>>
    %dma_start3A_207 = tpu.memref_squeeze %dma_start3A_206 : memref<1x16x2048xf32, #tpu.memory_space<hbm>> -> memref<16x2048xf32, #tpu.memory_space<hbm>>
    %dma_start3A_208 = arith.constant 0 : i32
    %dma_start3A_209 = tpu.memref_slice %arg6[%dma_start3A_204, %add3A_163, %dma_start3A_208] : memref<8x2048x2048xf32, #tpu.memory_space<hbm>> -> memref<1x16x2048xf32, #tpu.memory_space<hbm>>
    %dma_start3A_210 = tpu.memref_squeeze %dma_start3A_209 : memref<1x16x2048xf32, #tpu.memory_space<hbm>> -> memref<16x2048xf32, #tpu.memory_space<hbm>>
    tpu.enqueue_dma source(%arg7 : memref<16x2048xf32, #tpu.memory_space<vmem>>) target(%dma_start3A_210 : memref<16x2048xf32, #tpu.memory_space<hbm>>) target_semaphore(%arg14 : memref<!tpu.dma_semaphore, #tpu.memory_space<semaphore_mem>>)
    %dma_wait3A_211 = arith.constant 0 : i32
    %dma_wait3A_212 = arith.constant 0 : i32
    %dma_wait3A_213 = tpu.memref_slice %arg6[%dma_wait3A_211, %add3A_163, %dma_wait3A_212] : memref<8x2048x2048xf32, #tpu.memory_space<hbm>> -> memref<1x16x2048xf32, #tpu.memory_space<hbm>>
    %dma_wait3A_214 = tpu.memref_squeeze %dma_wait3A_213 : memref<1x16x2048xf32, #tpu.memory_space<hbm>> -> memref<16x2048xf32, #tpu.memory_space<hbm>>
    %dma_wait3A_215 = arith.constant 0 : i32
    %dma_wait3A_216 = tpu.memref_slice %arg6[%dma_wait3A_211, %add3A_163, %dma_wait3A_215] : memref<8x2048x2048xf32, #tpu.memory_space<hbm>> -> memref<1x16x2048xf32, #tpu.memory_space<hbm>>
    %dma_wait3A_217 = tpu.memref_squeeze %dma_wait3A_216 : memref<1x16x2048xf32, #tpu.memory_space<hbm>> -> memref<16x2048xf32, #tpu.memory_space<hbm>>
    tpu.wait_dma2 semaphore(%arg14 : memref<!tpu.dma_semaphore, #tpu.memory_space<semaphore_mem>>) src(%arg7 : memref<16x2048xf32, #tpu.memory_space<vmem>>) dst(%dma_wait3A_217 : memref<16x2048xf32, #tpu.memory_space<hbm>>)
    %add3A_218 = arith.constant 0 : i32
    %add3A_219 = arith.addi %mul3A_2, %add3A_218 : i32
    %dma_start3A_220 = arith.constant 1 : i32
    %dma_start3A_221 = arith.constant 0 : i32
    %dma_start3A_222 = tpu.memref_slice %arg2[%dma_start3A_220, %add3A_219, %dma_start3A_221] : memref<8x2048x2048xf32, #tpu.memory_space<hbm>> -> memref<1x16x2048xf32, #tpu.memory_space<hbm>>
    %dma_start3A_223 = tpu.memref_squeeze %dma_start3A_222 : memref<1x16x2048xf32, #tpu.memory_space<hbm>> -> memref<16x2048xf32, #tpu.memory_space<hbm>>
    %dma_start3A_224 = arith.constant 0 : i32
    %dma_start3A_225 = tpu.memref_slice %arg2[%dma_start3A_220, %add3A_219, %dma_start3A_224] : memref<8x2048x2048xf32, #tpu.memory_space<hbm>> -> memref<1x16x2048xf32, #tpu.memory_space<hbm>>
    %dma_start3A_226 = tpu.memref_squeeze %dma_start3A_225 : memref<1x16x2048xf32, #tpu.memory_space<hbm>> -> memref<16x2048xf32, #tpu.memory_space<hbm>>
    tpu.enqueue_dma source(%dma_start3A_226 : memref<16x2048xf32, #tpu.memory_space<hbm>>) target(%arg7 : memref<16x2048xf32, #tpu.memory_space<vmem>>) target_semaphore(%arg12 : memref<!tpu.dma_semaphore, #tpu.memory_space<semaphore_mem>>)
    %dma_wait3A_227 = arith.constant 0 : i32
    %dma_wait3A_228 = arith.constant 0 : i32
    %dma_wait3A_229 = tpu.memref_slice %arg2[%dma_wait3A_227, %add3A_147, %dma_wait3A_228] : memref<8x2048x2048xf32, #tpu.memory_space<hbm>> -> memref<1x16x2048xf32, #tpu.memory_space<hbm>>
    %dma_wait3A_230 = tpu.memref_squeeze %dma_wait3A_229 : memref<1x16x2048xf32, #tpu.memory_space<hbm>> -> memref<16x2048xf32, #tpu.memory_space<hbm>>
    %dma_wait3A_231 = arith.constant 0 : i32
    %dma_wait3A_232 = tpu.memref_slice %arg2[%dma_wait3A_227, %add3A_147, %dma_wait3A_231] : memref<8x2048x2048xf32, #tpu.memory_space<hbm>> -> memref<1x16x2048xf32, #tpu.memory_space<hbm>>
    %dma_wait3A_233 = tpu.memref_squeeze %dma_wait3A_232 : memref<1x16x2048xf32, #tpu.memory_space<hbm>> -> memref<16x2048xf32, #tpu.memory_space<hbm>>
    tpu.wait_dma2 semaphore(%arg13 : memref<!tpu.dma_semaphore, #tpu.memory_space<semaphore_mem>>) src(%dma_wait3A_233 : memref<16x2048xf32, #tpu.memory_space<hbm>>) dst(%arg8 : memref<16x2048xf32, #tpu.memory_space<vmem>>)
    %add3A_234 = arith.constant 48 : i32
    %add3A_235 = arith.addi %mul3A_2, %add3A_234 : i32
    %get3A_236 = arith.constant 0 : index
    %get3A_237 = tpu.vector_load %arg9[%get3A_236] {strides = array<i32>} : memref<32xi32, #tpu.memory_space<vmem>>, vector<16xi32>,
    %get3A_238 = arith.constant 0 : index
    %get3A_239 = tpu.vector_load %arg10[%get3A_238] {strides = array<i32>} : memref<32xi32, #tpu.memory_space<vmem>>, vector<16xi32>,
    %get3A_240 = arith.constant 0 : i32
    %get3A_241 = arith.index_cast %get3A_240 : i32 to index
    %get3A_242 = arith.constant 0 : index
    %get3A_243 = tpu.vector_load %arg11[%get3A_241, %get3A_242] {strides = array<i32>} : memref<8x32xf32, #tpu.memory_space<vmem>>, vector<16xf32>,
    %ge3A_244 = vector.broadcast %add3A_235 : i32 to vector<16xi32>
    %ge3A_245 = arith.cmpi sge, %get3A_237, %ge3A_244 : vector<16xi32>
    %add3A_246 = arith.constant 16 : i32
    %add3A_247 = arith.addi %add3A_235, %add3A_246 : i32
    %lt3A_248 = vector.broadcast %add3A_247 : i32 to vector<16xi32>
    %lt3A_249 = arith.cmpi slt, %get3A_237, %lt3A_248 : vector<16xi32>
    %and3A_250 = arith.andi %ge3A_245, %lt3A_249 : vector<16xi1>
    %sub3A_251 = vector.broadcast %add3A_235 : i32 to vector<16xi32>
    %sub3A_252 = arith.subi %get3A_237, %sub3A_251 : vector<16xi32>
    %jit3A_253 = arith.constant 0 : i32
    %broadcast_in_dim3A_254 = vector.broadcast %jit3A_253 : i32 to vector<16xi32>
    %select_n3A_255 = arith.select %and3A_250, %sub3A_252, %broadcast_in_dim3A_254 : vector<16xi1>, vector<16xi32>
    tpu.vector_store_idx %arg8[%select_n3A_255, %get3A_239], %get3A_243 masked %and3A_250 {add = true} : memref<16x2048xf32, #tpu.memory_space<vmem>>[vector<16xi32>, vector<16xi32>], vector<16xf32>, vector<16xi1>
    %get3A_256 = arith.constant 16 : index
    %get3A_257 = tpu.vector_load %arg9[%get3A_256] {strides = array<i32>} : memref<32xi32, #tpu.memory_space<vmem>>, vector<16xi32>,
    %get3A_258 = arith.constant 16 : index
    %get3A_259 = tpu.vector_load %arg10[%get3A_258] {strides = array<i32>} : memref<32xi32, #tpu.memory_space<vmem>>, vector<16xi32>,
    %get3A_260 = arith.constant 0 : i32
    %get3A_261 = arith.index_cast %get3A_260 : i32 to index
    %get3A_262 = arith.constant 16 : index
    %get3A_263 = tpu.vector_load %arg11[%get3A_261, %get3A_262] {strides = array<i32>} : memref<8x32xf32, #tpu.memory_space<vmem>>, vector<16xf32>,
    %ge3A_264 = vector.broadcast %add3A_235 : i32 to vector<16xi32>
    %ge3A_265 = arith.cmpi sge, %get3A_257, %ge3A_264 : vector<16xi32>
    %add3A_266 = arith.constant 16 : i32
    %add3A_267 = arith.addi %add3A_235, %add3A_266 : i32
    %lt3A_268 = vector.broadcast %add3A_267 : i32 to vector<16xi32>
    %lt3A_269 = arith.cmpi slt, %get3A_257, %lt3A_268 : vector<16xi32>
    %and3A_270 = arith.andi %ge3A_265, %lt3A_269 : vector<16xi1>
    %sub3A_271 = vector.broadcast %add3A_235 : i32 to vector<16xi32>
    %sub3A_272 = arith.subi %get3A_257, %sub3A_271 : vector<16xi32>
    %jit3A_273 = arith.constant 0 : i32
    %broadcast_in_dim3A_274 = vector.broadcast %jit3A_273 : i32 to vector<16xi32>
    %select_n3A_275 = arith.select %and3A_270, %sub3A_272, %broadcast_in_dim3A_274 : vector<16xi1>, vector<16xi32>
    tpu.vector_store_idx %arg8[%select_n3A_275, %get3A_259], %get3A_263 masked %and3A_270 {add = true} : memref<16x2048xf32, #tpu.memory_space<vmem>>[vector<16xi32>, vector<16xi32>], vector<16xf32>, vector<16xi1>
    %dma_start3A_276 = arith.constant 0 : i32
    %dma_start3A_277 = arith.constant 0 : i32
    %dma_start3A_278 = tpu.memref_slice %arg6[%dma_start3A_276, %add3A_235, %dma_start3A_277] : memref<8x2048x2048xf32, #tpu.memory_space<hbm>> -> memref<1x16x2048xf32, #tpu.memory_space<hbm>>
    %dma_start3A_279 = tpu.memref_squeeze %dma_start3A_278 : memref<1x16x2048xf32, #tpu.memory_space<hbm>> -> memref<16x2048xf32, #tpu.memory_space<hbm>>
    %dma_start3A_280 = arith.constant 0 : i32
    %dma_start3A_281 = tpu.memref_slice %arg6[%dma_start3A_276, %add3A_235, %dma_start3A_280] : memref<8x2048x2048xf32, #tpu.memory_space<hbm>> -> memref<1x16x2048xf32, #tpu.memory_space<hbm>>
    %dma_start3A_282 = tpu.memref_squeeze %dma_start3A_281 : memref<1x16x2048xf32, #tpu.memory_space<hbm>> -> memref<16x2048xf32, #tpu.memory_space<hbm>>
    tpu.enqueue_dma source(%arg8 : memref<16x2048xf32, #tpu.memory_space<vmem>>) target(%dma_start3A_282 : memref<16x2048xf32, #tpu.memory_space<hbm>>) target_semaphore(%arg15 : memref<!tpu.dma_semaphore, #tpu.memory_space<semaphore_mem>>)
    %dma_wait3A_283 = arith.constant 0 : i32
    %dma_wait3A_284 = arith.constant 0 : i32
    %dma_wait3A_285 = tpu.memref_slice %arg6[%dma_wait3A_283, %add3A_235, %dma_wait3A_284] : memref<8x2048x2048xf32, #tpu.memory_space<hbm>> -> memref<1x16x2048xf32, #tpu.memory_space<hbm>>
    %dma_wait3A_286 = tpu.memref_squeeze %dma_wait3A_285 : memref<1x16x2048xf32, #tpu.memory_space<hbm>> -> memref<16x2048xf32, #tpu.memory_space<hbm>>
    %dma_wait3A_287 = arith.constant 0 : i32
    %dma_wait3A_288 = tpu.memref_slice %arg6[%dma_wait3A_283, %add3A_235, %dma_wait3A_287] : memref<8x2048x2048xf32, #tpu.memory_space<hbm>> -> memref<1x16x2048xf32, #tpu.memory_space<hbm>>
    %dma_wait3A_289 = tpu.memref_squeeze %dma_wait3A_288 : memref<1x16x2048xf32, #tpu.memory_space<hbm>> -> memref<16x2048xf32, #tpu.memory_space<hbm>>
    tpu.wait_dma2 semaphore(%arg15 : memref<!tpu.dma_semaphore, #tpu.memory_space<semaphore_mem>>) src(%arg8 : memref<16x2048xf32, #tpu.memory_space<vmem>>) dst(%dma_wait3A_289 : memref<16x2048xf32, #tpu.memory_space<hbm>>)
    %add3A_290 = arith.constant 16 : i32
    %add3A_291 = arith.addi %mul3A_2, %add3A_290 : i32
    %dma_start3A_292 = arith.constant 1 : i32
    %dma_start3A_293 = arith.constant 0 : i32
    %dma_start3A_294 = tpu.memref_slice %arg2[%dma_start3A_292, %add3A_291, %dma_start3A_293] : memref<8x2048x2048xf32, #tpu.memory_space<hbm>> -> memref<1x16x2048xf32, #tpu.memory_space<hbm>>
    %dma_start3A_295 = tpu.memref_squeeze %dma_start3A_294 : memref<1x16x2048xf32, #tpu.memory_space<hbm>> -> memref<16x2048xf32, #tpu.memory_space<hbm>>
    %dma_start3A_296 = arith.constant 0 : i32
    %dma_start3A_297 = tpu.memref_slice %arg2[%dma_start3A_292, %add3A_291, %dma_start3A_296] : memref<8x2048x2048xf32, #tpu.memory_space<hbm>> -> memref<1x16x2048xf32, #tpu.memory_space<hbm>>
    %dma_start3A_298 = tpu.memref_squeeze %dma_start3A_297 : memref<1x16x2048xf32, #tpu.memory_space<hbm>> -> memref<16x2048xf32, #tpu.memory_space<hbm>>
    tpu.enqueue_dma source(%dma_start3A_298 : memref<16x2048xf32, #tpu.memory_space<hbm>>) target(%arg8 : memref<16x2048xf32, #tpu.memory_space<vmem>>) target_semaphore(%arg13 : memref<!tpu.dma_semaphore, #tpu.memory_space<semaphore_mem>>)
    %dma_wait3A_299 = arith.constant 1 : i32
    %dma_wait3A_300 = arith.constant 0 : i32
    %dma_wait3A_301 = tpu.memref_slice %arg2[%dma_wait3A_299, %add3A_219, %dma_wait3A_300] : memref<8x2048x2048xf32, #tpu.memory_space<hbm>> -> memref<1x16x2048xf32, #tpu.memory_space<hbm>>
    %dma_wait3A_302 = tpu.memref_squeeze %dma_wait3A_301 : memref<1x16x2048xf32, #tpu.memory_space<hbm>> -> memref<16x2048xf32, #tpu.memory_space<hbm>>
    %dma_wait3A_303 = arith.constant 0 : i32
    %dma_wait3A_304 = tpu.memref_slice %arg2[%dma_wait3A_299, %add3A_219, %dma_wait3A_303] : memref<8x2048x2048xf32, #tpu.memory_space<hbm>> -> memref<1x16x2048xf32, #tpu.memory_space<hbm>>
    %dma_wait3A_305 = tpu.memref_squeeze %dma_wait3A_304 : memref<1x16x2048xf32, #tpu.memory_space<hbm>> -> memref<16x2048xf32, #tpu.memory_space<hbm>>
    tpu.wait_dma2 semaphore(%arg12 : memref<!tpu.dma_semaphore, #tpu.memory_space<semaphore_mem>>) src(%dma_wait3A_305 : memref<16x2048xf32, #tpu.memory_space<hbm>>) dst(%arg7 : memref<16x2048xf32, #tpu.memory_space<vmem>>)
    %add3A_306 = arith.constant 0 : i32
    %add3A_307 = arith.addi %mul3A_2, %add3A_306 : i32
    %get3A_308 = arith.constant 0 : index
    %get3A_309 = tpu.vector_load %arg9[%get3A_308] {strides = array<i32>} : memref<32xi32, #tpu.memory_space<vmem>>, vector<16xi32>,
    %get3A_310 = arith.constant 0 : index
    %get3A_311 = tpu.vector_load %arg10[%get3A_310] {strides = array<i32>} : memref<32xi32, #tpu.memory_space<vmem>>, vector<16xi32>,
    %get3A_312 = arith.constant 1 : i32
    %get3A_313 = arith.index_cast %get3A_312 : i32 to index
    %get3A_314 = arith.constant 0 : index
    %get3A_315 = tpu.vector_load %arg11[%get3A_313, %get3A_314] {strides = array<i32>} : memref<8x32xf32, #tpu.memory_space<vmem>>, vector<16xf32>,
    %ge3A_316 = vector.broadcast %add3A_307 : i32 to vector<16xi32>
    %ge3A_317 = arith.cmpi sge, %get3A_309, %ge3A_316 : vector<16xi32>
    %add3A_318 = arith.constant 16 : i32
    %add3A_319 = arith.addi %add3A_307, %add3A_318 : i32
    %lt3A_320 = vector.broadcast %add3A_319 : i32 to vector<16xi32>
    %lt3A_321 = arith.cmpi slt, %get3A_309, %lt3A_320 : vector<16xi32>
    %and3A_322 = arith.andi %ge3A_317, %lt3A_321 : vector<16xi1>
    %sub3A_323 = vector.broadcast %add3A_307 : i32 to vector<16xi32>
    %sub3A_324 = arith.subi %get3A_309, %sub3A_323 : vector<16xi32>
    %jit3A_325 = arith.constant 0 : i32
    %broadcast_in_dim3A_326 = vector.broadcast %jit3A_325 : i32 to vector<16xi32>
    %select_n3A_327 = arith.select %and3A_322, %sub3A_324, %broadcast_in_dim3A_326 : vector<16xi1>, vector<16xi32>
    tpu.vector_store_idx %arg7[%select_n3A_327, %get3A_311], %get3A_315 masked %and3A_322 {add = true} : memref<16x2048xf32, #tpu.memory_space<vmem>>[vector<16xi32>, vector<16xi32>], vector<16xf32>, vector<16xi1>
    %get3A_328 = arith.constant 16 : index
    %get3A_329 = tpu.vector_load %arg9[%get3A_328] {strides = array<i32>} : memref<32xi32, #tpu.memory_space<vmem>>, vector<16xi32>,
    %get3A_330 = arith.constant 16 : index
    %get3A_331 = tpu.vector_load %arg10[%get3A_330] {strides = array<i32>} : memref<32xi32, #tpu.memory_space<vmem>>, vector<16xi32>,
    %get3A_332 = arith.constant 1 : i32
    %get3A_333 = arith.index_cast %get3A_332 : i32 to index
    %get3A_334 = arith.constant 16 : index
    %get3A_335 = tpu.vector_load %arg11[%get3A_333, %get3A_334] {strides = array<i32>} : memref<8x32xf32, #tpu.memory_space<vmem>>, vector<16xf32>,
    %ge3A_336 = vector.broadcast %add3A_307 : i32 to vector<16xi32>
    %ge3A_337 = arith.cmpi sge, %get3A_329, %ge3A_336 : vector<16xi32>
    %add3A_338 = arith.constant 16 : i32
    %add3A_339 = arith.addi %add3A_307, %add3A_338 : i32
    %lt3A_340 = vector.broadcast %add3A_339 : i32 to vector<16xi32>
    %lt3A_341 = arith.cmpi slt, %get3A_329, %lt3A_340 : vector<16xi32>
    %and3A_342 = arith.andi %ge3A_337, %lt3A_341 : vector<16xi1>
    %sub3A_343 = vector.broadcast %add3A_307 : i32 to vector<16xi32>
    %sub3A_344 = arith.subi %get3A_329, %sub3A_343 : vector<16xi32>
    %jit3A_345 = arith.constant 0 : i32
    %broadcast_in_dim3A_346 = vector.broadcast %jit3A_345 : i32 to vector<16xi32>
    %select_n3A_347 = arith.select %and3A_342, %sub3A_344, %broadcast_in_dim3A_346 : vector<16xi1>, vector<16xi32>
    tpu.vector_store_idx %arg7[%select_n3A_347, %get3A_331], %get3A_335 masked %and3A_342 {add = true} : memref<16x2048xf32, #tpu.memory_space<vmem>>[vector<16xi32>, vector<16xi32>], vector<16xf32>, vector<16xi1>
    %dma_start3A_348 = arith.constant 1 : i32
    %dma_start3A_349 = arith.constant 0 : i32
    %dma_start3A_350 = tpu.memref_slice %arg6[%dma_start3A_348, %add3A_307, %dma_start3A_349] : memref<8x2048x2048xf32, #tpu.memory_space<hbm>> -> memref<1x16x2048xf32, #tpu.memory_space<hbm>>
    %dma_start3A_351 = tpu.memref_squeeze %dma_start3A_350 : memref<1x16x2048xf32, #tpu.memory_space<hbm>> -> memref<16x2048xf32, #tpu.memory_space<hbm>>
    %dma_start3A_352 = arith.constant 0 : i32
    %dma_start3A_353 = tpu.memref_slice %arg6[%dma_start3A_348, %add3A_307, %dma_start3A_352] : memref<8x2048x2048xf32, #tpu.memory_space<hbm>> -> memref<1x16x2048xf32, #tpu.memory_space<hbm>>
    %dma_start3A_354 = tpu.memref_squeeze %dma_start3A_353 : memref<1x16x2048xf32, #tpu.memory_space<hbm>> -> memref<16x2048xf32, #tpu.memory_space<hbm>>
    tpu.enqueue_dma source(%arg7 : memref<16x2048xf32, #tpu.memory_space<vmem>>) target(%dma_start3A_354 : memref<16x2048xf32, #tpu.memory_space<hbm>>) target_semaphore(%arg14 : memref<!tpu.dma_semaphore, #tpu.memory_space<semaphore_mem>>)
    %dma_wait3A_355 = arith.constant 1 : i32
    %dma_wait3A_356 = arith.constant 0 : i32
    %dma_wait3A_357 = tpu.memref_slice %arg6[%dma_wait3A_355, %add3A_307, %dma_wait3A_356] : memref<8x2048x2048xf32, #tpu.memory_space<hbm>> -> memref<1x16x2048xf32, #tpu.memory_space<hbm>>
    %dma_wait3A_358 = tpu.memref_squeeze %dma_wait3A_357 : memref<1x16x2048xf32, #tpu.memory_space<hbm>> -> memref<16x2048xf32, #tpu.memory_space<hbm>>
    %dma_wait3A_359 = arith.constant 0 : i32
    %dma_wait3A_360 = tpu.memref_slice %arg6[%dma_wait3A_355, %add3A_307, %dma_wait3A_359] : memref<8x2048x2048xf32, #tpu.memory_space<hbm>> -> memref<1x16x2048xf32, #tpu.memory_space<hbm>>
    %dma_wait3A_361 = tpu.memref_squeeze %dma_wait3A_360 : memref<1x16x2048xf32, #tpu.memory_space<hbm>> -> memref<16x2048xf32, #tpu.memory_space<hbm>>
    tpu.wait_dma2 semaphore(%arg14 : memref<!tpu.dma_semaphore, #tpu.memory_space<semaphore_mem>>) src(%arg7 : memref<16x2048xf32, #tpu.memory_space<vmem>>) dst(%dma_wait3A_361 : memref<16x2048xf32, #tpu.memory_space<hbm>>)
    %add3A_362 = arith.constant 32 : i32
    %add3A_363 = arith.addi %mul3A_2, %add3A_362 : i32
    %dma_start3A_364 = arith.constant 1 : i32
    %dma_start3A_365 = arith.constant 0 : i32
    %dma_start3A_366 = tpu.memref_slice %arg2[%dma_start3A_364, %add3A_363, %dma_start3A_365] : memref<8x2048x2048xf32, #tpu.memory_space<hbm>> -> memref<1x16x2048xf32, #tpu.memory_space<hbm>>
    %dma_start3A_367 = tpu.memref_squeeze %dma_start3A_366 : memref<1x16x2048xf32, #tpu.memory_space<hbm>> -> memref<16x2048xf32, #tpu.memory_space<hbm>>
    %dma_start3A_368 = arith.constant 0 : i32
    %dma_start3A_369 = tpu.memref_slice %arg2[%dma_start3A_364, %add3A_363, %dma_start3A_368] : memref<8x2048x2048xf32, #tpu.memory_space<hbm>> -> memref<1x16x2048xf32, #tpu.memory_space<hbm>>
    %dma_start3A_370 = tpu.memref_squeeze %dma_start3A_369 : memref<1x16x2048xf32, #tpu.memory_space<hbm>> -> memref<16x2048xf32, #tpu.memory_space<hbm>>
    tpu.enqueue_dma source(%dma_start3A_370 : memref<16x2048xf32, #tpu.memory_space<hbm>>) target(%arg7 : memref<16x2048xf32, #tpu.memory_space<vmem>>) target_semaphore(%arg12 : memref<!tpu.dma_semaphore, #tpu.memory_space<semaphore_mem>>)
    %dma_wait3A_371 = arith.constant 1 : i32
    %dma_wait3A_372 = arith.constant 0 : i32
    %dma_wait3A_373 = tpu.memref_slice %arg2[%dma_wait3A_371, %add3A_291, %dma_wait3A_372] : memref<8x2048x2048xf32, #tpu.memory_space<hbm>> -> memref<1x16x2048xf32, #tpu.memory_space<hbm>>
    %dma_wait3A_374 = tpu.memref_squeeze %dma_wait3A_373 : memref<1x16x2048xf32, #tpu.memory_space<hbm>> -> memref<16x2048xf32, #tpu.memory_space<hbm>>
    %dma_wait3A_375 = arith.constant 0 : i32
    %dma_wait3A_376 = tpu.memref_slice %arg2[%dma_wait3A_371, %add3A_291, %dma_wait3A_375] : memref<8x2048x2048xf32, #tpu.memory_space<hbm>> -> memref<1x16x2048xf32, #tpu.memory_space<hbm>>
    %dma_wait3A_377 = tpu.memref_squeeze %dma_wait3A_376 : memref<1x16x2048xf32, #tpu.memory_space<hbm>> -> memref<16x2048xf32, #tpu.memory_space<hbm>>
    tpu.wait_dma2 semaphore(%arg13 : memref<!tpu.dma_semaphore, #tpu.memory_space<semaphore_mem>>) src(%dma_wait3A_377 : memref<16x2048xf32, #tpu.memory_space<hbm>>) dst(%arg8 : memref<16x2048xf32, #tpu.memory_space<vmem>>)
    %add3A_378 = arith.constant 16 : i32
    %add3A_379 = arith.addi %mul3A_2, %add3A_378 : i32
    %get3A_380 = arith.constant 0 : index
    %get3A_381 = tpu.vector_load %arg9[%get3A_380] {strides = array<i32>} : memref<32xi32, #tpu.memory_space<vmem>>, vector<16xi32>,
    %get3A_382 = arith.constant 0 : index
    %get3A_383 = tpu.vector_load %arg10[%get3A_382] {strides = array<i32>} : memref<32xi32, #tpu.memory_space<vmem>>, vector<16xi32>,
    %get3A_384 = arith.constant 1 : i32
    %get3A_385 = arith.index_cast %get3A_384 : i32 to index
    %get3A_386 = arith.constant 0 : index
    %get3A_387 = tpu.vector_load %arg11[%get3A_385, %get3A_386] {strides = array<i32>} : memref<8x32xf32, #tpu.memory_space<vmem>>, vector<16xf32>,
    %ge3A_388 = vector.broadcast %add3A_379 : i32 to vector<16xi32>
    %ge3A_389 = arith.cmpi sge, %get3A_381, %ge3A_388 : vector<16xi32>
    %add3A_390 = arith.constant 16 : i32
    %add3A_391 = arith.addi %add3A_379, %add3A_390 : i32
    %lt3A_392 = vector.broadcast %add3A_391 : i32 to vector<16xi32>
    %lt3A_393 = arith.cmpi slt, %get3A_381, %lt3A_392 : vector<16xi32>
    %and3A_394 = arith.andi %ge3A_389, %lt3A_393 : vector<16xi1>
    %sub3A_395 = vector.broadcast %add3A_379 : i32 to vector<16xi32>
    %sub3A_396 = arith.subi %get3A_381, %sub3A_395 : vector<16xi32>
    %jit3A_397 = arith.constant 0 : i32
    %broadcast_in_dim3A_398 = vector.broadcast %jit3A_397 : i32 to vector<16xi32>
    %select_n3A_399 = arith.select %and3A_394, %sub3A_396, %broadcast_in_dim3A_398 : vector<16xi1>, vector<16xi32>
    tpu.vector_store_idx %arg8[%select_n3A_399, %get3A_383], %get3A_387 masked %and3A_394 {add = true} : memref<16x2048xf32, #tpu.memory_space<vmem>>[vector<16xi32>, vector<16xi32>], vector<16xf32>, vector<16xi1>
    %get3A_400 = arith.constant 16 : index
    %get3A_401 = tpu.vector_load %arg9[%get3A_400] {strides = array<i32>} : memref<32xi32, #tpu.memory_space<vmem>>, vector<16xi32>,
    %get3A_402 = arith.constant 16 : index
    %get3A_403 = tpu.vector_load %arg10[%get3A_402] {strides = array<i32>} : memref<32xi32, #tpu.memory_space<vmem>>, vector<16xi32>,
    %get3A_404 = arith.constant 1 : i32
    %get3A_405 = arith.index_cast %get3A_404 : i32 to index
    %get3A_406 = arith.constant 16 : index
    %get3A_407 = tpu.vector_load %arg11[%get3A_405, %get3A_406] {strides = array<i32>} : memref<8x32xf32, #tpu.memory_space<vmem>>, vector<16xf32>,
    %ge3A_408 = vector.broadcast %add3A_379 : i32 to vector<16xi32>
    %ge3A_409 = arith.cmpi sge, %get3A_401, %ge3A_408 : vector<16xi32>
    %add3A_410 = arith.constant 16 : i32
    %add3A_411 = arith.addi %add3A_379, %add3A_410 : i32
    %lt3A_412 = vector.broadcast %add3A_411 : i32 to vector<16xi32>
    %lt3A_413 = arith.cmpi slt, %get3A_401, %lt3A_412 : vector<16xi32>
    %and3A_414 = arith.andi %ge3A_409, %lt3A_413 : vector<16xi1>
    %sub3A_415 = vector.broadcast %add3A_379 : i32 to vector<16xi32>
    %sub3A_416 = arith.subi %get3A_401, %sub3A_415 : vector<16xi32>
    %jit3A_417 = arith.constant 0 : i32
    %broadcast_in_dim3A_418 = vector.broadcast %jit3A_417 : i32 to vector<16xi32>
    %select_n3A_419 = arith.select %and3A_414, %sub3A_416, %broadcast_in_dim3A_418 : vector<16xi1>, vector<16xi32>
    tpu.vector_store_idx %arg8[%select_n3A_419, %get3A_403], %get3A_407 masked %and3A_414 {add = true} : memref<16x2048xf32, #tpu.memory_space<vmem>>[vector<16xi32>, vector<16xi32>], vector<16xf32>, vector<16xi1>
    %dma_start3A_420 = arith.constant 1 : i32
    %dma_start3A_421 = arith.constant 0 : i32
    %dma_start3A_422 = tpu.memref_slice %arg6[%dma_start3A_420, %add3A_379, %dma_start3A_421] : memref<8x2048x2048xf32, #tpu.memory_space<hbm>> -> memref<1x16x2048xf32, #tpu.memory_space<hbm>>
    %dma_start3A_423 = tpu.memref_squeeze %dma_start3A_422 : memref<1x16x2048xf32, #tpu.memory_space<hbm>> -> memref<16x2048xf32, #tpu.memory_space<hbm>>
    %dma_start3A_424 = arith.constant 0 : i32
    %dma_start3A_425 = tpu.memref_slice %arg6[%dma_start3A_420, %add3A_379, %dma_start3A_424] : memref<8x2048x2048xf32, #tpu.memory_space<hbm>> -> memref<1x16x2048xf32, #tpu.memory_space<hbm>>
    %dma_start3A_426 = tpu.memref_squeeze %dma_start3A_425 : memref<1x16x2048xf32, #tpu.memory_space<hbm>> -> memref<16x2048xf32, #tpu.memory_space<hbm>>
    tpu.enqueue_dma source(%arg8 : memref<16x2048xf32, #tpu.memory_space<vmem>>) target(%dma_start3A_426 : memref<16x2048xf32, #tpu.memory_space<hbm>>) target_semaphore(%arg15 : memref<!tpu.dma_semaphore, #tpu.memory_space<semaphore_mem>>)
    %dma_wait3A_427 = arith.constant 1 : i32
    %dma_wait3A_428 = arith.constant 0 : i32
    %dma_wait3A_429 = tpu.memref_slice %arg6[%dma_wait3A_427, %add3A_379, %dma_wait3A_428] : memref<8x2048x2048xf32, #tpu.memory_space<hbm>> -> memref<1x16x2048xf32, #tpu.memory_space<hbm>>
    %dma_wait3A_430 = tpu.memref_squeeze %dma_wait3A_429 : memref<1x16x2048xf32, #tpu.memory_space<hbm>> -> memref<16x2048xf32, #tpu.memory_space<hbm>>
    %dma_wait3A_431 = arith.constant 0 : i32
    %dma_wait3A_432 = tpu.memref_slice %arg6[%dma_wait3A_427, %add3A_379, %dma_wait3A_431] : memref<8x2048x2048xf32, #tpu.memory_space<hbm>> -> memref<1x16x2048xf32, #tpu.memory_space<hbm>>
    %dma_wait3A_433 = tpu.memref_squeeze %dma_wait3A_432 : memref<1x16x2048xf32, #tpu.memory_space<hbm>> -> memref<16x2048xf32, #tpu.memory_space<hbm>>
    tpu.wait_dma2 semaphore(%arg15 : memref<!tpu.dma_semaphore, #tpu.memory_space<semaphore_mem>>) src(%arg8 : memref<16x2048xf32, #tpu.memory_space<vmem>>) dst(%dma_wait3A_433 : memref<16x2048xf32, #tpu.memory_space<hbm>>)
    %add3A_434 = arith.constant 48 : i32
    %add3A_435 = arith.addi %mul3A_2, %add3A_434 : i32
    %dma_start3A_436 = arith.constant 1 : i32
    %dma_start3A_437 = arith.constant 0 : i32
    %dma_start3A_438 = tpu.memref_slice %arg2[%dma_start3A_436, %add3A_435, %dma_start3A_437] : memref<8x2048x2048xf32, #tpu.memory_space<hbm>> -> memref<1x16x2048xf32, #tpu.memory_space<hbm>>
    %dma_start3A_439 = tpu.memref_squeeze %dma_start3A_438 : memref<1x16x2048xf32, #tpu.memory_space<hbm>> -> memref<16x2048xf32, #tpu.memory_space<hbm>>
    %dma_start3A_440 = arith.constant 0 : i32
    %dma_start3A_441 = tpu.memref_slice %arg2[%dma_start3A_436, %add3A_435, %dma_start3A_440] : memref<8x2048x2048xf32, #tpu.memory_space<hbm>> -> memref<1x16x2048xf32, #tpu.memory_space<hbm>>
    %dma_start3A_442 = tpu.memref_squeeze %dma_start3A_441 : memref<1x16x2048xf32, #tpu.memory_space<hbm>> -> memref<16x2048xf32, #tpu.memory_space<hbm>>
    tpu.enqueue_dma source(%dma_start3A_442 : memref<16x2048xf32, #tpu.memory_space<hbm>>) target(%arg8 : memref<16x2048xf32, #tpu.memory_space<vmem>>) target_semaphore(%arg13 : memref<!tpu.dma_semaphore, #tpu.memory_space<semaphore_mem>>)
    %dma_wait3A_443 = arith.constant 1 : i32
    %dma_wait3A_444 = arith.constant 0 : i32
    %dma_wait3A_445 = tpu.memref_slice %arg2[%dma_wait3A_443, %add3A_363, %dma_wait3A_444] : memref<8x2048x2048xf32, #tpu.memory_space<hbm>> -> memref<1x16x2048xf32, #tpu.memory_space<hbm>>
    %dma_wait3A_446 = tpu.memref_squeeze %dma_wait3A_445 : memref<1x16x2048xf32, #tpu.memory_space<hbm>> -> memref<16x2048xf32, #tpu.memory_space<hbm>>
    %dma_wait3A_447 = arith.constant 0 : i32
    %dma_wait3A_448 = tpu.memref_slice %arg2[%dma_wait3A_443, %add3A_363, %dma_wait3A_447] : memref<8x2048x2048xf32, #tpu.memory_space<hbm>> -> memref<1x16x2048xf32, #tpu.memory_space<hbm>>
    %dma_wait3A_449 = tpu.memref_squeeze %dma_wait3A_448 : memref<1x16x2048xf32, #tpu.memory_space<hbm>> -> memref<16x2048xf32, #tpu.memory_space<hbm>>
    tpu.wait_dma2 semaphore(%arg12 : memref<!tpu.dma_semaphore, #tpu.memory_space<semaphore_mem>>) src(%dma_wait3A_449 : memref<16x2048xf32, #tpu.memory_space<hbm>>) dst(%arg7 : memref<16x2048xf32, #tpu.memory_space<vmem>>)
    %add3A_450 = arith.constant 32 : i32
    %add3A_451 = arith.addi %mul3A_2, %add3A_450 : i32
    %get3A_452 = arith.constant 0 : index
    %get3A_453 = tpu.vector_load %arg9[%get3A_452] {strides = array<i32>} : memref<32xi32, #tpu.memory_space<vmem>>, vector<16xi32>,
    %get3A_454 = arith.constant 0 : index
    %get3A_455 = tpu.vector_load %arg10[%get3A_454] {strides = array<i32>} : memref<32xi32, #tpu.memory_space<vmem>>, vector<16xi32>,
    %get3A_456 = arith.constant 1 : i32
    %get3A_457 = arith.index_cast %get3A_456 : i32 to index
    %get3A_458 = arith.constant 0 : index
    %get3A_459 = tpu.vector_load %arg11[%get3A_457, %get3A_458] {strides = array<i32>} : memref<8x32xf32, #tpu.memory_space<vmem>>, vector<16xf32>,
    %ge3A_460 = vector.broadcast %add3A_451 : i32 to vector<16xi32>
    %ge3A_461 = arith.cmpi sge, %get3A_453, %ge3A_460 : vector<16xi32>
    %add3A_462 = arith.constant 16 : i32
    %add3A_463 = arith.addi %add3A_451, %add3A_462 : i32
    %lt3A_464 = vector.broadcast %add3A_463 : i32 to vector<16xi32>
    %lt3A_465 = arith.cmpi slt, %get3A_453, %lt3A_464 : vector<16xi32>
    %and3A_466 = arith.andi %ge3A_461, %lt3A_465 : vector<16xi1>
    %sub3A_467 = vector.broadcast %add3A_451 : i32 to vector<16xi32>
    %sub3A_468 = arith.subi %get3A_453, %sub3A_467 : vector<16xi32>
    %jit3A_469 = arith.constant 0 : i32
    %broadcast_in_dim3A_470 = vector.broadcast %jit3A_469 : i32 to vector<16xi32>
    %select_n3A_471 = arith.select %and3A_466, %sub3A_468, %broadcast_in_dim3A_470 : vector<16xi1>, vector<16xi32>
    tpu.vector_store_idx %arg7[%select_n3A_471, %get3A_455], %get3A_459 masked %and3A_466 {add = true} : memref<16x2048xf32, #tpu.memory_space<vmem>>[vector<16xi32>, vector<16xi32>], vector<16xf32>, vector<16xi1>
    %get3A_472 = arith.constant 16 : index
    %get3A_473 = tpu.vector_load %arg9[%get3A_472] {strides = array<i32>} : memref<32xi32, #tpu.memory_space<vmem>>, vector<16xi32>,
    %get3A_474 = arith.constant 16 : index
    %get3A_475 = tpu.vector_load %arg10[%get3A_474] {strides = array<i32>} : memref<32xi32, #tpu.memory_space<vmem>>, vector<16xi32>,
    %get3A_476 = arith.constant 1 : i32
    %get3A_477 = arith.index_cast %get3A_476 : i32 to index
    %get3A_478 = arith.constant 16 : index
    %get3A_479 = tpu.vector_load %arg11[%get3A_477, %get3A_478] {strides = array<i32>} : memref<8x32xf32, #tpu.memory_space<vmem>>, vector<16xf32>,
    %ge3A_480 = vector.broadcast %add3A_451 : i32 to vector<16xi32>
    %ge3A_481 = arith.cmpi sge, %get3A_473, %ge3A_480 : vector<16xi32>
    %add3A_482 = arith.constant 16 : i32
    %add3A_483 = arith.addi %add3A_451, %add3A_482 : i32
    %lt3A_484 = vector.broadcast %add3A_483 : i32 to vector<16xi32>
    %lt3A_485 = arith.cmpi slt, %get3A_473, %lt3A_484 : vector<16xi32>
    %and3A_486 = arith.andi %ge3A_481, %lt3A_485 : vector<16xi1>
    %sub3A_487 = vector.broadcast %add3A_451 : i32 to vector<16xi32>
    %sub3A_488 = arith.subi %get3A_473, %sub3A_487 : vector<16xi32>
    %jit3A_489 = arith.constant 0 : i32
    %broadcast_in_dim3A_490 = vector.broadcast %jit3A_489 : i32 to vector<16xi32>
    %select_n3A_491 = arith.select %and3A_486, %sub3A_488, %broadcast_in_dim3A_490 : vector<16xi1>, vector<16xi32>
    tpu.vector_store_idx %arg7[%select_n3A_491, %get3A_475], %get3A_479 masked %and3A_486 {add = true} : memref<16x2048xf32, #tpu.memory_space<vmem>>[vector<16xi32>, vector<16xi32>], vector<16xf32>, vector<16xi1>
    %dma_start3A_492 = arith.constant 1 : i32
    %dma_start3A_493 = arith.constant 0 : i32
    %dma_start3A_494 = tpu.memref_slice %arg6[%dma_start3A_492, %add3A_451, %dma_start3A_493] : memref<8x2048x2048xf32, #tpu.memory_space<hbm>> -> memref<1x16x2048xf32, #tpu.memory_space<hbm>>
    %dma_start3A_495 = tpu.memref_squeeze %dma_start3A_494 : memref<1x16x2048xf32, #tpu.memory_space<hbm>> -> memref<16x2048xf32, #tpu.memory_space<hbm>>
    %dma_start3A_496 = arith.constant 0 : i32
    %dma_start3A_497 = tpu.memref_slice %arg6[%dma_start3A_492, %add3A_451, %dma_start3A_496] : memref<8x2048x2048xf32, #tpu.memory_space<hbm>> -> memref<1x16x2048xf32, #tpu.memory_space<hbm>>
    %dma_start3A_498 = tpu.memref_squeeze %dma_start3A_497 : memref<1x16x2048xf32, #tpu.memory_space<hbm>> -> memref<16x2048xf32, #tpu.memory_space<hbm>>
    tpu.enqueue_dma source(%arg7 : memref<16x2048xf32, #tpu.memory_space<vmem>>) target(%dma_start3A_498 : memref<16x2048xf32, #tpu.memory_space<hbm>>) target_semaphore(%arg14 : memref<!tpu.dma_semaphore, #tpu.memory_space<semaphore_mem>>)
    %dma_wait3A_499 = arith.constant 1 : i32
    %dma_wait3A_500 = arith.constant 0 : i32
    %dma_wait3A_501 = tpu.memref_slice %arg6[%dma_wait3A_499, %add3A_451, %dma_wait3A_500] : memref<8x2048x2048xf32, #tpu.memory_space<hbm>> -> memref<1x16x2048xf32, #tpu.memory_space<hbm>>
    %dma_wait3A_502 = tpu.memref_squeeze %dma_wait3A_501 : memref<1x16x2048xf32, #tpu.memory_space<hbm>> -> memref<16x2048xf32, #tpu.memory_space<hbm>>
    %dma_wait3A_503 = arith.constant 0 : i32
    %dma_wait3A_504 = tpu.memref_slice %arg6[%dma_wait3A_499, %add3A_451, %dma_wait3A_503] : memref<8x2048x2048xf32, #tpu.memory_space<hbm>> -> memref<1x16x2048xf32, #tpu.memory_space<hbm>>
    %dma_wait3A_505 = tpu.memref_squeeze %dma_wait3A_504 : memref<1x16x2048xf32, #tpu.memory_space<hbm>> -> memref<16x2048xf32, #tpu.memory_space<hbm>>
    tpu.wait_dma2 semaphore(%arg14 : memref<!tpu.dma_semaphore, #tpu.memory_space<semaphore_mem>>) src(%arg7 : memref<16x2048xf32, #tpu.memory_space<vmem>>) dst(%dma_wait3A_505 : memref<16x2048xf32, #tpu.memory_space<hbm>>)
    %add3A_506 = arith.constant 0 : i32
    %add3A_507 = arith.addi %mul3A_2, %add3A_506 : i32
    %dma_start3A_508 = arith.constant 2 : i32
    %dma_start3A_509 = arith.constant 0 : i32
    %dma_start3A_510 = tpu.memref_slice %arg2[%dma_start3A_508, %add3A_507, %dma_start3A_509] : memref<8x2048x2048xf32, #tpu.memory_space<hbm>> -> memref<1x16x2048xf32, #tpu.memory_space<hbm>>
    %dma_start3A_511 = tpu.memref_squeeze %dma_start3A_510 : memref<1x16x2048xf32, #tpu.memory_space<hbm>> -> memref<16x2048xf32, #tpu.memory_space<hbm>>
    %dma_start3A_512 = arith.constant 0 : i32
    %dma_start3A_513 = tpu.memref_slice %arg2[%dma_start3A_508, %add3A_507, %dma_start3A_512] : memref<8x2048x2048xf32, #tpu.memory_space<hbm>> -> memref<1x16x2048xf32, #tpu.memory_space<hbm>>
    %dma_start3A_514 = tpu.memref_squeeze %dma_start3A_513 : memref<1x16x2048xf32, #tpu.memory_space<hbm>> -> memref<16x2048xf32, #tpu.memory_space<hbm>>
    tpu.enqueue_dma source(%dma_start3A_514 : memref<16x2048xf32, #tpu.memory_space<hbm>>) target(%arg7 : memref<16x2048xf32, #tpu.memory_space<vmem>>) target_semaphore(%arg12 : memref<!tpu.dma_semaphore, #tpu.memory_space<semaphore_mem>>)
    %dma_wait3A_515 = arith.constant 1 : i32
    %dma_wait3A_516 = arith.constant 0 : i32
    %dma_wait3A_517 = tpu.memref_slice %arg2[%dma_wait3A_515, %add3A_435, %dma_wait3A_516] : memref<8x2048x2048xf32, #tpu.memory_space<hbm>> -> memref<1x16x2048xf32, #tpu.memory_space<hbm>>
    %dma_wait3A_518 = tpu.memref_squeeze %dma_wait3A_517 : memref<1x16x2048xf32, #tpu.memory_space<hbm>> -> memref<16x2048xf32, #tpu.memory_space<hbm>>
    %dma_wait3A_519 = arith.constant 0 : i32
    %dma_wait3A_520 = tpu.memref_slice %arg2[%dma_wait3A_515, %add3A_435, %dma_wait3A_519] : memref<8x2048x2048xf32, #tpu.memory_space<hbm>> -> memref<1x16x2048xf32, #tpu.memory_space<hbm>>
    %dma_wait3A_521 = tpu.memref_squeeze %dma_wait3A_520 : memref<1x16x2048xf32, #tpu.memory_space<hbm>> -> memref<16x2048xf32, #tpu.memory_space<hbm>>
    tpu.wait_dma2 semaphore(%arg13 : memref<!tpu.dma_semaphore, #tpu.memory_space<semaphore_mem>>) src(%dma_wait3A_521 : memref<16x2048xf32, #tpu.memory_space<hbm>>) dst(%arg8 : memref<16x2048xf32, #tpu.memory_space<vmem>>)
    %add3A_522 = arith.constant 48 : i32
    %add3A_523 = arith.addi %mul3A_2, %add3A_522 : i32
    %get3A_524 = arith.constant 0 : index
    %get3A_525 = tpu.vector_load %arg9[%get3A_524] {strides = array<i32>} : memref<32xi32, #tpu.memory_space<vmem>>, vector<16xi32>,
    %get3A_526 = arith.constant 0 : index
    %get3A_527 = tpu.vector_load %arg10[%get3A_526] {strides = array<i32>} : memref<32xi32, #tpu.memory_space<vmem>>, vector<16xi32>,
    %get3A_528 = arith.constant 1 : i32
    %get3A_529 = arith.index_cast %get3A_528 : i32 to index
    %get3A_530 = arith.constant 0 : index
    %get3A_531 = tpu.vector_load %arg11[%get3A_529, %get3A_530] {strides = array<i32>} : memref<8x32xf32, #tpu.memory_space<vmem>>, vector<16xf32>,
    %ge3A_532 = vector.broadcast %add3A_523 : i32 to vector<16xi32>
    %ge3A_533 = arith.cmpi sge, %get3A_525, %ge3A_532 : vector<16xi32>
    %add3A_534 = arith.constant 16 : i32
    %add3A_535 = arith.addi %add3A_523, %add3A_534 : i32
    %lt3A_536 = vector.broadcast %add3A_535 : i32 to vector<16xi32>
    %lt3A_537 = arith.cmpi slt, %get3A_525, %lt3A_536 : vector<16xi32>
    %and3A_538 = arith.andi %ge3A_533, %lt3A_537 : vector<16xi1>
    %sub3A_539 = vector.broadcast %add3A_523 : i32 to vector<16xi32>
    %sub3A_540 = arith.subi %get3A_525, %sub3A_539 : vector<16xi32>
    %jit3A_541 = arith.constant 0 : i32
    %broadcast_in_dim3A_542 = vector.broadcast %jit3A_541 : i32 to vector<16xi32>
    %select_n3A_543 = arith.select %and3A_538, %sub3A_540, %broadcast_in_dim3A_542 : vector<16xi1>, vector<16xi32>
    tpu.vector_store_idx %arg8[%select_n3A_543, %get3A_527], %get3A_531 masked %and3A_538 {add = true} : memref<16x2048xf32, #tpu.memory_space<vmem>>[vector<16xi32>, vector<16xi32>], vector<16xf32>, vector<16xi1>
    %get3A_544 = arith.constant 16 : index
    %get3A_545 = tpu.vector_load %arg9[%get3A_544] {strides = array<i32>} : memref<32xi32, #tpu.memory_space<vmem>>, vector<16xi32>,
    %get3A_546 = arith.constant 16 : index
    %get3A_547 = tpu.vector_load %arg10[%get3A_546] {strides = array<i32>} : memref<32xi32, #tpu.memory_space<vmem>>, vector<16xi32>,
    %get3A_548 = arith.constant 1 : i32
    %get3A_549 = arith.index_cast %get3A_548 : i32 to index
    %get3A_550 = arith.constant 16 : index
    %get3A_551 = tpu.vector_load %arg11[%get3A_549, %get3A_550] {strides = array<i32>} : memref<8x32xf32, #tpu.memory_space<vmem>>, vector<16xf32>,
    %ge3A_552 = vector.broadcast %add3A_523 : i32 to vector<16xi32>
    %ge3A_553 = arith.cmpi sge, %get3A_545, %ge3A_552 : vector<16xi32>
    %add3A_554 = arith.constant 16 : i32
    %add3A_555 = arith.addi %add3A_523, %add3A_554 : i32
    %lt3A_556 = vector.broadcast %add3A_555 : i32 to vector<16xi32>
    %lt3A_557 = arith.cmpi slt, %get3A_545, %lt3A_556 : vector<16xi32>
    %and3A_558 = arith.andi %ge3A_553, %lt3A_557 : vector<16xi1>
    %sub3A_559 = vector.broadcast %add3A_523 : i32 to vector<16xi32>
    %sub3A_560 = arith.subi %get3A_545, %sub3A_559 : vector<16xi32>
    %jit3A_561 = arith.constant 0 : i32
    %broadcast_in_dim3A_562 = vector.broadcast %jit3A_561 : i32 to vector<16xi32>
    %select_n3A_563 = arith.select %and3A_558, %sub3A_560, %broadcast_in_dim3A_562 : vector<16xi1>, vector<16xi32>
    tpu.vector_store_idx %arg8[%select_n3A_563, %get3A_547], %get3A_551 masked %and3A_558 {add = true} : memref<16x2048xf32, #tpu.memory_space<vmem>>[vector<16xi32>, vector<16xi32>], vector<16xf32>, vector<16xi1>
    %dma_start3A_564 = arith.constant 1 : i32
    %dma_start3A_565 = arith.constant 0 : i32
    %dma_start3A_566 = tpu.memref_slice %arg6[%dma_start3A_564, %add3A_523, %dma_start3A_565] : memref<8x2048x2048xf32, #tpu.memory_space<hbm>> -> memref<1x16x2048xf32, #tpu.memory_space<hbm>>
    %dma_start3A_567 = tpu.memref_squeeze %dma_start3A_566 : memref<1x16x2048xf32, #tpu.memory_space<hbm>> -> memref<16x2048xf32, #tpu.memory_space<hbm>>
    %dma_start3A_568 = arith.constant 0 : i32
    %dma_start3A_569 = tpu.memref_slice %arg6[%dma_start3A_564, %add3A_523, %dma_start3A_568] : memref<8x2048x2048xf32, #tpu.memory_space<hbm>> -> memref<1x16x2048xf32, #tpu.memory_space<hbm>>
    %dma_start3A_570 = tpu.memref_squeeze %dma_start3A_569 : memref<1x16x2048xf32, #tpu.memory_space<hbm>> -> memref<16x2048xf32, #tpu.memory_space<hbm>>
    tpu.enqueue_dma source(%arg8 : memref<16x2048xf32, #tpu.memory_space<vmem>>) target(%dma_start3A_570 : memref<16x2048xf32, #tpu.memory_space<hbm>>) target_semaphore(%arg15 : memref<!tpu.dma_semaphore, #tpu.memory_space<semaphore_mem>>)
    %dma_wait3A_571 = arith.constant 1 : i32
    %dma_wait3A_572 = arith.constant 0 : i32
    %dma_wait3A_573 = tpu.memref_slice %arg6[%dma_wait3A_571, %add3A_523, %dma_wait3A_572] : memref<8x2048x2048xf32, #tpu.memory_space<hbm>> -> memref<1x16x2048xf32, #tpu.memory_space<hbm>>
    %dma_wait3A_574 = tpu.memref_squeeze %dma_wait3A_573 : memref<1x16x2048xf32, #tpu.memory_space<hbm>> -> memref<16x2048xf32, #tpu.memory_space<hbm>>
    %dma_wait3A_575 = arith.constant 0 : i32
    %dma_wait3A_576 = tpu.memref_slice %arg6[%dma_wait3A_571, %add3A_523, %dma_wait3A_575] : memref<8x2048x2048xf32, #tpu.memory_space<hbm>> -> memref<1x16x2048xf32, #tpu.memory_space<hbm>>
    %dma_wait3A_577 = tpu.memref_squeeze %dma_wait3A_576 : memref<1x16x2048xf32, #tpu.memory_space<hbm>> -> memref<16x2048xf32, #tpu.memory_space<hbm>>
    tpu.wait_dma2 semaphore(%arg15 : memref<!tpu.dma_semaphore, #tpu.memory_space<semaphore_mem>>) src(%arg8 : memref<16x2048xf32, #tpu.memory_space<vmem>>) dst(%dma_wait3A_577 : memref<16x2048xf32, #tpu.memory_space<hbm>>)
    %add3A_578 = arith.constant 16 : i32
    %add3A_579 = arith.addi %mul3A_2, %add3A_578 : i32
    %dma_start3A_580 = arith.constant 2 : i32
    %dma_start3A_581 = arith.constant 0 : i32
    %dma_start3A_582 = tpu.memref_slice %arg2[%dma_start3A_580, %add3A_579, %dma_start3A_581] : memref<8x2048x2048xf32, #tpu.memory_space<hbm>> -> memref<1x16x2048xf32, #tpu.memory_space<hbm>>
    %dma_start3A_583 = tpu.memref_squeeze %dma_start3A_582 : memref<1x16x2048xf32, #tpu.memory_space<hbm>> -> memref<16x2048xf32, #tpu.memory_space<hbm>>
    %dma_start3A_584 = arith.constant 0 : i32
    %dma_start3A_585 = tpu.memref_slice %arg2[%dma_start3A_580, %add3A_579, %dma_start3A_584] : memref<8x2048x2048xf32, #tpu.memory_space<hbm>> -> memref<1x16x2048xf32, #tpu.memory_space<hbm>>
    %dma_start3A_586 = tpu.memref_squeeze %dma_start3A_585 : memref<1x16x2048xf32, #tpu.memory_space<hbm>> -> memref<16x2048xf32, #tpu.memory_space<hbm>>
    tpu.enqueue_dma source(%dma_start3A_586 : memref<16x2048xf32, #tpu.memory_space<hbm>>) target(%arg8 : memref<16x2048xf32, #tpu.memory_space<vmem>>) target_semaphore(%arg13 : memref<!tpu.dma_semaphore, #tpu.memory_space<semaphore_mem>>)
    %dma_wait3A_587 = arith.constant 2 : i32
    %dma_wait3A_588 = arith.constant 0 : i32
    %dma_wait3A_589 = tpu.memref_slice %arg2[%dma_wait3A_587, %add3A_507, %dma_wait3A_588] : memref<8x2048x2048xf32, #tpu.memory_space<hbm>> -> memref<1x16x2048xf32, #tpu.memory_space<hbm>>
    %dma_wait3A_590 = tpu.memref_squeeze %dma_wait3A_589 : memref<1x16x2048xf32, #tpu.memory_space<hbm>> -> memref<16x2048xf32, #tpu.memory_space<hbm>>
    %dma_wait3A_591 = arith.constant 0 : i32
    %dma_wait3A_592 = tpu.memref_slice %arg2[%dma_wait3A_587, %add3A_507, %dma_wait3A_591] : memref<8x2048x2048xf32, #tpu.memory_space<hbm>> -> memref<1x16x2048xf32, #tpu.memory_space<hbm>>
    %dma_wait3A_593 = tpu.memref_squeeze %dma_wait3A_592 : memref<1x16x2048xf32, #tpu.memory_space<hbm>> -> memref<16x2048xf32, #tpu.memory_space<hbm>>
    tpu.wait_dma2 semaphore(%arg12 : memref<!tpu.dma_semaphore, #tpu.memory_space<semaphore_mem>>) src(%dma_wait3A_593 : memref<16x2048xf32, #tpu.memory_space<hbm>>) dst(%arg7 : memref<16x2048xf32, #tpu.memory_space<vmem>>)
    %add3A_594 = arith.constant 0 : i32
    %add3A_595 = arith.addi %mul3A_2, %add3A_594 : i32
    %get3A_596 = arith.constant 0 : index
    %get3A_597 = tpu.vector_load %arg9[%get3A_596] {strides = array<i32>} : memref<32xi32, #tpu.memory_space<vmem>>, vector<16xi32>,
    %get3A_598 = arith.constant 0 : index
    %get3A_599 = tpu.vector_load %arg10[%get3A_598] {strides = array<i32>} : memref<32xi32, #tpu.memory_space<vmem>>, vector<16xi32>,
    %get3A_600 = arith.constant 2 : i32
    %get3A_601 = arith.index_cast %get3A_600 : i32 to index
    %get3A_602 = arith.constant 0 : index
    %get3A_603 = tpu.vector_load %arg11[%get3A_601, %get3A_602] {strides = array<i32>} : memref<8x32xf32, #tpu.memory_space<vmem>>, vector<16xf32>,
    %ge3A_604 = vector.broadcast %add3A_595 : i32 to vector<16xi32>
    %ge3A_605 = arith.cmpi sge, %get3A_597, %ge3A_604 : vector<16xi32>
    %add3A_606 = arith.constant 16 : i32
    %add3A_607 = arith.addi %add3A_595, %add3A_606 : i32
    %lt3A_608 = vector.broadcast %add3A_607 : i32 to vector<16xi32>
    %lt3A_609 = arith.cmpi slt, %get3A_597, %lt3A_608 : vector<16xi32>
    %and3A_610 = arith.andi %ge3A_605, %lt3A_609 : vector<16xi1>
    %sub3A_611 = vector.broadcast %add3A_595 : i32 to vector<16xi32>
    %sub3A_612 = arith.subi %get3A_597, %sub3A_611 : vector<16xi32>
    %jit3A_613 = arith.constant 0 : i32
    %broadcast_in_dim3A_614 = vector.broadcast %jit3A_613 : i32 to vector<16xi32>
    %select_n3A_615 = arith.select %and3A_610, %sub3A_612, %broadcast_in_dim3A_614 : vector<16xi1>, vector<16xi32>
    tpu.vector_store_idx %arg7[%select_n3A_615, %get3A_599], %get3A_603 masked %and3A_610 {add = true} : memref<16x2048xf32, #tpu.memory_space<vmem>>[vector<16xi32>, vector<16xi32>], vector<16xf32>, vector<16xi1>
    %get3A_616 = arith.constant 16 : index
    %get3A_617 = tpu.vector_load %arg9[%get3A_616] {strides = array<i32>} : memref<32xi32, #tpu.memory_space<vmem>>, vector<16xi32>,
    %get3A_618 = arith.constant 16 : index
    %get3A_619 = tpu.vector_load %arg10[%get3A_618] {strides = array<i32>} : memref<32xi32, #tpu.memory_space<vmem>>, vector<16xi32>,
    %get3A_620 = arith.constant 2 : i32
    %get3A_621 = arith.index_cast %get3A_620 : i32 to index
    %get3A_622 = arith.constant 16 : index
    %get3A_623 = tpu.vector_load %arg11[%get3A_621, %get3A_622] {strides = array<i32>} : memref<8x32xf32, #tpu.memory_space<vmem>>, vector<16xf32>,
    %ge3A_624 = vector.broadcast %add3A_595 : i32 to vector<16xi32>
    %ge3A_625 = arith.cmpi sge, %get3A_617, %ge3A_624 : vector<16xi32>
    %add3A_626 = arith.constant 16 : i32
    %add3A_627 = arith.addi %add3A_595, %add3A_626 : i32
    %lt3A_628 = vector.broadcast %add3A_627 : i32 to vector<16xi32>
    %lt3A_629 = arith.cmpi slt, %get3A_617, %lt3A_628 : vector<16xi32>
    %and3A_630 = arith.andi %ge3A_625, %lt3A_629 : vector<16xi1>
    %sub3A_631 = vector.broadcast %add3A_595 : i32 to vector<16xi32>
    %sub3A_632 = arith.subi %get3A_617, %sub3A_631 : vector<16xi32>
    %jit3A_633 = arith.constant 0 : i32
    %broadcast_in_dim3A_634 = vector.broadcast %jit3A_633 : i32 to vector<16xi32>
    %select_n3A_635 = arith.select %and3A_630, %sub3A_632, %broadcast_in_dim3A_634 : vector<16xi1>, vector<16xi32>
    tpu.vector_store_idx %arg7[%select_n3A_635, %get3A_619], %get3A_623 masked %and3A_630 {add = true} : memref<16x2048xf32, #tpu.memory_space<vmem>>[vector<16xi32>, vector<16xi32>], vector<16xf32>, vector<16xi1>
    %dma_start3A_636 = arith.constant 2 : i32
    %dma_start3A_637 = arith.constant 0 : i32
    %dma_start3A_638 = tpu.memref_slice %arg6[%dma_start3A_636, %add3A_595, %dma_start3A_637] : memref<8x2048x2048xf32, #tpu.memory_space<hbm>> -> memref<1x16x2048xf32, #tpu.memory_space<hbm>>
    %dma_start3A_639 = tpu.memref_squeeze %dma_start3A_638 : memref<1x16x2048xf32, #tpu.memory_space<hbm>> -> memref<16x2048xf32, #tpu.memory_space<hbm>>
    %dma_start3A_640 = arith.constant 0 : i32
    %dma_start3A_641 = tpu.memref_slice %arg6[%dma_start3A_636, %add3A_595, %dma_start3A_640] : memref<8x2048x2048xf32, #tpu.memory_space<hbm>> -> memref<1x16x2048xf32, #tpu.memory_space<hbm>>
    %dma_start3A_642 = tpu.memref_squeeze %dma_start3A_641 : memref<1x16x2048xf32, #tpu.memory_space<hbm>> -> memref<16x2048xf32, #tpu.memory_space<hbm>>
    tpu.enqueue_dma source(%arg7 : memref<16x2048xf32, #tpu.memory_space<vmem>>) target(%dma_start3A_642 : memref<16x2048xf32, #tpu.memory_space<hbm>>) target_semaphore(%arg14 : memref<!tpu.dma_semaphore, #tpu.memory_space<semaphore_mem>>)
    %dma_wait3A_643 = arith.constant 2 : i32
    %dma_wait3A_644 = arith.constant 0 : i32
    %dma_wait3A_645 = tpu.memref_slice %arg6[%dma_wait3A_643, %add3A_595, %dma_wait3A_644] : memref<8x2048x2048xf32, #tpu.memory_space<hbm>> -> memref<1x16x2048xf32, #tpu.memory_space<hbm>>
    %dma_wait3A_646 = tpu.memref_squeeze %dma_wait3A_645 : memref<1x16x2048xf32, #tpu.memory_space<hbm>> -> memref<16x2048xf32, #tpu.memory_space<hbm>>
    %dma_wait3A_647 = arith.constant 0 : i32
    %dma_wait3A_648 = tpu.memref_slice %arg6[%dma_wait3A_643, %add3A_595, %dma_wait3A_647] : memref<8x2048x2048xf32, #tpu.memory_space<hbm>> -> memref<1x16x2048xf32, #tpu.memory_space<hbm>>
    %dma_wait3A_649 = tpu.memref_squeeze %dma_wait3A_648 : memref<1x16x2048xf32, #tpu.memory_space<hbm>> -> memref<16x2048xf32, #tpu.memory_space<hbm>>
    tpu.wait_dma2 semaphore(%arg14 : memref<!tpu.dma_semaphore, #tpu.memory_space<semaphore_mem>>) src(%arg7 : memref<16x2048xf32, #tpu.memory_space<vmem>>) dst(%dma_wait3A_649 : memref<16x2048xf32, #tpu.memory_space<hbm>>)
    %add3A_650 = arith.constant 32 : i32
    %add3A_651 = arith.addi %mul3A_2, %add3A_650 : i32
    %dma_start3A_652 = arith.constant 2 : i32
    %dma_start3A_653 = arith.constant 0 : i32
    %dma_start3A_654 = tpu.memref_slice %arg2[%dma_start3A_652, %add3A_651, %dma_start3A_653] : memref<8x2048x2048xf32, #tpu.memory_space<hbm>> -> memref<1x16x2048xf32, #tpu.memory_space<hbm>>
    %dma_start3A_655 = tpu.memref_squeeze %dma_start3A_654 : memref<1x16x2048xf32, #tpu.memory_space<hbm>> -> memref<16x2048xf32, #tpu.memory_space<hbm>>
    %dma_start3A_656 = arith.constant 0 : i32
    %dma_start3A_657 = tpu.memref_slice %arg2[%dma_start3A_652, %add3A_651, %dma_start3A_656] : memref<8x2048x2048xf32, #tpu.memory_space<hbm>> -> memref<1x16x2048xf32, #tpu.memory_space<hbm>>
    %dma_start3A_658 = tpu.memref_squeeze %dma_start3A_657 : memref<1x16x2048xf32, #tpu.memory_space<hbm>> -> memref<16x2048xf32, #tpu.memory_space<hbm>>
    tpu.enqueue_dma source(%dma_start3A_658 : memref<16x2048xf32, #tpu.memory_space<hbm>>) target(%arg7 : memref<16x2048xf32, #tpu.memory_space<vmem>>) target_semaphore(%arg12 : memref<!tpu.dma_semaphore, #tpu.memory_space<semaphore_mem>>)
    %dma_wait3A_659 = arith.constant 2 : i32
    %dma_wait3A_660 = arith.constant 0 : i32
    %dma_wait3A_661 = tpu.memref_slice %arg2[%dma_wait3A_659, %add3A_579, %dma_wait3A_660] : memref<8x2048x2048xf32, #tpu.memory_space<hbm>> -> memref<1x16x2048xf32, #tpu.memory_space<hbm>>
    %dma_wait3A_662 = tpu.memref_squeeze %dma_wait3A_661 : memref<1x16x2048xf32, #tpu.memory_space<hbm>> -> memref<16x2048xf32, #tpu.memory_space<hbm>>
    %dma_wait3A_663 = arith.constant 0 : i32
    %dma_wait3A_664 = tpu.memref_slice %arg2[%dma_wait3A_659, %add3A_579, %dma_wait3A_663] : memref<8x2048x2048xf32, #tpu.memory_space<hbm>> -> memref<1x16x2048xf32, #tpu.memory_space<hbm>>
    %dma_wait3A_665 = tpu.memref_squeeze %dma_wait3A_664 : memref<1x16x2048xf32, #tpu.memory_space<hbm>> -> memref<16x2048xf32, #tpu.memory_space<hbm>>
    tpu.wait_dma2 semaphore(%arg13 : memref<!tpu.dma_semaphore, #tpu.memory_space<semaphore_mem>>) src(%dma_wait3A_665 : memref<16x2048xf32, #tpu.memory_space<hbm>>) dst(%arg8 : memref<16x2048xf32, #tpu.memory_space<vmem>>)
    %add3A_666 = arith.constant 16 : i32
    %add3A_667 = arith.addi %mul3A_2, %add3A_666 : i32
    %get3A_668 = arith.constant 0 : index
    %get3A_669 = tpu.vector_load %arg9[%get3A_668] {strides = array<i32>} : memref<32xi32, #tpu.memory_space<vmem>>, vector<16xi32>,
    %get3A_670 = arith.constant 0 : index
    %get3A_671 = tpu.vector_load %arg10[%get3A_670] {strides = array<i32>} : memref<32xi32, #tpu.memory_space<vmem>>, vector<16xi32>,
    %get3A_672 = arith.constant 2 : i32
    %get3A_673 = arith.index_cast %get3A_672 : i32 to index
    %get3A_674 = arith.constant 0 : index
    %get3A_675 = tpu.vector_load %arg11[%get3A_673, %get3A_674] {strides = array<i32>} : memref<8x32xf32, #tpu.memory_space<vmem>>, vector<16xf32>,
    %ge3A_676 = vector.broadcast %add3A_667 : i32 to vector<16xi32>
    %ge3A_677 = arith.cmpi sge, %get3A_669, %ge3A_676 : vector<16xi32>
    %add3A_678 = arith.constant 16 : i32
    %add3A_679 = arith.addi %add3A_667, %add3A_678 : i32
    %lt3A_680 = vector.broadcast %add3A_679 : i32 to vector<16xi32>
    %lt3A_681 = arith.cmpi slt, %get3A_669, %lt3A_680 : vector<16xi32>
    %and3A_682 = arith.andi %ge3A_677, %lt3A_681 : vector<16xi1>
    %sub3A_683 = vector.broadcast %add3A_667 : i32 to vector<16xi32>
    %sub3A_684 = arith.subi %get3A_669, %sub3A_683 : vector<16xi32>
    %jit3A_685 = arith.constant 0 : i32
    %broadcast_in_dim3A_686 = vector.broadcast %jit3A_685 : i32 to vector<16xi32>
    %select_n3A_687 = arith.select %and3A_682, %sub3A_684, %broadcast_in_dim3A_686 : vector<16xi1>, vector<16xi32>
    tpu.vector_store_idx %arg8[%select_n3A_687, %get3A_671], %get3A_675 masked %and3A_682 {add = true} : memref<16x2048xf32, #tpu.memory_space<vmem>>[vector<16xi32>, vector<16xi32>], vector<16xf32>, vector<16xi1>
    %get3A_688 = arith.constant 16 : index
    %get3A_689 = tpu.vector_load %arg9[%get3A_688] {strides = array<i32>} : memref<32xi32, #tpu.memory_space<vmem>>, vector<16xi32>,
    %get3A_690 = arith.constant 16 : index
    %get3A_691 = tpu.vector_load %arg10[%get3A_690] {strides = array<i32>} : memref<32xi32, #tpu.memory_space<vmem>>, vector<16xi32>,
    %get3A_692 = arith.constant 2 : i32
    %get3A_693 = arith.index_cast %get3A_692 : i32 to index
    %get3A_694 = arith.constant 16 : index
    %get3A_695 = tpu.vector_load %arg11[%get3A_693, %get3A_694] {strides = array<i32>} : memref<8x32xf32, #tpu.memory_space<vmem>>, vector<16xf32>,
    %ge3A_696 = vector.broadcast %add3A_667 : i32 to vector<16xi32>
    %ge3A_697 = arith.cmpi sge, %get3A_689, %ge3A_696 : vector<16xi32>
    %add3A_698 = arith.constant 16 : i32
    %add3A_699 = arith.addi %add3A_667, %add3A_698 : i32
    %lt3A_700 = vector.broadcast %add3A_699 : i32 to vector<16xi32>
    %lt3A_701 = arith.cmpi slt, %get3A_689, %lt3A_700 : vector<16xi32>
    %and3A_702 = arith.andi %ge3A_697, %lt3A_701 : vector<16xi1>
    %sub3A_703 = vector.broadcast %add3A_667 : i32 to vector<16xi32>
    %sub3A_704 = arith.subi %get3A_689, %sub3A_703 : vector<16xi32>
    %jit3A_705 = arith.constant 0 : i32
    %broadcast_in_dim3A_706 = vector.broadcast %jit3A_705 : i32 to vector<16xi32>
    %select_n3A_707 = arith.select %and3A_702, %sub3A_704, %broadcast_in_dim3A_706 : vector<16xi1>, vector<16xi32>
    tpu.vector_store_idx %arg8[%select_n3A_707, %get3A_691], %get3A_695 masked %and3A_702 {add = true} : memref<16x2048xf32, #tpu.memory_space<vmem>>[vector<16xi32>, vector<16xi32>], vector<16xf32>, vector<16xi1>
    %dma_start3A_708 = arith.constant 2 : i32
    %dma_start3A_709 = arith.constant 0 : i32
    %dma_start3A_710 = tpu.memref_slice %arg6[%dma_start3A_708, %add3A_667, %dma_start3A_709] : memref<8x2048x2048xf32, #tpu.memory_space<hbm>> -> memref<1x16x2048xf32, #tpu.memory_space<hbm>>
    %dma_start3A_711 = tpu.memref_squeeze %dma_start3A_710 : memref<1x16x2048xf32, #tpu.memory_space<hbm>> -> memref<16x2048xf32, #tpu.memory_space<hbm>>
    %dma_start3A_712 = arith.constant 0 : i32
    %dma_start3A_713 = tpu.memref_slice %arg6[%dma_start3A_708, %add3A_667, %dma_start3A_712] : memref<8x2048x2048xf32, #tpu.memory_space<hbm>> -> memref<1x16x2048xf32, #tpu.memory_space<hbm>>
    %dma_start3A_714 = tpu.memref_squeeze %dma_start3A_713 : memref<1x16x2048xf32, #tpu.memory_space<hbm>> -> memref<16x2048xf32, #tpu.memory_space<hbm>>
    tpu.enqueue_dma source(%arg8 : memref<16x2048xf32, #tpu.memory_space<vmem>>) target(%dma_start3A_714 : memref<16x2048xf32, #tpu.memory_space<hbm>>) target_semaphore(%arg15 : memref<!tpu.dma_semaphore, #tpu.memory_space<semaphore_mem>>)
    %dma_wait3A_715 = arith.constant 2 : i32
    %dma_wait3A_716 = arith.constant 0 : i32
    %dma_wait3A_717 = tpu.memref_slice %arg6[%dma_wait3A_715, %add3A_667, %dma_wait3A_716] : memref<8x2048x2048xf32, #tpu.memory_space<hbm>> -> memref<1x16x2048xf32, #tpu.memory_space<hbm>>
    %dma_wait3A_718 = tpu.memref_squeeze %dma_wait3A_717 : memref<1x16x2048xf32, #tpu.memory_space<hbm>> -> memref<16x2048xf32, #tpu.memory_space<hbm>>
    %dma_wait3A_719 = arith.constant 0 : i32
    %dma_wait3A_720 = tpu.memref_slice %arg6[%dma_wait3A_715, %add3A_667, %dma_wait3A_719] : memref<8x2048x2048xf32, #tpu.memory_space<hbm>> -> memref<1x16x2048xf32, #tpu.memory_space<hbm>>
    %dma_wait3A_721 = tpu.memref_squeeze %dma_wait3A_720 : memref<1x16x2048xf32, #tpu.memory_space<hbm>> -> memref<16x2048xf32, #tpu.memory_space<hbm>>
    tpu.wait_dma2 semaphore(%arg15 : memref<!tpu.dma_semaphore, #tpu.memory_space<semaphore_mem>>) src(%arg8 : memref<16x2048xf32, #tpu.memory_space<vmem>>) dst(%dma_wait3A_721 : memref<16x2048xf32, #tpu.memory_space<hbm>>)
    %add3A_722 = arith.constant 48 : i32
    %add3A_723 = arith.addi %mul3A_2, %add3A_722 : i32
    %dma_start3A_724 = arith.constant 2 : i32
    %dma_start3A_725 = arith.constant 0 : i32
    %dma_start3A_726 = tpu.memref_slice %arg2[%dma_start3A_724, %add3A_723, %dma_start3A_725] : memref<8x2048x2048xf32, #tpu.memory_space<hbm>> -> memref<1x16x2048xf32, #tpu.memory_space<hbm>>
    %dma_start3A_727 = tpu.memref_squeeze %dma_start3A_726 : memref<1x16x2048xf32, #tpu.memory_space<hbm>> -> memref<16x2048xf32, #tpu.memory_space<hbm>>
    %dma_start3A_728 = arith.constant 0 : i32
    %dma_start3A_729 = tpu.memref_slice %arg2[%dma_start3A_724, %add3A_723, %dma_start3A_728] : memref<8x2048x2048xf32, #tpu.memory_space<hbm>> -> memref<1x16x2048xf32, #tpu.memory_space<hbm>>
    %dma_start3A_730 = tpu.memref_squeeze %dma_start3A_729 : memref<1x16x2048xf32, #tpu.memory_space<hbm>> -> memref<16x2048xf32, #tpu.memory_space<hbm>>
    tpu.enqueue_dma source(%dma_start3A_730 : memref<16x2048xf32, #tpu.memory_space<hbm>>) target(%arg8 : memref<16x2048xf32, #tpu.memory_space<vmem>>) target_semaphore(%arg13 : memref<!tpu.dma_semaphore, #tpu.memory_space<semaphore_mem>>)
    %dma_wait3A_731 = arith.constant 2 : i32
    %dma_wait3A_732 = arith.constant 0 : i32
    %dma_wait3A_733 = tpu.memref_slice %arg2[%dma_wait3A_731, %add3A_651, %dma_wait3A_732] : memref<8x2048x2048xf32, #tpu.memory_space<hbm>> -> memref<1x16x2048xf32, #tpu.memory_space<hbm>>
    %dma_wait3A_734 = tpu.memref_squeeze %dma_wait3A_733 : memref<1x16x2048xf32, #tpu.memory_space<hbm>> -> memref<16x2048xf32, #tpu.memory_space<hbm>>
    %dma_wait3A_735 = arith.constant 0 : i32
    %dma_wait3A_736 = tpu.memref_slice %arg2[%dma_wait3A_731, %add3A_651, %dma_wait3A_735] : memref<8x2048x2048xf32, #tpu.memory_space<hbm>> -> memref<1x16x2048xf32, #tpu.memory_space<hbm>>
    %dma_wait3A_737 = tpu.memref_squeeze %dma_wait3A_736 : memref<1x16x2048xf32, #tpu.memory_space<hbm>> -> memref<16x2048xf32, #tpu.memory_space<hbm>>
    tpu.wait_dma2 semaphore(%arg12 : memref<!tpu.dma_semaphore, #tpu.memory_space<semaphore_mem>>) src(%dma_wait3A_737 : memref<16x2048xf32, #tpu.memory_space<hbm>>) dst(%arg7 : memref<16x2048xf32, #tpu.memory_space<vmem>>)
    %add3A_738 = arith.constant 32 : i32
    %add3A_739 = arith.addi %mul3A_2, %add3A_738 : i32
    %get3A_740 = arith.constant 0 : index
    %get3A_741 = tpu.vector_load %arg9[%get3A_740] {strides = array<i32>} : memref<32xi32, #tpu.memory_space<vmem>>, vector<16xi32>,
    %get3A_742 = arith.constant 0 : index
    %get3A_743 = tpu.vector_load %arg10[%get3A_742] {strides = array<i32>} : memref<32xi32, #tpu.memory_space<vmem>>, vector<16xi32>,
    %get3A_744 = arith.constant 2 : i32
    %get3A_745 = arith.index_cast %get3A_744 : i32 to index
    %get3A_746 = arith.constant 0 : index
    %get3A_747 = tpu.vector_load %arg11[%get3A_745, %get3A_746] {strides = array<i32>} : memref<8x32xf32, #tpu.memory_space<vmem>>, vector<16xf32>,
    %ge3A_748 = vector.broadcast %add3A_739 : i32 to vector<16xi32>
    %ge3A_749 = arith.cmpi sge, %get3A_741, %ge3A_748 : vector<16xi32>
    %add3A_750 = arith.constant 16 : i32
    %add3A_751 = arith.addi %add3A_739, %add3A_750 : i32
    %lt3A_752 = vector.broadcast %add3A_751 : i32 to vector<16xi32>
    %lt3A_753 = arith.cmpi slt, %get3A_741, %lt3A_752 : vector<16xi32>
    %and3A_754 = arith.andi %ge3A_749, %lt3A_753 : vector<16xi1>
    %sub3A_755 = vector.broadcast %add3A_739 : i32 to vector<16xi32>
    %sub3A_756 = arith.subi %get3A_741, %sub3A_755 : vector<16xi32>
    %jit3A_757 = arith.constant 0 : i32
    %broadcast_in_dim3A_758 = vector.broadcast %jit3A_757 : i32 to vector<16xi32>
    %select_n3A_759 = arith.select %and3A_754, %sub3A_756, %broadcast_in_dim3A_758 : vector<16xi1>, vector<16xi32>
    tpu.vector_store_idx %arg7[%select_n3A_759, %get3A_743], %get3A_747 masked %and3A_754 {add = true} : memref<16x2048xf32, #tpu.memory_space<vmem>>[vector<16xi32>, vector<16xi32>], vector<16xf32>, vector<16xi1>
    %get3A_760 = arith.constant 16 : index
    %get3A_761 = tpu.vector_load %arg9[%get3A_760] {strides = array<i32>} : memref<32xi32, #tpu.memory_space<vmem>>, vector<16xi32>,
    %get3A_762 = arith.constant 16 : index
    %get3A_763 = tpu.vector_load %arg10[%get3A_762] {strides = array<i32>} : memref<32xi32, #tpu.memory_space<vmem>>, vector<16xi32>,
    %get3A_764 = arith.constant 2 : i32
    %get3A_765 = arith.index_cast %get3A_764 : i32 to index
    %get3A_766 = arith.constant 16 : index
    %get3A_767 = tpu.vector_load %arg11[%get3A_765, %get3A_766] {strides = array<i32>} : memref<8x32xf32, #tpu.memory_space<vmem>>, vector<16xf32>,
    %ge3A_768 = vector.broadcast %add3A_739 : i32 to vector<16xi32>
    %ge3A_769 = arith.cmpi sge, %get3A_761, %ge3A_768 : vector<16xi32>
    %add3A_770 = arith.constant 16 : i32
    %add3A_771 = arith.addi %add3A_739, %add3A_770 : i32
    %lt3A_772 = vector.broadcast %add3A_771 : i32 to vector<16xi32>
    %lt3A_773 = arith.cmpi slt, %get3A_761, %lt3A_772 : vector<16xi32>
    %and3A_774 = arith.andi %ge3A_769, %lt3A_773 : vector<16xi1>
    %sub3A_775 = vector.broadcast %add3A_739 : i32 to vector<16xi32>
    %sub3A_776 = arith.subi %get3A_761, %sub3A_775 : vector<16xi32>
    %jit3A_777 = arith.constant 0 : i32
    %broadcast_in_dim3A_778 = vector.broadcast %jit3A_777 : i32 to vector<16xi32>
    %select_n3A_779 = arith.select %and3A_774, %sub3A_776, %broadcast_in_dim3A_778 : vector<16xi1>, vector<16xi32>
    tpu.vector_store_idx %arg7[%select_n3A_779, %get3A_763], %get3A_767 masked %and3A_774 {add = true} : memref<16x2048xf32, #tpu.memory_space<vmem>>[vector<16xi32>, vector<16xi32>], vector<16xf32>, vector<16xi1>
    %dma_start3A_780 = arith.constant 2 : i32
    %dma_start3A_781 = arith.constant 0 : i32
    %dma_start3A_782 = tpu.memref_slice %arg6[%dma_start3A_780, %add3A_739, %dma_start3A_781] : memref<8x2048x2048xf32, #tpu.memory_space<hbm>> -> memref<1x16x2048xf32, #tpu.memory_space<hbm>>
    %dma_start3A_783 = tpu.memref_squeeze %dma_start3A_782 : memref<1x16x2048xf32, #tpu.memory_space<hbm>> -> memref<16x2048xf32, #tpu.memory_space<hbm>>
    %dma_start3A_784 = arith.constant 0 : i32
    %dma_start3A_785 = tpu.memref_slice %arg6[%dma_start3A_780, %add3A_739, %dma_start3A_784] : memref<8x2048x2048xf32, #tpu.memory_space<hbm>> -> memref<1x16x2048xf32, #tpu.memory_space<hbm>>
    %dma_start3A_786 = tpu.memref_squeeze %dma_start3A_785 : memref<1x16x2048xf32, #tpu.memory_space<hbm>> -> memref<16x2048xf32, #tpu.memory_space<hbm>>
    tpu.enqueue_dma source(%arg7 : memref<16x2048xf32, #tpu.memory_space<vmem>>) target(%dma_start3A_786 : memref<16x2048xf32, #tpu.memory_space<hbm>>) target_semaphore(%arg14 : memref<!tpu.dma_semaphore, #tpu.memory_space<semaphore_mem>>)
    %dma_wait3A_787 = arith.constant 2 : i32
    %dma_wait3A_788 = arith.constant 0 : i32
    %dma_wait3A_789 = tpu.memref_slice %arg6[%dma_wait3A_787, %add3A_739, %dma_wait3A_788] : memref<8x2048x2048xf32, #tpu.memory_space<hbm>> -> memref<1x16x2048xf32, #tpu.memory_space<hbm>>
    %dma_wait3A_790 = tpu.memref_squeeze %dma_wait3A_789 : memref<1x16x2048xf32, #tpu.memory_space<hbm>> -> memref<16x2048xf32, #tpu.memory_space<hbm>>
    %dma_wait3A_791 = arith.constant 0 : i32
    %dma_wait3A_792 = tpu.memref_slice %arg6[%dma_wait3A_787, %add3A_739, %dma_wait3A_791] : memref<8x2048x2048xf32, #tpu.memory_space<hbm>> -> memref<1x16x2048xf32, #tpu.memory_space<hbm>>
    %dma_wait3A_793 = tpu.memref_squeeze %dma_wait3A_792 : memref<1x16x2048xf32, #tpu.memory_space<hbm>> -> memref<16x2048xf32, #tpu.memory_space<hbm>>
    tpu.wait_dma2 semaphore(%arg14 : memref<!tpu.dma_semaphore, #tpu.memory_space<semaphore_mem>>) src(%arg7 : memref<16x2048xf32, #tpu.memory_space<vmem>>) dst(%dma_wait3A_793 : memref<16x2048xf32, #tpu.memory_space<hbm>>)
    %add3A_794 = arith.constant 0 : i32
    %add3A_795 = arith.addi %mul3A_2, %add3A_794 : i32
    %dma_start3A_796 = arith.constant 3 : i32
    %dma_start3A_797 = arith.constant 0 : i32
    %dma_start3A_798 = tpu.memref_slice %arg2[%dma_start3A_796, %add3A_795, %dma_start3A_797] : memref<8x2048x2048xf32, #tpu.memory_space<hbm>> -> memref<1x16x2048xf32, #tpu.memory_space<hbm>>
    %dma_start3A_799 = tpu.memref_squeeze %dma_start3A_798 : memref<1x16x2048xf32, #tpu.memory_space<hbm>> -> memref<16x2048xf32, #tpu.memory_space<hbm>>
    %dma_start3A_800 = arith.constant 0 : i32
    %dma_start3A_801 = tpu.memref_slice %arg2[%dma_start3A_796, %add3A_795, %dma_start3A_800] : memref<8x2048x2048xf32, #tpu.memory_space<hbm>> -> memref<1x16x2048xf32, #tpu.memory_space<hbm>>
    %dma_start3A_802 = tpu.memref_squeeze %dma_start3A_801 : memref<1x16x2048xf32, #tpu.memory_space<hbm>> -> memref<16x2048xf32, #tpu.memory_space<hbm>>
    tpu.enqueue_dma source(%dma_start3A_802 : memref<16x2048xf32, #tpu.memory_space<hbm>>) target(%arg7 : memref<16x2048xf32, #tpu.memory_space<vmem>>) target_semaphore(%arg12 : memref<!tpu.dma_semaphore, #tpu.memory_space<semaphore_mem>>)
    %dma_wait3A_803 = arith.constant 2 : i32
    %dma_wait3A_804 = arith.constant 0 : i32
    %dma_wait3A_805 = tpu.memref_slice %arg2[%dma_wait3A_803, %add3A_723, %dma_wait3A_804] : memref<8x2048x2048xf32, #tpu.memory_space<hbm>> -> memref<1x16x2048xf32, #tpu.memory_space<hbm>>
    %dma_wait3A_806 = tpu.memref_squeeze %dma_wait3A_805 : memref<1x16x2048xf32, #tpu.memory_space<hbm>> -> memref<16x2048xf32, #tpu.memory_space<hbm>>
    %dma_wait3A_807 = arith.constant 0 : i32
    %dma_wait3A_808 = tpu.memref_slice %arg2[%dma_wait3A_803, %add3A_723, %dma_wait3A_807] : memref<8x2048x2048xf32, #tpu.memory_space<hbm>> -> memref<1x16x2048xf32, #tpu.memory_space<hbm>>
    %dma_wait3A_809 = tpu.memref_squeeze %dma_wait3A_808 : memref<1x16x2048xf32, #tpu.memory_space<hbm>> -> memref<16x2048xf32, #tpu.memory_space<hbm>>
    tpu.wait_dma2 semaphore(%arg13 : memref<!tpu.dma_semaphore, #tpu.memory_space<semaphore_mem>>) src(%dma_wait3A_809 : memref<16x2048xf32, #tpu.memory_space<hbm>>) dst(%arg8 : memref<16x2048xf32, #tpu.memory_space<vmem>>)
    %add3A_810 = arith.constant 48 : i32
    %add3A_811 = arith.addi %mul3A_2, %add3A_810 : i32
    %get3A_812 = arith.constant 0 : index
    %get3A_813 = tpu.vector_load %arg9[%get3A_812] {strides = array<i32>} : memref<32xi32, #tpu.memory_space<vmem>>, vector<16xi32>,
    %get3A_814 = arith.constant 0 : index
    %get3A_815 = tpu.vector_load %arg10[%get3A_814] {strides = array<i32>} : memref<32xi32, #tpu.memory_space<vmem>>, vector<16xi32>,
    %get3A_816 = arith.constant 2 : i32
    %get3A_817 = arith.index_cast %get3A_816 : i32 to index
    %get3A_818 = arith.constant 0 : index
    %get3A_819 = tpu.vector_load %arg11[%get3A_817, %get3A_818] {strides = array<i32>} : memref<8x32xf32, #tpu.memory_space<vmem>>, vector<16xf32>,
    %ge3A_820 = vector.broadcast %add3A_811 : i32 to vector<16xi32>
    %ge3A_821 = arith.cmpi sge, %get3A_813, %ge3A_820 : vector<16xi32>
    %add3A_822 = arith.constant 16 : i32
    %add3A_823 = arith.addi %add3A_811, %add3A_822 : i32
    %lt3A_824 = vector.broadcast %add3A_823 : i32 to vector<16xi32>
    %lt3A_825 = arith.cmpi slt, %get3A_813, %lt3A_824 : vector<16xi32>
    %and3A_826 = arith.andi %ge3A_821, %lt3A_825 : vector<16xi1>
    %sub3A_827 = vector.broadcast %add3A_811 : i32 to vector<16xi32>
    %sub3A_828 = arith.subi %get3A_813, %sub3A_827 : vector<16xi32>
    %jit3A_829 = arith.constant 0 : i32
    %broadcast_in_dim3A_830 = vector.broadcast %jit3A_829 : i32 to vector<16xi32>
    %select_n3A_831 = arith.select %and3A_826, %sub3A_828, %broadcast_in_dim3A_830 : vector<16xi1>, vector<16xi32>
    tpu.vector_store_idx %arg8[%select_n3A_831, %get3A_815], %get3A_819 masked %and3A_826 {add = true} : memref<16x2048xf32, #tpu.memory_space<vmem>>[vector<16xi32>, vector<16xi32>], vector<16xf32>, vector<16xi1>
    %get3A_832 = arith.constant 16 : index
    %get3A_833 = tpu.vector_load %arg9[%get3A_832] {strides = array<i32>} : memref<32xi32, #tpu.memory_space<vmem>>, vector<16xi32>,
    %get3A_834 = arith.constant 16 : index
    %get3A_835 = tpu.vector_load %arg10[%get3A_834] {strides = array<i32>} : memref<32xi32, #tpu.memory_space<vmem>>, vector<16xi32>,
    %get3A_836 = arith.constant 2 : i32
    %get3A_837 = arith.index_cast %get3A_836 : i32 to index
    %get3A_838 = arith.constant 16 : index
    %get3A_839 = tpu.vector_load %arg11[%get3A_837, %get3A_838] {strides = array<i32>} : memref<8x32xf32, #tpu.memory_space<vmem>>, vector<16xf32>,
    %ge3A_840 = vector.broadcast %add3A_811 : i32 to vector<16xi32>
    %ge3A_841 = arith.cmpi sge, %get3A_833, %ge3A_840 : vector<16xi32>
    %add3A_842 = arith.constant 16 : i32
    %add3A_843 = arith.addi %add3A_811, %add3A_842 : i32
    %lt3A_844 = vector.broadcast %add3A_843 : i32 to vector<16xi32>
    %lt3A_845 = arith.cmpi slt, %get3A_833, %lt3A_844 : vector<16xi32>
    %and3A_846 = arith.andi %ge3A_841, %lt3A_845 : vector<16xi1>
    %sub3A_847 = vector.broadcast %add3A_811 : i32 to vector<16xi32>
    %sub3A_848 = arith.subi %get3A_833, %sub3A_847 : vector<16xi32>
    %jit3A_849 = arith.constant 0 : i32
    %broadcast_in_dim3A_850 = vector.broadcast %jit3A_849 : i32 to vector<16xi32>
    %select_n3A_851 = arith.select %and3A_846, %sub3A_848, %broadcast_in_dim3A_850 : vector<16xi1>, vector<16xi32>
    tpu.vector_store_idx %arg8[%select_n3A_851, %get3A_835], %get3A_839 masked %and3A_846 {add = true} : memref<16x2048xf32, #tpu.memory_space<vmem>>[vector<16xi32>, vector<16xi32>], vector<16xf32>, vector<16xi1>
    %dma_start3A_852 = arith.constant 2 : i32
    %dma_start3A_853 = arith.constant 0 : i32
    %dma_start3A_854 = tpu.memref_slice %arg6[%dma_start3A_852, %add3A_811, %dma_start3A_853] : memref<8x2048x2048xf32, #tpu.memory_space<hbm>> -> memref<1x16x2048xf32, #tpu.memory_space<hbm>>
    %dma_start3A_855 = tpu.memref_squeeze %dma_start3A_854 : memref<1x16x2048xf32, #tpu.memory_space<hbm>> -> memref<16x2048xf32, #tpu.memory_space<hbm>>
    %dma_start3A_856 = arith.constant 0 : i32
    %dma_start3A_857 = tpu.memref_slice %arg6[%dma_start3A_852, %add3A_811, %dma_start3A_856] : memref<8x2048x2048xf32, #tpu.memory_space<hbm>> -> memref<1x16x2048xf32, #tpu.memory_space<hbm>>
    %dma_start3A_858 = tpu.memref_squeeze %dma_start3A_857 : memref<1x16x2048xf32, #tpu.memory_space<hbm>> -> memref<16x2048xf32, #tpu.memory_space<hbm>>
    tpu.enqueue_dma source(%arg8 : memref<16x2048xf32, #tpu.memory_space<vmem>>) target(%dma_start3A_858 : memref<16x2048xf32, #tpu.memory_space<hbm>>) target_semaphore(%arg15 : memref<!tpu.dma_semaphore, #tpu.memory_space<semaphore_mem>>)
    %dma_wait3A_859 = arith.constant 2 : i32
    %dma_wait3A_860 = arith.constant 0 : i32
    %dma_wait3A_861 = tpu.memref_slice %arg6[%dma_wait3A_859, %add3A_811, %dma_wait3A_860] : memref<8x2048x2048xf32, #tpu.memory_space<hbm>> -> memref<1x16x2048xf32, #tpu.memory_space<hbm>>
    %dma_wait3A_862 = tpu.memref_squeeze %dma_wait3A_861 : memref<1x16x2048xf32, #tpu.memory_space<hbm>> -> memref<16x2048xf32, #tpu.memory_space<hbm>>
    %dma_wait3A_863 = arith.constant 0 : i32
    %dma_wait3A_864 = tpu.memref_slice %arg6[%dma_wait3A_859, %add3A_811, %dma_wait3A_863] : memref<8x2048x2048xf32, #tpu.memory_space<hbm>> -> memref<1x16x2048xf32, #tpu.memory_space<hbm>>
    %dma_wait3A_865 = tpu.memref_squeeze %dma_wait3A_864 : memref<1x16x2048xf32, #tpu.memory_space<hbm>> -> memref<16x2048xf32, #tpu.memory_space<hbm>>
    tpu.wait_dma2 semaphore(%arg15 : memref<!tpu.dma_semaphore, #tpu.memory_space<semaphore_mem>>) src(%arg8 : memref<16x2048xf32, #tpu.memory_space<vmem>>) dst(%dma_wait3A_865 : memref<16x2048xf32, #tpu.memory_space<hbm>>)
    %add3A_866 = arith.constant 16 : i32
    %add3A_867 = arith.addi %mul3A_2, %add3A_866 : i32
    %dma_start3A_868 = arith.constant 3 : i32
    %dma_start3A_869 = arith.constant 0 : i32
    %dma_start3A_870 = tpu.memref_slice %arg2[%dma_start3A_868, %add3A_867, %dma_start3A_869] : memref<8x2048x2048xf32, #tpu.memory_space<hbm>> -> memref<1x16x2048xf32, #tpu.memory_space<hbm>>
    %dma_start3A_871 = tpu.memref_squeeze %dma_start3A_870 : memref<1x16x2048xf32, #tpu.memory_space<hbm>> -> memref<16x2048xf32, #tpu.memory_space<hbm>>
    %dma_start3A_872 = arith.constant 0 : i32
    %dma_start3A_873 = tpu.memref_slice %arg2[%dma_start3A_868, %add3A_867, %dma_start3A_872] : memref<8x2048x2048xf32, #tpu.memory_space<hbm>> -> memref<1x16x2048xf32, #tpu.memory_space<hbm>>
    %dma_start3A_874 = tpu.memref_squeeze %dma_start3A_873 : memref<1x16x2048xf32, #tpu.memory_space<hbm>> -> memref<16x2048xf32, #tpu.memory_space<hbm>>
    tpu.enqueue_dma source(%dma_start3A_874 : memref<16x2048xf32, #tpu.memory_space<hbm>>) target(%arg8 : memref<16x2048xf32, #tpu.memory_space<vmem>>) target_semaphore(%arg13 : memref<!tpu.dma_semaphore, #tpu.memory_space<semaphore_mem>>)
    %dma_wait3A_875 = arith.constant 3 : i32
    %dma_wait3A_876 = arith.constant 0 : i32
    %dma_wait3A_877 = tpu.memref_slice %arg2[%dma_wait3A_875, %add3A_795, %dma_wait3A_876] : memref<8x2048x2048xf32, #tpu.memory_space<hbm>> -> memref<1x16x2048xf32, #tpu.memory_space<hbm>>
    %dma_wait3A_878 = tpu.memref_squeeze %dma_wait3A_877 : memref<1x16x2048xf32, #tpu.memory_space<hbm>> -> memref<16x2048xf32, #tpu.memory_space<hbm>>
    %dma_wait3A_879 = arith.constant 0 : i32
    %dma_wait3A_880 = tpu.memref_slice %arg2[%dma_wait3A_875, %add3A_795, %dma_wait3A_879] : memref<8x2048x2048xf32, #tpu.memory_space<hbm>> -> memref<1x16x2048xf32, #tpu.memory_space<hbm>>
    %dma_wait3A_881 = tpu.memref_squeeze %dma_wait3A_880 : memref<1x16x2048xf32, #tpu.memory_space<hbm>> -> memref<16x2048xf32, #tpu.memory_space<hbm>>
    tpu.wait_dma2 semaphore(%arg12 : memref<!tpu.dma_semaphore, #tpu.memory_space<semaphore_mem>>) src(%dma_wait3A_881 : memref<16x2048xf32, #tpu.memory_space<hbm>>) dst(%arg7 : memref<16x2048xf32, #tpu.memory_space<vmem>>)
    %add3A_882 = arith.constant 0 : i32
    %add3A_883 = arith.addi %mul3A_2, %add3A_882 : i32
    %get3A_884 = arith.constant 0 : index
    %get3A_885 = tpu.vector_load %arg9[%get3A_884] {strides = array<i32>} : memref<32xi32, #tpu.memory_space<vmem>>, vector<16xi32>,
    %get3A_886 = arith.constant 0 : index
    %get3A_887 = tpu.vector_load %arg10[%get3A_886] {strides = array<i32>} : memref<32xi32, #tpu.memory_space<vmem>>, vector<16xi32>,
    %get3A_888 = arith.constant 3 : i32
    %get3A_889 = arith.index_cast %get3A_888 : i32 to index
    %get3A_890 = arith.constant 0 : index
    %get3A_891 = tpu.vector_load %arg11[%get3A_889, %get3A_890] {strides = array<i32>} : memref<8x32xf32, #tpu.memory_space<vmem>>, vector<16xf32>,
    %ge3A_892 = vector.broadcast %add3A_883 : i32 to vector<16xi32>
    %ge3A_893 = arith.cmpi sge, %get3A_885, %ge3A_892 : vector<16xi32>
    %add3A_894 = arith.constant 16 : i32
    %add3A_895 = arith.addi %add3A_883, %add3A_894 : i32
    %lt3A_896 = vector.broadcast %add3A_895 : i32 to vector<16xi32>
    %lt3A_897 = arith.cmpi slt, %get3A_885, %lt3A_896 : vector<16xi32>
    %and3A_898 = arith.andi %ge3A_893, %lt3A_897 : vector<16xi1>
    %sub3A_899 = vector.broadcast %add3A_883 : i32 to vector<16xi32>
    %sub3A_900 = arith.subi %get3A_885, %sub3A_899 : vector<16xi32>
    %jit3A_901 = arith.constant 0 : i32
    %broadcast_in_dim3A_902 = vector.broadcast %jit3A_901 : i32 to vector<16xi32>
    %select_n3A_903 = arith.select %and3A_898, %sub3A_900, %broadcast_in_dim3A_902 : vector<16xi1>, vector<16xi32>
    tpu.vector_store_idx %arg7[%select_n3A_903, %get3A_887], %get3A_891 masked %and3A_898 {add = true} : memref<16x2048xf32, #tpu.memory_space<vmem>>[vector<16xi32>, vector<16xi32>], vector<16xf32>, vector<16xi1>
    %get3A_904 = arith.constant 16 : index
    %get3A_905 = tpu.vector_load %arg9[%get3A_904] {strides = array<i32>} : memref<32xi32, #tpu.memory_space<vmem>>, vector<16xi32>,
    %get3A_906 = arith.constant 16 : index
    %get3A_907 = tpu.vector_load %arg10[%get3A_906] {strides = array<i32>} : memref<32xi32, #tpu.memory_space<vmem>>, vector<16xi32>,
    %get3A_908 = arith.constant 3 : i32
    %get3A_909 = arith.index_cast %get3A_908 : i32 to index
    %get3A_910 = arith.constant 16 : index
    %get3A_911 = tpu.vector_load %arg11[%get3A_909, %get3A_910] {strides = array<i32>} : memref<8x32xf32, #tpu.memory_space<vmem>>, vector<16xf32>,
    %ge3A_912 = vector.broadcast %add3A_883 : i32 to vector<16xi32>
    %ge3A_913 = arith.cmpi sge, %get3A_905, %ge3A_912 : vector<16xi32>
    %add3A_914 = arith.constant 16 : i32
    %add3A_915 = arith.addi %add3A_883, %add3A_914 : i32
    %lt3A_916 = vector.broadcast %add3A_915 : i32 to vector<16xi32>
    %lt3A_917 = arith.cmpi slt, %get3A_905, %lt3A_916 : vector<16xi32>
    %and3A_918 = arith.andi %ge3A_913, %lt3A_917 : vector<16xi1>
    %sub3A_919 = vector.broadcast %add3A_883 : i32 to vector<16xi32>
    %sub3A_920 = arith.subi %get3A_905, %sub3A_919 : vector<16xi32>
    %jit3A_921 = arith.constant 0 : i32
    %broadcast_in_dim3A_922 = vector.broadcast %jit3A_921 : i32 to vector<16xi32>
    %select_n3A_923 = arith.select %and3A_918, %sub3A_920, %broadcast_in_dim3A_922 : vector<16xi1>, vector<16xi32>
    tpu.vector_store_idx %arg7[%select_n3A_923, %get3A_907], %get3A_911 masked %and3A_918 {add = true} : memref<16x2048xf32, #tpu.memory_space<vmem>>[vector<16xi32>, vector<16xi32>], vector<16xf32>, vector<16xi1>
    %dma_start3A_924 = arith.constant 3 : i32
    %dma_start3A_925 = arith.constant 0 : i32
    %dma_start3A_926 = tpu.memref_slice %arg6[%dma_start3A_924, %add3A_883, %dma_start3A_925] : memref<8x2048x2048xf32, #tpu.memory_space<hbm>> -> memref<1x16x2048xf32, #tpu.memory_space<hbm>>
    %dma_start3A_927 = tpu.memref_squeeze %dma_start3A_926 : memref<1x16x2048xf32, #tpu.memory_space<hbm>> -> memref<16x2048xf32, #tpu.memory_space<hbm>>
    %dma_start3A_928 = arith.constant 0 : i32
    %dma_start3A_929 = tpu.memref_slice %arg6[%dma_start3A_924, %add3A_883, %dma_start3A_928] : memref<8x2048x2048xf32, #tpu.memory_space<hbm>> -> memref<1x16x2048xf32, #tpu.memory_space<hbm>>
    %dma_start3A_930 = tpu.memref_squeeze %dma_start3A_929 : memref<1x16x2048xf32, #tpu.memory_space<hbm>> -> memref<16x2048xf32, #tpu.memory_space<hbm>>
    tpu.enqueue_dma source(%arg7 : memref<16x2048xf32, #tpu.memory_space<vmem>>) target(%dma_start3A_930 : memref<16x2048xf32, #tpu.memory_space<hbm>>) target_semaphore(%arg14 : memref<!tpu.dma_semaphore, #tpu.memory_space<semaphore_mem>>)
    %dma_wait3A_931 = arith.constant 3 : i32
    %dma_wait3A_932 = arith.constant 0 : i32
    %dma_wait3A_933 = tpu.memref_slice %arg6[%dma_wait3A_931, %add3A_883, %dma_wait3A_932] : memref<8x2048x2048xf32, #tpu.memory_space<hbm>> -> memref<1x16x2048xf32, #tpu.memory_space<hbm>>
    %dma_wait3A_934 = tpu.memref_squeeze %dma_wait3A_933 : memref<1x16x2048xf32, #tpu.memory_space<hbm>> -> memref<16x2048xf32, #tpu.memory_space<hbm>>
    %dma_wait3A_935 = arith.constant 0 : i32
    %dma_wait3A_936 = tpu.memref_slice %arg6[%dma_wait3A_931, %add3A_883, %dma_wait3A_935] : memref<8x2048x2048xf32, #tpu.memory_space<hbm>> -> memref<1x16x2048xf32, #tpu.memory_space<hbm>>
    %dma_wait3A_937 = tpu.memref_squeeze %dma_wait3A_936 : memref<1x16x2048xf32, #tpu.memory_space<hbm>> -> memref<16x2048xf32, #tpu.memory_space<hbm>>
    tpu.wait_dma2 semaphore(%arg14 : memref<!tpu.dma_semaphore, #tpu.memory_space<semaphore_mem>>) src(%arg7 : memref<16x2048xf32, #tpu.memory_space<vmem>>) dst(%dma_wait3A_937 : memref<16x2048xf32, #tpu.memory_space<hbm>>)
    %add3A_938 = arith.constant 32 : i32
    %add3A_939 = arith.addi %mul3A_2, %add3A_938 : i32
    %dma_start3A_940 = arith.constant 3 : i32
    %dma_start3A_941 = arith.constant 0 : i32
    %dma_start3A_942 = tpu.memref_slice %arg2[%dma_start3A_940, %add3A_939, %dma_start3A_941] : memref<8x2048x2048xf32, #tpu.memory_space<hbm>> -> memref<1x16x2048xf32, #tpu.memory_space<hbm>>
    %dma_start3A_943 = tpu.memref_squeeze %dma_start3A_942 : memref<1x16x2048xf32, #tpu.memory_space<hbm>> -> memref<16x2048xf32, #tpu.memory_space<hbm>>
    %dma_start3A_944 = arith.constant 0 : i32
    %dma_start3A_945 = tpu.memref_slice %arg2[%dma_start3A_940, %add3A_939, %dma_start3A_944] : memref<8x2048x2048xf32, #tpu.memory_space<hbm>> -> memref<1x16x2048xf32, #tpu.memory_space<hbm>>
    %dma_start3A_946 = tpu.memref_squeeze %dma_start3A_945 : memref<1x16x2048xf32, #tpu.memory_space<hbm>> -> memref<16x2048xf32, #tpu.memory_space<hbm>>
    tpu.enqueue_dma source(%dma_start3A_946 : memref<16x2048xf32, #tpu.memory_space<hbm>>) target(%arg7 : memref<16x2048xf32, #tpu.memory_space<vmem>>) target_semaphore(%arg12 : memref<!tpu.dma_semaphore, #tpu.memory_space<semaphore_mem>>)
    %dma_wait3A_947 = arith.constant 3 : i32
    %dma_wait3A_948 = arith.constant 0 : i32
    %dma_wait3A_949 = tpu.memref_slice %arg2[%dma_wait3A_947, %add3A_867, %dma_wait3A_948] : memref<8x2048x2048xf32, #tpu.memory_space<hbm>> -> memref<1x16x2048xf32, #tpu.memory_space<hbm>>
    %dma_wait3A_950 = tpu.memref_squeeze %dma_wait3A_949 : memref<1x16x2048xf32, #tpu.memory_space<hbm>> -> memref<16x2048xf32, #tpu.memory_space<hbm>>
    %dma_wait3A_951 = arith.constant 0 : i32
    %dma_wait3A_952 = tpu.memref_slice %arg2[%dma_wait3A_947, %add3A_867, %dma_wait3A_951] : memref<8x2048x2048xf32, #tpu.memory_space<hbm>> -> memref<1x16x2048xf32, #tpu.memory_space<hbm>>
    %dma_wait3A_953 = tpu.memref_squeeze %dma_wait3A_952 : memref<1x16x2048xf32, #tpu.memory_space<hbm>> -> memref<16x2048xf32, #tpu.memory_space<hbm>>
    tpu.wait_dma2 semaphore(%arg13 : memref<!tpu.dma_semaphore, #tpu.memory_space<semaphore_mem>>) src(%dma_wait3A_953 : memref<16x2048xf32, #tpu.memory_space<hbm>>) dst(%arg8 : memref<16x2048xf32, #tpu.memory_space<vmem>>)
    %add3A_954 = arith.constant 16 : i32
    %add3A_955 = arith.addi %mul3A_2, %add3A_954 : i32
    %get3A_956 = arith.constant 0 : index
    %get3A_957 = tpu.vector_load %arg9[%get3A_956] {strides = array<i32>} : memref<32xi32, #tpu.memory_space<vmem>>, vector<16xi32>,
    %get3A_958 = arith.constant 0 : index
    %get3A_959 = tpu.vector_load %arg10[%get3A_958] {strides = array<i32>} : memref<32xi32, #tpu.memory_space<vmem>>, vector<16xi32>,
    %get3A_960 = arith.constant 3 : i32
    %get3A_961 = arith.index_cast %get3A_960 : i32 to index
    %get3A_962 = arith.constant 0 : index
    %get3A_963 = tpu.vector_load %arg11[%get3A_961, %get3A_962] {strides = array<i32>} : memref<8x32xf32, #tpu.memory_space<vmem>>, vector<16xf32>,
    %ge3A_964 = vector.broadcast %add3A_955 : i32 to vector<16xi32>
    %ge3A_965 = arith.cmpi sge, %get3A_957, %ge3A_964 : vector<16xi32>
    %add3A_966 = arith.constant 16 : i32
    %add3A_967 = arith.addi %add3A_955, %add3A_966 : i32
    %lt3A_968 = vector.broadcast %add3A_967 : i32 to vector<16xi32>
    %lt3A_969 = arith.cmpi slt, %get3A_957, %lt3A_968 : vector<16xi32>
    %and3A_970 = arith.andi %ge3A_965, %lt3A_969 : vector<16xi1>
    %sub3A_971 = vector.broadcast %add3A_955 : i32 to vector<16xi32>
    %sub3A_972 = arith.subi %get3A_957, %sub3A_971 : vector<16xi32>
    %jit3A_973 = arith.constant 0 : i32
    %broadcast_in_dim3A_974 = vector.broadcast %jit3A_973 : i32 to vector<16xi32>
    %select_n3A_975 = arith.select %and3A_970, %sub3A_972, %broadcast_in_dim3A_974 : vector<16xi1>, vector<16xi32>
    tpu.vector_store_idx %arg8[%select_n3A_975, %get3A_959], %get3A_963 masked %and3A_970 {add = true} : memref<16x2048xf32, #tpu.memory_space<vmem>>[vector<16xi32>, vector<16xi32>], vector<16xf32>, vector<16xi1>
    %get3A_976 = arith.constant 16 : index
    %get3A_977 = tpu.vector_load %arg9[%get3A_976] {strides = array<i32>} : memref<32xi32, #tpu.memory_space<vmem>>, vector<16xi32>,
    %get3A_978 = arith.constant 16 : index
    %get3A_979 = tpu.vector_load %arg10[%get3A_978] {strides = array<i32>} : memref<32xi32, #tpu.memory_space<vmem>>, vector<16xi32>,
    %get3A_980 = arith.constant 3 : i32
    %get3A_981 = arith.index_cast %get3A_980 : i32 to index
    %get3A_982 = arith.constant 16 : index
    %get3A_983 = tpu.vector_load %arg11[%get3A_981, %get3A_982] {strides = array<i32>} : memref<8x32xf32, #tpu.memory_space<vmem>>, vector<16xf32>,
    %ge3A_984 = vector.broadcast %add3A_955 : i32 to vector<16xi32>
    %ge3A_985 = arith.cmpi sge, %get3A_977, %ge3A_984 : vector<16xi32>
    %add3A_986 = arith.constant 16 : i32
    %add3A_987 = arith.addi %add3A_955, %add3A_986 : i32
    %lt3A_988 = vector.broadcast %add3A_987 : i32 to vector<16xi32>
    %lt3A_989 = arith.cmpi slt, %get3A_977, %lt3A_988 : vector<16xi32>
    %and3A_990 = arith.andi %ge3A_985, %lt3A_989 : vector<16xi1>
    %sub3A_991 = vector.broadcast %add3A_955 : i32 to vector<16xi32>
    %sub3A_992 = arith.subi %get3A_977, %sub3A_991 : vector<16xi32>
    %jit3A_993 = arith.constant 0 : i32
    %broadcast_in_dim3A_994 = vector.broadcast %jit3A_993 : i32 to vector<16xi32>
    %select_n3A_995 = arith.select %and3A_990, %sub3A_992, %broadcast_in_dim3A_994 : vector<16xi1>, vector<16xi32>
    tpu.vector_store_idx %arg8[%select_n3A_995, %get3A_979], %get3A_983 masked %and3A_990 {add = true} : memref<16x2048xf32, #tpu.memory_space<vmem>>[vector<16xi32>, vector<16xi32>], vector<16xf32>, vector<16xi1>
    %dma_start3A_996 = arith.constant 3 : i32
    %dma_start3A_997 = arith.constant 0 : i32
    %dma_start3A_998 = tpu.memref_slice %arg6[%dma_start3A_996, %add3A_955, %dma_start3A_997] : memref<8x2048x2048xf32, #tpu.memory_space<hbm>> -> memref<1x16x2048xf32, #tpu.memory_space<hbm>>
    %dma_start3A_999 = tpu.memref_squeeze %dma_start3A_998 : memref<1x16x2048xf32, #tpu.memory_space<hbm>> -> memref<16x2048xf32, #tpu.memory_space<hbm>>
    %dma_start3A_1000 = arith.constant 0 : i32
    %dma_start3A_1001 = tpu.memref_slice %arg6[%dma_start3A_996, %add3A_955, %dma_start3A_1000] : memref<8x2048x2048xf32, #tpu.memory_space<hbm>> -> memref<1x16x2048xf32, #tpu.memory_space<hbm>>
    %dma_start3A_1002 = tpu.memref_squeeze %dma_start3A_1001 : memref<1x16x2048xf32, #tpu.memory_space<hbm>> -> memref<16x2048xf32, #tpu.memory_space<hbm>>
    tpu.enqueue_dma source(%arg8 : memref<16x2048xf32, #tpu.memory_space<vmem>>) target(%dma_start3A_1002 : memref<16x2048xf32, #tpu.memory_space<hbm>>) target_semaphore(%arg15 : memref<!tpu.dma_semaphore, #tpu.memory_space<semaphore_mem>>)
    %dma_wait3A_1003 = arith.constant 3 : i32
    %dma_wait3A_1004 = arith.constant 0 : i32
    %dma_wait3A_1005 = tpu.memref_slice %arg6[%dma_wait3A_1003, %add3A_955, %dma_wait3A_1004] : memref<8x2048x2048xf32, #tpu.memory_space<hbm>> -> memref<1x16x2048xf32, #tpu.memory_space<hbm>>
    %dma_wait3A_1006 = tpu.memref_squeeze %dma_wait3A_1005 : memref<1x16x2048xf32, #tpu.memory_space<hbm>> -> memref<16x2048xf32, #tpu.memory_space<hbm>>
    %dma_wait3A_1007 = arith.constant 0 : i32
    %dma_wait3A_1008 = tpu.memref_slice %arg6[%dma_wait3A_1003, %add3A_955, %dma_wait3A_1007] : memref<8x2048x2048xf32, #tpu.memory_space<hbm>> -> memref<1x16x2048xf32, #tpu.memory_space<hbm>>
    %dma_wait3A_1009 = tpu.memref_squeeze %dma_wait3A_1008 : memref<1x16x2048xf32, #tpu.memory_space<hbm>> -> memref<16x2048xf32, #tpu.memory_space<hbm>>
    tpu.wait_dma2 semaphore(%arg15 : memref<!tpu.dma_semaphore, #tpu.memory_space<semaphore_mem>>) src(%arg8 : memref<16x2048xf32, #tpu.memory_space<vmem>>) dst(%dma_wait3A_1009 : memref<16x2048xf32, #tpu.memory_space<hbm>>)
    %add3A_1010 = arith.constant 48 : i32
    %add3A_1011 = arith.addi %mul3A_2, %add3A_1010 : i32
    %dma_start3A_1012 = arith.constant 3 : i32
    %dma_start3A_1013 = arith.constant 0 : i32
    %dma_start3A_1014 = tpu.memref_slice %arg2[%dma_start3A_1012, %add3A_1011, %dma_start3A_1013] : memref<8x2048x2048xf32, #tpu.memory_space<hbm>> -> memref<1x16x2048xf32, #tpu.memory_space<hbm>>
    %dma_start3A_1015 = tpu.memref_squeeze %dma_start3A_1014 : memref<1x16x2048xf32, #tpu.memory_space<hbm>> -> memref<16x2048xf32, #tpu.memory_space<hbm>>
    %dma_start3A_1016 = arith.constant 0 : i32
    %dma_start3A_1017 = tpu.memref_slice %arg2[%dma_start3A_1012, %add3A_1011, %dma_start3A_1016] : memref<8x2048x2048xf32, #tpu.memory_space<hbm>> -> memref<1x16x2048xf32, #tpu.memory_space<hbm>>
    %dma_start3A_1018 = tpu.memref_squeeze %dma_start3A_1017 : memref<1x16x2048xf32, #tpu.memory_space<hbm>> -> memref<16x2048xf32, #tpu.memory_space<hbm>>
    tpu.enqueue_dma source(%dma_start3A_1018 : memref<16x2048xf32, #tpu.memory_space<hbm>>) target(%arg8 : memref<16x2048xf32, #tpu.memory_space<vmem>>) target_semaphore(%arg13 : memref<!tpu.dma_semaphore, #tpu.memory_space<semaphore_mem>>)
    %dma_wait3A_1019 = arith.constant 3 : i32
    %dma_wait3A_1020 = arith.constant 0 : i32
    %dma_wait3A_1021 = tpu.memref_slice %arg2[%dma_wait3A_1019, %add3A_939, %dma_wait3A_1020] : memref<8x2048x2048xf32, #tpu.memory_space<hbm>> -> memref<1x16x2048xf32, #tpu.memory_space<hbm>>
    %dma_wait3A_1022 = tpu.memref_squeeze %dma_wait3A_1021 : memref<1x16x2048xf32, #tpu.memory_space<hbm>> -> memref<16x2048xf32, #tpu.memory_space<hbm>>
    %dma_wait3A_1023 = arith.constant 0 : i32
    %dma_wait3A_1024 = tpu.memref_slice %arg2[%dma_wait3A_1019, %add3A_939, %dma_wait3A_1023] : memref<8x2048x2048xf32, #tpu.memory_space<hbm>> -> memref<1x16x2048xf32, #tpu.memory_space<hbm>>
    %dma_wait3A_1025 = tpu.memref_squeeze %dma_wait3A_1024 : memref<1x16x2048xf32, #tpu.memory_space<hbm>> -> memref<16x2048xf32, #tpu.memory_space<hbm>>
    tpu.wait_dma2 semaphore(%arg12 : memref<!tpu.dma_semaphore, #tpu.memory_space<semaphore_mem>>) src(%dma_wait3A_1025 : memref<16x2048xf32, #tpu.memory_space<hbm>>) dst(%arg7 : memref<16x2048xf32, #tpu.memory_space<vmem>>)
    %add3A_1026 = arith.constant 32 : i32
    %add3A_1027 = arith.addi %mul3A_2, %add3A_1026 : i32
    %get3A_1028 = arith.constant 0 : index
    %get3A_1029 = tpu.vector_load %arg9[%get3A_1028] {strides = array<i32>} : memref<32xi32, #tpu.memory_space<vmem>>, vector<16xi32>,
    %get3A_1030 = arith.constant 0 : index
    %get3A_1031 = tpu.vector_load %arg10[%get3A_1030] {strides = array<i32>} : memref<32xi32, #tpu.memory_space<vmem>>, vector<16xi32>,
    %get3A_1032 = arith.constant 3 : i32
    %get3A_1033 = arith.index_cast %get3A_1032 : i32 to index
    %get3A_1034 = arith.constant 0 : index
    %get3A_1035 = tpu.vector_load %arg11[%get3A_1033, %get3A_1034] {strides = array<i32>} : memref<8x32xf32, #tpu.memory_space<vmem>>, vector<16xf32>,
    %ge3A_1036 = vector.broadcast %add3A_1027 : i32 to vector<16xi32>
    %ge3A_1037 = arith.cmpi sge, %get3A_1029, %ge3A_1036 : vector<16xi32>
    %add3A_1038 = arith.constant 16 : i32
    %add3A_1039 = arith.addi %add3A_1027, %add3A_1038 : i32
    %lt3A_1040 = vector.broadcast %add3A_1039 : i32 to vector<16xi32>
    %lt3A_1041 = arith.cmpi slt, %get3A_1029, %lt3A_1040 : vector<16xi32>
    %and3A_1042 = arith.andi %ge3A_1037, %lt3A_1041 : vector<16xi1>
    %sub3A_1043 = vector.broadcast %add3A_1027 : i32 to vector<16xi32>
    %sub3A_1044 = arith.subi %get3A_1029, %sub3A_1043 : vector<16xi32>
    %jit3A_1045 = arith.constant 0 : i32
    %broadcast_in_dim3A_1046 = vector.broadcast %jit3A_1045 : i32 to vector<16xi32>
    %select_n3A_1047 = arith.select %and3A_1042, %sub3A_1044, %broadcast_in_dim3A_1046 : vector<16xi1>, vector<16xi32>
    tpu.vector_store_idx %arg7[%select_n3A_1047, %get3A_1031], %get3A_1035 masked %and3A_1042 {add = true} : memref<16x2048xf32, #tpu.memory_space<vmem>>[vector<16xi32>, vector<16xi32>], vector<16xf32>, vector<16xi1>
    %get3A_1048 = arith.constant 16 : index
    %get3A_1049 = tpu.vector_load %arg9[%get3A_1048] {strides = array<i32>} : memref<32xi32, #tpu.memory_space<vmem>>, vector<16xi32>,
    %get3A_1050 = arith.constant 16 : index
    %get3A_1051 = tpu.vector_load %arg10[%get3A_1050] {strides = array<i32>} : memref<32xi32, #tpu.memory_space<vmem>>, vector<16xi32>,
    %get3A_1052 = arith.constant 3 : i32
    %get3A_1053 = arith.index_cast %get3A_1052 : i32 to index
    %get3A_1054 = arith.constant 16 : index
    %get3A_1055 = tpu.vector_load %arg11[%get3A_1053, %get3A_1054] {strides = array<i32>} : memref<8x32xf32, #tpu.memory_space<vmem>>, vector<16xf32>,
    %ge3A_1056 = vector.broadcast %add3A_1027 : i32 to vector<16xi32>
    %ge3A_1057 = arith.cmpi sge, %get3A_1049, %ge3A_1056 : vector<16xi32>
    %add3A_1058 = arith.constant 16 : i32
    %add3A_1059 = arith.addi %add3A_1027, %add3A_1058 : i32
    %lt3A_1060 = vector.broadcast %add3A_1059 : i32 to vector<16xi32>
    %lt3A_1061 = arith.cmpi slt, %get3A_1049, %lt3A_1060 : vector<16xi32>
    %and3A_1062 = arith.andi %ge3A_1057, %lt3A_1061 : vector<16xi1>
    %sub3A_1063 = vector.broadcast %add3A_1027 : i32 to vector<16xi32>
    %sub3A_1064 = arith.subi %get3A_1049, %sub3A_1063 : vector<16xi32>
    %jit3A_1065 = arith.constant 0 : i32
    %broadcast_in_dim3A_1066 = vector.broadcast %jit3A_1065 : i32 to vector<16xi32>
    %select_n3A_1067 = arith.select %and3A_1062, %sub3A_1064, %broadcast_in_dim3A_1066 : vector<16xi1>, vector<16xi32>
    tpu.vector_store_idx %arg7[%select_n3A_1067, %get3A_1051], %get3A_1055 masked %and3A_1062 {add = true} : memref<16x2048xf32, #tpu.memory_space<vmem>>[vector<16xi32>, vector<16xi32>], vector<16xf32>, vector<16xi1>
    %dma_start3A_1068 = arith.constant 3 : i32
    %dma_start3A_1069 = arith.constant 0 : i32
    %dma_start3A_1070 = tpu.memref_slice %arg6[%dma_start3A_1068, %add3A_1027, %dma_start3A_1069] : memref<8x2048x2048xf32, #tpu.memory_space<hbm>> -> memref<1x16x2048xf32, #tpu.memory_space<hbm>>
    %dma_start3A_1071 = tpu.memref_squeeze %dma_start3A_1070 : memref<1x16x2048xf32, #tpu.memory_space<hbm>> -> memref<16x2048xf32, #tpu.memory_space<hbm>>
    %dma_start3A_1072 = arith.constant 0 : i32
    %dma_start3A_1073 = tpu.memref_slice %arg6[%dma_start3A_1068, %add3A_1027, %dma_start3A_1072] : memref<8x2048x2048xf32, #tpu.memory_space<hbm>> -> memref<1x16x2048xf32, #tpu.memory_space<hbm>>
    %dma_start3A_1074 = tpu.memref_squeeze %dma_start3A_1073 : memref<1x16x2048xf32, #tpu.memory_space<hbm>> -> memref<16x2048xf32, #tpu.memory_space<hbm>>
    tpu.enqueue_dma source(%arg7 : memref<16x2048xf32, #tpu.memory_space<vmem>>) target(%dma_start3A_1074 : memref<16x2048xf32, #tpu.memory_space<hbm>>) target_semaphore(%arg14 : memref<!tpu.dma_semaphore, #tpu.memory_space<semaphore_mem>>)
    %dma_wait3A_1075 = arith.constant 3 : i32
    %dma_wait3A_1076 = arith.constant 0 : i32
    %dma_wait3A_1077 = tpu.memref_slice %arg6[%dma_wait3A_1075, %add3A_1027, %dma_wait3A_1076] : memref<8x2048x2048xf32, #tpu.memory_space<hbm>> -> memref<1x16x2048xf32, #tpu.memory_space<hbm>>
    %dma_wait3A_1078 = tpu.memref_squeeze %dma_wait3A_1077 : memref<1x16x2048xf32, #tpu.memory_space<hbm>> -> memref<16x2048xf32, #tpu.memory_space<hbm>>
    %dma_wait3A_1079 = arith.constant 0 : i32
    %dma_wait3A_1080 = tpu.memref_slice %arg6[%dma_wait3A_1075, %add3A_1027, %dma_wait3A_1079] : memref<8x2048x2048xf32, #tpu.memory_space<hbm>> -> memref<1x16x2048xf32, #tpu.memory_space<hbm>>
    %dma_wait3A_1081 = tpu.memref_squeeze %dma_wait3A_1080 : memref<1x16x2048xf32, #tpu.memory_space<hbm>> -> memref<16x2048xf32, #tpu.memory_space<hbm>>
    tpu.wait_dma2 semaphore(%arg14 : memref<!tpu.dma_semaphore, #tpu.memory_space<semaphore_mem>>) src(%arg7 : memref<16x2048xf32, #tpu.memory_space<vmem>>) dst(%dma_wait3A_1081 : memref<16x2048xf32, #tpu.memory_space<hbm>>)
    %add3A_1082 = arith.constant 0 : i32
    %add3A_1083 = arith.addi %mul3A_2, %add3A_1082 : i32
    %dma_start3A_1084 = arith.constant 4 : i32
    %dma_start3A_1085 = arith.constant 0 : i32
    %dma_start3A_1086 = tpu.memref_slice %arg2[%dma_start3A_1084, %add3A_1083, %dma_start3A_1085] : memref<8x2048x2048xf32, #tpu.memory_space<hbm>> -> memref<1x16x2048xf32, #tpu.memory_space<hbm>>
    %dma_start3A_1087 = tpu.memref_squeeze %dma_start3A_1086 : memref<1x16x2048xf32, #tpu.memory_space<hbm>> -> memref<16x2048xf32, #tpu.memory_space<hbm>>
    %dma_start3A_1088 = arith.constant 0 : i32
    %dma_start3A_1089 = tpu.memref_slice %arg2[%dma_start3A_1084, %add3A_1083, %dma_start3A_1088] : memref<8x2048x2048xf32, #tpu.memory_space<hbm>> -> memref<1x16x2048xf32, #tpu.memory_space<hbm>>
    %dma_start3A_1090 = tpu.memref_squeeze %dma_start3A_1089 : memref<1x16x2048xf32, #tpu.memory_space<hbm>> -> memref<16x2048xf32, #tpu.memory_space<hbm>>
    tpu.enqueue_dma source(%dma_start3A_1090 : memref<16x2048xf32, #tpu.memory_space<hbm>>) target(%arg7 : memref<16x2048xf32, #tpu.memory_space<vmem>>) target_semaphore(%arg12 : memref<!tpu.dma_semaphore, #tpu.memory_space<semaphore_mem>>)
    %dma_wait3A_1091 = arith.constant 3 : i32
    %dma_wait3A_1092 = arith.constant 0 : i32
    %dma_wait3A_1093 = tpu.memref_slice %arg2[%dma_wait3A_1091, %add3A_1011, %dma_wait3A_1092] : memref<8x2048x2048xf32, #tpu.memory_space<hbm>> -> memref<1x16x2048xf32, #tpu.memory_space<hbm>>
    %dma_wait3A_1094 = tpu.memref_squeeze %dma_wait3A_1093 : memref<1x16x2048xf32, #tpu.memory_space<hbm>> -> memref<16x2048xf32, #tpu.memory_space<hbm>>
    %dma_wait3A_1095 = arith.constant 0 : i32
    %dma_wait3A_1096 = tpu.memref_slice %arg2[%dma_wait3A_1091, %add3A_1011, %dma_wait3A_1095] : memref<8x2048x2048xf32, #tpu.memory_space<hbm>> -> memref<1x16x2048xf32, #tpu.memory_space<hbm>>
    %dma_wait3A_1097 = tpu.memref_squeeze %dma_wait3A_1096 : memref<1x16x2048xf32, #tpu.memory_space<hbm>> -> memref<16x2048xf32, #tpu.memory_space<hbm>>
    tpu.wait_dma2 semaphore(%arg13 : memref<!tpu.dma_semaphore, #tpu.memory_space<semaphore_mem>>) src(%dma_wait3A_1097 : memref<16x2048xf32, #tpu.memory_space<hbm>>) dst(%arg8 : memref<16x2048xf32, #tpu.memory_space<vmem>>)
    %add3A_1098 = arith.constant 48 : i32
    %add3A_1099 = arith.addi %mul3A_2, %add3A_1098 : i32
    %get3A_1100 = arith.constant 0 : index
    %get3A_1101 = tpu.vector_load %arg9[%get3A_1100] {strides = array<i32>} : memref<32xi32, #tpu.memory_space<vmem>>, vector<16xi32>,
    %get3A_1102 = arith.constant 0 : index
    %get3A_1103 = tpu.vector_load %arg10[%get3A_1102] {strides = array<i32>} : memref<32xi32, #tpu.memory_space<vmem>>, vector<16xi32>,
    %get3A_1104 = arith.constant 3 : i32
    %get3A_1105 = arith.index_cast %get3A_1104 : i32 to index
    %get3A_1106 = arith.constant 0 : index
    %get3A_1107 = tpu.vector_load %arg11[%get3A_1105, %get3A_1106] {strides = array<i32>} : memref<8x32xf32, #tpu.memory_space<vmem>>, vector<16xf32>,
    %ge3A_1108 = vector.broadcast %add3A_1099 : i32 to vector<16xi32>
    %ge3A_1109 = arith.cmpi sge, %get3A_1101, %ge3A_1108 : vector<16xi32>
    %add3A_1110 = arith.constant 16 : i32
    %add3A_1111 = arith.addi %add3A_1099, %add3A_1110 : i32
    %lt3A_1112 = vector.broadcast %add3A_1111 : i32 to vector<16xi32>
    %lt3A_1113 = arith.cmpi slt, %get3A_1101, %lt3A_1112 : vector<16xi32>
    %and3A_1114 = arith.andi %ge3A_1109, %lt3A_1113 : vector<16xi1>
    %sub3A_1115 = vector.broadcast %add3A_1099 : i32 to vector<16xi32>
    %sub3A_1116 = arith.subi %get3A_1101, %sub3A_1115 : vector<16xi32>
    %jit3A_1117 = arith.constant 0 : i32
    %broadcast_in_dim3A_1118 = vector.broadcast %jit3A_1117 : i32 to vector<16xi32>
    %select_n3A_1119 = arith.select %and3A_1114, %sub3A_1116, %broadcast_in_dim3A_1118 : vector<16xi1>, vector<16xi32>
    tpu.vector_store_idx %arg8[%select_n3A_1119, %get3A_1103], %get3A_1107 masked %and3A_1114 {add = true} : memref<16x2048xf32, #tpu.memory_space<vmem>>[vector<16xi32>, vector<16xi32>], vector<16xf32>, vector<16xi1>
    %get3A_1120 = arith.constant 16 : index
    %get3A_1121 = tpu.vector_load %arg9[%get3A_1120] {strides = array<i32>} : memref<32xi32, #tpu.memory_space<vmem>>, vector<16xi32>,
    %get3A_1122 = arith.constant 16 : index
    %get3A_1123 = tpu.vector_load %arg10[%get3A_1122] {strides = array<i32>} : memref<32xi32, #tpu.memory_space<vmem>>, vector<16xi32>,
    %get3A_1124 = arith.constant 3 : i32
    %get3A_1125 = arith.index_cast %get3A_1124 : i32 to index
    %get3A_1126 = arith.constant 16 : index
    %get3A_1127 = tpu.vector_load %arg11[%get3A_1125, %get3A_1126] {strides = array<i32>} : memref<8x32xf32, #tpu.memory_space<vmem>>, vector<16xf32>,
    %ge3A_1128 = vector.broadcast %add3A_1099 : i32 to vector<16xi32>
    %ge3A_1129 = arith.cmpi sge, %get3A_1121, %ge3A_1128 : vector<16xi32>
    %add3A_1130 = arith.constant 16 : i32
    %add3A_1131 = arith.addi %add3A_1099, %add3A_1130 : i32
    %lt3A_1132 = vector.broadcast %add3A_1131 : i32 to vector<16xi32>
    %lt3A_1133 = arith.cmpi slt, %get3A_1121, %lt3A_1132 : vector<16xi32>
    %and3A_1134 = arith.andi %ge3A_1129, %lt3A_1133 : vector<16xi1>
    %sub3A_1135 = vector.broadcast %add3A_1099 : i32 to vector<16xi32>
    %sub3A_1136 = arith.subi %get3A_1121, %sub3A_1135 : vector<16xi32>
    %jit3A_1137 = arith.constant 0 : i32
    %broadcast_in_dim3A_1138 = vector.broadcast %jit3A_1137 : i32 to vector<16xi32>
    %select_n3A_1139 = arith.select %and3A_1134, %sub3A_1136, %broadcast_in_dim3A_1138 : vector<16xi1>, vector<16xi32>
    tpu.vector_store_idx %arg8[%select_n3A_1139, %get3A_1123], %get3A_1127 masked %and3A_1134 {add = true} : memref<16x2048xf32, #tpu.memory_space<vmem>>[vector<16xi32>, vector<16xi32>], vector<16xf32>, vector<16xi1>
    %dma_start3A_1140 = arith.constant 3 : i32
    %dma_start3A_1141 = arith.constant 0 : i32
    %dma_start3A_1142 = tpu.memref_slice %arg6[%dma_start3A_1140, %add3A_1099, %dma_start3A_1141] : memref<8x2048x2048xf32, #tpu.memory_space<hbm>> -> memref<1x16x2048xf32, #tpu.memory_space<hbm>>
    %dma_start3A_1143 = tpu.memref_squeeze %dma_start3A_1142 : memref<1x16x2048xf32, #tpu.memory_space<hbm>> -> memref<16x2048xf32, #tpu.memory_space<hbm>>
    %dma_start3A_1144 = arith.constant 0 : i32
    %dma_start3A_1145 = tpu.memref_slice %arg6[%dma_start3A_1140, %add3A_1099, %dma_start3A_1144] : memref<8x2048x2048xf32, #tpu.memory_space<hbm>> -> memref<1x16x2048xf32, #tpu.memory_space<hbm>>
    %dma_start3A_1146 = tpu.memref_squeeze %dma_start3A_1145 : memref<1x16x2048xf32, #tpu.memory_space<hbm>> -> memref<16x2048xf32, #tpu.memory_space<hbm>>
    tpu.enqueue_dma source(%arg8 : memref<16x2048xf32, #tpu.memory_space<vmem>>) target(%dma_start3A_1146 : memref<16x2048xf32, #tpu.memory_space<hbm>>) target_semaphore(%arg15 : memref<!tpu.dma_semaphore, #tpu.memory_space<semaphore_mem>>)
    %dma_wait3A_1147 = arith.constant 3 : i32
    %dma_wait3A_1148 = arith.constant 0 : i32
    %dma_wait3A_1149 = tpu.memref_slice %arg6[%dma_wait3A_1147, %add3A_1099, %dma_wait3A_1148] : memref<8x2048x2048xf32, #tpu.memory_space<hbm>> -> memref<1x16x2048xf32, #tpu.memory_space<hbm>>
    %dma_wait3A_1150 = tpu.memref_squeeze %dma_wait3A_1149 : memref<1x16x2048xf32, #tpu.memory_space<hbm>> -> memref<16x2048xf32, #tpu.memory_space<hbm>>
    %dma_wait3A_1151 = arith.constant 0 : i32
    %dma_wait3A_1152 = tpu.memref_slice %arg6[%dma_wait3A_1147, %add3A_1099, %dma_wait3A_1151] : memref<8x2048x2048xf32, #tpu.memory_space<hbm>> -> memref<1x16x2048xf32, #tpu.memory_space<hbm>>
    %dma_wait3A_1153 = tpu.memref_squeeze %dma_wait3A_1152 : memref<1x16x2048xf32, #tpu.memory_space<hbm>> -> memref<16x2048xf32, #tpu.memory_space<hbm>>
    tpu.wait_dma2 semaphore(%arg15 : memref<!tpu.dma_semaphore, #tpu.memory_space<semaphore_mem>>) src(%arg8 : memref<16x2048xf32, #tpu.memory_space<vmem>>) dst(%dma_wait3A_1153 : memref<16x2048xf32, #tpu.memory_space<hbm>>)
    %add3A_1154 = arith.constant 16 : i32
    %add3A_1155 = arith.addi %mul3A_2, %add3A_1154 : i32
    %dma_start3A_1156 = arith.constant 4 : i32
    %dma_start3A_1157 = arith.constant 0 : i32
    %dma_start3A_1158 = tpu.memref_slice %arg2[%dma_start3A_1156, %add3A_1155, %dma_start3A_1157] : memref<8x2048x2048xf32, #tpu.memory_space<hbm>> -> memref<1x16x2048xf32, #tpu.memory_space<hbm>>
    %dma_start3A_1159 = tpu.memref_squeeze %dma_start3A_1158 : memref<1x16x2048xf32, #tpu.memory_space<hbm>> -> memref<16x2048xf32, #tpu.memory_space<hbm>>
    %dma_start3A_1160 = arith.constant 0 : i32
    %dma_start3A_1161 = tpu.memref_slice %arg2[%dma_start3A_1156, %add3A_1155, %dma_start3A_1160] : memref<8x2048x2048xf32, #tpu.memory_space<hbm>> -> memref<1x16x2048xf32, #tpu.memory_space<hbm>>
    %dma_start3A_1162 = tpu.memref_squeeze %dma_start3A_1161 : memref<1x16x2048xf32, #tpu.memory_space<hbm>> -> memref<16x2048xf32, #tpu.memory_space<hbm>>
    tpu.enqueue_dma source(%dma_start3A_1162 : memref<16x2048xf32, #tpu.memory_space<hbm>>) target(%arg8 : memref<16x2048xf32, #tpu.memory_space<vmem>>) target_semaphore(%arg13 : memref<!tpu.dma_semaphore, #tpu.memory_space<semaphore_mem>>)
    %dma_wait3A_1163 = arith.constant 4 : i32
    %dma_wait3A_1164 = arith.constant 0 : i32
    %dma_wait3A_1165 = tpu.memref_slice %arg2[%dma_wait3A_1163, %add3A_1083, %dma_wait3A_1164] : memref<8x2048x2048xf32, #tpu.memory_space<hbm>> -> memref<1x16x2048xf32, #tpu.memory_space<hbm>>
    %dma_wait3A_1166 = tpu.memref_squeeze %dma_wait3A_1165 : memref<1x16x2048xf32, #tpu.memory_space<hbm>> -> memref<16x2048xf32, #tpu.memory_space<hbm>>
    %dma_wait3A_1167 = arith.constant 0 : i32
    %dma_wait3A_1168 = tpu.memref_slice %arg2[%dma_wait3A_1163, %add3A_1083, %dma_wait3A_1167] : memref<8x2048x2048xf32, #tpu.memory_space<hbm>> -> memref<1x16x2048xf32, #tpu.memory_space<hbm>>
    %dma_wait3A_1169 = tpu.memref_squeeze %dma_wait3A_1168 : memref<1x16x2048xf32, #tpu.memory_space<hbm>> -> memref<16x2048xf32, #tpu.memory_space<hbm>>
    tpu.wait_dma2 semaphore(%arg12 : memref<!tpu.dma_semaphore, #tpu.memory_space<semaphore_mem>>) src(%dma_wait3A_1169 : memref<16x2048xf32, #tpu.memory_space<hbm>>) dst(%arg7 : memref<16x2048xf32, #tpu.memory_space<vmem>>)
    %add3A_1170 = arith.constant 0 : i32
    %add3A_1171 = arith.addi %mul3A_2, %add3A_1170 : i32
    %get3A_1172 = arith.constant 0 : index
    %get3A_1173 = tpu.vector_load %arg9[%get3A_1172] {strides = array<i32>} : memref<32xi32, #tpu.memory_space<vmem>>, vector<16xi32>,
    %get3A_1174 = arith.constant 0 : index
    %get3A_1175 = tpu.vector_load %arg10[%get3A_1174] {strides = array<i32>} : memref<32xi32, #tpu.memory_space<vmem>>, vector<16xi32>,
    %get3A_1176 = arith.constant 4 : i32
    %get3A_1177 = arith.index_cast %get3A_1176 : i32 to index
    %get3A_1178 = arith.constant 0 : index
    %get3A_1179 = tpu.vector_load %arg11[%get3A_1177, %get3A_1178] {strides = array<i32>} : memref<8x32xf32, #tpu.memory_space<vmem>>, vector<16xf32>,
    %ge3A_1180 = vector.broadcast %add3A_1171 : i32 to vector<16xi32>
    %ge3A_1181 = arith.cmpi sge, %get3A_1173, %ge3A_1180 : vector<16xi32>
    %add3A_1182 = arith.constant 16 : i32
    %add3A_1183 = arith.addi %add3A_1171, %add3A_1182 : i32
    %lt3A_1184 = vector.broadcast %add3A_1183 : i32 to vector<16xi32>
    %lt3A_1185 = arith.cmpi slt, %get3A_1173, %lt3A_1184 : vector<16xi32>
    %and3A_1186 = arith.andi %ge3A_1181, %lt3A_1185 : vector<16xi1>
    %sub3A_1187 = vector.broadcast %add3A_1171 : i32 to vector<16xi32>
    %sub3A_1188 = arith.subi %get3A_1173, %sub3A_1187 : vector<16xi32>
    %jit3A_1189 = arith.constant 0 : i32
    %broadcast_in_dim3A_1190 = vector.broadcast %jit3A_1189 : i32 to vector<16xi32>
    %select_n3A_1191 = arith.select %and3A_1186, %sub3A_1188, %broadcast_in_dim3A_1190 : vector<16xi1>, vector<16xi32>
    tpu.vector_store_idx %arg7[%select_n3A_1191, %get3A_1175], %get3A_1179 masked %and3A_1186 {add = true} : memref<16x2048xf32, #tpu.memory_space<vmem>>[vector<16xi32>, vector<16xi32>], vector<16xf32>, vector<16xi1>
    %get3A_1192 = arith.constant 16 : index
    %get3A_1193 = tpu.vector_load %arg9[%get3A_1192] {strides = array<i32>} : memref<32xi32, #tpu.memory_space<vmem>>, vector<16xi32>,
    %get3A_1194 = arith.constant 16 : index
    %get3A_1195 = tpu.vector_load %arg10[%get3A_1194] {strides = array<i32>} : memref<32xi32, #tpu.memory_space<vmem>>, vector<16xi32>,
    %get3A_1196 = arith.constant 4 : i32
    %get3A_1197 = arith.index_cast %get3A_1196 : i32 to index
    %get3A_1198 = arith.constant 16 : index
    %get3A_1199 = tpu.vector_load %arg11[%get3A_1197, %get3A_1198] {strides = array<i32>} : memref<8x32xf32, #tpu.memory_space<vmem>>, vector<16xf32>,
    %ge3A_1200 = vector.broadcast %add3A_1171 : i32 to vector<16xi32>
    %ge3A_1201 = arith.cmpi sge, %get3A_1193, %ge3A_1200 : vector<16xi32>
    %add3A_1202 = arith.constant 16 : i32
    %add3A_1203 = arith.addi %add3A_1171, %add3A_1202 : i32
    %lt3A_1204 = vector.broadcast %add3A_1203 : i32 to vector<16xi32>
    %lt3A_1205 = arith.cmpi slt, %get3A_1193, %lt3A_1204 : vector<16xi32>
    %and3A_1206 = arith.andi %ge3A_1201, %lt3A_1205 : vector<16xi1>
    %sub3A_1207 = vector.broadcast %add3A_1171 : i32 to vector<16xi32>
    %sub3A_1208 = arith.subi %get3A_1193, %sub3A_1207 : vector<16xi32>
    %jit3A_1209 = arith.constant 0 : i32
    %broadcast_in_dim3A_1210 = vector.broadcast %jit3A_1209 : i32 to vector<16xi32>
    %select_n3A_1211 = arith.select %and3A_1206, %sub3A_1208, %broadcast_in_dim3A_1210 : vector<16xi1>, vector<16xi32>
    tpu.vector_store_idx %arg7[%select_n3A_1211, %get3A_1195], %get3A_1199 masked %and3A_1206 {add = true} : memref<16x2048xf32, #tpu.memory_space<vmem>>[vector<16xi32>, vector<16xi32>], vector<16xf32>, vector<16xi1>
    %dma_start3A_1212 = arith.constant 4 : i32
    %dma_start3A_1213 = arith.constant 0 : i32
    %dma_start3A_1214 = tpu.memref_slice %arg6[%dma_start3A_1212, %add3A_1171, %dma_start3A_1213] : memref<8x2048x2048xf32, #tpu.memory_space<hbm>> -> memref<1x16x2048xf32, #tpu.memory_space<hbm>>
    %dma_start3A_1215 = tpu.memref_squeeze %dma_start3A_1214 : memref<1x16x2048xf32, #tpu.memory_space<hbm>> -> memref<16x2048xf32, #tpu.memory_space<hbm>>
    %dma_start3A_1216 = arith.constant 0 : i32
    %dma_start3A_1217 = tpu.memref_slice %arg6[%dma_start3A_1212, %add3A_1171, %dma_start3A_1216] : memref<8x2048x2048xf32, #tpu.memory_space<hbm>> -> memref<1x16x2048xf32, #tpu.memory_space<hbm>>
    %dma_start3A_1218 = tpu.memref_squeeze %dma_start3A_1217 : memref<1x16x2048xf32, #tpu.memory_space<hbm>> -> memref<16x2048xf32, #tpu.memory_space<hbm>>
    tpu.enqueue_dma source(%arg7 : memref<16x2048xf32, #tpu.memory_space<vmem>>) target(%dma_start3A_1218 : memref<16x2048xf32, #tpu.memory_space<hbm>>) target_semaphore(%arg14 : memref<!tpu.dma_semaphore, #tpu.memory_space<semaphore_mem>>)
    %dma_wait3A_1219 = arith.constant 4 : i32
    %dma_wait3A_1220 = arith.constant 0 : i32
    %dma_wait3A_1221 = tpu.memref_slice %arg6[%dma_wait3A_1219, %add3A_1171, %dma_wait3A_1220] : memref<8x2048x2048xf32, #tpu.memory_space<hbm>> -> memref<1x16x2048xf32, #tpu.memory_space<hbm>>
    %dma_wait3A_1222 = tpu.memref_squeeze %dma_wait3A_1221 : memref<1x16x2048xf32, #tpu.memory_space<hbm>> -> memref<16x2048xf32, #tpu.memory_space<hbm>>
    %dma_wait3A_1223 = arith.constant 0 : i32
    %dma_wait3A_1224 = tpu.memref_slice %arg6[%dma_wait3A_1219, %add3A_1171, %dma_wait3A_1223] : memref<8x2048x2048xf32, #tpu.memory_space<hbm>> -> memref<1x16x2048xf32, #tpu.memory_space<hbm>>
    %dma_wait3A_1225 = tpu.memref_squeeze %dma_wait3A_1224 : memref<1x16x2048xf32, #tpu.memory_space<hbm>> -> memref<16x2048xf32, #tpu.memory_space<hbm>>
    tpu.wait_dma2 semaphore(%arg14 : memref<!tpu.dma_semaphore, #tpu.memory_space<semaphore_mem>>) src(%arg7 : memref<16x2048xf32, #tpu.memory_space<vmem>>) dst(%dma_wait3A_1225 : memref<16x2048xf32, #tpu.memory_space<hbm>>)
    %add3A_1226 = arith.constant 32 : i32
    %add3A_1227 = arith.addi %mul3A_2, %add3A_1226 : i32
    %dma_start3A_1228 = arith.constant 4 : i32
    %dma_start3A_1229 = arith.constant 0 : i32
    %dma_start3A_1230 = tpu.memref_slice %arg2[%dma_start3A_1228, %add3A_1227, %dma_start3A_1229] : memref<8x2048x2048xf32, #tpu.memory_space<hbm>> -> memref<1x16x2048xf32, #tpu.memory_space<hbm>>
    %dma_start3A_1231 = tpu.memref_squeeze %dma_start3A_1230 : memref<1x16x2048xf32, #tpu.memory_space<hbm>> -> memref<16x2048xf32, #tpu.memory_space<hbm>>
    %dma_start3A_1232 = arith.constant 0 : i32
    %dma_start3A_1233 = tpu.memref_slice %arg2[%dma_start3A_1228, %add3A_1227, %dma_start3A_1232] : memref<8x2048x2048xf32, #tpu.memory_space<hbm>> -> memref<1x16x2048xf32, #tpu.memory_space<hbm>>
    %dma_start3A_1234 = tpu.memref_squeeze %dma_start3A_1233 : memref<1x16x2048xf32, #tpu.memory_space<hbm>> -> memref<16x2048xf32, #tpu.memory_space<hbm>>
    tpu.enqueue_dma source(%dma_start3A_1234 : memref<16x2048xf32, #tpu.memory_space<hbm>>) target(%arg7 : memref<16x2048xf32, #tpu.memory_space<vmem>>) target_semaphore(%arg12 : memref<!tpu.dma_semaphore, #tpu.memory_space<semaphore_mem>>)
    %dma_wait3A_1235 = arith.constant 4 : i32
    %dma_wait3A_1236 = arith.constant 0 : i32
    %dma_wait3A_1237 = tpu.memref_slice %arg2[%dma_wait3A_1235, %add3A_1155, %dma_wait3A_1236] : memref<8x2048x2048xf32, #tpu.memory_space<hbm>> -> memref<1x16x2048xf32, #tpu.memory_space<hbm>>
    %dma_wait3A_1238 = tpu.memref_squeeze %dma_wait3A_1237 : memref<1x16x2048xf32, #tpu.memory_space<hbm>> -> memref<16x2048xf32, #tpu.memory_space<hbm>>
    %dma_wait3A_1239 = arith.constant 0 : i32
    %dma_wait3A_1240 = tpu.memref_slice %arg2[%dma_wait3A_1235, %add3A_1155, %dma_wait3A_1239] : memref<8x2048x2048xf32, #tpu.memory_space<hbm>> -> memref<1x16x2048xf32, #tpu.memory_space<hbm>>
    %dma_wait3A_1241 = tpu.memref_squeeze %dma_wait3A_1240 : memref<1x16x2048xf32, #tpu.memory_space<hbm>> -> memref<16x2048xf32, #tpu.memory_space<hbm>>
    tpu.wait_dma2 semaphore(%arg13 : memref<!tpu.dma_semaphore, #tpu.memory_space<semaphore_mem>>) src(%dma_wait3A_1241 : memref<16x2048xf32, #tpu.memory_space<hbm>>) dst(%arg8 : memref<16x2048xf32, #tpu.memory_space<vmem>>)
    %add3A_1242 = arith.constant 16 : i32
    %add3A_1243 = arith.addi %mul3A_2, %add3A_1242 : i32
    %get3A_1244 = arith.constant 0 : index
    %get3A_1245 = tpu.vector_load %arg9[%get3A_1244] {strides = array<i32>} : memref<32xi32, #tpu.memory_space<vmem>>, vector<16xi32>,
    %get3A_1246 = arith.constant 0 : index
    %get3A_1247 = tpu.vector_load %arg10[%get3A_1246] {strides = array<i32>} : memref<32xi32, #tpu.memory_space<vmem>>, vector<16xi32>,
    %get3A_1248 = arith.constant 4 : i32
    %get3A_1249 = arith.index_cast %get3A_1248 : i32 to index
    %get3A_1250 = arith.constant 0 : index
    %get3A_1251 = tpu.vector_load %arg11[%get3A_1249, %get3A_1250] {strides = array<i32>} : memref<8x32xf32, #tpu.memory_space<vmem>>, vector<16xf32>,
    %ge3A_1252 = vector.broadcast %add3A_1243 : i32 to vector<16xi32>
    %ge3A_1253 = arith.cmpi sge, %get3A_1245, %ge3A_1252 : vector<16xi32>
    %add3A_1254 = arith.constant 16 : i32
    %add3A_1255 = arith.addi %add3A_1243, %add3A_1254 : i32
    %lt3A_1256 = vector.broadcast %add3A_1255 : i32 to vector<16xi32>
    %lt3A_1257 = arith.cmpi slt, %get3A_1245, %lt3A_1256 : vector<16xi32>
    %and3A_1258 = arith.andi %ge3A_1253, %lt3A_1257 : vector<16xi1>
    %sub3A_1259 = vector.broadcast %add3A_1243 : i32 to vector<16xi32>
    %sub3A_1260 = arith.subi %get3A_1245, %sub3A_1259 : vector<16xi32>
    %jit3A_1261 = arith.constant 0 : i32
    %broadcast_in_dim3A_1262 = vector.broadcast %jit3A_1261 : i32 to vector<16xi32>
    %select_n3A_1263 = arith.select %and3A_1258, %sub3A_1260, %broadcast_in_dim3A_1262 : vector<16xi1>, vector<16xi32>
    tpu.vector_store_idx %arg8[%select_n3A_1263, %get3A_1247], %get3A_1251 masked %and3A_1258 {add = true} : memref<16x2048xf32, #tpu.memory_space<vmem>>[vector<16xi32>, vector<16xi32>], vector<16xf32>, vector<16xi1>
    %get3A_1264 = arith.constant 16 : index
    %get3A_1265 = tpu.vector_load %arg9[%get3A_1264] {strides = array<i32>} : memref<32xi32, #tpu.memory_space<vmem>>, vector<16xi32>,
    %get3A_1266 = arith.constant 16 : index
    %get3A_1267 = tpu.vector_load %arg10[%get3A_1266] {strides = array<i32>} : memref<32xi32, #tpu.memory_space<vmem>>, vector<16xi32>,
    %get3A_1268 = arith.constant 4 : i32
    %get3A_1269 = arith.index_cast %get3A_1268 : i32 to index
    %get3A_1270 = arith.constant 16 : index
    %get3A_1271 = tpu.vector_load %arg11[%get3A_1269, %get3A_1270] {strides = array<i32>} : memref<8x32xf32, #tpu.memory_space<vmem>>, vector<16xf32>,
    %ge3A_1272 = vector.broadcast %add3A_1243 : i32 to vector<16xi32>
    %ge3A_1273 = arith.cmpi sge, %get3A_1265, %ge3A_1272 : vector<16xi32>
    %add3A_1274 = arith.constant 16 : i32
    %add3A_1275 = arith.addi %add3A_1243, %add3A_1274 : i32
    %lt3A_1276 = vector.broadcast %add3A_1275 : i32 to vector<16xi32>
    %lt3A_1277 = arith.cmpi slt, %get3A_1265, %lt3A_1276 : vector<16xi32>
    %and3A_1278 = arith.andi %ge3A_1273, %lt3A_1277 : vector<16xi1>
    %sub3A_1279 = vector.broadcast %add3A_1243 : i32 to vector<16xi32>
    %sub3A_1280 = arith.subi %get3A_1265, %sub3A_1279 : vector<16xi32>
    %jit3A_1281 = arith.constant 0 : i32
    %broadcast_in_dim3A_1282 = vector.broadcast %jit3A_1281 : i32 to vector<16xi32>
    %select_n3A_1283 = arith.select %and3A_1278, %sub3A_1280, %broadcast_in_dim3A_1282 : vector<16xi1>, vector<16xi32>
    tpu.vector_store_idx %arg8[%select_n3A_1283, %get3A_1267], %get3A_1271 masked %and3A_1278 {add = true} : memref<16x2048xf32, #tpu.memory_space<vmem>>[vector<16xi32>, vector<16xi32>], vector<16xf32>, vector<16xi1>
    %dma_start3A_1284 = arith.constant 4 : i32
    %dma_start3A_1285 = arith.constant 0 : i32
    %dma_start3A_1286 = tpu.memref_slice %arg6[%dma_start3A_1284, %add3A_1243, %dma_start3A_1285] : memref<8x2048x2048xf32, #tpu.memory_space<hbm>> -> memref<1x16x2048xf32, #tpu.memory_space<hbm>>
    %dma_start3A_1287 = tpu.memref_squeeze %dma_start3A_1286 : memref<1x16x2048xf32, #tpu.memory_space<hbm>> -> memref<16x2048xf32, #tpu.memory_space<hbm>>
    %dma_start3A_1288 = arith.constant 0 : i32
    %dma_start3A_1289 = tpu.memref_slice %arg6[%dma_start3A_1284, %add3A_1243, %dma_start3A_1288] : memref<8x2048x2048xf32, #tpu.memory_space<hbm>> -> memref<1x16x2048xf32, #tpu.memory_space<hbm>>
    %dma_start3A_1290 = tpu.memref_squeeze %dma_start3A_1289 : memref<1x16x2048xf32, #tpu.memory_space<hbm>> -> memref<16x2048xf32, #tpu.memory_space<hbm>>
    tpu.enqueue_dma source(%arg8 : memref<16x2048xf32, #tpu.memory_space<vmem>>) target(%dma_start3A_1290 : memref<16x2048xf32, #tpu.memory_space<hbm>>) target_semaphore(%arg15 : memref<!tpu.dma_semaphore, #tpu.memory_space<semaphore_mem>>)
    %dma_wait3A_1291 = arith.constant 4 : i32
    %dma_wait3A_1292 = arith.constant 0 : i32
    %dma_wait3A_1293 = tpu.memref_slice %arg6[%dma_wait3A_1291, %add3A_1243, %dma_wait3A_1292] : memref<8x2048x2048xf32, #tpu.memory_space<hbm>> -> memref<1x16x2048xf32, #tpu.memory_space<hbm>>
    %dma_wait3A_1294 = tpu.memref_squeeze %dma_wait3A_1293 : memref<1x16x2048xf32, #tpu.memory_space<hbm>> -> memref<16x2048xf32, #tpu.memory_space<hbm>>
    %dma_wait3A_1295 = arith.constant 0 : i32
    %dma_wait3A_1296 = tpu.memref_slice %arg6[%dma_wait3A_1291, %add3A_1243, %dma_wait3A_1295] : memref<8x2048x2048xf32, #tpu.memory_space<hbm>> -> memref<1x16x2048xf32, #tpu.memory_space<hbm>>
    %dma_wait3A_1297 = tpu.memref_squeeze %dma_wait3A_1296 : memref<1x16x2048xf32, #tpu.memory_space<hbm>> -> memref<16x2048xf32, #tpu.memory_space<hbm>>
    tpu.wait_dma2 semaphore(%arg15 : memref<!tpu.dma_semaphore, #tpu.memory_space<semaphore_mem>>) src(%arg8 : memref<16x2048xf32, #tpu.memory_space<vmem>>) dst(%dma_wait3A_1297 : memref<16x2048xf32, #tpu.memory_space<hbm>>)
    %add3A_1298 = arith.constant 48 : i32
    %add3A_1299 = arith.addi %mul3A_2, %add3A_1298 : i32
    %dma_start3A_1300 = arith.constant 4 : i32
    %dma_start3A_1301 = arith.constant 0 : i32
    %dma_start3A_1302 = tpu.memref_slice %arg2[%dma_start3A_1300, %add3A_1299, %dma_start3A_1301] : memref<8x2048x2048xf32, #tpu.memory_space<hbm>> -> memref<1x16x2048xf32, #tpu.memory_space<hbm>>
    %dma_start3A_1303 = tpu.memref_squeeze %dma_start3A_1302 : memref<1x16x2048xf32, #tpu.memory_space<hbm>> -> memref<16x2048xf32, #tpu.memory_space<hbm>>
    %dma_start3A_1304 = arith.constant 0 : i32
    %dma_start3A_1305 = tpu.memref_slice %arg2[%dma_start3A_1300, %add3A_1299, %dma_start3A_1304] : memref<8x2048x2048xf32, #tpu.memory_space<hbm>> -> memref<1x16x2048xf32, #tpu.memory_space<hbm>>
    %dma_start3A_1306 = tpu.memref_squeeze %dma_start3A_1305 : memref<1x16x2048xf32, #tpu.memory_space<hbm>> -> memref<16x2048xf32, #tpu.memory_space<hbm>>
    tpu.enqueue_dma source(%dma_start3A_1306 : memref<16x2048xf32, #tpu.memory_space<hbm>>) target(%arg8 : memref<16x2048xf32, #tpu.memory_space<vmem>>) target_semaphore(%arg13 : memref<!tpu.dma_semaphore, #tpu.memory_space<semaphore_mem>>)
    %dma_wait3A_1307 = arith.constant 4 : i32
    %dma_wait3A_1308 = arith.constant 0 : i32
    %dma_wait3A_1309 = tpu.memref_slice %arg2[%dma_wait3A_1307, %add3A_1227, %dma_wait3A_1308] : memref<8x2048x2048xf32, #tpu.memory_space<hbm>> -> memref<1x16x2048xf32, #tpu.memory_space<hbm>>
    %dma_wait3A_1310 = tpu.memref_squeeze %dma_wait3A_1309 : memref<1x16x2048xf32, #tpu.memory_space<hbm>> -> memref<16x2048xf32, #tpu.memory_space<hbm>>
    %dma_wait3A_1311 = arith.constant 0 : i32
    %dma_wait3A_1312 = tpu.memref_slice %arg2[%dma_wait3A_1307, %add3A_1227, %dma_wait3A_1311] : memref<8x2048x2048xf32, #tpu.memory_space<hbm>> -> memref<1x16x2048xf32, #tpu.memory_space<hbm>>
    %dma_wait3A_1313 = tpu.memref_squeeze %dma_wait3A_1312 : memref<1x16x2048xf32, #tpu.memory_space<hbm>> -> memref<16x2048xf32, #tpu.memory_space<hbm>>
    tpu.wait_dma2 semaphore(%arg12 : memref<!tpu.dma_semaphore, #tpu.memory_space<semaphore_mem>>) src(%dma_wait3A_1313 : memref<16x2048xf32, #tpu.memory_space<hbm>>) dst(%arg7 : memref<16x2048xf32, #tpu.memory_space<vmem>>)
    %add3A_1314 = arith.constant 32 : i32
    %add3A_1315 = arith.addi %mul3A_2, %add3A_1314 : i32
    %get3A_1316 = arith.constant 0 : index
    %get3A_1317 = tpu.vector_load %arg9[%get3A_1316] {strides = array<i32>} : memref<32xi32, #tpu.memory_space<vmem>>, vector<16xi32>,
    %get3A_1318 = arith.constant 0 : index
    %get3A_1319 = tpu.vector_load %arg10[%get3A_1318] {strides = array<i32>} : memref<32xi32, #tpu.memory_space<vmem>>, vector<16xi32>,
    %get3A_1320 = arith.constant 4 : i32
    %get3A_1321 = arith.index_cast %get3A_1320 : i32 to index
    %get3A_1322 = arith.constant 0 : index
    %get3A_1323 = tpu.vector_load %arg11[%get3A_1321, %get3A_1322] {strides = array<i32>} : memref<8x32xf32, #tpu.memory_space<vmem>>, vector<16xf32>,
    %ge3A_1324 = vector.broadcast %add3A_1315 : i32 to vector<16xi32>
    %ge3A_1325 = arith.cmpi sge, %get3A_1317, %ge3A_1324 : vector<16xi32>
    %add3A_1326 = arith.constant 16 : i32
    %add3A_1327 = arith.addi %add3A_1315, %add3A_1326 : i32
    %lt3A_1328 = vector.broadcast %add3A_1327 : i32 to vector<16xi32>
    %lt3A_1329 = arith.cmpi slt, %get3A_1317, %lt3A_1328 : vector<16xi32>
    %and3A_1330 = arith.andi %ge3A_1325, %lt3A_1329 : vector<16xi1>
    %sub3A_1331 = vector.broadcast %add3A_1315 : i32 to vector<16xi32>
    %sub3A_1332 = arith.subi %get3A_1317, %sub3A_1331 : vector<16xi32>
    %jit3A_1333 = arith.constant 0 : i32
    %broadcast_in_dim3A_1334 = vector.broadcast %jit3A_1333 : i32 to vector<16xi32>
    %select_n3A_1335 = arith.select %and3A_1330, %sub3A_1332, %broadcast_in_dim3A_1334 : vector<16xi1>, vector<16xi32>
    tpu.vector_store_idx %arg7[%select_n3A_1335, %get3A_1319], %get3A_1323 masked %and3A_1330 {add = true} : memref<16x2048xf32, #tpu.memory_space<vmem>>[vector<16xi32>, vector<16xi32>], vector<16xf32>, vector<16xi1>
    %get3A_1336 = arith.constant 16 : index
    %get3A_1337 = tpu.vector_load %arg9[%get3A_1336] {strides = array<i32>} : memref<32xi32, #tpu.memory_space<vmem>>, vector<16xi32>,
    %get3A_1338 = arith.constant 16 : index
    %get3A_1339 = tpu.vector_load %arg10[%get3A_1338] {strides = array<i32>} : memref<32xi32, #tpu.memory_space<vmem>>, vector<16xi32>,
    %get3A_1340 = arith.constant 4 : i32
    %get3A_1341 = arith.index_cast %get3A_1340 : i32 to index
    %get3A_1342 = arith.constant 16 : index
    %get3A_1343 = tpu.vector_load %arg11[%get3A_1341, %get3A_1342] {strides = array<i32>} : memref<8x32xf32, #tpu.memory_space<vmem>>, vector<16xf32>,
    %ge3A_1344 = vector.broadcast %add3A_1315 : i32 to vector<16xi32>
    %ge3A_1345 = arith.cmpi sge, %get3A_1337, %ge3A_1344 : vector<16xi32>
    %add3A_1346 = arith.constant 16 : i32
    %add3A_1347 = arith.addi %add3A_1315, %add3A_1346 : i32
    %lt3A_1348 = vector.broadcast %add3A_1347 : i32 to vector<16xi32>
    %lt3A_1349 = arith.cmpi slt, %get3A_1337, %lt3A_1348 : vector<16xi32>
    %and3A_1350 = arith.andi %ge3A_1345, %lt3A_1349 : vector<16xi1>
    %sub3A_1351 = vector.broadcast %add3A_1315 : i32 to vector<16xi32>
    %sub3A_1352 = arith.subi %get3A_1337, %sub3A_1351 : vector<16xi32>
    %jit3A_1353 = arith.constant 0 : i32
    %broadcast_in_dim3A_1354 = vector.broadcast %jit3A_1353 : i32 to vector<16xi32>
    %select_n3A_1355 = arith.select %and3A_1350, %sub3A_1352, %broadcast_in_dim3A_1354 : vector<16xi1>, vector<16xi32>
    tpu.vector_store_idx %arg7[%select_n3A_1355, %get3A_1339], %get3A_1343 masked %and3A_1350 {add = true} : memref<16x2048xf32, #tpu.memory_space<vmem>>[vector<16xi32>, vector<16xi32>], vector<16xf32>, vector<16xi1>
    %dma_start3A_1356 = arith.constant 4 : i32
    %dma_start3A_1357 = arith.constant 0 : i32
    %dma_start3A_1358 = tpu.memref_slice %arg6[%dma_start3A_1356, %add3A_1315, %dma_start3A_1357] : memref<8x2048x2048xf32, #tpu.memory_space<hbm>> -> memref<1x16x2048xf32, #tpu.memory_space<hbm>>
    %dma_start3A_1359 = tpu.memref_squeeze %dma_start3A_1358 : memref<1x16x2048xf32, #tpu.memory_space<hbm>> -> memref<16x2048xf32, #tpu.memory_space<hbm>>
    %dma_start3A_1360 = arith.constant 0 : i32
    %dma_start3A_1361 = tpu.memref_slice %arg6[%dma_start3A_1356, %add3A_1315, %dma_start3A_1360] : memref<8x2048x2048xf32, #tpu.memory_space<hbm>> -> memref<1x16x2048xf32, #tpu.memory_space<hbm>>
    %dma_start3A_1362 = tpu.memref_squeeze %dma_start3A_1361 : memref<1x16x2048xf32, #tpu.memory_space<hbm>> -> memref<16x2048xf32, #tpu.memory_space<hbm>>
    tpu.enqueue_dma source(%arg7 : memref<16x2048xf32, #tpu.memory_space<vmem>>) target(%dma_start3A_1362 : memref<16x2048xf32, #tpu.memory_space<hbm>>) target_semaphore(%arg14 : memref<!tpu.dma_semaphore, #tpu.memory_space<semaphore_mem>>)
    %dma_wait3A_1363 = arith.constant 4 : i32
    %dma_wait3A_1364 = arith.constant 0 : i32
    %dma_wait3A_1365 = tpu.memref_slice %arg6[%dma_wait3A_1363, %add3A_1315, %dma_wait3A_1364] : memref<8x2048x2048xf32, #tpu.memory_space<hbm>> -> memref<1x16x2048xf32, #tpu.memory_space<hbm>>
    %dma_wait3A_1366 = tpu.memref_squeeze %dma_wait3A_1365 : memref<1x16x2048xf32, #tpu.memory_space<hbm>> -> memref<16x2048xf32, #tpu.memory_space<hbm>>
    %dma_wait3A_1367 = arith.constant 0 : i32
    %dma_wait3A_1368 = tpu.memref_slice %arg6[%dma_wait3A_1363, %add3A_1315, %dma_wait3A_1367] : memref<8x2048x2048xf32, #tpu.memory_space<hbm>> -> memref<1x16x2048xf32, #tpu.memory_space<hbm>>
    %dma_wait3A_1369 = tpu.memref_squeeze %dma_wait3A_1368 : memref<1x16x2048xf32, #tpu.memory_space<hbm>> -> memref<16x2048xf32, #tpu.memory_space<hbm>>
    tpu.wait_dma2 semaphore(%arg14 : memref<!tpu.dma_semaphore, #tpu.memory_space<semaphore_mem>>) src(%arg7 : memref<16x2048xf32, #tpu.memory_space<vmem>>) dst(%dma_wait3A_1369 : memref<16x2048xf32, #tpu.memory_space<hbm>>)
    %add3A_1370 = arith.constant 0 : i32
    %add3A_1371 = arith.addi %mul3A_2, %add3A_1370 : i32
    %dma_start3A_1372 = arith.constant 5 : i32
    %dma_start3A_1373 = arith.constant 0 : i32
    %dma_start3A_1374 = tpu.memref_slice %arg2[%dma_start3A_1372, %add3A_1371, %dma_start3A_1373] : memref<8x2048x2048xf32, #tpu.memory_space<hbm>> -> memref<1x16x2048xf32, #tpu.memory_space<hbm>>
    %dma_start3A_1375 = tpu.memref_squeeze %dma_start3A_1374 : memref<1x16x2048xf32, #tpu.memory_space<hbm>> -> memref<16x2048xf32, #tpu.memory_space<hbm>>
    %dma_start3A_1376 = arith.constant 0 : i32
    %dma_start3A_1377 = tpu.memref_slice %arg2[%dma_start3A_1372, %add3A_1371, %dma_start3A_1376] : memref<8x2048x2048xf32, #tpu.memory_space<hbm>> -> memref<1x16x2048xf32, #tpu.memory_space<hbm>>
    %dma_start3A_1378 = tpu.memref_squeeze %dma_start3A_1377 : memref<1x16x2048xf32, #tpu.memory_space<hbm>> -> memref<16x2048xf32, #tpu.memory_space<hbm>>
    tpu.enqueue_dma source(%dma_start3A_1378 : memref<16x2048xf32, #tpu.memory_space<hbm>>) target(%arg7 : memref<16x2048xf32, #tpu.memory_space<vmem>>) target_semaphore(%arg12 : memref<!tpu.dma_semaphore, #tpu.memory_space<semaphore_mem>>)
    %dma_wait3A_1379 = arith.constant 4 : i32
    %dma_wait3A_1380 = arith.constant 0 : i32
    %dma_wait3A_1381 = tpu.memref_slice %arg2[%dma_wait3A_1379, %add3A_1299, %dma_wait3A_1380] : memref<8x2048x2048xf32, #tpu.memory_space<hbm>> -> memref<1x16x2048xf32, #tpu.memory_space<hbm>>
    %dma_wait3A_1382 = tpu.memref_squeeze %dma_wait3A_1381 : memref<1x16x2048xf32, #tpu.memory_space<hbm>> -> memref<16x2048xf32, #tpu.memory_space<hbm>>
    %dma_wait3A_1383 = arith.constant 0 : i32
    %dma_wait3A_1384 = tpu.memref_slice %arg2[%dma_wait3A_1379, %add3A_1299, %dma_wait3A_1383] : memref<8x2048x2048xf32, #tpu.memory_space<hbm>> -> memref<1x16x2048xf32, #tpu.memory_space<hbm>>
    %dma_wait3A_1385 = tpu.memref_squeeze %dma_wait3A_1384 : memref<1x16x2048xf32, #tpu.memory_space<hbm>> -> memref<16x2048xf32, #tpu.memory_space<hbm>>
    tpu.wait_dma2 semaphore(%arg13 : memref<!tpu.dma_semaphore, #tpu.memory_space<semaphore_mem>>) src(%dma_wait3A_1385 : memref<16x2048xf32, #tpu.memory_space<hbm>>) dst(%arg8 : memref<16x2048xf32, #tpu.memory_space<vmem>>)
    %add3A_1386 = arith.constant 48 : i32
    %add3A_1387 = arith.addi %mul3A_2, %add3A_1386 : i32
    %get3A_1388 = arith.constant 0 : index
    %get3A_1389 = tpu.vector_load %arg9[%get3A_1388] {strides = array<i32>} : memref<32xi32, #tpu.memory_space<vmem>>, vector<16xi32>,
    %get3A_1390 = arith.constant 0 : index
    %get3A_1391 = tpu.vector_load %arg10[%get3A_1390] {strides = array<i32>} : memref<32xi32, #tpu.memory_space<vmem>>, vector<16xi32>,
    %get3A_1392 = arith.constant 4 : i32
    %get3A_1393 = arith.index_cast %get3A_1392 : i32 to index
    %get3A_1394 = arith.constant 0 : index
    %get3A_1395 = tpu.vector_load %arg11[%get3A_1393, %get3A_1394] {strides = array<i32>} : memref<8x32xf32, #tpu.memory_space<vmem>>, vector<16xf32>,
    %ge3A_1396 = vector.broadcast %add3A_1387 : i32 to vector<16xi32>
    %ge3A_1397 = arith.cmpi sge, %get3A_1389, %ge3A_1396 : vector<16xi32>
    %add3A_1398 = arith.constant 16 : i32
    %add3A_1399 = arith.addi %add3A_1387, %add3A_1398 : i32
    %lt3A_1400 = vector.broadcast %add3A_1399 : i32 to vector<16xi32>
    %lt3A_1401 = arith.cmpi slt, %get3A_1389, %lt3A_1400 : vector<16xi32>
    %and3A_1402 = arith.andi %ge3A_1397, %lt3A_1401 : vector<16xi1>
    %sub3A_1403 = vector.broadcast %add3A_1387 : i32 to vector<16xi32>
    %sub3A_1404 = arith.subi %get3A_1389, %sub3A_1403 : vector<16xi32>
    %jit3A_1405 = arith.constant 0 : i32
    %broadcast_in_dim3A_1406 = vector.broadcast %jit3A_1405 : i32 to vector<16xi32>
    %select_n3A_1407 = arith.select %and3A_1402, %sub3A_1404, %broadcast_in_dim3A_1406 : vector<16xi1>, vector<16xi32>
    tpu.vector_store_idx %arg8[%select_n3A_1407, %get3A_1391], %get3A_1395 masked %and3A_1402 {add = true} : memref<16x2048xf32, #tpu.memory_space<vmem>>[vector<16xi32>, vector<16xi32>], vector<16xf32>, vector<16xi1>
    %get3A_1408 = arith.constant 16 : index
    %get3A_1409 = tpu.vector_load %arg9[%get3A_1408] {strides = array<i32>} : memref<32xi32, #tpu.memory_space<vmem>>, vector<16xi32>,
    %get3A_1410 = arith.constant 16 : index
    %get3A_1411 = tpu.vector_load %arg10[%get3A_1410] {strides = array<i32>} : memref<32xi32, #tpu.memory_space<vmem>>, vector<16xi32>,
    %get3A_1412 = arith.constant 4 : i32
    %get3A_1413 = arith.index_cast %get3A_1412 : i32 to index
    %get3A_1414 = arith.constant 16 : index
    %get3A_1415 = tpu.vector_load %arg11[%get3A_1413, %get3A_1414] {strides = array<i32>} : memref<8x32xf32, #tpu.memory_space<vmem>>, vector<16xf32>,
    %ge3A_1416 = vector.broadcast %add3A_1387 : i32 to vector<16xi32>
    %ge3A_1417 = arith.cmpi sge, %get3A_1409, %ge3A_1416 : vector<16xi32>
    %add3A_1418 = arith.constant 16 : i32
    %add3A_1419 = arith.addi %add3A_1387, %add3A_1418 : i32
    %lt3A_1420 = vector.broadcast %add3A_1419 : i32 to vector<16xi32>
    %lt3A_1421 = arith.cmpi slt, %get3A_1409, %lt3A_1420 : vector<16xi32>
    %and3A_1422 = arith.andi %ge3A_1417, %lt3A_1421 : vector<16xi1>
    %sub3A_1423 = vector.broadcast %add3A_1387 : i32 to vector<16xi32>
    %sub3A_1424 = arith.subi %get3A_1409, %sub3A_1423 : vector<16xi32>
    %jit3A_1425 = arith.constant 0 : i32
    %broadcast_in_dim3A_1426 = vector.broadcast %jit3A_1425 : i32 to vector<16xi32>
    %select_n3A_1427 = arith.select %and3A_1422, %sub3A_1424, %broadcast_in_dim3A_1426 : vector<16xi1>, vector<16xi32>
    tpu.vector_store_idx %arg8[%select_n3A_1427, %get3A_1411], %get3A_1415 masked %and3A_1422 {add = true} : memref<16x2048xf32, #tpu.memory_space<vmem>>[vector<16xi32>, vector<16xi32>], vector<16xf32>, vector<16xi1>
    %dma_start3A_1428 = arith.constant 4 : i32
    %dma_start3A_1429 = arith.constant 0 : i32
    %dma_start3A_1430 = tpu.memref_slice %arg6[%dma_start3A_1428, %add3A_1387, %dma_start3A_1429] : memref<8x2048x2048xf32, #tpu.memory_space<hbm>> -> memref<1x16x2048xf32, #tpu.memory_space<hbm>>
    %dma_start3A_1431 = tpu.memref_squeeze %dma_start3A_1430 : memref<1x16x2048xf32, #tpu.memory_space<hbm>> -> memref<16x2048xf32, #tpu.memory_space<hbm>>
    %dma_start3A_1432 = arith.constant 0 : i32
    %dma_start3A_1433 = tpu.memref_slice %arg6[%dma_start3A_1428, %add3A_1387, %dma_start3A_1432] : memref<8x2048x2048xf32, #tpu.memory_space<hbm>> -> memref<1x16x2048xf32, #tpu.memory_space<hbm>>
    %dma_start3A_1434 = tpu.memref_squeeze %dma_start3A_1433 : memref<1x16x2048xf32, #tpu.memory_space<hbm>> -> memref<16x2048xf32, #tpu.memory_space<hbm>>
    tpu.enqueue_dma source(%arg8 : memref<16x2048xf32, #tpu.memory_space<vmem>>) target(%dma_start3A_1434 : memref<16x2048xf32, #tpu.memory_space<hbm>>) target_semaphore(%arg15 : memref<!tpu.dma_semaphore, #tpu.memory_space<semaphore_mem>>)
    %dma_wait3A_1435 = arith.constant 4 : i32
    %dma_wait3A_1436 = arith.constant 0 : i32
    %dma_wait3A_1437 = tpu.memref_slice %arg6[%dma_wait3A_1435, %add3A_1387, %dma_wait3A_1436] : memref<8x2048x2048xf32, #tpu.memory_space<hbm>> -> memref<1x16x2048xf32, #tpu.memory_space<hbm>>
    %dma_wait3A_1438 = tpu.memref_squeeze %dma_wait3A_1437 : memref<1x16x2048xf32, #tpu.memory_space<hbm>> -> memref<16x2048xf32, #tpu.memory_space<hbm>>
    %dma_wait3A_1439 = arith.constant 0 : i32
    %dma_wait3A_1440 = tpu.memref_slice %arg6[%dma_wait3A_1435, %add3A_1387, %dma_wait3A_1439] : memref<8x2048x2048xf32, #tpu.memory_space<hbm>> -> memref<1x16x2048xf32, #tpu.memory_space<hbm>>
    %dma_wait3A_1441 = tpu.memref_squeeze %dma_wait3A_1440 : memref<1x16x2048xf32, #tpu.memory_space<hbm>> -> memref<16x2048xf32, #tpu.memory_space<hbm>>
    tpu.wait_dma2 semaphore(%arg15 : memref<!tpu.dma_semaphore, #tpu.memory_space<semaphore_mem>>) src(%arg8 : memref<16x2048xf32, #tpu.memory_space<vmem>>) dst(%dma_wait3A_1441 : memref<16x2048xf32, #tpu.memory_space<hbm>>)
    %add3A_1442 = arith.constant 16 : i32
    %add3A_1443 = arith.addi %mul3A_2, %add3A_1442 : i32
    %dma_start3A_1444 = arith.constant 5 : i32
    %dma_start3A_1445 = arith.constant 0 : i32
    %dma_start3A_1446 = tpu.memref_slice %arg2[%dma_start3A_1444, %add3A_1443, %dma_start3A_1445] : memref<8x2048x2048xf32, #tpu.memory_space<hbm>> -> memref<1x16x2048xf32, #tpu.memory_space<hbm>>
    %dma_start3A_1447 = tpu.memref_squeeze %dma_start3A_1446 : memref<1x16x2048xf32, #tpu.memory_space<hbm>> -> memref<16x2048xf32, #tpu.memory_space<hbm>>
    %dma_start3A_1448 = arith.constant 0 : i32
    %dma_start3A_1449 = tpu.memref_slice %arg2[%dma_start3A_1444, %add3A_1443, %dma_start3A_1448] : memref<8x2048x2048xf32, #tpu.memory_space<hbm>> -> memref<1x16x2048xf32, #tpu.memory_space<hbm>>
    %dma_start3A_1450 = tpu.memref_squeeze %dma_start3A_1449 : memref<1x16x2048xf32, #tpu.memory_space<hbm>> -> memref<16x2048xf32, #tpu.memory_space<hbm>>
    tpu.enqueue_dma source(%dma_start3A_1450 : memref<16x2048xf32, #tpu.memory_space<hbm>>) target(%arg8 : memref<16x2048xf32, #tpu.memory_space<vmem>>) target_semaphore(%arg13 : memref<!tpu.dma_semaphore, #tpu.memory_space<semaphore_mem>>)
    %dma_wait3A_1451 = arith.constant 5 : i32
    %dma_wait3A_1452 = arith.constant 0 : i32
    %dma_wait3A_1453 = tpu.memref_slice %arg2[%dma_wait3A_1451, %add3A_1371, %dma_wait3A_1452] : memref<8x2048x2048xf32, #tpu.memory_space<hbm>> -> memref<1x16x2048xf32, #tpu.memory_space<hbm>>
    %dma_wait3A_1454 = tpu.memref_squeeze %dma_wait3A_1453 : memref<1x16x2048xf32, #tpu.memory_space<hbm>> -> memref<16x2048xf32, #tpu.memory_space<hbm>>
    %dma_wait3A_1455 = arith.constant 0 : i32
    %dma_wait3A_1456 = tpu.memref_slice %arg2[%dma_wait3A_1451, %add3A_1371, %dma_wait3A_1455] : memref<8x2048x2048xf32, #tpu.memory_space<hbm>> -> memref<1x16x2048xf32, #tpu.memory_space<hbm>>
    %dma_wait3A_1457 = tpu.memref_squeeze %dma_wait3A_1456 : memref<1x16x2048xf32, #tpu.memory_space<hbm>> -> memref<16x2048xf32, #tpu.memory_space<hbm>>
    tpu.wait_dma2 semaphore(%arg12 : memref<!tpu.dma_semaphore, #tpu.memory_space<semaphore_mem>>) src(%dma_wait3A_1457 : memref<16x2048xf32, #tpu.memory_space<hbm>>) dst(%arg7 : memref<16x2048xf32, #tpu.memory_space<vmem>>)
    %add3A_1458 = arith.constant 0 : i32
    %add3A_1459 = arith.addi %mul3A_2, %add3A_1458 : i32
    %get3A_1460 = arith.constant 0 : index
    %get3A_1461 = tpu.vector_load %arg9[%get3A_1460] {strides = array<i32>} : memref<32xi32, #tpu.memory_space<vmem>>, vector<16xi32>,
    %get3A_1462 = arith.constant 0 : index
    %get3A_1463 = tpu.vector_load %arg10[%get3A_1462] {strides = array<i32>} : memref<32xi32, #tpu.memory_space<vmem>>, vector<16xi32>,
    %get3A_1464 = arith.constant 5 : i32
    %get3A_1465 = arith.index_cast %get3A_1464 : i32 to index
    %get3A_1466 = arith.constant 0 : index
    %get3A_1467 = tpu.vector_load %arg11[%get3A_1465, %get3A_1466] {strides = array<i32>} : memref<8x32xf32, #tpu.memory_space<vmem>>, vector<16xf32>,
    %ge3A_1468 = vector.broadcast %add3A_1459 : i32 to vector<16xi32>
    %ge3A_1469 = arith.cmpi sge, %get3A_1461, %ge3A_1468 : vector<16xi32>
    %add3A_1470 = arith.constant 16 : i32
    %add3A_1471 = arith.addi %add3A_1459, %add3A_1470 : i32
    %lt3A_1472 = vector.broadcast %add3A_1471 : i32 to vector<16xi32>
    %lt3A_1473 = arith.cmpi slt, %get3A_1461, %lt3A_1472 : vector<16xi32>
    %and3A_1474 = arith.andi %ge3A_1469, %lt3A_1473 : vector<16xi1>
    %sub3A_1475 = vector.broadcast %add3A_1459 : i32 to vector<16xi32>
    %sub3A_1476 = arith.subi %get3A_1461, %sub3A_1475 : vector<16xi32>
    %jit3A_1477 = arith.constant 0 : i32
    %broadcast_in_dim3A_1478 = vector.broadcast %jit3A_1477 : i32 to vector<16xi32>
    %select_n3A_1479 = arith.select %and3A_1474, %sub3A_1476, %broadcast_in_dim3A_1478 : vector<16xi1>, vector<16xi32>
    tpu.vector_store_idx %arg7[%select_n3A_1479, %get3A_1463], %get3A_1467 masked %and3A_1474 {add = true} : memref<16x2048xf32, #tpu.memory_space<vmem>>[vector<16xi32>, vector<16xi32>], vector<16xf32>, vector<16xi1>
    %get3A_1480 = arith.constant 16 : index
    %get3A_1481 = tpu.vector_load %arg9[%get3A_1480] {strides = array<i32>} : memref<32xi32, #tpu.memory_space<vmem>>, vector<16xi32>,
    %get3A_1482 = arith.constant 16 : index
    %get3A_1483 = tpu.vector_load %arg10[%get3A_1482] {strides = array<i32>} : memref<32xi32, #tpu.memory_space<vmem>>, vector<16xi32>,
    %get3A_1484 = arith.constant 5 : i32
    %get3A_1485 = arith.index_cast %get3A_1484 : i32 to index
    %get3A_1486 = arith.constant 16 : index
    %get3A_1487 = tpu.vector_load %arg11[%get3A_1485, %get3A_1486] {strides = array<i32>} : memref<8x32xf32, #tpu.memory_space<vmem>>, vector<16xf32>,
    %ge3A_1488 = vector.broadcast %add3A_1459 : i32 to vector<16xi32>
    %ge3A_1489 = arith.cmpi sge, %get3A_1481, %ge3A_1488 : vector<16xi32>
    %add3A_1490 = arith.constant 16 : i32
    %add3A_1491 = arith.addi %add3A_1459, %add3A_1490 : i32
    %lt3A_1492 = vector.broadcast %add3A_1491 : i32 to vector<16xi32>
    %lt3A_1493 = arith.cmpi slt, %get3A_1481, %lt3A_1492 : vector<16xi32>
    %and3A_1494 = arith.andi %ge3A_1489, %lt3A_1493 : vector<16xi1>
    %sub3A_1495 = vector.broadcast %add3A_1459 : i32 to vector<16xi32>
    %sub3A_1496 = arith.subi %get3A_1481, %sub3A_1495 : vector<16xi32>
    %jit3A_1497 = arith.constant 0 : i32
    %broadcast_in_dim3A_1498 = vector.broadcast %jit3A_1497 : i32 to vector<16xi32>
    %select_n3A_1499 = arith.select %and3A_1494, %sub3A_1496, %broadcast_in_dim3A_1498 : vector<16xi1>, vector<16xi32>
    tpu.vector_store_idx %arg7[%select_n3A_1499, %get3A_1483], %get3A_1487 masked %and3A_1494 {add = true} : memref<16x2048xf32, #tpu.memory_space<vmem>>[vector<16xi32>, vector<16xi32>], vector<16xf32>, vector<16xi1>
    %dma_start3A_1500 = arith.constant 5 : i32
    %dma_start3A_1501 = arith.constant 0 : i32
    %dma_start3A_1502 = tpu.memref_slice %arg6[%dma_start3A_1500, %add3A_1459, %dma_start3A_1501] : memref<8x2048x2048xf32, #tpu.memory_space<hbm>> -> memref<1x16x2048xf32, #tpu.memory_space<hbm>>
    %dma_start3A_1503 = tpu.memref_squeeze %dma_start3A_1502 : memref<1x16x2048xf32, #tpu.memory_space<hbm>> -> memref<16x2048xf32, #tpu.memory_space<hbm>>
    %dma_start3A_1504 = arith.constant 0 : i32
    %dma_start3A_1505 = tpu.memref_slice %arg6[%dma_start3A_1500, %add3A_1459, %dma_start3A_1504] : memref<8x2048x2048xf32, #tpu.memory_space<hbm>> -> memref<1x16x2048xf32, #tpu.memory_space<hbm>>
    %dma_start3A_1506 = tpu.memref_squeeze %dma_start3A_1505 : memref<1x16x2048xf32, #tpu.memory_space<hbm>> -> memref<16x2048xf32, #tpu.memory_space<hbm>>
    tpu.enqueue_dma source(%arg7 : memref<16x2048xf32, #tpu.memory_space<vmem>>) target(%dma_start3A_1506 : memref<16x2048xf32, #tpu.memory_space<hbm>>) target_semaphore(%arg14 : memref<!tpu.dma_semaphore, #tpu.memory_space<semaphore_mem>>)
    %dma_wait3A_1507 = arith.constant 5 : i32
    %dma_wait3A_1508 = arith.constant 0 : i32
    %dma_wait3A_1509 = tpu.memref_slice %arg6[%dma_wait3A_1507, %add3A_1459, %dma_wait3A_1508] : memref<8x2048x2048xf32, #tpu.memory_space<hbm>> -> memref<1x16x2048xf32, #tpu.memory_space<hbm>>
    %dma_wait3A_1510 = tpu.memref_squeeze %dma_wait3A_1509 : memref<1x16x2048xf32, #tpu.memory_space<hbm>> -> memref<16x2048xf32, #tpu.memory_space<hbm>>
    %dma_wait3A_1511 = arith.constant 0 : i32
    %dma_wait3A_1512 = tpu.memref_slice %arg6[%dma_wait3A_1507, %add3A_1459, %dma_wait3A_1511] : memref<8x2048x2048xf32, #tpu.memory_space<hbm>> -> memref<1x16x2048xf32, #tpu.memory_space<hbm>>
    %dma_wait3A_1513 = tpu.memref_squeeze %dma_wait3A_1512 : memref<1x16x2048xf32, #tpu.memory_space<hbm>> -> memref<16x2048xf32, #tpu.memory_space<hbm>>
    tpu.wait_dma2 semaphore(%arg14 : memref<!tpu.dma_semaphore, #tpu.memory_space<semaphore_mem>>) src(%arg7 : memref<16x2048xf32, #tpu.memory_space<vmem>>) dst(%dma_wait3A_1513 : memref<16x2048xf32, #tpu.memory_space<hbm>>)
    %add3A_1514 = arith.constant 32 : i32
    %add3A_1515 = arith.addi %mul3A_2, %add3A_1514 : i32
    %dma_start3A_1516 = arith.constant 5 : i32
    %dma_start3A_1517 = arith.constant 0 : i32
    %dma_start3A_1518 = tpu.memref_slice %arg2[%dma_start3A_1516, %add3A_1515, %dma_start3A_1517] : memref<8x2048x2048xf32, #tpu.memory_space<hbm>> -> memref<1x16x2048xf32, #tpu.memory_space<hbm>>
    %dma_start3A_1519 = tpu.memref_squeeze %dma_start3A_1518 : memref<1x16x2048xf32, #tpu.memory_space<hbm>> -> memref<16x2048xf32, #tpu.memory_space<hbm>>
    %dma_start3A_1520 = arith.constant 0 : i32
    %dma_start3A_1521 = tpu.memref_slice %arg2[%dma_start3A_1516, %add3A_1515, %dma_start3A_1520] : memref<8x2048x2048xf32, #tpu.memory_space<hbm>> -> memref<1x16x2048xf32, #tpu.memory_space<hbm>>
    %dma_start3A_1522 = tpu.memref_squeeze %dma_start3A_1521 : memref<1x16x2048xf32, #tpu.memory_space<hbm>> -> memref<16x2048xf32, #tpu.memory_space<hbm>>
    tpu.enqueue_dma source(%dma_start3A_1522 : memref<16x2048xf32, #tpu.memory_space<hbm>>) target(%arg7 : memref<16x2048xf32, #tpu.memory_space<vmem>>) target_semaphore(%arg12 : memref<!tpu.dma_semaphore, #tpu.memory_space<semaphore_mem>>)
    %dma_wait3A_1523 = arith.constant 5 : i32
    %dma_wait3A_1524 = arith.constant 0 : i32
    %dma_wait3A_1525 = tpu.memref_slice %arg2[%dma_wait3A_1523, %add3A_1443, %dma_wait3A_1524] : memref<8x2048x2048xf32, #tpu.memory_space<hbm>> -> memref<1x16x2048xf32, #tpu.memory_space<hbm>>
    %dma_wait3A_1526 = tpu.memref_squeeze %dma_wait3A_1525 : memref<1x16x2048xf32, #tpu.memory_space<hbm>> -> memref<16x2048xf32, #tpu.memory_space<hbm>>
    %dma_wait3A_1527 = arith.constant 0 : i32
    %dma_wait3A_1528 = tpu.memref_slice %arg2[%dma_wait3A_1523, %add3A_1443, %dma_wait3A_1527] : memref<8x2048x2048xf32, #tpu.memory_space<hbm>> -> memref<1x16x2048xf32, #tpu.memory_space<hbm>>
    %dma_wait3A_1529 = tpu.memref_squeeze %dma_wait3A_1528 : memref<1x16x2048xf32, #tpu.memory_space<hbm>> -> memref<16x2048xf32, #tpu.memory_space<hbm>>
    tpu.wait_dma2 semaphore(%arg13 : memref<!tpu.dma_semaphore, #tpu.memory_space<semaphore_mem>>) src(%dma_wait3A_1529 : memref<16x2048xf32, #tpu.memory_space<hbm>>) dst(%arg8 : memref<16x2048xf32, #tpu.memory_space<vmem>>)
    %add3A_1530 = arith.constant 16 : i32
    %add3A_1531 = arith.addi %mul3A_2, %add3A_1530 : i32
    %get3A_1532 = arith.constant 0 : index
    %get3A_1533 = tpu.vector_load %arg9[%get3A_1532] {strides = array<i32>} : memref<32xi32, #tpu.memory_space<vmem>>, vector<16xi32>,
    %get3A_1534 = arith.constant 0 : index
    %get3A_1535 = tpu.vector_load %arg10[%get3A_1534] {strides = array<i32>} : memref<32xi32, #tpu.memory_space<vmem>>, vector<16xi32>,
    %get3A_1536 = arith.constant 5 : i32
    %get3A_1537 = arith.index_cast %get3A_1536 : i32 to index
    %get3A_1538 = arith.constant 0 : index
    %get3A_1539 = tpu.vector_load %arg11[%get3A_1537, %get3A_1538] {strides = array<i32>} : memref<8x32xf32, #tpu.memory_space<vmem>>, vector<16xf32>,
    %ge3A_1540 = vector.broadcast %add3A_1531 : i32 to vector<16xi32>
    %ge3A_1541 = arith.cmpi sge, %get3A_1533, %ge3A_1540 : vector<16xi32>
    %add3A_1542 = arith.constant 16 : i32
    %add3A_1543 = arith.addi %add3A_1531, %add3A_1542 : i32
    %lt3A_1544 = vector.broadcast %add3A_1543 : i32 to vector<16xi32>
    %lt3A_1545 = arith.cmpi slt, %get3A_1533, %lt3A_1544 : vector<16xi32>
    %and3A_1546 = arith.andi %ge3A_1541, %lt3A_1545 : vector<16xi1>
    %sub3A_1547 = vector.broadcast %add3A_1531 : i32 to vector<16xi32>
    %sub3A_1548 = arith.subi %get3A_1533, %sub3A_1547 : vector<16xi32>
    %jit3A_1549 = arith.constant 0 : i32
    %broadcast_in_dim3A_1550 = vector.broadcast %jit3A_1549 : i32 to vector<16xi32>
    %select_n3A_1551 = arith.select %and3A_1546, %sub3A_1548, %broadcast_in_dim3A_1550 : vector<16xi1>, vector<16xi32>
    tpu.vector_store_idx %arg8[%select_n3A_1551, %get3A_1535], %get3A_1539 masked %and3A_1546 {add = true} : memref<16x2048xf32, #tpu.memory_space<vmem>>[vector<16xi32>, vector<16xi32>], vector<16xf32>, vector<16xi1>
    %get3A_1552 = arith.constant 16 : index
    %get3A_1553 = tpu.vector_load %arg9[%get3A_1552] {strides = array<i32>} : memref<32xi32, #tpu.memory_space<vmem>>, vector<16xi32>,
    %get3A_1554 = arith.constant 16 : index
    %get3A_1555 = tpu.vector_load %arg10[%get3A_1554] {strides = array<i32>} : memref<32xi32, #tpu.memory_space<vmem>>, vector<16xi32>,
    %get3A_1556 = arith.constant 5 : i32
    %get3A_1557 = arith.index_cast %get3A_1556 : i32 to index
    %get3A_1558 = arith.constant 16 : index
    %get3A_1559 = tpu.vector_load %arg11[%get3A_1557, %get3A_1558] {strides = array<i32>} : memref<8x32xf32, #tpu.memory_space<vmem>>, vector<16xf32>,
    %ge3A_1560 = vector.broadcast %add3A_1531 : i32 to vector<16xi32>
    %ge3A_1561 = arith.cmpi sge, %get3A_1553, %ge3A_1560 : vector<16xi32>
    %add3A_1562 = arith.constant 16 : i32
    %add3A_1563 = arith.addi %add3A_1531, %add3A_1562 : i32
    %lt3A_1564 = vector.broadcast %add3A_1563 : i32 to vector<16xi32>
    %lt3A_1565 = arith.cmpi slt, %get3A_1553, %lt3A_1564 : vector<16xi32>
    %and3A_1566 = arith.andi %ge3A_1561, %lt3A_1565 : vector<16xi1>
    %sub3A_1567 = vector.broadcast %add3A_1531 : i32 to vector<16xi32>
    %sub3A_1568 = arith.subi %get3A_1553, %sub3A_1567 : vector<16xi32>
    %jit3A_1569 = arith.constant 0 : i32
    %broadcast_in_dim3A_1570 = vector.broadcast %jit3A_1569 : i32 to vector<16xi32>
    %select_n3A_1571 = arith.select %and3A_1566, %sub3A_1568, %broadcast_in_dim3A_1570 : vector<16xi1>, vector<16xi32>
    tpu.vector_store_idx %arg8[%select_n3A_1571, %get3A_1555], %get3A_1559 masked %and3A_1566 {add = true} : memref<16x2048xf32, #tpu.memory_space<vmem>>[vector<16xi32>, vector<16xi32>], vector<16xf32>, vector<16xi1>
    %dma_start3A_1572 = arith.constant 5 : i32
    %dma_start3A_1573 = arith.constant 0 : i32
    %dma_start3A_1574 = tpu.memref_slice %arg6[%dma_start3A_1572, %add3A_1531, %dma_start3A_1573] : memref<8x2048x2048xf32, #tpu.memory_space<hbm>> -> memref<1x16x2048xf32, #tpu.memory_space<hbm>>
    %dma_start3A_1575 = tpu.memref_squeeze %dma_start3A_1574 : memref<1x16x2048xf32, #tpu.memory_space<hbm>> -> memref<16x2048xf32, #tpu.memory_space<hbm>>
    %dma_start3A_1576 = arith.constant 0 : i32
    %dma_start3A_1577 = tpu.memref_slice %arg6[%dma_start3A_1572, %add3A_1531, %dma_start3A_1576] : memref<8x2048x2048xf32, #tpu.memory_space<hbm>> -> memref<1x16x2048xf32, #tpu.memory_space<hbm>>
    %dma_start3A_1578 = tpu.memref_squeeze %dma_start3A_1577 : memref<1x16x2048xf32, #tpu.memory_space<hbm>> -> memref<16x2048xf32, #tpu.memory_space<hbm>>
    tpu.enqueue_dma source(%arg8 : memref<16x2048xf32, #tpu.memory_space<vmem>>) target(%dma_start3A_1578 : memref<16x2048xf32, #tpu.memory_space<hbm>>) target_semaphore(%arg15 : memref<!tpu.dma_semaphore, #tpu.memory_space<semaphore_mem>>)
    %dma_wait3A_1579 = arith.constant 5 : i32
    %dma_wait3A_1580 = arith.constant 0 : i32
    %dma_wait3A_1581 = tpu.memref_slice %arg6[%dma_wait3A_1579, %add3A_1531, %dma_wait3A_1580] : memref<8x2048x2048xf32, #tpu.memory_space<hbm>> -> memref<1x16x2048xf32, #tpu.memory_space<hbm>>
    %dma_wait3A_1582 = tpu.memref_squeeze %dma_wait3A_1581 : memref<1x16x2048xf32, #tpu.memory_space<hbm>> -> memref<16x2048xf32, #tpu.memory_space<hbm>>
    %dma_wait3A_1583 = arith.constant 0 : i32
    %dma_wait3A_1584 = tpu.memref_slice %arg6[%dma_wait3A_1579, %add3A_1531, %dma_wait3A_1583] : memref<8x2048x2048xf32, #tpu.memory_space<hbm>> -> memref<1x16x2048xf32, #tpu.memory_space<hbm>>
    %dma_wait3A_1585 = tpu.memref_squeeze %dma_wait3A_1584 : memref<1x16x2048xf32, #tpu.memory_space<hbm>> -> memref<16x2048xf32, #tpu.memory_space<hbm>>
    tpu.wait_dma2 semaphore(%arg15 : memref<!tpu.dma_semaphore, #tpu.memory_space<semaphore_mem>>) src(%arg8 : memref<16x2048xf32, #tpu.memory_space<vmem>>) dst(%dma_wait3A_1585 : memref<16x2048xf32, #tpu.memory_space<hbm>>)
    %add3A_1586 = arith.constant 48 : i32
    %add3A_1587 = arith.addi %mul3A_2, %add3A_1586 : i32
    %dma_start3A_1588 = arith.constant 5 : i32
    %dma_start3A_1589 = arith.constant 0 : i32
    %dma_start3A_1590 = tpu.memref_slice %arg2[%dma_start3A_1588, %add3A_1587, %dma_start3A_1589] : memref<8x2048x2048xf32, #tpu.memory_space<hbm>> -> memref<1x16x2048xf32, #tpu.memory_space<hbm>>
    %dma_start3A_1591 = tpu.memref_squeeze %dma_start3A_1590 : memref<1x16x2048xf32, #tpu.memory_space<hbm>> -> memref<16x2048xf32, #tpu.memory_space<hbm>>
    %dma_start3A_1592 = arith.constant 0 : i32
    %dma_start3A_1593 = tpu.memref_slice %arg2[%dma_start3A_1588, %add3A_1587, %dma_start3A_1592] : memref<8x2048x2048xf32, #tpu.memory_space<hbm>> -> memref<1x16x2048xf32, #tpu.memory_space<hbm>>
    %dma_start3A_1594 = tpu.memref_squeeze %dma_start3A_1593 : memref<1x16x2048xf32, #tpu.memory_space<hbm>> -> memref<16x2048xf32, #tpu.memory_space<hbm>>
    tpu.enqueue_dma source(%dma_start3A_1594 : memref<16x2048xf32, #tpu.memory_space<hbm>>) target(%arg8 : memref<16x2048xf32, #tpu.memory_space<vmem>>) target_semaphore(%arg13 : memref<!tpu.dma_semaphore, #tpu.memory_space<semaphore_mem>>)
    %dma_wait3A_1595 = arith.constant 5 : i32
    %dma_wait3A_1596 = arith.constant 0 : i32
    %dma_wait3A_1597 = tpu.memref_slice %arg2[%dma_wait3A_1595, %add3A_1515, %dma_wait3A_1596] : memref<8x2048x2048xf32, #tpu.memory_space<hbm>> -> memref<1x16x2048xf32, #tpu.memory_space<hbm>>
    %dma_wait3A_1598 = tpu.memref_squeeze %dma_wait3A_1597 : memref<1x16x2048xf32, #tpu.memory_space<hbm>> -> memref<16x2048xf32, #tpu.memory_space<hbm>>
    %dma_wait3A_1599 = arith.constant 0 : i32
    %dma_wait3A_1600 = tpu.memref_slice %arg2[%dma_wait3A_1595, %add3A_1515, %dma_wait3A_1599] : memref<8x2048x2048xf32, #tpu.memory_space<hbm>> -> memref<1x16x2048xf32, #tpu.memory_space<hbm>>
    %dma_wait3A_1601 = tpu.memref_squeeze %dma_wait3A_1600 : memref<1x16x2048xf32, #tpu.memory_space<hbm>> -> memref<16x2048xf32, #tpu.memory_space<hbm>>
    tpu.wait_dma2 semaphore(%arg12 : memref<!tpu.dma_semaphore, #tpu.memory_space<semaphore_mem>>) src(%dma_wait3A_1601 : memref<16x2048xf32, #tpu.memory_space<hbm>>) dst(%arg7 : memref<16x2048xf32, #tpu.memory_space<vmem>>)
    %add3A_1602 = arith.constant 32 : i32
    %add3A_1603 = arith.addi %mul3A_2, %add3A_1602 : i32
    %get3A_1604 = arith.constant 0 : index
    %get3A_1605 = tpu.vector_load %arg9[%get3A_1604] {strides = array<i32>} : memref<32xi32, #tpu.memory_space<vmem>>, vector<16xi32>,
    %get3A_1606 = arith.constant 0 : index
    %get3A_1607 = tpu.vector_load %arg10[%get3A_1606] {strides = array<i32>} : memref<32xi32, #tpu.memory_space<vmem>>, vector<16xi32>,
    %get3A_1608 = arith.constant 5 : i32
    %get3A_1609 = arith.index_cast %get3A_1608 : i32 to index
    %get3A_1610 = arith.constant 0 : index
    %get3A_1611 = tpu.vector_load %arg11[%get3A_1609, %get3A_1610] {strides = array<i32>} : memref<8x32xf32, #tpu.memory_space<vmem>>, vector<16xf32>,
    %ge3A_1612 = vector.broadcast %add3A_1603 : i32 to vector<16xi32>
    %ge3A_1613 = arith.cmpi sge, %get3A_1605, %ge3A_1612 : vector<16xi32>
    %add3A_1614 = arith.constant 16 : i32
    %add3A_1615 = arith.addi %add3A_1603, %add3A_1614 : i32
    %lt3A_1616 = vector.broadcast %add3A_1615 : i32 to vector<16xi32>
    %lt3A_1617 = arith.cmpi slt, %get3A_1605, %lt3A_1616 : vector<16xi32>
    %and3A_1618 = arith.andi %ge3A_1613, %lt3A_1617 : vector<16xi1>
    %sub3A_1619 = vector.broadcast %add3A_1603 : i32 to vector<16xi32>
    %sub3A_1620 = arith.subi %get3A_1605, %sub3A_1619 : vector<16xi32>
    %jit3A_1621 = arith.constant 0 : i32
    %broadcast_in_dim3A_1622 = vector.broadcast %jit3A_1621 : i32 to vector<16xi32>
    %select_n3A_1623 = arith.select %and3A_1618, %sub3A_1620, %broadcast_in_dim3A_1622 : vector<16xi1>, vector<16xi32>
    tpu.vector_store_idx %arg7[%select_n3A_1623, %get3A_1607], %get3A_1611 masked %and3A_1618 {add = true} : memref<16x2048xf32, #tpu.memory_space<vmem>>[vector<16xi32>, vector<16xi32>], vector<16xf32>, vector<16xi1>
    %get3A_1624 = arith.constant 16 : index
    %get3A_1625 = tpu.vector_load %arg9[%get3A_1624] {strides = array<i32>} : memref<32xi32, #tpu.memory_space<vmem>>, vector<16xi32>,
    %get3A_1626 = arith.constant 16 : index
    %get3A_1627 = tpu.vector_load %arg10[%get3A_1626] {strides = array<i32>} : memref<32xi32, #tpu.memory_space<vmem>>, vector<16xi32>,
    %get3A_1628 = arith.constant 5 : i32
    %get3A_1629 = arith.index_cast %get3A_1628 : i32 to index
    %get3A_1630 = arith.constant 16 : index
    %get3A_1631 = tpu.vector_load %arg11[%get3A_1629, %get3A_1630] {strides = array<i32>} : memref<8x32xf32, #tpu.memory_space<vmem>>, vector<16xf32>,
    %ge3A_1632 = vector.broadcast %add3A_1603 : i32 to vector<16xi32>
    %ge3A_1633 = arith.cmpi sge, %get3A_1625, %ge3A_1632 : vector<16xi32>
    %add3A_1634 = arith.constant 16 : i32
    %add3A_1635 = arith.addi %add3A_1603, %add3A_1634 : i32
    %lt3A_1636 = vector.broadcast %add3A_1635 : i32 to vector<16xi32>
    %lt3A_1637 = arith.cmpi slt, %get3A_1625, %lt3A_1636 : vector<16xi32>
    %and3A_1638 = arith.andi %ge3A_1633, %lt3A_1637 : vector<16xi1>
    %sub3A_1639 = vector.broadcast %add3A_1603 : i32 to vector<16xi32>
    %sub3A_1640 = arith.subi %get3A_1625, %sub3A_1639 : vector<16xi32>
    %jit3A_1641 = arith.constant 0 : i32
    %broadcast_in_dim3A_1642 = vector.broadcast %jit3A_1641 : i32 to vector<16xi32>
    %select_n3A_1643 = arith.select %and3A_1638, %sub3A_1640, %broadcast_in_dim3A_1642 : vector<16xi1>, vector<16xi32>
    tpu.vector_store_idx %arg7[%select_n3A_1643, %get3A_1627], %get3A_1631 masked %and3A_1638 {add = true} : memref<16x2048xf32, #tpu.memory_space<vmem>>[vector<16xi32>, vector<16xi32>], vector<16xf32>, vector<16xi1>
    %dma_start3A_1644 = arith.constant 5 : i32
    %dma_start3A_1645 = arith.constant 0 : i32
    %dma_start3A_1646 = tpu.memref_slice %arg6[%dma_start3A_1644, %add3A_1603, %dma_start3A_1645] : memref<8x2048x2048xf32, #tpu.memory_space<hbm>> -> memref<1x16x2048xf32, #tpu.memory_space<hbm>>
    %dma_start3A_1647 = tpu.memref_squeeze %dma_start3A_1646 : memref<1x16x2048xf32, #tpu.memory_space<hbm>> -> memref<16x2048xf32, #tpu.memory_space<hbm>>
    %dma_start3A_1648 = arith.constant 0 : i32
    %dma_start3A_1649 = tpu.memref_slice %arg6[%dma_start3A_1644, %add3A_1603, %dma_start3A_1648] : memref<8x2048x2048xf32, #tpu.memory_space<hbm>> -> memref<1x16x2048xf32, #tpu.memory_space<hbm>>
    %dma_start3A_1650 = tpu.memref_squeeze %dma_start3A_1649 : memref<1x16x2048xf32, #tpu.memory_space<hbm>> -> memref<16x2048xf32, #tpu.memory_space<hbm>>
    tpu.enqueue_dma source(%arg7 : memref<16x2048xf32, #tpu.memory_space<vmem>>) target(%dma_start3A_1650 : memref<16x2048xf32, #tpu.memory_space<hbm>>) target_semaphore(%arg14 : memref<!tpu.dma_semaphore, #tpu.memory_space<semaphore_mem>>)
    %dma_wait3A_1651 = arith.constant 5 : i32
    %dma_wait3A_1652 = arith.constant 0 : i32
    %dma_wait3A_1653 = tpu.memref_slice %arg6[%dma_wait3A_1651, %add3A_1603, %dma_wait3A_1652] : memref<8x2048x2048xf32, #tpu.memory_space<hbm>> -> memref<1x16x2048xf32, #tpu.memory_space<hbm>>
    %dma_wait3A_1654 = tpu.memref_squeeze %dma_wait3A_1653 : memref<1x16x2048xf32, #tpu.memory_space<hbm>> -> memref<16x2048xf32, #tpu.memory_space<hbm>>
    %dma_wait3A_1655 = arith.constant 0 : i32
    %dma_wait3A_1656 = tpu.memref_slice %arg6[%dma_wait3A_1651, %add3A_1603, %dma_wait3A_1655] : memref<8x2048x2048xf32, #tpu.memory_space<hbm>> -> memref<1x16x2048xf32, #tpu.memory_space<hbm>>
    %dma_wait3A_1657 = tpu.memref_squeeze %dma_wait3A_1656 : memref<1x16x2048xf32, #tpu.memory_space<hbm>> -> memref<16x2048xf32, #tpu.memory_space<hbm>>
    tpu.wait_dma2 semaphore(%arg14 : memref<!tpu.dma_semaphore, #tpu.memory_space<semaphore_mem>>) src(%arg7 : memref<16x2048xf32, #tpu.memory_space<vmem>>) dst(%dma_wait3A_1657 : memref<16x2048xf32, #tpu.memory_space<hbm>>)
    %add3A_1658 = arith.constant 0 : i32
    %add3A_1659 = arith.addi %mul3A_2, %add3A_1658 : i32
    %dma_start3A_1660 = arith.constant 6 : i32
    %dma_start3A_1661 = arith.constant 0 : i32
    %dma_start3A_1662 = tpu.memref_slice %arg2[%dma_start3A_1660, %add3A_1659, %dma_start3A_1661] : memref<8x2048x2048xf32, #tpu.memory_space<hbm>> -> memref<1x16x2048xf32, #tpu.memory_space<hbm>>
    %dma_start3A_1663 = tpu.memref_squeeze %dma_start3A_1662 : memref<1x16x2048xf32, #tpu.memory_space<hbm>> -> memref<16x2048xf32, #tpu.memory_space<hbm>>
    %dma_start3A_1664 = arith.constant 0 : i32
    %dma_start3A_1665 = tpu.memref_slice %arg2[%dma_start3A_1660, %add3A_1659, %dma_start3A_1664] : memref<8x2048x2048xf32, #tpu.memory_space<hbm>> -> memref<1x16x2048xf32, #tpu.memory_space<hbm>>
    %dma_start3A_1666 = tpu.memref_squeeze %dma_start3A_1665 : memref<1x16x2048xf32, #tpu.memory_space<hbm>> -> memref<16x2048xf32, #tpu.memory_space<hbm>>
    tpu.enqueue_dma source(%dma_start3A_1666 : memref<16x2048xf32, #tpu.memory_space<hbm>>) target(%arg7 : memref<16x2048xf32, #tpu.memory_space<vmem>>) target_semaphore(%arg12 : memref<!tpu.dma_semaphore, #tpu.memory_space<semaphore_mem>>)
    %dma_wait3A_1667 = arith.constant 5 : i32
    %dma_wait3A_1668 = arith.constant 0 : i32
    %dma_wait3A_1669 = tpu.memref_slice %arg2[%dma_wait3A_1667, %add3A_1587, %dma_wait3A_1668] : memref<8x2048x2048xf32, #tpu.memory_space<hbm>> -> memref<1x16x2048xf32, #tpu.memory_space<hbm>>
    %dma_wait3A_1670 = tpu.memref_squeeze %dma_wait3A_1669 : memref<1x16x2048xf32, #tpu.memory_space<hbm>> -> memref<16x2048xf32, #tpu.memory_space<hbm>>
    %dma_wait3A_1671 = arith.constant 0 : i32
    %dma_wait3A_1672 = tpu.memref_slice %arg2[%dma_wait3A_1667, %add3A_1587, %dma_wait3A_1671] : memref<8x2048x2048xf32, #tpu.memory_space<hbm>> -> memref<1x16x2048xf32, #tpu.memory_space<hbm>>
    %dma_wait3A_1673 = tpu.memref_squeeze %dma_wait3A_1672 : memref<1x16x2048xf32, #tpu.memory_space<hbm>> -> memref<16x2048xf32, #tpu.memory_space<hbm>>
    tpu.wait_dma2 semaphore(%arg13 : memref<!tpu.dma_semaphore, #tpu.memory_space<semaphore_mem>>) src(%dma_wait3A_1673 : memref<16x2048xf32, #tpu.memory_space<hbm>>) dst(%arg8 : memref<16x2048xf32, #tpu.memory_space<vmem>>)
    %add3A_1674 = arith.constant 48 : i32
    %add3A_1675 = arith.addi %mul3A_2, %add3A_1674 : i32
    %get3A_1676 = arith.constant 0 : index
    %get3A_1677 = tpu.vector_load %arg9[%get3A_1676] {strides = array<i32>} : memref<32xi32, #tpu.memory_space<vmem>>, vector<16xi32>,
    %get3A_1678 = arith.constant 0 : index
    %get3A_1679 = tpu.vector_load %arg10[%get3A_1678] {strides = array<i32>} : memref<32xi32, #tpu.memory_space<vmem>>, vector<16xi32>,
    %get3A_1680 = arith.constant 5 : i32
    %get3A_1681 = arith.index_cast %get3A_1680 : i32 to index
    %get3A_1682 = arith.constant 0 : index
    %get3A_1683 = tpu.vector_load %arg11[%get3A_1681, %get3A_1682] {strides = array<i32>} : memref<8x32xf32, #tpu.memory_space<vmem>>, vector<16xf32>,
    %ge3A_1684 = vector.broadcast %add3A_1675 : i32 to vector<16xi32>
    %ge3A_1685 = arith.cmpi sge, %get3A_1677, %ge3A_1684 : vector<16xi32>
    %add3A_1686 = arith.constant 16 : i32
    %add3A_1687 = arith.addi %add3A_1675, %add3A_1686 : i32
    %lt3A_1688 = vector.broadcast %add3A_1687 : i32 to vector<16xi32>
    %lt3A_1689 = arith.cmpi slt, %get3A_1677, %lt3A_1688 : vector<16xi32>
    %and3A_1690 = arith.andi %ge3A_1685, %lt3A_1689 : vector<16xi1>
    %sub3A_1691 = vector.broadcast %add3A_1675 : i32 to vector<16xi32>
    %sub3A_1692 = arith.subi %get3A_1677, %sub3A_1691 : vector<16xi32>
    %jit3A_1693 = arith.constant 0 : i32
    %broadcast_in_dim3A_1694 = vector.broadcast %jit3A_1693 : i32 to vector<16xi32>
    %select_n3A_1695 = arith.select %and3A_1690, %sub3A_1692, %broadcast_in_dim3A_1694 : vector<16xi1>, vector<16xi32>
    tpu.vector_store_idx %arg8[%select_n3A_1695, %get3A_1679], %get3A_1683 masked %and3A_1690 {add = true} : memref<16x2048xf32, #tpu.memory_space<vmem>>[vector<16xi32>, vector<16xi32>], vector<16xf32>, vector<16xi1>
    %get3A_1696 = arith.constant 16 : index
    %get3A_1697 = tpu.vector_load %arg9[%get3A_1696] {strides = array<i32>} : memref<32xi32, #tpu.memory_space<vmem>>, vector<16xi32>,
    %get3A_1698 = arith.constant 16 : index
    %get3A_1699 = tpu.vector_load %arg10[%get3A_1698] {strides = array<i32>} : memref<32xi32, #tpu.memory_space<vmem>>, vector<16xi32>,
    %get3A_1700 = arith.constant 5 : i32
    %get3A_1701 = arith.index_cast %get3A_1700 : i32 to index
    %get3A_1702 = arith.constant 16 : index
    %get3A_1703 = tpu.vector_load %arg11[%get3A_1701, %get3A_1702] {strides = array<i32>} : memref<8x32xf32, #tpu.memory_space<vmem>>, vector<16xf32>,
    %ge3A_1704 = vector.broadcast %add3A_1675 : i32 to vector<16xi32>
    %ge3A_1705 = arith.cmpi sge, %get3A_1697, %ge3A_1704 : vector<16xi32>
    %add3A_1706 = arith.constant 16 : i32
    %add3A_1707 = arith.addi %add3A_1675, %add3A_1706 : i32
    %lt3A_1708 = vector.broadcast %add3A_1707 : i32 to vector<16xi32>
    %lt3A_1709 = arith.cmpi slt, %get3A_1697, %lt3A_1708 : vector<16xi32>
    %and3A_1710 = arith.andi %ge3A_1705, %lt3A_1709 : vector<16xi1>
    %sub3A_1711 = vector.broadcast %add3A_1675 : i32 to vector<16xi32>
    %sub3A_1712 = arith.subi %get3A_1697, %sub3A_1711 : vector<16xi32>
    %jit3A_1713 = arith.constant 0 : i32
    %broadcast_in_dim3A_1714 = vector.broadcast %jit3A_1713 : i32 to vector<16xi32>
    %select_n3A_1715 = arith.select %and3A_1710, %sub3A_1712, %broadcast_in_dim3A_1714 : vector<16xi1>, vector<16xi32>
    tpu.vector_store_idx %arg8[%select_n3A_1715, %get3A_1699], %get3A_1703 masked %and3A_1710 {add = true} : memref<16x2048xf32, #tpu.memory_space<vmem>>[vector<16xi32>, vector<16xi32>], vector<16xf32>, vector<16xi1>
    %dma_start3A_1716 = arith.constant 5 : i32
    %dma_start3A_1717 = arith.constant 0 : i32
    %dma_start3A_1718 = tpu.memref_slice %arg6[%dma_start3A_1716, %add3A_1675, %dma_start3A_1717] : memref<8x2048x2048xf32, #tpu.memory_space<hbm>> -> memref<1x16x2048xf32, #tpu.memory_space<hbm>>
    %dma_start3A_1719 = tpu.memref_squeeze %dma_start3A_1718 : memref<1x16x2048xf32, #tpu.memory_space<hbm>> -> memref<16x2048xf32, #tpu.memory_space<hbm>>
    %dma_start3A_1720 = arith.constant 0 : i32
    %dma_start3A_1721 = tpu.memref_slice %arg6[%dma_start3A_1716, %add3A_1675, %dma_start3A_1720] : memref<8x2048x2048xf32, #tpu.memory_space<hbm>> -> memref<1x16x2048xf32, #tpu.memory_space<hbm>>
    %dma_start3A_1722 = tpu.memref_squeeze %dma_start3A_1721 : memref<1x16x2048xf32, #tpu.memory_space<hbm>> -> memref<16x2048xf32, #tpu.memory_space<hbm>>
    tpu.enqueue_dma source(%arg8 : memref<16x2048xf32, #tpu.memory_space<vmem>>) target(%dma_start3A_1722 : memref<16x2048xf32, #tpu.memory_space<hbm>>) target_semaphore(%arg15 : memref<!tpu.dma_semaphore, #tpu.memory_space<semaphore_mem>>)
    %dma_wait3A_1723 = arith.constant 5 : i32
    %dma_wait3A_1724 = arith.constant 0 : i32
    %dma_wait3A_1725 = tpu.memref_slice %arg6[%dma_wait3A_1723, %add3A_1675, %dma_wait3A_1724] : memref<8x2048x2048xf32, #tpu.memory_space<hbm>> -> memref<1x16x2048xf32, #tpu.memory_space<hbm>>
    %dma_wait3A_1726 = tpu.memref_squeeze %dma_wait3A_1725 : memref<1x16x2048xf32, #tpu.memory_space<hbm>> -> memref<16x2048xf32, #tpu.memory_space<hbm>>
    %dma_wait3A_1727 = arith.constant 0 : i32
    %dma_wait3A_1728 = tpu.memref_slice %arg6[%dma_wait3A_1723, %add3A_1675, %dma_wait3A_1727] : memref<8x2048x2048xf32, #tpu.memory_space<hbm>> -> memref<1x16x2048xf32, #tpu.memory_space<hbm>>
    %dma_wait3A_1729 = tpu.memref_squeeze %dma_wait3A_1728 : memref<1x16x2048xf32, #tpu.memory_space<hbm>> -> memref<16x2048xf32, #tpu.memory_space<hbm>>
    tpu.wait_dma2 semaphore(%arg15 : memref<!tpu.dma_semaphore, #tpu.memory_space<semaphore_mem>>) src(%arg8 : memref<16x2048xf32, #tpu.memory_space<vmem>>) dst(%dma_wait3A_1729 : memref<16x2048xf32, #tpu.memory_space<hbm>>)
    %add3A_1730 = arith.constant 16 : i32
    %add3A_1731 = arith.addi %mul3A_2, %add3A_1730 : i32
    %dma_start3A_1732 = arith.constant 6 : i32
    %dma_start3A_1733 = arith.constant 0 : i32
    %dma_start3A_1734 = tpu.memref_slice %arg2[%dma_start3A_1732, %add3A_1731, %dma_start3A_1733] : memref<8x2048x2048xf32, #tpu.memory_space<hbm>> -> memref<1x16x2048xf32, #tpu.memory_space<hbm>>
    %dma_start3A_1735 = tpu.memref_squeeze %dma_start3A_1734 : memref<1x16x2048xf32, #tpu.memory_space<hbm>> -> memref<16x2048xf32, #tpu.memory_space<hbm>>
    %dma_start3A_1736 = arith.constant 0 : i32
    %dma_start3A_1737 = tpu.memref_slice %arg2[%dma_start3A_1732, %add3A_1731, %dma_start3A_1736] : memref<8x2048x2048xf32, #tpu.memory_space<hbm>> -> memref<1x16x2048xf32, #tpu.memory_space<hbm>>
    %dma_start3A_1738 = tpu.memref_squeeze %dma_start3A_1737 : memref<1x16x2048xf32, #tpu.memory_space<hbm>> -> memref<16x2048xf32, #tpu.memory_space<hbm>>
    tpu.enqueue_dma source(%dma_start3A_1738 : memref<16x2048xf32, #tpu.memory_space<hbm>>) target(%arg8 : memref<16x2048xf32, #tpu.memory_space<vmem>>) target_semaphore(%arg13 : memref<!tpu.dma_semaphore, #tpu.memory_space<semaphore_mem>>)
    %dma_wait3A_1739 = arith.constant 6 : i32
    %dma_wait3A_1740 = arith.constant 0 : i32
    %dma_wait3A_1741 = tpu.memref_slice %arg2[%dma_wait3A_1739, %add3A_1659, %dma_wait3A_1740] : memref<8x2048x2048xf32, #tpu.memory_space<hbm>> -> memref<1x16x2048xf32, #tpu.memory_space<hbm>>
    %dma_wait3A_1742 = tpu.memref_squeeze %dma_wait3A_1741 : memref<1x16x2048xf32, #tpu.memory_space<hbm>> -> memref<16x2048xf32, #tpu.memory_space<hbm>>
    %dma_wait3A_1743 = arith.constant 0 : i32
    %dma_wait3A_1744 = tpu.memref_slice %arg2[%dma_wait3A_1739, %add3A_1659, %dma_wait3A_1743] : memref<8x2048x2048xf32, #tpu.memory_space<hbm>> -> memref<1x16x2048xf32, #tpu.memory_space<hbm>>
    %dma_wait3A_1745 = tpu.memref_squeeze %dma_wait3A_1744 : memref<1x16x2048xf32, #tpu.memory_space<hbm>> -> memref<16x2048xf32, #tpu.memory_space<hbm>>
    tpu.wait_dma2 semaphore(%arg12 : memref<!tpu.dma_semaphore, #tpu.memory_space<semaphore_mem>>) src(%dma_wait3A_1745 : memref<16x2048xf32, #tpu.memory_space<hbm>>) dst(%arg7 : memref<16x2048xf32, #tpu.memory_space<vmem>>)
    %add3A_1746 = arith.constant 0 : i32
    %add3A_1747 = arith.addi %mul3A_2, %add3A_1746 : i32
    %get3A_1748 = arith.constant 0 : index
    %get3A_1749 = tpu.vector_load %arg9[%get3A_1748] {strides = array<i32>} : memref<32xi32, #tpu.memory_space<vmem>>, vector<16xi32>,
    %get3A_1750 = arith.constant 0 : index
    %get3A_1751 = tpu.vector_load %arg10[%get3A_1750] {strides = array<i32>} : memref<32xi32, #tpu.memory_space<vmem>>, vector<16xi32>,
    %get3A_1752 = arith.constant 6 : i32
    %get3A_1753 = arith.index_cast %get3A_1752 : i32 to index
    %get3A_1754 = arith.constant 0 : index
    %get3A_1755 = tpu.vector_load %arg11[%get3A_1753, %get3A_1754] {strides = array<i32>} : memref<8x32xf32, #tpu.memory_space<vmem>>, vector<16xf32>,
    %ge3A_1756 = vector.broadcast %add3A_1747 : i32 to vector<16xi32>
    %ge3A_1757 = arith.cmpi sge, %get3A_1749, %ge3A_1756 : vector<16xi32>
    %add3A_1758 = arith.constant 16 : i32
    %add3A_1759 = arith.addi %add3A_1747, %add3A_1758 : i32
    %lt3A_1760 = vector.broadcast %add3A_1759 : i32 to vector<16xi32>
    %lt3A_1761 = arith.cmpi slt, %get3A_1749, %lt3A_1760 : vector<16xi32>
    %and3A_1762 = arith.andi %ge3A_1757, %lt3A_1761 : vector<16xi1>
    %sub3A_1763 = vector.broadcast %add3A_1747 : i32 to vector<16xi32>
    %sub3A_1764 = arith.subi %get3A_1749, %sub3A_1763 : vector<16xi32>
    %jit3A_1765 = arith.constant 0 : i32
    %broadcast_in_dim3A_1766 = vector.broadcast %jit3A_1765 : i32 to vector<16xi32>
    %select_n3A_1767 = arith.select %and3A_1762, %sub3A_1764, %broadcast_in_dim3A_1766 : vector<16xi1>, vector<16xi32>
    tpu.vector_store_idx %arg7[%select_n3A_1767, %get3A_1751], %get3A_1755 masked %and3A_1762 {add = true} : memref<16x2048xf32, #tpu.memory_space<vmem>>[vector<16xi32>, vector<16xi32>], vector<16xf32>, vector<16xi1>
    %get3A_1768 = arith.constant 16 : index
    %get3A_1769 = tpu.vector_load %arg9[%get3A_1768] {strides = array<i32>} : memref<32xi32, #tpu.memory_space<vmem>>, vector<16xi32>,
    %get3A_1770 = arith.constant 16 : index
    %get3A_1771 = tpu.vector_load %arg10[%get3A_1770] {strides = array<i32>} : memref<32xi32, #tpu.memory_space<vmem>>, vector<16xi32>,
    %get3A_1772 = arith.constant 6 : i32
    %get3A_1773 = arith.index_cast %get3A_1772 : i32 to index
    %get3A_1774 = arith.constant 16 : index
    %get3A_1775 = tpu.vector_load %arg11[%get3A_1773, %get3A_1774] {strides = array<i32>} : memref<8x32xf32, #tpu.memory_space<vmem>>, vector<16xf32>,
    %ge3A_1776 = vector.broadcast %add3A_1747 : i32 to vector<16xi32>
    %ge3A_1777 = arith.cmpi sge, %get3A_1769, %ge3A_1776 : vector<16xi32>
    %add3A_1778 = arith.constant 16 : i32
    %add3A_1779 = arith.addi %add3A_1747, %add3A_1778 : i32
    %lt3A_1780 = vector.broadcast %add3A_1779 : i32 to vector<16xi32>
    %lt3A_1781 = arith.cmpi slt, %get3A_1769, %lt3A_1780 : vector<16xi32>
    %and3A_1782 = arith.andi %ge3A_1777, %lt3A_1781 : vector<16xi1>
    %sub3A_1783 = vector.broadcast %add3A_1747 : i32 to vector<16xi32>
    %sub3A_1784 = arith.subi %get3A_1769, %sub3A_1783 : vector<16xi32>
    %jit3A_1785 = arith.constant 0 : i32
    %broadcast_in_dim3A_1786 = vector.broadcast %jit3A_1785 : i32 to vector<16xi32>
    %select_n3A_1787 = arith.select %and3A_1782, %sub3A_1784, %broadcast_in_dim3A_1786 : vector<16xi1>, vector<16xi32>
    tpu.vector_store_idx %arg7[%select_n3A_1787, %get3A_1771], %get3A_1775 masked %and3A_1782 {add = true} : memref<16x2048xf32, #tpu.memory_space<vmem>>[vector<16xi32>, vector<16xi32>], vector<16xf32>, vector<16xi1>
    %dma_start3A_1788 = arith.constant 6 : i32
    %dma_start3A_1789 = arith.constant 0 : i32
    %dma_start3A_1790 = tpu.memref_slice %arg6[%dma_start3A_1788, %add3A_1747, %dma_start3A_1789] : memref<8x2048x2048xf32, #tpu.memory_space<hbm>> -> memref<1x16x2048xf32, #tpu.memory_space<hbm>>
    %dma_start3A_1791 = tpu.memref_squeeze %dma_start3A_1790 : memref<1x16x2048xf32, #tpu.memory_space<hbm>> -> memref<16x2048xf32, #tpu.memory_space<hbm>>
    %dma_start3A_1792 = arith.constant 0 : i32
    %dma_start3A_1793 = tpu.memref_slice %arg6[%dma_start3A_1788, %add3A_1747, %dma_start3A_1792] : memref<8x2048x2048xf32, #tpu.memory_space<hbm>> -> memref<1x16x2048xf32, #tpu.memory_space<hbm>>
    %dma_start3A_1794 = tpu.memref_squeeze %dma_start3A_1793 : memref<1x16x2048xf32, #tpu.memory_space<hbm>> -> memref<16x2048xf32, #tpu.memory_space<hbm>>
    tpu.enqueue_dma source(%arg7 : memref<16x2048xf32, #tpu.memory_space<vmem>>) target(%dma_start3A_1794 : memref<16x2048xf32, #tpu.memory_space<hbm>>) target_semaphore(%arg14 : memref<!tpu.dma_semaphore, #tpu.memory_space<semaphore_mem>>)
    %dma_wait3A_1795 = arith.constant 6 : i32
    %dma_wait3A_1796 = arith.constant 0 : i32
    %dma_wait3A_1797 = tpu.memref_slice %arg6[%dma_wait3A_1795, %add3A_1747, %dma_wait3A_1796] : memref<8x2048x2048xf32, #tpu.memory_space<hbm>> -> memref<1x16x2048xf32, #tpu.memory_space<hbm>>
    %dma_wait3A_1798 = tpu.memref_squeeze %dma_wait3A_1797 : memref<1x16x2048xf32, #tpu.memory_space<hbm>> -> memref<16x2048xf32, #tpu.memory_space<hbm>>
    %dma_wait3A_1799 = arith.constant 0 : i32
    %dma_wait3A_1800 = tpu.memref_slice %arg6[%dma_wait3A_1795, %add3A_1747, %dma_wait3A_1799] : memref<8x2048x2048xf32, #tpu.memory_space<hbm>> -> memref<1x16x2048xf32, #tpu.memory_space<hbm>>
    %dma_wait3A_1801 = tpu.memref_squeeze %dma_wait3A_1800 : memref<1x16x2048xf32, #tpu.memory_space<hbm>> -> memref<16x2048xf32, #tpu.memory_space<hbm>>
    tpu.wait_dma2 semaphore(%arg14 : memref<!tpu.dma_semaphore, #tpu.memory_space<semaphore_mem>>) src(%arg7 : memref<16x2048xf32, #tpu.memory_space<vmem>>) dst(%dma_wait3A_1801 : memref<16x2048xf32, #tpu.memory_space<hbm>>)
    %add3A_1802 = arith.constant 32 : i32
    %add3A_1803 = arith.addi %mul3A_2, %add3A_1802 : i32
    %dma_start3A_1804 = arith.constant 6 : i32
    %dma_start3A_1805 = arith.constant 0 : i32
    %dma_start3A_1806 = tpu.memref_slice %arg2[%dma_start3A_1804, %add3A_1803, %dma_start3A_1805] : memref<8x2048x2048xf32, #tpu.memory_space<hbm>> -> memref<1x16x2048xf32, #tpu.memory_space<hbm>>
    %dma_start3A_1807 = tpu.memref_squeeze %dma_start3A_1806 : memref<1x16x2048xf32, #tpu.memory_space<hbm>> -> memref<16x2048xf32, #tpu.memory_space<hbm>>
    %dma_start3A_1808 = arith.constant 0 : i32
    %dma_start3A_1809 = tpu.memref_slice %arg2[%dma_start3A_1804, %add3A_1803, %dma_start3A_1808] : memref<8x2048x2048xf32, #tpu.memory_space<hbm>> -> memref<1x16x2048xf32, #tpu.memory_space<hbm>>
    %dma_start3A_1810 = tpu.memref_squeeze %dma_start3A_1809 : memref<1x16x2048xf32, #tpu.memory_space<hbm>> -> memref<16x2048xf32, #tpu.memory_space<hbm>>
    tpu.enqueue_dma source(%dma_start3A_1810 : memref<16x2048xf32, #tpu.memory_space<hbm>>) target(%arg7 : memref<16x2048xf32, #tpu.memory_space<vmem>>) target_semaphore(%arg12 : memref<!tpu.dma_semaphore, #tpu.memory_space<semaphore_mem>>)
    %dma_wait3A_1811 = arith.constant 6 : i32
    %dma_wait3A_1812 = arith.constant 0 : i32
    %dma_wait3A_1813 = tpu.memref_slice %arg2[%dma_wait3A_1811, %add3A_1731, %dma_wait3A_1812] : memref<8x2048x2048xf32, #tpu.memory_space<hbm>> -> memref<1x16x2048xf32, #tpu.memory_space<hbm>>
    %dma_wait3A_1814 = tpu.memref_squeeze %dma_wait3A_1813 : memref<1x16x2048xf32, #tpu.memory_space<hbm>> -> memref<16x2048xf32, #tpu.memory_space<hbm>>
    %dma_wait3A_1815 = arith.constant 0 : i32
    %dma_wait3A_1816 = tpu.memref_slice %arg2[%dma_wait3A_1811, %add3A_1731, %dma_wait3A_1815] : memref<8x2048x2048xf32, #tpu.memory_space<hbm>> -> memref<1x16x2048xf32, #tpu.memory_space<hbm>>
    %dma_wait3A_1817 = tpu.memref_squeeze %dma_wait3A_1816 : memref<1x16x2048xf32, #tpu.memory_space<hbm>> -> memref<16x2048xf32, #tpu.memory_space<hbm>>
    tpu.wait_dma2 semaphore(%arg13 : memref<!tpu.dma_semaphore, #tpu.memory_space<semaphore_mem>>) src(%dma_wait3A_1817 : memref<16x2048xf32, #tpu.memory_space<hbm>>) dst(%arg8 : memref<16x2048xf32, #tpu.memory_space<vmem>>)
    %add3A_1818 = arith.constant 16 : i32
    %add3A_1819 = arith.addi %mul3A_2, %add3A_1818 : i32
    %get3A_1820 = arith.constant 0 : index
    %get3A_1821 = tpu.vector_load %arg9[%get3A_1820] {strides = array<i32>} : memref<32xi32, #tpu.memory_space<vmem>>, vector<16xi32>,
    %get3A_1822 = arith.constant 0 : index
    %get3A_1823 = tpu.vector_load %arg10[%get3A_1822] {strides = array<i32>} : memref<32xi32, #tpu.memory_space<vmem>>, vector<16xi32>,
    %get3A_1824 = arith.constant 6 : i32
    %get3A_1825 = arith.index_cast %get3A_1824 : i32 to index
    %get3A_1826 = arith.constant 0 : index
    %get3A_1827 = tpu.vector_load %arg11[%get3A_1825, %get3A_1826] {strides = array<i32>} : memref<8x32xf32, #tpu.memory_space<vmem>>, vector<16xf32>,
    %ge3A_1828 = vector.broadcast %add3A_1819 : i32 to vector<16xi32>
    %ge3A_1829 = arith.cmpi sge, %get3A_1821, %ge3A_1828 : vector<16xi32>
    %add3A_1830 = arith.constant 16 : i32
    %add3A_1831 = arith.addi %add3A_1819, %add3A_1830 : i32
    %lt3A_1832 = vector.broadcast %add3A_1831 : i32 to vector<16xi32>
    %lt3A_1833 = arith.cmpi slt, %get3A_1821, %lt3A_1832 : vector<16xi32>
    %and3A_1834 = arith.andi %ge3A_1829, %lt3A_1833 : vector<16xi1>
    %sub3A_1835 = vector.broadcast %add3A_1819 : i32 to vector<16xi32>
    %sub3A_1836 = arith.subi %get3A_1821, %sub3A_1835 : vector<16xi32>
    %jit3A_1837 = arith.constant 0 : i32
    %broadcast_in_dim3A_1838 = vector.broadcast %jit3A_1837 : i32 to vector<16xi32>
    %select_n3A_1839 = arith.select %and3A_1834, %sub3A_1836, %broadcast_in_dim3A_1838 : vector<16xi1>, vector<16xi32>
    tpu.vector_store_idx %arg8[%select_n3A_1839, %get3A_1823], %get3A_1827 masked %and3A_1834 {add = true} : memref<16x2048xf32, #tpu.memory_space<vmem>>[vector<16xi32>, vector<16xi32>], vector<16xf32>, vector<16xi1>
    %get3A_1840 = arith.constant 16 : index
    %get3A_1841 = tpu.vector_load %arg9[%get3A_1840] {strides = array<i32>} : memref<32xi32, #tpu.memory_space<vmem>>, vector<16xi32>,
    %get3A_1842 = arith.constant 16 : index
    %get3A_1843 = tpu.vector_load %arg10[%get3A_1842] {strides = array<i32>} : memref<32xi32, #tpu.memory_space<vmem>>, vector<16xi32>,
    %get3A_1844 = arith.constant 6 : i32
    %get3A_1845 = arith.index_cast %get3A_1844 : i32 to index
    %get3A_1846 = arith.constant 16 : index
    %get3A_1847 = tpu.vector_load %arg11[%get3A_1845, %get3A_1846] {strides = array<i32>} : memref<8x32xf32, #tpu.memory_space<vmem>>, vector<16xf32>,
    %ge3A_1848 = vector.broadcast %add3A_1819 : i32 to vector<16xi32>
    %ge3A_1849 = arith.cmpi sge, %get3A_1841, %ge3A_1848 : vector<16xi32>
    %add3A_1850 = arith.constant 16 : i32
    %add3A_1851 = arith.addi %add3A_1819, %add3A_1850 : i32
    %lt3A_1852 = vector.broadcast %add3A_1851 : i32 to vector<16xi32>
    %lt3A_1853 = arith.cmpi slt, %get3A_1841, %lt3A_1852 : vector<16xi32>
    %and3A_1854 = arith.andi %ge3A_1849, %lt3A_1853 : vector<16xi1>
    %sub3A_1855 = vector.broadcast %add3A_1819 : i32 to vector<16xi32>
    %sub3A_1856 = arith.subi %get3A_1841, %sub3A_1855 : vector<16xi32>
    %jit3A_1857 = arith.constant 0 : i32
    %broadcast_in_dim3A_1858 = vector.broadcast %jit3A_1857 : i32 to vector<16xi32>
    %select_n3A_1859 = arith.select %and3A_1854, %sub3A_1856, %broadcast_in_dim3A_1858 : vector<16xi1>, vector<16xi32>
    tpu.vector_store_idx %arg8[%select_n3A_1859, %get3A_1843], %get3A_1847 masked %and3A_1854 {add = true} : memref<16x2048xf32, #tpu.memory_space<vmem>>[vector<16xi32>, vector<16xi32>], vector<16xf32>, vector<16xi1>
    %dma_start3A_1860 = arith.constant 6 : i32
    %dma_start3A_1861 = arith.constant 0 : i32
    %dma_start3A_1862 = tpu.memref_slice %arg6[%dma_start3A_1860, %add3A_1819, %dma_start3A_1861] : memref<8x2048x2048xf32, #tpu.memory_space<hbm>> -> memref<1x16x2048xf32, #tpu.memory_space<hbm>>
    %dma_start3A_1863 = tpu.memref_squeeze %dma_start3A_1862 : memref<1x16x2048xf32, #tpu.memory_space<hbm>> -> memref<16x2048xf32, #tpu.memory_space<hbm>>
    %dma_start3A_1864 = arith.constant 0 : i32
    %dma_start3A_1865 = tpu.memref_slice %arg6[%dma_start3A_1860, %add3A_1819, %dma_start3A_1864] : memref<8x2048x2048xf32, #tpu.memory_space<hbm>> -> memref<1x16x2048xf32, #tpu.memory_space<hbm>>
    %dma_start3A_1866 = tpu.memref_squeeze %dma_start3A_1865 : memref<1x16x2048xf32, #tpu.memory_space<hbm>> -> memref<16x2048xf32, #tpu.memory_space<hbm>>
    tpu.enqueue_dma source(%arg8 : memref<16x2048xf32, #tpu.memory_space<vmem>>) target(%dma_start3A_1866 : memref<16x2048xf32, #tpu.memory_space<hbm>>) target_semaphore(%arg15 : memref<!tpu.dma_semaphore, #tpu.memory_space<semaphore_mem>>)
    %dma_wait3A_1867 = arith.constant 6 : i32
    %dma_wait3A_1868 = arith.constant 0 : i32
    %dma_wait3A_1869 = tpu.memref_slice %arg6[%dma_wait3A_1867, %add3A_1819, %dma_wait3A_1868] : memref<8x2048x2048xf32, #tpu.memory_space<hbm>> -> memref<1x16x2048xf32, #tpu.memory_space<hbm>>
    %dma_wait3A_1870 = tpu.memref_squeeze %dma_wait3A_1869 : memref<1x16x2048xf32, #tpu.memory_space<hbm>> -> memref<16x2048xf32, #tpu.memory_space<hbm>>
    %dma_wait3A_1871 = arith.constant 0 : i32
    %dma_wait3A_1872 = tpu.memref_slice %arg6[%dma_wait3A_1867, %add3A_1819, %dma_wait3A_1871] : memref<8x2048x2048xf32, #tpu.memory_space<hbm>> -> memref<1x16x2048xf32, #tpu.memory_space<hbm>>
    %dma_wait3A_1873 = tpu.memref_squeeze %dma_wait3A_1872 : memref<1x16x2048xf32, #tpu.memory_space<hbm>> -> memref<16x2048xf32, #tpu.memory_space<hbm>>
    tpu.wait_dma2 semaphore(%arg15 : memref<!tpu.dma_semaphore, #tpu.memory_space<semaphore_mem>>) src(%arg8 : memref<16x2048xf32, #tpu.memory_space<vmem>>) dst(%dma_wait3A_1873 : memref<16x2048xf32, #tpu.memory_space<hbm>>)
    %add3A_1874 = arith.constant 48 : i32
    %add3A_1875 = arith.addi %mul3A_2, %add3A_1874 : i32
    %dma_start3A_1876 = arith.constant 6 : i32
    %dma_start3A_1877 = arith.constant 0 : i32
    %dma_start3A_1878 = tpu.memref_slice %arg2[%dma_start3A_1876, %add3A_1875, %dma_start3A_1877] : memref<8x2048x2048xf32, #tpu.memory_space<hbm>> -> memref<1x16x2048xf32, #tpu.memory_space<hbm>>
    %dma_start3A_1879 = tpu.memref_squeeze %dma_start3A_1878 : memref<1x16x2048xf32, #tpu.memory_space<hbm>> -> memref<16x2048xf32, #tpu.memory_space<hbm>>
    %dma_start3A_1880 = arith.constant 0 : i32
    %dma_start3A_1881 = tpu.memref_slice %arg2[%dma_start3A_1876, %add3A_1875, %dma_start3A_1880] : memref<8x2048x2048xf32, #tpu.memory_space<hbm>> -> memref<1x16x2048xf32, #tpu.memory_space<hbm>>
    %dma_start3A_1882 = tpu.memref_squeeze %dma_start3A_1881 : memref<1x16x2048xf32, #tpu.memory_space<hbm>> -> memref<16x2048xf32, #tpu.memory_space<hbm>>
    tpu.enqueue_dma source(%dma_start3A_1882 : memref<16x2048xf32, #tpu.memory_space<hbm>>) target(%arg8 : memref<16x2048xf32, #tpu.memory_space<vmem>>) target_semaphore(%arg13 : memref<!tpu.dma_semaphore, #tpu.memory_space<semaphore_mem>>)
    %dma_wait3A_1883 = arith.constant 6 : i32
    %dma_wait3A_1884 = arith.constant 0 : i32
    %dma_wait3A_1885 = tpu.memref_slice %arg2[%dma_wait3A_1883, %add3A_1803, %dma_wait3A_1884] : memref<8x2048x2048xf32, #tpu.memory_space<hbm>> -> memref<1x16x2048xf32, #tpu.memory_space<hbm>>
    %dma_wait3A_1886 = tpu.memref_squeeze %dma_wait3A_1885 : memref<1x16x2048xf32, #tpu.memory_space<hbm>> -> memref<16x2048xf32, #tpu.memory_space<hbm>>
    %dma_wait3A_1887 = arith.constant 0 : i32
    %dma_wait3A_1888 = tpu.memref_slice %arg2[%dma_wait3A_1883, %add3A_1803, %dma_wait3A_1887] : memref<8x2048x2048xf32, #tpu.memory_space<hbm>> -> memref<1x16x2048xf32, #tpu.memory_space<hbm>>
    %dma_wait3A_1889 = tpu.memref_squeeze %dma_wait3A_1888 : memref<1x16x2048xf32, #tpu.memory_space<hbm>> -> memref<16x2048xf32, #tpu.memory_space<hbm>>
    tpu.wait_dma2 semaphore(%arg12 : memref<!tpu.dma_semaphore, #tpu.memory_space<semaphore_mem>>) src(%dma_wait3A_1889 : memref<16x2048xf32, #tpu.memory_space<hbm>>) dst(%arg7 : memref<16x2048xf32, #tpu.memory_space<vmem>>)
    %add3A_1890 = arith.constant 32 : i32
    %add3A_1891 = arith.addi %mul3A_2, %add3A_1890 : i32
    %get3A_1892 = arith.constant 0 : index
    %get3A_1893 = tpu.vector_load %arg9[%get3A_1892] {strides = array<i32>} : memref<32xi32, #tpu.memory_space<vmem>>, vector<16xi32>,
    %get3A_1894 = arith.constant 0 : index
    %get3A_1895 = tpu.vector_load %arg10[%get3A_1894] {strides = array<i32>} : memref<32xi32, #tpu.memory_space<vmem>>, vector<16xi32>,
    %get3A_1896 = arith.constant 6 : i32
    %get3A_1897 = arith.index_cast %get3A_1896 : i32 to index
    %get3A_1898 = arith.constant 0 : index
    %get3A_1899 = tpu.vector_load %arg11[%get3A_1897, %get3A_1898] {strides = array<i32>} : memref<8x32xf32, #tpu.memory_space<vmem>>, vector<16xf32>,
    %ge3A_1900 = vector.broadcast %add3A_1891 : i32 to vector<16xi32>
    %ge3A_1901 = arith.cmpi sge, %get3A_1893, %ge3A_1900 : vector<16xi32>
    %add3A_1902 = arith.constant 16 : i32
    %add3A_1903 = arith.addi %add3A_1891, %add3A_1902 : i32
    %lt3A_1904 = vector.broadcast %add3A_1903 : i32 to vector<16xi32>
    %lt3A_1905 = arith.cmpi slt, %get3A_1893, %lt3A_1904 : vector<16xi32>
    %and3A_1906 = arith.andi %ge3A_1901, %lt3A_1905 : vector<16xi1>
    %sub3A_1907 = vector.broadcast %add3A_1891 : i32 to vector<16xi32>
    %sub3A_1908 = arith.subi %get3A_1893, %sub3A_1907 : vector<16xi32>
    %jit3A_1909 = arith.constant 0 : i32
    %broadcast_in_dim3A_1910 = vector.broadcast %jit3A_1909 : i32 to vector<16xi32>
    %select_n3A_1911 = arith.select %and3A_1906, %sub3A_1908, %broadcast_in_dim3A_1910 : vector<16xi1>, vector<16xi32>
    tpu.vector_store_idx %arg7[%select_n3A_1911, %get3A_1895], %get3A_1899 masked %and3A_1906 {add = true} : memref<16x2048xf32, #tpu.memory_space<vmem>>[vector<16xi32>, vector<16xi32>], vector<16xf32>, vector<16xi1>
    %get3A_1912 = arith.constant 16 : index
    %get3A_1913 = tpu.vector_load %arg9[%get3A_1912] {strides = array<i32>} : memref<32xi32, #tpu.memory_space<vmem>>, vector<16xi32>,
    %get3A_1914 = arith.constant 16 : index
    %get3A_1915 = tpu.vector_load %arg10[%get3A_1914] {strides = array<i32>} : memref<32xi32, #tpu.memory_space<vmem>>, vector<16xi32>,
    %get3A_1916 = arith.constant 6 : i32
    %get3A_1917 = arith.index_cast %get3A_1916 : i32 to index
    %get3A_1918 = arith.constant 16 : index
    %get3A_1919 = tpu.vector_load %arg11[%get3A_1917, %get3A_1918] {strides = array<i32>} : memref<8x32xf32, #tpu.memory_space<vmem>>, vector<16xf32>,
    %ge3A_1920 = vector.broadcast %add3A_1891 : i32 to vector<16xi32>
    %ge3A_1921 = arith.cmpi sge, %get3A_1913, %ge3A_1920 : vector<16xi32>
    %add3A_1922 = arith.constant 16 : i32
    %add3A_1923 = arith.addi %add3A_1891, %add3A_1922 : i32
    %lt3A_1924 = vector.broadcast %add3A_1923 : i32 to vector<16xi32>
    %lt3A_1925 = arith.cmpi slt, %get3A_1913, %lt3A_1924 : vector<16xi32>
    %and3A_1926 = arith.andi %ge3A_1921, %lt3A_1925 : vector<16xi1>
    %sub3A_1927 = vector.broadcast %add3A_1891 : i32 to vector<16xi32>
    %sub3A_1928 = arith.subi %get3A_1913, %sub3A_1927 : vector<16xi32>
    %jit3A_1929 = arith.constant 0 : i32
    %broadcast_in_dim3A_1930 = vector.broadcast %jit3A_1929 : i32 to vector<16xi32>
    %select_n3A_1931 = arith.select %and3A_1926, %sub3A_1928, %broadcast_in_dim3A_1930 : vector<16xi1>, vector<16xi32>
    tpu.vector_store_idx %arg7[%select_n3A_1931, %get3A_1915], %get3A_1919 masked %and3A_1926 {add = true} : memref<16x2048xf32, #tpu.memory_space<vmem>>[vector<16xi32>, vector<16xi32>], vector<16xf32>, vector<16xi1>
    %dma_start3A_1932 = arith.constant 6 : i32
    %dma_start3A_1933 = arith.constant 0 : i32
    %dma_start3A_1934 = tpu.memref_slice %arg6[%dma_start3A_1932, %add3A_1891, %dma_start3A_1933] : memref<8x2048x2048xf32, #tpu.memory_space<hbm>> -> memref<1x16x2048xf32, #tpu.memory_space<hbm>>
    %dma_start3A_1935 = tpu.memref_squeeze %dma_start3A_1934 : memref<1x16x2048xf32, #tpu.memory_space<hbm>> -> memref<16x2048xf32, #tpu.memory_space<hbm>>
    %dma_start3A_1936 = arith.constant 0 : i32
    %dma_start3A_1937 = tpu.memref_slice %arg6[%dma_start3A_1932, %add3A_1891, %dma_start3A_1936] : memref<8x2048x2048xf32, #tpu.memory_space<hbm>> -> memref<1x16x2048xf32, #tpu.memory_space<hbm>>
    %dma_start3A_1938 = tpu.memref_squeeze %dma_start3A_1937 : memref<1x16x2048xf32, #tpu.memory_space<hbm>> -> memref<16x2048xf32, #tpu.memory_space<hbm>>
    tpu.enqueue_dma source(%arg7 : memref<16x2048xf32, #tpu.memory_space<vmem>>) target(%dma_start3A_1938 : memref<16x2048xf32, #tpu.memory_space<hbm>>) target_semaphore(%arg14 : memref<!tpu.dma_semaphore, #tpu.memory_space<semaphore_mem>>)
    %dma_wait3A_1939 = arith.constant 6 : i32
    %dma_wait3A_1940 = arith.constant 0 : i32
    %dma_wait3A_1941 = tpu.memref_slice %arg6[%dma_wait3A_1939, %add3A_1891, %dma_wait3A_1940] : memref<8x2048x2048xf32, #tpu.memory_space<hbm>> -> memref<1x16x2048xf32, #tpu.memory_space<hbm>>
    %dma_wait3A_1942 = tpu.memref_squeeze %dma_wait3A_1941 : memref<1x16x2048xf32, #tpu.memory_space<hbm>> -> memref<16x2048xf32, #tpu.memory_space<hbm>>
    %dma_wait3A_1943 = arith.constant 0 : i32
    %dma_wait3A_1944 = tpu.memref_slice %arg6[%dma_wait3A_1939, %add3A_1891, %dma_wait3A_1943] : memref<8x2048x2048xf32, #tpu.memory_space<hbm>> -> memref<1x16x2048xf32, #tpu.memory_space<hbm>>
    %dma_wait3A_1945 = tpu.memref_squeeze %dma_wait3A_1944 : memref<1x16x2048xf32, #tpu.memory_space<hbm>> -> memref<16x2048xf32, #tpu.memory_space<hbm>>
    tpu.wait_dma2 semaphore(%arg14 : memref<!tpu.dma_semaphore, #tpu.memory_space<semaphore_mem>>) src(%arg7 : memref<16x2048xf32, #tpu.memory_space<vmem>>) dst(%dma_wait3A_1945 : memref<16x2048xf32, #tpu.memory_space<hbm>>)
    %add3A_1946 = arith.constant 0 : i32
    %add3A_1947 = arith.addi %mul3A_2, %add3A_1946 : i32
    %dma_start3A_1948 = arith.constant 7 : i32
    %dma_start3A_1949 = arith.constant 0 : i32
    %dma_start3A_1950 = tpu.memref_slice %arg2[%dma_start3A_1948, %add3A_1947, %dma_start3A_1949] : memref<8x2048x2048xf32, #tpu.memory_space<hbm>> -> memref<1x16x2048xf32, #tpu.memory_space<hbm>>
    %dma_start3A_1951 = tpu.memref_squeeze %dma_start3A_1950 : memref<1x16x2048xf32, #tpu.memory_space<hbm>> -> memref<16x2048xf32, #tpu.memory_space<hbm>>
    %dma_start3A_1952 = arith.constant 0 : i32
    %dma_start3A_1953 = tpu.memref_slice %arg2[%dma_start3A_1948, %add3A_1947, %dma_start3A_1952] : memref<8x2048x2048xf32, #tpu.memory_space<hbm>> -> memref<1x16x2048xf32, #tpu.memory_space<hbm>>
    %dma_start3A_1954 = tpu.memref_squeeze %dma_start3A_1953 : memref<1x16x2048xf32, #tpu.memory_space<hbm>> -> memref<16x2048xf32, #tpu.memory_space<hbm>>
    tpu.enqueue_dma source(%dma_start3A_1954 : memref<16x2048xf32, #tpu.memory_space<hbm>>) target(%arg7 : memref<16x2048xf32, #tpu.memory_space<vmem>>) target_semaphore(%arg12 : memref<!tpu.dma_semaphore, #tpu.memory_space<semaphore_mem>>)
    %dma_wait3A_1955 = arith.constant 6 : i32
    %dma_wait3A_1956 = arith.constant 0 : i32
    %dma_wait3A_1957 = tpu.memref_slice %arg2[%dma_wait3A_1955, %add3A_1875, %dma_wait3A_1956] : memref<8x2048x2048xf32, #tpu.memory_space<hbm>> -> memref<1x16x2048xf32, #tpu.memory_space<hbm>>
    %dma_wait3A_1958 = tpu.memref_squeeze %dma_wait3A_1957 : memref<1x16x2048xf32, #tpu.memory_space<hbm>> -> memref<16x2048xf32, #tpu.memory_space<hbm>>
    %dma_wait3A_1959 = arith.constant 0 : i32
    %dma_wait3A_1960 = tpu.memref_slice %arg2[%dma_wait3A_1955, %add3A_1875, %dma_wait3A_1959] : memref<8x2048x2048xf32, #tpu.memory_space<hbm>> -> memref<1x16x2048xf32, #tpu.memory_space<hbm>>
    %dma_wait3A_1961 = tpu.memref_squeeze %dma_wait3A_1960 : memref<1x16x2048xf32, #tpu.memory_space<hbm>> -> memref<16x2048xf32, #tpu.memory_space<hbm>>
    tpu.wait_dma2 semaphore(%arg13 : memref<!tpu.dma_semaphore, #tpu.memory_space<semaphore_mem>>) src(%dma_wait3A_1961 : memref<16x2048xf32, #tpu.memory_space<hbm>>) dst(%arg8 : memref<16x2048xf32, #tpu.memory_space<vmem>>)
    %add3A_1962 = arith.constant 48 : i32
    %add3A_1963 = arith.addi %mul3A_2, %add3A_1962 : i32
    %get3A_1964 = arith.constant 0 : index
    %get3A_1965 = tpu.vector_load %arg9[%get3A_1964] {strides = array<i32>} : memref<32xi32, #tpu.memory_space<vmem>>, vector<16xi32>,
    %get3A_1966 = arith.constant 0 : index
    %get3A_1967 = tpu.vector_load %arg10[%get3A_1966] {strides = array<i32>} : memref<32xi32, #tpu.memory_space<vmem>>, vector<16xi32>,
    %get3A_1968 = arith.constant 6 : i32
    %get3A_1969 = arith.index_cast %get3A_1968 : i32 to index
    %get3A_1970 = arith.constant 0 : index
    %get3A_1971 = tpu.vector_load %arg11[%get3A_1969, %get3A_1970] {strides = array<i32>} : memref<8x32xf32, #tpu.memory_space<vmem>>, vector<16xf32>,
    %ge3A_1972 = vector.broadcast %add3A_1963 : i32 to vector<16xi32>
    %ge3A_1973 = arith.cmpi sge, %get3A_1965, %ge3A_1972 : vector<16xi32>
    %add3A_1974 = arith.constant 16 : i32
    %add3A_1975 = arith.addi %add3A_1963, %add3A_1974 : i32
    %lt3A_1976 = vector.broadcast %add3A_1975 : i32 to vector<16xi32>
    %lt3A_1977 = arith.cmpi slt, %get3A_1965, %lt3A_1976 : vector<16xi32>
    %and3A_1978 = arith.andi %ge3A_1973, %lt3A_1977 : vector<16xi1>
    %sub3A_1979 = vector.broadcast %add3A_1963 : i32 to vector<16xi32>
    %sub3A_1980 = arith.subi %get3A_1965, %sub3A_1979 : vector<16xi32>
    %jit3A_1981 = arith.constant 0 : i32
    %broadcast_in_dim3A_1982 = vector.broadcast %jit3A_1981 : i32 to vector<16xi32>
    %select_n3A_1983 = arith.select %and3A_1978, %sub3A_1980, %broadcast_in_dim3A_1982 : vector<16xi1>, vector<16xi32>
    tpu.vector_store_idx %arg8[%select_n3A_1983, %get3A_1967], %get3A_1971 masked %and3A_1978 {add = true} : memref<16x2048xf32, #tpu.memory_space<vmem>>[vector<16xi32>, vector<16xi32>], vector<16xf32>, vector<16xi1>
    %get3A_1984 = arith.constant 16 : index
    %get3A_1985 = tpu.vector_load %arg9[%get3A_1984] {strides = array<i32>} : memref<32xi32, #tpu.memory_space<vmem>>, vector<16xi32>,
    %get3A_1986 = arith.constant 16 : index
    %get3A_1987 = tpu.vector_load %arg10[%get3A_1986] {strides = array<i32>} : memref<32xi32, #tpu.memory_space<vmem>>, vector<16xi32>,
    %get3A_1988 = arith.constant 6 : i32
    %get3A_1989 = arith.index_cast %get3A_1988 : i32 to index
    %get3A_1990 = arith.constant 16 : index
    %get3A_1991 = tpu.vector_load %arg11[%get3A_1989, %get3A_1990] {strides = array<i32>} : memref<8x32xf32, #tpu.memory_space<vmem>>, vector<16xf32>,
    %ge3A_1992 = vector.broadcast %add3A_1963 : i32 to vector<16xi32>
    %ge3A_1993 = arith.cmpi sge, %get3A_1985, %ge3A_1992 : vector<16xi32>
    %add3A_1994 = arith.constant 16 : i32
    %add3A_1995 = arith.addi %add3A_1963, %add3A_1994 : i32
    %lt3A_1996 = vector.broadcast %add3A_1995 : i32 to vector<16xi32>
    %lt3A_1997 = arith.cmpi slt, %get3A_1985, %lt3A_1996 : vector<16xi32>
    %and3A_1998 = arith.andi %ge3A_1993, %lt3A_1997 : vector<16xi1>
    %sub3A_1999 = vector.broadcast %add3A_1963 : i32 to vector<16xi32>
    %sub3A_2000 = arith.subi %get3A_1985, %sub3A_1999 : vector<16xi32>
    %jit3A_2001 = arith.constant 0 : i32
    %broadcast_in_dim3A_2002 = vector.broadcast %jit3A_2001 : i32 to vector<16xi32>
    %select_n3A_2003 = arith.select %and3A_1998, %sub3A_2000, %broadcast_in_dim3A_2002 : vector<16xi1>, vector<16xi32>
    tpu.vector_store_idx %arg8[%select_n3A_2003, %get3A_1987], %get3A_1991 masked %and3A_1998 {add = true} : memref<16x2048xf32, #tpu.memory_space<vmem>>[vector<16xi32>, vector<16xi32>], vector<16xf32>, vector<16xi1>
    %dma_start3A_2004 = arith.constant 6 : i32
    %dma_start3A_2005 = arith.constant 0 : i32
    %dma_start3A_2006 = tpu.memref_slice %arg6[%dma_start3A_2004, %add3A_1963, %dma_start3A_2005] : memref<8x2048x2048xf32, #tpu.memory_space<hbm>> -> memref<1x16x2048xf32, #tpu.memory_space<hbm>>
    %dma_start3A_2007 = tpu.memref_squeeze %dma_start3A_2006 : memref<1x16x2048xf32, #tpu.memory_space<hbm>> -> memref<16x2048xf32, #tpu.memory_space<hbm>>
    %dma_start3A_2008 = arith.constant 0 : i32
    %dma_start3A_2009 = tpu.memref_slice %arg6[%dma_start3A_2004, %add3A_1963, %dma_start3A_2008] : memref<8x2048x2048xf32, #tpu.memory_space<hbm>> -> memref<1x16x2048xf32, #tpu.memory_space<hbm>>
    %dma_start3A_2010 = tpu.memref_squeeze %dma_start3A_2009 : memref<1x16x2048xf32, #tpu.memory_space<hbm>> -> memref<16x2048xf32, #tpu.memory_space<hbm>>
    tpu.enqueue_dma source(%arg8 : memref<16x2048xf32, #tpu.memory_space<vmem>>) target(%dma_start3A_2010 : memref<16x2048xf32, #tpu.memory_space<hbm>>) target_semaphore(%arg15 : memref<!tpu.dma_semaphore, #tpu.memory_space<semaphore_mem>>)
    %dma_wait3A_2011 = arith.constant 6 : i32
    %dma_wait3A_2012 = arith.constant 0 : i32
    %dma_wait3A_2013 = tpu.memref_slice %arg6[%dma_wait3A_2011, %add3A_1963, %dma_wait3A_2012] : memref<8x2048x2048xf32, #tpu.memory_space<hbm>> -> memref<1x16x2048xf32, #tpu.memory_space<hbm>>
    %dma_wait3A_2014 = tpu.memref_squeeze %dma_wait3A_2013 : memref<1x16x2048xf32, #tpu.memory_space<hbm>> -> memref<16x2048xf32, #tpu.memory_space<hbm>>
    %dma_wait3A_2015 = arith.constant 0 : i32
    %dma_wait3A_2016 = tpu.memref_slice %arg6[%dma_wait3A_2011, %add3A_1963, %dma_wait3A_2015] : memref<8x2048x2048xf32, #tpu.memory_space<hbm>> -> memref<1x16x2048xf32, #tpu.memory_space<hbm>>
    %dma_wait3A_2017 = tpu.memref_squeeze %dma_wait3A_2016 : memref<1x16x2048xf32, #tpu.memory_space<hbm>> -> memref<16x2048xf32, #tpu.memory_space<hbm>>
    tpu.wait_dma2 semaphore(%arg15 : memref<!tpu.dma_semaphore, #tpu.memory_space<semaphore_mem>>) src(%arg8 : memref<16x2048xf32, #tpu.memory_space<vmem>>) dst(%dma_wait3A_2017 : memref<16x2048xf32, #tpu.memory_space<hbm>>)
    %add3A_2018 = arith.constant 16 : i32
    %add3A_2019 = arith.addi %mul3A_2, %add3A_2018 : i32
    %dma_start3A_2020 = arith.constant 7 : i32
    %dma_start3A_2021 = arith.constant 0 : i32
    %dma_start3A_2022 = tpu.memref_slice %arg2[%dma_start3A_2020, %add3A_2019, %dma_start3A_2021] : memref<8x2048x2048xf32, #tpu.memory_space<hbm>> -> memref<1x16x2048xf32, #tpu.memory_space<hbm>>
    %dma_start3A_2023 = tpu.memref_squeeze %dma_start3A_2022 : memref<1x16x2048xf32, #tpu.memory_space<hbm>> -> memref<16x2048xf32, #tpu.memory_space<hbm>>
    %dma_start3A_2024 = arith.constant 0 : i32
    %dma_start3A_2025 = tpu.memref_slice %arg2[%dma_start3A_2020, %add3A_2019, %dma_start3A_2024] : memref<8x2048x2048xf32, #tpu.memory_space<hbm>> -> memref<1x16x2048xf32, #tpu.memory_space<hbm>>
    %dma_start3A_2026 = tpu.memref_squeeze %dma_start3A_2025 : memref<1x16x2048xf32, #tpu.memory_space<hbm>> -> memref<16x2048xf32, #tpu.memory_space<hbm>>
    tpu.enqueue_dma source(%dma_start3A_2026 : memref<16x2048xf32, #tpu.memory_space<hbm>>) target(%arg8 : memref<16x2048xf32, #tpu.memory_space<vmem>>) target_semaphore(%arg13 : memref<!tpu.dma_semaphore, #tpu.memory_space<semaphore_mem>>)
    %dma_wait3A_2027 = arith.constant 7 : i32
    %dma_wait3A_2028 = arith.constant 0 : i32
    %dma_wait3A_2029 = tpu.memref_slice %arg2[%dma_wait3A_2027, %add3A_1947, %dma_wait3A_2028] : memref<8x2048x2048xf32, #tpu.memory_space<hbm>> -> memref<1x16x2048xf32, #tpu.memory_space<hbm>>
    %dma_wait3A_2030 = tpu.memref_squeeze %dma_wait3A_2029 : memref<1x16x2048xf32, #tpu.memory_space<hbm>> -> memref<16x2048xf32, #tpu.memory_space<hbm>>
    %dma_wait3A_2031 = arith.constant 0 : i32
    %dma_wait3A_2032 = tpu.memref_slice %arg2[%dma_wait3A_2027, %add3A_1947, %dma_wait3A_2031] : memref<8x2048x2048xf32, #tpu.memory_space<hbm>> -> memref<1x16x2048xf32, #tpu.memory_space<hbm>>
    %dma_wait3A_2033 = tpu.memref_squeeze %dma_wait3A_2032 : memref<1x16x2048xf32, #tpu.memory_space<hbm>> -> memref<16x2048xf32, #tpu.memory_space<hbm>>
    tpu.wait_dma2 semaphore(%arg12 : memref<!tpu.dma_semaphore, #tpu.memory_space<semaphore_mem>>) src(%dma_wait3A_2033 : memref<16x2048xf32, #tpu.memory_space<hbm>>) dst(%arg7 : memref<16x2048xf32, #tpu.memory_space<vmem>>)
    %add3A_2034 = arith.constant 0 : i32
    %add3A_2035 = arith.addi %mul3A_2, %add3A_2034 : i32
    %get3A_2036 = arith.constant 0 : index
    %get3A_2037 = tpu.vector_load %arg9[%get3A_2036] {strides = array<i32>} : memref<32xi32, #tpu.memory_space<vmem>>, vector<16xi32>,
    %get3A_2038 = arith.constant 0 : index
    %get3A_2039 = tpu.vector_load %arg10[%get3A_2038] {strides = array<i32>} : memref<32xi32, #tpu.memory_space<vmem>>, vector<16xi32>,
    %get3A_2040 = arith.constant 7 : i32
    %get3A_2041 = arith.index_cast %get3A_2040 : i32 to index
    %get3A_2042 = arith.constant 0 : index
    %get3A_2043 = tpu.vector_load %arg11[%get3A_2041, %get3A_2042] {strides = array<i32>} : memref<8x32xf32, #tpu.memory_space<vmem>>, vector<16xf32>,
    %ge3A_2044 = vector.broadcast %add3A_2035 : i32 to vector<16xi32>
    %ge3A_2045 = arith.cmpi sge, %get3A_2037, %ge3A_2044 : vector<16xi32>
    %add3A_2046 = arith.constant 16 : i32
    %add3A_2047 = arith.addi %add3A_2035, %add3A_2046 : i32
    %lt3A_2048 = vector.broadcast %add3A_2047 : i32 to vector<16xi32>
    %lt3A_2049 = arith.cmpi slt, %get3A_2037, %lt3A_2048 : vector<16xi32>
    %and3A_2050 = arith.andi %ge3A_2045, %lt3A_2049 : vector<16xi1>
    %sub3A_2051 = vector.broadcast %add3A_2035 : i32 to vector<16xi32>
    %sub3A_2052 = arith.subi %get3A_2037, %sub3A_2051 : vector<16xi32>
    %jit3A_2053 = arith.constant 0 : i32
    %broadcast_in_dim3A_2054 = vector.broadcast %jit3A_2053 : i32 to vector<16xi32>
    %select_n3A_2055 = arith.select %and3A_2050, %sub3A_2052, %broadcast_in_dim3A_2054 : vector<16xi1>, vector<16xi32>
    tpu.vector_store_idx %arg7[%select_n3A_2055, %get3A_2039], %get3A_2043 masked %and3A_2050 {add = true} : memref<16x2048xf32, #tpu.memory_space<vmem>>[vector<16xi32>, vector<16xi32>], vector<16xf32>, vector<16xi1>
    %get3A_2056 = arith.constant 16 : index
    %get3A_2057 = tpu.vector_load %arg9[%get3A_2056] {strides = array<i32>} : memref<32xi32, #tpu.memory_space<vmem>>, vector<16xi32>,
    %get3A_2058 = arith.constant 16 : index
    %get3A_2059 = tpu.vector_load %arg10[%get3A_2058] {strides = array<i32>} : memref<32xi32, #tpu.memory_space<vmem>>, vector<16xi32>,
    %get3A_2060 = arith.constant 7 : i32
    %get3A_2061 = arith.index_cast %get3A_2060 : i32 to index
    %get3A_2062 = arith.constant 16 : index
    %get3A_2063 = tpu.vector_load %arg11[%get3A_2061, %get3A_2062] {strides = array<i32>} : memref<8x32xf32, #tpu.memory_space<vmem>>, vector<16xf32>,
    %ge3A_2064 = vector.broadcast %add3A_2035 : i32 to vector<16xi32>
    %ge3A_2065 = arith.cmpi sge, %get3A_2057, %ge3A_2064 : vector<16xi32>
    %add3A_2066 = arith.constant 16 : i32
    %add3A_2067 = arith.addi %add3A_2035, %add3A_2066 : i32
    %lt3A_2068 = vector.broadcast %add3A_2067 : i32 to vector<16xi32>
    %lt3A_2069 = arith.cmpi slt, %get3A_2057, %lt3A_2068 : vector<16xi32>
    %and3A_2070 = arith.andi %ge3A_2065, %lt3A_2069 : vector<16xi1>
    %sub3A_2071 = vector.broadcast %add3A_2035 : i32 to vector<16xi32>
    %sub3A_2072 = arith.subi %get3A_2057, %sub3A_2071 : vector<16xi32>
    %jit3A_2073 = arith.constant 0 : i32
    %broadcast_in_dim3A_2074 = vector.broadcast %jit3A_2073 : i32 to vector<16xi32>
    %select_n3A_2075 = arith.select %and3A_2070, %sub3A_2072, %broadcast_in_dim3A_2074 : vector<16xi1>, vector<16xi32>
    tpu.vector_store_idx %arg7[%select_n3A_2075, %get3A_2059], %get3A_2063 masked %and3A_2070 {add = true} : memref<16x2048xf32, #tpu.memory_space<vmem>>[vector<16xi32>, vector<16xi32>], vector<16xf32>, vector<16xi1>
    %dma_start3A_2076 = arith.constant 7 : i32
    %dma_start3A_2077 = arith.constant 0 : i32
    %dma_start3A_2078 = tpu.memref_slice %arg6[%dma_start3A_2076, %add3A_2035, %dma_start3A_2077] : memref<8x2048x2048xf32, #tpu.memory_space<hbm>> -> memref<1x16x2048xf32, #tpu.memory_space<hbm>>
    %dma_start3A_2079 = tpu.memref_squeeze %dma_start3A_2078 : memref<1x16x2048xf32, #tpu.memory_space<hbm>> -> memref<16x2048xf32, #tpu.memory_space<hbm>>
    %dma_start3A_2080 = arith.constant 0 : i32
    %dma_start3A_2081 = tpu.memref_slice %arg6[%dma_start3A_2076, %add3A_2035, %dma_start3A_2080] : memref<8x2048x2048xf32, #tpu.memory_space<hbm>> -> memref<1x16x2048xf32, #tpu.memory_space<hbm>>
    %dma_start3A_2082 = tpu.memref_squeeze %dma_start3A_2081 : memref<1x16x2048xf32, #tpu.memory_space<hbm>> -> memref<16x2048xf32, #tpu.memory_space<hbm>>
    tpu.enqueue_dma source(%arg7 : memref<16x2048xf32, #tpu.memory_space<vmem>>) target(%dma_start3A_2082 : memref<16x2048xf32, #tpu.memory_space<hbm>>) target_semaphore(%arg14 : memref<!tpu.dma_semaphore, #tpu.memory_space<semaphore_mem>>)
    %dma_wait3A_2083 = arith.constant 7 : i32
    %dma_wait3A_2084 = arith.constant 0 : i32
    %dma_wait3A_2085 = tpu.memref_slice %arg6[%dma_wait3A_2083, %add3A_2035, %dma_wait3A_2084] : memref<8x2048x2048xf32, #tpu.memory_space<hbm>> -> memref<1x16x2048xf32, #tpu.memory_space<hbm>>
    %dma_wait3A_2086 = tpu.memref_squeeze %dma_wait3A_2085 : memref<1x16x2048xf32, #tpu.memory_space<hbm>> -> memref<16x2048xf32, #tpu.memory_space<hbm>>
    %dma_wait3A_2087 = arith.constant 0 : i32
    %dma_wait3A_2088 = tpu.memref_slice %arg6[%dma_wait3A_2083, %add3A_2035, %dma_wait3A_2087] : memref<8x2048x2048xf32, #tpu.memory_space<hbm>> -> memref<1x16x2048xf32, #tpu.memory_space<hbm>>
    %dma_wait3A_2089 = tpu.memref_squeeze %dma_wait3A_2088 : memref<1x16x2048xf32, #tpu.memory_space<hbm>> -> memref<16x2048xf32, #tpu.memory_space<hbm>>
    tpu.wait_dma2 semaphore(%arg14 : memref<!tpu.dma_semaphore, #tpu.memory_space<semaphore_mem>>) src(%arg7 : memref<16x2048xf32, #tpu.memory_space<vmem>>) dst(%dma_wait3A_2089 : memref<16x2048xf32, #tpu.memory_space<hbm>>)
    %add3A_2090 = arith.constant 32 : i32
    %add3A_2091 = arith.addi %mul3A_2, %add3A_2090 : i32
    %dma_start3A_2092 = arith.constant 7 : i32
    %dma_start3A_2093 = arith.constant 0 : i32
    %dma_start3A_2094 = tpu.memref_slice %arg2[%dma_start3A_2092, %add3A_2091, %dma_start3A_2093] : memref<8x2048x2048xf32, #tpu.memory_space<hbm>> -> memref<1x16x2048xf32, #tpu.memory_space<hbm>>
    %dma_start3A_2095 = tpu.memref_squeeze %dma_start3A_2094 : memref<1x16x2048xf32, #tpu.memory_space<hbm>> -> memref<16x2048xf32, #tpu.memory_space<hbm>>
    %dma_start3A_2096 = arith.constant 0 : i32
    %dma_start3A_2097 = tpu.memref_slice %arg2[%dma_start3A_2092, %add3A_2091, %dma_start3A_2096] : memref<8x2048x2048xf32, #tpu.memory_space<hbm>> -> memref<1x16x2048xf32, #tpu.memory_space<hbm>>
    %dma_start3A_2098 = tpu.memref_squeeze %dma_start3A_2097 : memref<1x16x2048xf32, #tpu.memory_space<hbm>> -> memref<16x2048xf32, #tpu.memory_space<hbm>>
    tpu.enqueue_dma source(%dma_start3A_2098 : memref<16x2048xf32, #tpu.memory_space<hbm>>) target(%arg7 : memref<16x2048xf32, #tpu.memory_space<vmem>>) target_semaphore(%arg12 : memref<!tpu.dma_semaphore, #tpu.memory_space<semaphore_mem>>)
    %dma_wait3A_2099 = arith.constant 7 : i32
    %dma_wait3A_2100 = arith.constant 0 : i32
    %dma_wait3A_2101 = tpu.memref_slice %arg2[%dma_wait3A_2099, %add3A_2019, %dma_wait3A_2100] : memref<8x2048x2048xf32, #tpu.memory_space<hbm>> -> memref<1x16x2048xf32, #tpu.memory_space<hbm>>
    %dma_wait3A_2102 = tpu.memref_squeeze %dma_wait3A_2101 : memref<1x16x2048xf32, #tpu.memory_space<hbm>> -> memref<16x2048xf32, #tpu.memory_space<hbm>>
    %dma_wait3A_2103 = arith.constant 0 : i32
    %dma_wait3A_2104 = tpu.memref_slice %arg2[%dma_wait3A_2099, %add3A_2019, %dma_wait3A_2103] : memref<8x2048x2048xf32, #tpu.memory_space<hbm>> -> memref<1x16x2048xf32, #tpu.memory_space<hbm>>
    %dma_wait3A_2105 = tpu.memref_squeeze %dma_wait3A_2104 : memref<1x16x2048xf32, #tpu.memory_space<hbm>> -> memref<16x2048xf32, #tpu.memory_space<hbm>>
    tpu.wait_dma2 semaphore(%arg13 : memref<!tpu.dma_semaphore, #tpu.memory_space<semaphore_mem>>) src(%dma_wait3A_2105 : memref<16x2048xf32, #tpu.memory_space<hbm>>) dst(%arg8 : memref<16x2048xf32, #tpu.memory_space<vmem>>)
    %add3A_2106 = arith.constant 16 : i32
    %add3A_2107 = arith.addi %mul3A_2, %add3A_2106 : i32
    %get3A_2108 = arith.constant 0 : index
    %get3A_2109 = tpu.vector_load %arg9[%get3A_2108] {strides = array<i32>} : memref<32xi32, #tpu.memory_space<vmem>>, vector<16xi32>,
    %get3A_2110 = arith.constant 0 : index
    %get3A_2111 = tpu.vector_load %arg10[%get3A_2110] {strides = array<i32>} : memref<32xi32, #tpu.memory_space<vmem>>, vector<16xi32>,
    %get3A_2112 = arith.constant 7 : i32
    %get3A_2113 = arith.index_cast %get3A_2112 : i32 to index
    %get3A_2114 = arith.constant 0 : index
    %get3A_2115 = tpu.vector_load %arg11[%get3A_2113, %get3A_2114] {strides = array<i32>} : memref<8x32xf32, #tpu.memory_space<vmem>>, vector<16xf32>,
    %ge3A_2116 = vector.broadcast %add3A_2107 : i32 to vector<16xi32>
    %ge3A_2117 = arith.cmpi sge, %get3A_2109, %ge3A_2116 : vector<16xi32>
    %add3A_2118 = arith.constant 16 : i32
    %add3A_2119 = arith.addi %add3A_2107, %add3A_2118 : i32
    %lt3A_2120 = vector.broadcast %add3A_2119 : i32 to vector<16xi32>
    %lt3A_2121 = arith.cmpi slt, %get3A_2109, %lt3A_2120 : vector<16xi32>
    %and3A_2122 = arith.andi %ge3A_2117, %lt3A_2121 : vector<16xi1>
    %sub3A_2123 = vector.broadcast %add3A_2107 : i32 to vector<16xi32>
    %sub3A_2124 = arith.subi %get3A_2109, %sub3A_2123 : vector<16xi32>
    %jit3A_2125 = arith.constant 0 : i32
    %broadcast_in_dim3A_2126 = vector.broadcast %jit3A_2125 : i32 to vector<16xi32>
    %select_n3A_2127 = arith.select %and3A_2122, %sub3A_2124, %broadcast_in_dim3A_2126 : vector<16xi1>, vector<16xi32>
    tpu.vector_store_idx %arg8[%select_n3A_2127, %get3A_2111], %get3A_2115 masked %and3A_2122 {add = true} : memref<16x2048xf32, #tpu.memory_space<vmem>>[vector<16xi32>, vector<16xi32>], vector<16xf32>, vector<16xi1>
    %get3A_2128 = arith.constant 16 : index
    %get3A_2129 = tpu.vector_load %arg9[%get3A_2128] {strides = array<i32>} : memref<32xi32, #tpu.memory_space<vmem>>, vector<16xi32>,
    %get3A_2130 = arith.constant 16 : index
    %get3A_2131 = tpu.vector_load %arg10[%get3A_2130] {strides = array<i32>} : memref<32xi32, #tpu.memory_space<vmem>>, vector<16xi32>,
    %get3A_2132 = arith.constant 7 : i32
    %get3A_2133 = arith.index_cast %get3A_2132 : i32 to index
    %get3A_2134 = arith.constant 16 : index
    %get3A_2135 = tpu.vector_load %arg11[%get3A_2133, %get3A_2134] {strides = array<i32>} : memref<8x32xf32, #tpu.memory_space<vmem>>, vector<16xf32>,
    %ge3A_2136 = vector.broadcast %add3A_2107 : i32 to vector<16xi32>
    %ge3A_2137 = arith.cmpi sge, %get3A_2129, %ge3A_2136 : vector<16xi32>
    %add3A_2138 = arith.constant 16 : i32
    %add3A_2139 = arith.addi %add3A_2107, %add3A_2138 : i32
    %lt3A_2140 = vector.broadcast %add3A_2139 : i32 to vector<16xi32>
    %lt3A_2141 = arith.cmpi slt, %get3A_2129, %lt3A_2140 : vector<16xi32>
    %and3A_2142 = arith.andi %ge3A_2137, %lt3A_2141 : vector<16xi1>
    %sub3A_2143 = vector.broadcast %add3A_2107 : i32 to vector<16xi32>
    %sub3A_2144 = arith.subi %get3A_2129, %sub3A_2143 : vector<16xi32>
    %jit3A_2145 = arith.constant 0 : i32
    %broadcast_in_dim3A_2146 = vector.broadcast %jit3A_2145 : i32 to vector<16xi32>
    %select_n3A_2147 = arith.select %and3A_2142, %sub3A_2144, %broadcast_in_dim3A_2146 : vector<16xi1>, vector<16xi32>
    tpu.vector_store_idx %arg8[%select_n3A_2147, %get3A_2131], %get3A_2135 masked %and3A_2142 {add = true} : memref<16x2048xf32, #tpu.memory_space<vmem>>[vector<16xi32>, vector<16xi32>], vector<16xf32>, vector<16xi1>
    %dma_start3A_2148 = arith.constant 7 : i32
    %dma_start3A_2149 = arith.constant 0 : i32
    %dma_start3A_2150 = tpu.memref_slice %arg6[%dma_start3A_2148, %add3A_2107, %dma_start3A_2149] : memref<8x2048x2048xf32, #tpu.memory_space<hbm>> -> memref<1x16x2048xf32, #tpu.memory_space<hbm>>
    %dma_start3A_2151 = tpu.memref_squeeze %dma_start3A_2150 : memref<1x16x2048xf32, #tpu.memory_space<hbm>> -> memref<16x2048xf32, #tpu.memory_space<hbm>>
    %dma_start3A_2152 = arith.constant 0 : i32
    %dma_start3A_2153 = tpu.memref_slice %arg6[%dma_start3A_2148, %add3A_2107, %dma_start3A_2152] : memref<8x2048x2048xf32, #tpu.memory_space<hbm>> -> memref<1x16x2048xf32, #tpu.memory_space<hbm>>
    %dma_start3A_2154 = tpu.memref_squeeze %dma_start3A_2153 : memref<1x16x2048xf32, #tpu.memory_space<hbm>> -> memref<16x2048xf32, #tpu.memory_space<hbm>>
    tpu.enqueue_dma source(%arg8 : memref<16x2048xf32, #tpu.memory_space<vmem>>) target(%dma_start3A_2154 : memref<16x2048xf32, #tpu.memory_space<hbm>>) target_semaphore(%arg15 : memref<!tpu.dma_semaphore, #tpu.memory_space<semaphore_mem>>)
    %dma_wait3A_2155 = arith.constant 7 : i32
    %dma_wait3A_2156 = arith.constant 0 : i32
    %dma_wait3A_2157 = tpu.memref_slice %arg6[%dma_wait3A_2155, %add3A_2107, %dma_wait3A_2156] : memref<8x2048x2048xf32, #tpu.memory_space<hbm>> -> memref<1x16x2048xf32, #tpu.memory_space<hbm>>
    %dma_wait3A_2158 = tpu.memref_squeeze %dma_wait3A_2157 : memref<1x16x2048xf32, #tpu.memory_space<hbm>> -> memref<16x2048xf32, #tpu.memory_space<hbm>>
    %dma_wait3A_2159 = arith.constant 0 : i32
    %dma_wait3A_2160 = tpu.memref_slice %arg6[%dma_wait3A_2155, %add3A_2107, %dma_wait3A_2159] : memref<8x2048x2048xf32, #tpu.memory_space<hbm>> -> memref<1x16x2048xf32, #tpu.memory_space<hbm>>
    %dma_wait3A_2161 = tpu.memref_squeeze %dma_wait3A_2160 : memref<1x16x2048xf32, #tpu.memory_space<hbm>> -> memref<16x2048xf32, #tpu.memory_space<hbm>>
    tpu.wait_dma2 semaphore(%arg15 : memref<!tpu.dma_semaphore, #tpu.memory_space<semaphore_mem>>) src(%arg8 : memref<16x2048xf32, #tpu.memory_space<vmem>>) dst(%dma_wait3A_2161 : memref<16x2048xf32, #tpu.memory_space<hbm>>)
    %add3A_2162 = arith.constant 48 : i32
    %add3A_2163 = arith.addi %mul3A_2, %add3A_2162 : i32
    %dma_start3A_2164 = arith.constant 7 : i32
    %dma_start3A_2165 = arith.constant 0 : i32
    %dma_start3A_2166 = tpu.memref_slice %arg2[%dma_start3A_2164, %add3A_2163, %dma_start3A_2165] : memref<8x2048x2048xf32, #tpu.memory_space<hbm>> -> memref<1x16x2048xf32, #tpu.memory_space<hbm>>
    %dma_start3A_2167 = tpu.memref_squeeze %dma_start3A_2166 : memref<1x16x2048xf32, #tpu.memory_space<hbm>> -> memref<16x2048xf32, #tpu.memory_space<hbm>>
    %dma_start3A_2168 = arith.constant 0 : i32
    %dma_start3A_2169 = tpu.memref_slice %arg2[%dma_start3A_2164, %add3A_2163, %dma_start3A_2168] : memref<8x2048x2048xf32, #tpu.memory_space<hbm>> -> memref<1x16x2048xf32, #tpu.memory_space<hbm>>
    %dma_start3A_2170 = tpu.memref_squeeze %dma_start3A_2169 : memref<1x16x2048xf32, #tpu.memory_space<hbm>> -> memref<16x2048xf32, #tpu.memory_space<hbm>>
    tpu.enqueue_dma source(%dma_start3A_2170 : memref<16x2048xf32, #tpu.memory_space<hbm>>) target(%arg8 : memref<16x2048xf32, #tpu.memory_space<vmem>>) target_semaphore(%arg13 : memref<!tpu.dma_semaphore, #tpu.memory_space<semaphore_mem>>)
    %dma_wait3A_2171 = arith.constant 7 : i32
    %dma_wait3A_2172 = arith.constant 0 : i32
    %dma_wait3A_2173 = tpu.memref_slice %arg2[%dma_wait3A_2171, %add3A_2091, %dma_wait3A_2172] : memref<8x2048x2048xf32, #tpu.memory_space<hbm>> -> memref<1x16x2048xf32, #tpu.memory_space<hbm>>
    %dma_wait3A_2174 = tpu.memref_squeeze %dma_wait3A_2173 : memref<1x16x2048xf32, #tpu.memory_space<hbm>> -> memref<16x2048xf32, #tpu.memory_space<hbm>>
    %dma_wait3A_2175 = arith.constant 0 : i32
    %dma_wait3A_2176 = tpu.memref_slice %arg2[%dma_wait3A_2171, %add3A_2091, %dma_wait3A_2175] : memref<8x2048x2048xf32, #tpu.memory_space<hbm>> -> memref<1x16x2048xf32, #tpu.memory_space<hbm>>
    %dma_wait3A_2177 = tpu.memref_squeeze %dma_wait3A_2176 : memref<1x16x2048xf32, #tpu.memory_space<hbm>> -> memref<16x2048xf32, #tpu.memory_space<hbm>>
    tpu.wait_dma2 semaphore(%arg12 : memref<!tpu.dma_semaphore, #tpu.memory_space<semaphore_mem>>) src(%dma_wait3A_2177 : memref<16x2048xf32, #tpu.memory_space<hbm>>) dst(%arg7 : memref<16x2048xf32, #tpu.memory_space<vmem>>)
    %add3A_2178 = arith.constant 32 : i32
    %add3A_2179 = arith.addi %mul3A_2, %add3A_2178 : i32
    %get3A_2180 = arith.constant 0 : index
    %get3A_2181 = tpu.vector_load %arg9[%get3A_2180] {strides = array<i32>} : memref<32xi32, #tpu.memory_space<vmem>>, vector<16xi32>,
    %get3A_2182 = arith.constant 0 : index
    %get3A_2183 = tpu.vector_load %arg10[%get3A_2182] {strides = array<i32>} : memref<32xi32, #tpu.memory_space<vmem>>, vector<16xi32>,
    %get3A_2184 = arith.constant 7 : i32
    %get3A_2185 = arith.index_cast %get3A_2184 : i32 to index
    %get3A_2186 = arith.constant 0 : index
    %get3A_2187 = tpu.vector_load %arg11[%get3A_2185, %get3A_2186] {strides = array<i32>} : memref<8x32xf32, #tpu.memory_space<vmem>>, vector<16xf32>,
    %ge3A_2188 = vector.broadcast %add3A_2179 : i32 to vector<16xi32>
    %ge3A_2189 = arith.cmpi sge, %get3A_2181, %ge3A_2188 : vector<16xi32>
    %add3A_2190 = arith.constant 16 : i32
    %add3A_2191 = arith.addi %add3A_2179, %add3A_2190 : i32
    %lt3A_2192 = vector.broadcast %add3A_2191 : i32 to vector<16xi32>
    %lt3A_2193 = arith.cmpi slt, %get3A_2181, %lt3A_2192 : vector<16xi32>
    %and3A_2194 = arith.andi %ge3A_2189, %lt3A_2193 : vector<16xi1>
    %sub3A_2195 = vector.broadcast %add3A_2179 : i32 to vector<16xi32>
    %sub3A_2196 = arith.subi %get3A_2181, %sub3A_2195 : vector<16xi32>
    %jit3A_2197 = arith.constant 0 : i32
    %broadcast_in_dim3A_2198 = vector.broadcast %jit3A_2197 : i32 to vector<16xi32>
    %select_n3A_2199 = arith.select %and3A_2194, %sub3A_2196, %broadcast_in_dim3A_2198 : vector<16xi1>, vector<16xi32>
    tpu.vector_store_idx %arg7[%select_n3A_2199, %get3A_2183], %get3A_2187 masked %and3A_2194 {add = true} : memref<16x2048xf32, #tpu.memory_space<vmem>>[vector<16xi32>, vector<16xi32>], vector<16xf32>, vector<16xi1>
    %get3A_2200 = arith.constant 16 : index
    %get3A_2201 = tpu.vector_load %arg9[%get3A_2200] {strides = array<i32>} : memref<32xi32, #tpu.memory_space<vmem>>, vector<16xi32>,
    %get3A_2202 = arith.constant 16 : index
    %get3A_2203 = tpu.vector_load %arg10[%get3A_2202] {strides = array<i32>} : memref<32xi32, #tpu.memory_space<vmem>>, vector<16xi32>,
    %get3A_2204 = arith.constant 7 : i32
    %get3A_2205 = arith.index_cast %get3A_2204 : i32 to index
    %get3A_2206 = arith.constant 16 : index
    %get3A_2207 = tpu.vector_load %arg11[%get3A_2205, %get3A_2206] {strides = array<i32>} : memref<8x32xf32, #tpu.memory_space<vmem>>, vector<16xf32>,
    %ge3A_2208 = vector.broadcast %add3A_2179 : i32 to vector<16xi32>
    %ge3A_2209 = arith.cmpi sge, %get3A_2201, %ge3A_2208 : vector<16xi32>
    %add3A_2210 = arith.constant 16 : i32
    %add3A_2211 = arith.addi %add3A_2179, %add3A_2210 : i32
    %lt3A_2212 = vector.broadcast %add3A_2211 : i32 to vector<16xi32>
    %lt3A_2213 = arith.cmpi slt, %get3A_2201, %lt3A_2212 : vector<16xi32>
    %and3A_2214 = arith.andi %ge3A_2209, %lt3A_2213 : vector<16xi1>
    %sub3A_2215 = vector.broadcast %add3A_2179 : i32 to vector<16xi32>
    %sub3A_2216 = arith.subi %get3A_2201, %sub3A_2215 : vector<16xi32>
    %jit3A_2217 = arith.constant 0 : i32
    %broadcast_in_dim3A_2218 = vector.broadcast %jit3A_2217 : i32 to vector<16xi32>
    %select_n3A_2219 = arith.select %and3A_2214, %sub3A_2216, %broadcast_in_dim3A_2218 : vector<16xi1>, vector<16xi32>
    tpu.vector_store_idx %arg7[%select_n3A_2219, %get3A_2203], %get3A_2207 masked %and3A_2214 {add = true} : memref<16x2048xf32, #tpu.memory_space<vmem>>[vector<16xi32>, vector<16xi32>], vector<16xf32>, vector<16xi1>
    %dma_start3A_2220 = arith.constant 7 : i32
    %dma_start3A_2221 = arith.constant 0 : i32
    %dma_start3A_2222 = tpu.memref_slice %arg6[%dma_start3A_2220, %add3A_2179, %dma_start3A_2221] : memref<8x2048x2048xf32, #tpu.memory_space<hbm>> -> memref<1x16x2048xf32, #tpu.memory_space<hbm>>
    %dma_start3A_2223 = tpu.memref_squeeze %dma_start3A_2222 : memref<1x16x2048xf32, #tpu.memory_space<hbm>> -> memref<16x2048xf32, #tpu.memory_space<hbm>>
    %dma_start3A_2224 = arith.constant 0 : i32
    %dma_start3A_2225 = tpu.memref_slice %arg6[%dma_start3A_2220, %add3A_2179, %dma_start3A_2224] : memref<8x2048x2048xf32, #tpu.memory_space<hbm>> -> memref<1x16x2048xf32, #tpu.memory_space<hbm>>
    %dma_start3A_2226 = tpu.memref_squeeze %dma_start3A_2225 : memref<1x16x2048xf32, #tpu.memory_space<hbm>> -> memref<16x2048xf32, #tpu.memory_space<hbm>>
    tpu.enqueue_dma source(%arg7 : memref<16x2048xf32, #tpu.memory_space<vmem>>) target(%dma_start3A_2226 : memref<16x2048xf32, #tpu.memory_space<hbm>>) target_semaphore(%arg14 : memref<!tpu.dma_semaphore, #tpu.memory_space<semaphore_mem>>)
    %dma_wait3A_2227 = arith.constant 7 : i32
    %dma_wait3A_2228 = arith.constant 0 : i32
    %dma_wait3A_2229 = tpu.memref_slice %arg2[%dma_wait3A_2227, %add3A_2163, %dma_wait3A_2228] : memref<8x2048x2048xf32, #tpu.memory_space<hbm>> -> memref<1x16x2048xf32, #tpu.memory_space<hbm>>
    %dma_wait3A_2230 = tpu.memref_squeeze %dma_wait3A_2229 : memref<1x16x2048xf32, #tpu.memory_space<hbm>> -> memref<16x2048xf32, #tpu.memory_space<hbm>>
    %dma_wait3A_2231 = arith.constant 0 : i32
    %dma_wait3A_2232 = tpu.memref_slice %arg2[%dma_wait3A_2227, %add3A_2163, %dma_wait3A_2231] : memref<8x2048x2048xf32, #tpu.memory_space<hbm>> -> memref<1x16x2048xf32, #tpu.memory_space<hbm>>
    %dma_wait3A_2233 = tpu.memref_squeeze %dma_wait3A_2232 : memref<1x16x2048xf32, #tpu.memory_space<hbm>> -> memref<16x2048xf32, #tpu.memory_space<hbm>>
    tpu.wait_dma2 semaphore(%arg13 : memref<!tpu.dma_semaphore, #tpu.memory_space<semaphore_mem>>) src(%dma_wait3A_2233 : memref<16x2048xf32, #tpu.memory_space<hbm>>) dst(%arg8 : memref<16x2048xf32, #tpu.memory_space<vmem>>)
    %add3A_2234 = arith.constant 48 : i32
    %add3A_2235 = arith.addi %mul3A_2, %add3A_2234 : i32
    %get3A_2236 = arith.constant 0 : index
    %get3A_2237 = tpu.vector_load %arg9[%get3A_2236] {strides = array<i32>} : memref<32xi32, #tpu.memory_space<vmem>>, vector<16xi32>,
    %get3A_2238 = arith.constant 0 : index
    %get3A_2239 = tpu.vector_load %arg10[%get3A_2238] {strides = array<i32>} : memref<32xi32, #tpu.memory_space<vmem>>, vector<16xi32>,
    %get3A_2240 = arith.constant 7 : i32
    %get3A_2241 = arith.index_cast %get3A_2240 : i32 to index
    %get3A_2242 = arith.constant 0 : index
    %get3A_2243 = tpu.vector_load %arg11[%get3A_2241, %get3A_2242] {strides = array<i32>} : memref<8x32xf32, #tpu.memory_space<vmem>>, vector<16xf32>,
    %ge3A_2244 = vector.broadcast %add3A_2235 : i32 to vector<16xi32>
    %ge3A_2245 = arith.cmpi sge, %get3A_2237, %ge3A_2244 : vector<16xi32>
    %add3A_2246 = arith.constant 16 : i32
    %add3A_2247 = arith.addi %add3A_2235, %add3A_2246 : i32
    %lt3A_2248 = vector.broadcast %add3A_2247 : i32 to vector<16xi32>
    %lt3A_2249 = arith.cmpi slt, %get3A_2237, %lt3A_2248 : vector<16xi32>
    %and3A_2250 = arith.andi %ge3A_2245, %lt3A_2249 : vector<16xi1>
    %sub3A_2251 = vector.broadcast %add3A_2235 : i32 to vector<16xi32>
    %sub3A_2252 = arith.subi %get3A_2237, %sub3A_2251 : vector<16xi32>
    %jit3A_2253 = arith.constant 0 : i32
    %broadcast_in_dim3A_2254 = vector.broadcast %jit3A_2253 : i32 to vector<16xi32>
    %select_n3A_2255 = arith.select %and3A_2250, %sub3A_2252, %broadcast_in_dim3A_2254 : vector<16xi1>, vector<16xi32>
    tpu.vector_store_idx %arg8[%select_n3A_2255, %get3A_2239], %get3A_2243 masked %and3A_2250 {add = true} : memref<16x2048xf32, #tpu.memory_space<vmem>>[vector<16xi32>, vector<16xi32>], vector<16xf32>, vector<16xi1>
    %get3A_2256 = arith.constant 16 : index
    %get3A_2257 = tpu.vector_load %arg9[%get3A_2256] {strides = array<i32>} : memref<32xi32, #tpu.memory_space<vmem>>, vector<16xi32>,
    %get3A_2258 = arith.constant 16 : index
    %get3A_2259 = tpu.vector_load %arg10[%get3A_2258] {strides = array<i32>} : memref<32xi32, #tpu.memory_space<vmem>>, vector<16xi32>,
    %get3A_2260 = arith.constant 7 : i32
    %get3A_2261 = arith.index_cast %get3A_2260 : i32 to index
    %get3A_2262 = arith.constant 16 : index
    %get3A_2263 = tpu.vector_load %arg11[%get3A_2261, %get3A_2262] {strides = array<i32>} : memref<8x32xf32, #tpu.memory_space<vmem>>, vector<16xf32>,
    %ge3A_2264 = vector.broadcast %add3A_2235 : i32 to vector<16xi32>
    %ge3A_2265 = arith.cmpi sge, %get3A_2257, %ge3A_2264 : vector<16xi32>
    %add3A_2266 = arith.constant 16 : i32
    %add3A_2267 = arith.addi %add3A_2235, %add3A_2266 : i32
    %lt3A_2268 = vector.broadcast %add3A_2267 : i32 to vector<16xi32>
    %lt3A_2269 = arith.cmpi slt, %get3A_2257, %lt3A_2268 : vector<16xi32>
    %and3A_2270 = arith.andi %ge3A_2265, %lt3A_2269 : vector<16xi1>
    %sub3A_2271 = vector.broadcast %add3A_2235 : i32 to vector<16xi32>
    %sub3A_2272 = arith.subi %get3A_2257, %sub3A_2271 : vector<16xi32>
    %jit3A_2273 = arith.constant 0 : i32
    %broadcast_in_dim3A_2274 = vector.broadcast %jit3A_2273 : i32 to vector<16xi32>
    %select_n3A_2275 = arith.select %and3A_2270, %sub3A_2272, %broadcast_in_dim3A_2274 : vector<16xi1>, vector<16xi32>
    tpu.vector_store_idx %arg8[%select_n3A_2275, %get3A_2259], %get3A_2263 masked %and3A_2270 {add = true} : memref<16x2048xf32, #tpu.memory_space<vmem>>[vector<16xi32>, vector<16xi32>], vector<16xf32>, vector<16xi1>
    %dma_start3A_2276 = arith.constant 7 : i32
    %dma_start3A_2277 = arith.constant 0 : i32
    %dma_start3A_2278 = tpu.memref_slice %arg6[%dma_start3A_2276, %add3A_2235, %dma_start3A_2277] : memref<8x2048x2048xf32, #tpu.memory_space<hbm>> -> memref<1x16x2048xf32, #tpu.memory_space<hbm>>
    %dma_start3A_2279 = tpu.memref_squeeze %dma_start3A_2278 : memref<1x16x2048xf32, #tpu.memory_space<hbm>> -> memref<16x2048xf32, #tpu.memory_space<hbm>>
    %dma_start3A_2280 = arith.constant 0 : i32
    %dma_start3A_2281 = tpu.memref_slice %arg6[%dma_start3A_2276, %add3A_2235, %dma_start3A_2280] : memref<8x2048x2048xf32, #tpu.memory_space<hbm>> -> memref<1x16x2048xf32, #tpu.memory_space<hbm>>
    %dma_start3A_2282 = tpu.memref_squeeze %dma_start3A_2281 : memref<1x16x2048xf32, #tpu.memory_space<hbm>> -> memref<16x2048xf32, #tpu.memory_space<hbm>>
    tpu.enqueue_dma source(%arg8 : memref<16x2048xf32, #tpu.memory_space<vmem>>) target(%dma_start3A_2282 : memref<16x2048xf32, #tpu.memory_space<hbm>>) target_semaphore(%arg15 : memref<!tpu.dma_semaphore, #tpu.memory_space<semaphore_mem>>)
    %dma_wait3A_2283 = arith.constant 7 : i32
    %dma_wait3A_2284 = arith.constant 0 : i32
    %dma_wait3A_2285 = tpu.memref_slice %arg6[%dma_wait3A_2283, %add3A_2179, %dma_wait3A_2284] : memref<8x2048x2048xf32, #tpu.memory_space<hbm>> -> memref<1x16x2048xf32, #tpu.memory_space<hbm>>
    %dma_wait3A_2286 = tpu.memref_squeeze %dma_wait3A_2285 : memref<1x16x2048xf32, #tpu.memory_space<hbm>> -> memref<16x2048xf32, #tpu.memory_space<hbm>>
    %dma_wait3A_2287 = arith.constant 0 : i32
    %dma_wait3A_2288 = tpu.memref_slice %arg6[%dma_wait3A_2283, %add3A_2179, %dma_wait3A_2287] : memref<8x2048x2048xf32, #tpu.memory_space<hbm>> -> memref<1x16x2048xf32, #tpu.memory_space<hbm>>
    %dma_wait3A_2289 = tpu.memref_squeeze %dma_wait3A_2288 : memref<1x16x2048xf32, #tpu.memory_space<hbm>> -> memref<16x2048xf32, #tpu.memory_space<hbm>>
    tpu.wait_dma2 semaphore(%arg14 : memref<!tpu.dma_semaphore, #tpu.memory_space<semaphore_mem>>) src(%arg7 : memref<16x2048xf32, #tpu.memory_space<vmem>>) dst(%dma_wait3A_2289 : memref<16x2048xf32, #tpu.memory_space<hbm>>)
    %dma_wait3A_2290 = arith.constant 7 : i32
    %dma_wait3A_2291 = arith.constant 0 : i32
    %dma_wait3A_2292 = tpu.memref_slice %arg6[%dma_wait3A_2290, %add3A_2235, %dma_wait3A_2291] : memref<8x2048x2048xf32, #tpu.memory_space<hbm>> -> memref<1x16x2048xf32, #tpu.memory_space<hbm>>
    %dma_wait3A_2293 = tpu.memref_squeeze %dma_wait3A_2292 : memref<1x16x2048xf32, #tpu.memory_space<hbm>> -> memref<16x2048xf32, #tpu.memory_space<hbm>>
    %dma_wait3A_2294 = arith.constant 0 : i32
    %dma_wait3A_2295 = tpu.memref_slice %arg6[%dma_wait3A_2290, %add3A_2235, %dma_wait3A_2294] : memref<8x2048x2048xf32, #tpu.memory_space<hbm>> -> memref<1x16x2048xf32, #tpu.memory_space<hbm>>
    %dma_wait3A_2296 = tpu.memref_squeeze %dma_wait3A_2295 : memref<1x16x2048xf32, #tpu.memory_space<hbm>> -> memref<16x2048xf32, #tpu.memory_space<hbm>>
    tpu.wait_dma2 semaphore(%arg15 : memref<!tpu.dma_semaphore, #tpu.memory_space<semaphore_mem>>) src(%arg8 : memref<16x2048xf32, #tpu.memory_space<vmem>>) dst(%dma_wait3A_2296 : memref<16x2048xf32, #tpu.memory_space<hbm>>)
    return
  }
}

</mosaic_0001>

<sc_bundles>
// kernel: kernel.3.cloned.1.call-start
scs
__scs_entry_jumppad:
0x0: {  	(pc) =	sbr.rel $0x88, $3  }
0x1: {  	(tag) =	ssettag $0x0;
	lr =	simm.s32 $0x1  }
0x2: {  	[smem:$0x3F9D] =	sst lr;
	_ =	strace $0xD0000000  }
0x3: {  	_ = 	snop  }
0x4: {  	_ = 	snop  }
0x5: {  	_ = 	snop  }
0x6: {  	_ = 	snop  }
0x7: {  	_ = 	snop  }
__scs_overlays_trampoline_lowered:
0x8: {  	[smem:$0x3FAC] =	sst s0  }
0x9: {  	[smem:$0x3FAD] =	sst s1  }
0xa: {  	[smem:$0x3FAE] =	sst s2  }
0xb: {  	[smem:$0x3FAF] =	sst s3  }
0xc: {  	[smem:$0x3FB0] =	sst s4  }
0xd: {  	[smem:$0x3FB1] =	sst s5  }
0xe: {  	[smem:$0x3FB2] =	sst s6  }
0xf: {  	[smem:$0x3FB3] =	sst s7  }
0x10: {  	[smem:$0x3FB4] =	sst s8  }
0x11: {  	[smem:$0x3FB5] =	sst s9;
	s0 =	simm.s32 @!p0 $0x0  }
0x12: {  	s1 =	sld [smem:$0x3F9B];
	s0 =	simm.s32 @p0 $0x1  }
0x13: {  	[smem:$0x3FB6] =	sst s0;
	s0 =	simm.s32 @!p1 $0x0  }
0x14: {  	s2 =	sld [smem:$0x3F9A];
	s0 =	simm.s32 @p1 $0x1  }
0x15: {  	[smem:$0x3FB7] =	sst s0;
	s0 =	simm.s32 @!p2 $0x0  }
0x16: {  	s3 =	sld [smem:$0x3FDB];
	s0 =	simm.s32 @p2 $0x1  }
0x17: {  	s4 =	simm.s32 $0x1BF5;
	[smem:$0x3FB9] =	sst s0  }
0x18: {  	s0 =	sld [smem:$0x3F9C];
	_ =	swait.ge [sflag:s4], $0x0  }
0x19: {  	s7 =	sld [smem:$0x3F9D]  }
0x1a: {  	s8 =	sadd.s32 $0xFFFFE003, lr  }
0x1b: {  	s9 =	sadd.s32 $0xFFFFFEF7, lr;
	s5 =	simm.s32 $0xFFFFFFFF;
	p2 =	slt.u32 s8, $0xFFFFF086  }
0x1c: {  	p1 =	slt.u32 s9, $0xF7A;
	s5 =	simm.s32 @!p2 $0x0  }
0x1d: {  	s5 =	simm.s32 @p1 $0x1;
	p0 =	seq.s32 s7, s2  }
0x1e: {  	s7 =	smul.u32 @!p0 $0xF7A, s2;
	p2 =	seq.s32 @!p0 s5, $0x0  }
0x1f: {  	s9 =	smul.u32 $0xF7A, s1;
	s8 =	simm.s32 @!p0 $0x1BF5;
	p2 =	por !p2, p0  }
0x20: {  	[sflag:s8] =	ssyncset.s32 @!p0 $0xFFFFF086;
	s6 =	sadd.s32 @!p0 s3, s7;
	s7 =	simm.s32 @!p0 $0x108  }
0x21: {  	s3 =	sadd.s32 s3, s9;
	s6 =	sadd.s32 @!p0 $0x88, s6;
	s7 =	simm.s32 @p2 $0x1082  }
0x22: {  	[simem:s7], [sflag:s8] =	dma.local @!p0 [hbm:s6], $0xF7A  }
0x23: {  	s9 =	sor.u32 $0xD0000000, s2;
	s6 =	simm.s32 $0x108;
	_ =	swait.ge @!p0 [sflag:s8], $0x0  }
0x24: {  	s3 =	sadd.s32 $0x88, s3;
	s6 =	simm.s32 @!p1 $0x1082;
	[sflag:s4] =	ssyncset.s32 $0xFFFFF086  }
0x25: {  	[simem:s6], [sflag:s4] =	dma.local [hbm:s3], $0xF7A  }
0x26: {  	[smem:$0x3F9D] =	sst s1;
	(tag) =	ssettag s2;
	_ =	strace s9  }
0x27: {  	s1 =	sld [smem:$0x3FAD]  }
0x28: {  	s2 =	sld [smem:$0x3FAE]  }
0x29: {  	s4 =	sld [smem:$0x3FB0]  }
0x2a: {  	p0 =	seq.s32 s5, $0x0;
	s5 =	sld [smem:$0x3FB1]  }
0x2b: {  	s6 =	sld [smem:$0x3FB2]  }
0x2c: {  	s7 =	sld [smem:$0x3FB3]  }
0x2d: {  	s3 =	simm.s32 $0x108;
	s8 =	sld [smem:$0x3FB4]  }
0x2e: {  	s3 =	simm.s32 @!p0 $0x1082;
	s9 =	sld [smem:$0x3FB5]  }
0x2f: {  	lr =	sadd.s32 s0, s3;
	s0 =	sld [smem:$0x3FAC]  }
0x30: {  	s3 =	sld [smem:$0x3FAF]  }
0x31: {  	[smem:$0x3FB8] =	sst s10  }
0x32: {  	s10 =	sld [smem:$0x3FB6];
	_ =	sdelay $0x3  }
0x33: {  	p0 =	seq.s32 s10, $0x1;
	s10 =	sld [smem:$0x3FB8];
	_ =	sdelay $0x3  }
0x34: {  	[smem:$0x3FB8] =	sst s10  }
0x35: {  	s10 =	sld [smem:$0x3FB7];
	_ =	sdelay $0x3  }
0x36: {  	p1 =	seq.s32 s10, $0x1;
	s10 =	sld [smem:$0x3FB8];
	_ =	sdelay $0x3  }
0x37: {  	[smem:$0x3FB8] =	sst s10  }
0x38: {  	s10 =	sld [smem:$0x3FB9]  }
0x39: {  	_ = 	snop;
	(pc) =	sbr.ind lr, $3  }
0x3a: {  	_ = 	snop  }
0x3b: {  	_ = 	snop  }
0x3c: {  	p2 =	seq.s32 s10, $0x1;
	s10 =	sld [smem:$0x3FB8]  }
0x3d: {  	_ =	shalt  }
0x3e: {  	_ =	shalt  }
0x3f: {  	_ =	shalt  }
0x40: {  	_ =	shalt  }
0x41: {  	_ =	shalt  }
0x42: {  	_ =	shalt  }
0x43: {  	_ =	shalt  }
0x44: {  	_ =	shalt  }
0x45: {  	_ =	shalt  }
0x46: {  	_ =	shalt  }
0x47: {  	_ =	shalt  }
0x48: {  	_ =	shalt  }
0x49: {  	_ =	shalt  }
0x4a: {  	_ =	shalt  }
0x4b: {  	_ =	shalt  }
0x4c: {  	_ =	shalt  }
0x4d: {  	_ =	shalt  }
0x4e: {  	_ =	shalt  }
0x4f: {  	_ =	shalt  }
0x50: {  	_ =	shalt  }
0x51: {  	_ =	shalt  }
0x52: {  	_ =	shalt  }
0x53: {  	_ =	shalt  }
0x54: {  	_ =	shalt  }
0x55: {  	_ =	shalt  }
0x56: {  	_ =	shalt  }
0x57: {  	_ =	shalt  }
0x58: {  	_ =	shalt  }
0x59: {  	_ =	shalt  }
0x5a: {  	_ =	shalt  }
0x5b: {  	_ =	shalt  }
0x5c: {  	_ =	shalt  }
0x5d: {  	_ =	shalt  }
0x5e: {  	_ =	shalt  }
0x5f: {  	_ =	shalt  }
0x60: {  	_ =	shalt  }
0x61: {  	_ =	shalt  }
0x62: {  	_ =	shalt  }
0x63: {  	_ =	shalt  }
0x64: {  	_ =	shalt  }
0x65: {  	_ =	shalt  }
0x66: {  	_ =	shalt  }
0x67: {  	_ =	shalt  }
0x68: {  	_ =	shalt  }
0x69: {  	_ =	shalt  }
0x6a: {  	_ =	shalt  }
0x6b: {  	_ =	shalt  }
0x6c: {  	_ =	shalt  }
0x6d: {  	_ =	shalt  }
0x6e: {  	_ =	shalt  }
0x6f: {  	_ =	shalt  }
0x70: {  	_ =	shalt  }
0x71: {  	_ =	shalt  }
0x72: {  	_ =	shalt  }
0x73: {  	_ =	shalt  }
0x74: {  	_ =	shalt  }
0x75: {  	_ =	shalt  }
0x76: {  	_ =	shalt  }
0x77: {  	_ =	shalt  }
0x78: {  	_ =	shalt  }
0x79: {  	_ =	shalt  }
0x7a: {  	_ =	shalt  }
0x7b: {  	_ =	shalt  }
0x7c: {  	_ =	shalt  }
0x7d: {  	_ =	shalt  }
0x7e: {  	_ =	shalt  }
0x7f: {  	_ =	shalt  }
0x80: {  	_ =	shalt  }
0x81: {  	_ =	shalt  }
0x82: {  	_ =	shalt  }
0x83: {  	_ =	shalt  }
0x84: {  	_ =	shalt  }
0x85: {  	_ =	shalt  }
0x86: {  	_ =	shalt  }
0x87: {  	_ =	shalt  }
.Lfunc_end0:
.L_simem_size_0:
called_computation.1_lowered:
.L_overlay_start_0:
0x88: {  	s2 =	sld [smem:$0x3FD9]  }
0x89: {  	s3 =	sld [smem:$0x3FFE];
	_ =	sdelay $0x1  }
0x8a: {  	s1 =	srdreg.scid  }
0x8b: {  	s0 =	sand.u32 $0x1, s1  }
0x8c: {  	s17 =	sshll.u32 s0, $0xA;
	s2 =	sadd.s32 s3, s2  }
0x8d: {  	s2 =	sadd.s32 s2, s17  }
0x8e: {  	[smem:$0x3FC4] =	sst s2  }
0x8f: {  	_ = 	snop  }
0x90: {  	s2 =	sld [smem:$0x3FC7]  }
0x91: {  	s18 =	sld [smem:$0x3FC6]  }
0x92: {  	s4 =	sld [smem:$0x3FD0];
	(tm) =	ssettm $0x1  }
0x93: {  	s5 =	sld [smem:$0x3FFB];
	_ =	sdelay $0x3  }
0x94: {  	_ =	strace s5  }
0x95: {  	s5 =	sld [smem:$0x3FFC];
	_ =	sdelay $0x3  }
0x96: {  	_ =	strace s5  }
0x97: {  	s5 =	sld [smem:$0x3FFD];
	_ =	sdelay $0x3  }
0x98: {  	_ =	strace s5  }
0x99: {  	_ =	strace $0x8FFFFFFF  }
0x9a: {  	s19 =	sld [smem:$0x3FDB];
	_ =	sdelay $0x1  }
0x9b: {  	s6 =	simm.s32 $_scs_section_size  }
0x9c: {  	s7 =	simm.s32 $_size__tile_overlayer_lowered;
	s8 =	simm.s32 $_tile_overlayer_lowered  }
0x9d: {  	s22 =	simm.s32 $0x1BFF;
	s21 =	sshll.u32 s8, $0x1;
	s5 =	sadd.s32 s6, s19  }
0x9e: {  	s9 =	simm.s32 $0x0;
	s20 =	sshll.u32 s7, $0x1;
	s7 =	sadd.s32 s21, s5  }
0x9f: {  	[timem:s9], [sflag:s22] =	dma.local [hbm:s7], s20  }
0xa0: {  	_ =	swait.ge [sflag:s22], s20  }
0xa1: {  	s6 =	ssub.s32 $0x0, s20;
	[sflag:s22] =	ssyncset.done $0x0  }
0xa2: {  	[sflag:s22] =	ssyncadd.s32 s6;
	_ =	sdelay $0x1  }
0xa3: {  	s23 =	simm.s32 $0x1B8B  }
0xa4: {  	_ =	swait.ge [sflag:s23], $0x1  }
0xa5: {  	[sflag:s23] =	ssyncset.done $0x0  }
0xa6: {  	s25 =	simm.s32 $0x1B8E;
	s24 =	sld [smem:$0x3FFE];
	[sflag:s23] =	ssyncadd.s32 $0xFFFFFFFF  }
0xa7: {  	s26 =	simm.s32 $execute0_lowered;
	[smem:$0x3FD2] =	sst s25  }
0xa8: {  	s7 =	sshll.u32 s26, $0x1;
	_ =	strace $0x80000049;
	[dreg:$0x1] =	wrdreg $0xFFFFFFFF  }
0xa9: {  	s28 =	simm.s32 $_size_execute0_lowered;
	s5 =	sadd.s32 s5, s7;
	[dreg:$0x0] =	wrdreg $0x0  }
0xaa: {  	s7 =	sshll.u32 s28, $0x1;
	[dreg:$0x2] =	wrdreg s5  }
0xab: {  	[dreg:$0x3] =	wrdreg s7  }
0xac: {  	[dreg:$0x4] =	wrdreg $0xC0  }
0xad: {  	_ =	task [dreg:s9], $0x5FFFF  }
0xae: {  	[dreg:$0x1] =	wrdreg $0xFFFFFFFF  }
0xaf: {  	[dreg:$0x0] =	wrdreg $0x60  }
0xb0: {  	[dreg:$0x2] =	wrdreg s4  }
0xb1: {  	[dreg:$0x3] =	wrdreg s24  }
0xb2: {  	[dreg:$0x4] =	wrdreg s2  }
0xb3: {  	[dreg:$0x5] =	wrdreg s18  }
0xb4: {  	[dreg:$0x6] =	wrdreg $0x9  }
0xb5: {  	_ =	task.clear_ibuf [dreg:s9], $0x7FFFF;
	_ =	strace $0x90000049  }
0xb6: {  	s29 =	simm.s32 $0x9;
	_ =	strace $0x8000004B  }
0xb7: {  	_ =	swait.ge [sflag:s29], $0x1  }
0xb8: {  	[sflag:s29] =	ssyncadd.s32 $0xFFFFFFFF  }
0xb9: {  	_ =	strace $0x9000004B  }
0xba: {  	_ =	sfence  }
0xbb: {  	s30 =	sld [smem:$0x0];
	_ =	sdelay $0x2  }
0xbc: {  	s31 =	sshll.u32 s1, $0xD;
	s1 =	sshrl.u32 s1, $0x2  }
0xbd: {  	s3 =	sand.u32 $0x4000, s31;
	s1 =	sadd.s32 s1, s30  }
0xbe: {  	s0 =	sor.u32 s3, s0;
	s1 =	sshll.u32 s1, $0x11  }
0xbf: {  	s0 =	sor.u32 s1, s0  }
0xc0: {  	s0 =	sadd.s32 $0x8F2B, s0  }
0xc1: {  	[sflag:s0] =	ssyncadd.remote.s32 $0x1  }
0xc2: {  	_ =	sfence.sel $0xFFFF  }
0xc3: {  	[dreg:$0x0] =	wrdreg $0xFFFFFFFF;
	(pc) =	sbr.abs _section_cstart, $3  }
0xc4: {  	[dreg:$0x1] =	wrdreg $0xFFFFFFFF  }
0xc5: {  	_ =	task.clear_ibuf [dreg:s9], $0x2FFFF;
	_ =	strace $0x9FFFFFFF  }
0xc6: {  	(tm) =	ssettm $0x7FFFFFFF  }
0xc7: {  	_ =	shalt  }
tec
execute0_lowered:
.L_overlay_start_1:
0x0: {  	(tag) =	ssettag $0x1  }
0x1: {  	s0 =	rddreg [dreg:$0x0]  }
0x2: {  	s4 =	rddreg [dreg:$0x1]  }
0x3: {  	s1 =	rddreg [dreg:$0x2]  }
0x4: {  	s12 =	rddreg [dreg:$0x3];
	s3 =	srdreg.scid;
	s2 =	simm.s32 $0x0  }
0x5: {  	s13 =	stileid.u32;
	[dreg:$0x6] =	wrdreg s1;
	s3 =	sand.u32 $0x1, s3  }
0x6: {  	[dreg:$0x7] =	wrdreg s12;
	s5 =	sshll.u32 s13, $0x7;
	s6 =	sshll.u32 s3, $0x6  }
0x7: {  	[smem:$0x7FF] =	sst s2;
	s7 =	sadd.s32 $0xA00, s4;
	s26 =	sor.u32 s6, s5  }
0x8: {  	s21 =	sadd.s32 $0xC00, s4;
	_ =	strace $0x8000004A;
	s12 =	sshll.u32 s26, $0x8  }
0x9: {  	[dreg:$0x5] =	wrdreg s7;
	s28 =	sor.u32 $0x10, s26;
	s14 =	sadd.s32 s0, s12  }
0xa: {  	s15 =	sshll.u32 s28, $0x8;
	s17 =	sadd.s32 s21, s12;
	[dreg:$0x8] =	wrdreg s14  }
0xb: {  	s16 =	sadd.s32 s0, s15;
	[dreg:$0xa] =	wrdreg s17  }
0xc: {  	s23 =	sor.u32 $0x80000, s12;
	s19 =	sadd.s32 s21, s15;
	[dreg:$0x9] =	wrdreg s16  }
0xd: {  	s24 =	sadd.s32 s0, s23;
	[dreg:$0xc] =	wrdreg s19  }
0xe: {  	s1 =	sor.u32 $0x80000, s15;
	s8 =	sadd.s32 s21, s23;
	[dreg:$0xf] =	wrdreg s24  }
0xf: {  	s7 =	sadd.s32 s0, s1;
	[dreg:$0x12] =	wrdreg s8  }
0x10: {  	s23 =	sor.u32 $0x100000, s15;
	s11 =	sadd.s32 s21, s1;
	[dreg:$0x11] =	wrdreg s7  }
0x11: {  	s30 =	sor.u32 $0x20, s26;
	s24 =	sadd.s32 s0, s23;
	[dreg:$0x14] =	wrdreg s11  }
0x12: {  	s16 =	sshll.u32 s30, $0x8;
	s8 =	sadd.s32 s21, s23;
	[dreg:$0x19] =	wrdreg s24  }
0x13: {  	s18 =	sadd.s32 s0, s16;
	[dreg:$0x1c] =	wrdreg s8  }
0x14: {  	s22 =	sadd.s32 s21, s16;
	s9 =	sor.u32 $0x80000, s16;
	[dreg:$0xb] =	wrdreg s18  }
0x15: {  	[dreg:$0xe] =	wrdreg s22;
	s10 =	sadd.s32 s0, s9  }
0x16: {  	s1 =	sor.u32 $0x100000, s16;
	s17 =	sadd.s32 s21, s9;
	[dreg:$0x13] =	wrdreg s10  }
0x17: {  	s7 =	sadd.s32 s0, s1;
	[dreg:$0x16] =	wrdreg s17  }
0x18: {  	s23 =	sor.u32 $0x180000, s16;
	s11 =	sadd.s32 s21, s1;
	[dreg:$0x1b] =	wrdreg s7  }
0x19: {  	s31 =	sor.u32 $0x30, s26;
	s24 =	sadd.s32 s0, s23;
	[dreg:$0x1e] =	wrdreg s11  }
0x1a: {  	s18 =	sshll.u32 s31, $0x8;
	s8 =	sadd.s32 s21, s23;
	[smem:$0x7EC] =	sst s24  }
0x1b: {  	s20 =	sadd.s32 s0, s18;
	[smem:$0x7EF] =	sst s8  }
0x1c: {  	s25 =	sadd.s32 s21, s18;
	s13 =	sor.u32 $0x80000, s18;
	[dreg:$0xd] =	wrdreg s20  }
0x1d: {  	s19 =	sor.u32 $0x100000, s12;
	[dreg:$0x10] =	wrdreg s25;
	s14 =	sadd.s32 s0, s13  }
0x1e: {  	s20 =	sadd.s32 s0, s19;
	[dreg:$0x15] =	wrdreg s14  }
0x1f: {  	s29 =	simm.s32 $0x1;
	s22 =	sadd.s32 s21, s13;
	[dreg:$0x17] =	wrdreg s20  }
0x20: {  	s9 =	sor.u32 $0x100000, s18;
	s25 =	sadd.s32 s21, s19;
	[dreg:$0x18] =	wrdreg s22  }
0x21: {  	s3 =	ssub.s32 $0x2, s3;
	s10 =	sadd.s32 s0, s9;
	[dreg:$0x1a] =	wrdreg s25  }
0x22: {  	s1 =	sor.u32 $0x180000, s18;
	s17 =	sadd.s32 s21, s9;
	[dreg:$0x1d] =	wrdreg s10  }
0x23: {  	v1 =	vmov s28;
	s28 =	simm.s32 $0x8000;
	s7 =	sadd.s32 s0, s1;
	[smem:$0x7E9] =	sst s17  }
0x24: {  	s23 =	sor.u32 $0x200000, s18;
	s11 =	sadd.s32 s21, s1;
	[smem:$0x7EE] =	sst s7  }
0x25: {  	v2 =	vmov s30;
	s30 =	simm.s32 $0x3;
	s24 =	sadd.s32 s0, s23;
	[smem:$0x7F1] =	sst s11  }
0x26: {  	s13 =	sor.u32 $0x180000, s12;
	s8 =	sadd.s32 s21, s23;
	[smem:$0x7F6] =	sst s24  }
0x27: {  	s19 =	sor.u32 $0x180000, s15;
	s14 =	sadd.s32 s0, s13;
	[smem:$0x7F9] =	sst s8  }
0x28: {  	v3 =	vmov s31;
	s31 =	simm.s32 $0x2;
	s20 =	sadd.s32 s0, s19;
	[dreg:$0x1f] =	wrdreg s14  }
0x29: {  	s9 =	sor.u32 $0x200000, s12;
	s22 =	sadd.s32 s21, s13;
	[smem:$0x7EA] =	sst s20  }
0x2a: {  	s1 =	sor.u32 $0x280000, s12;
	s25 =	sadd.s32 s21, s19;
	[smem:$0x7EB] =	sst s22  }
0x2b: {  	s23 =	sor.u32 $0x380000, s18;
	s10 =	sadd.s32 s0, s9;
	[smem:$0x7ED] =	sst s25  }
0x2c: {  	s13 =	sor.u32 $0x200000, s15;
	s17 =	sadd.s32 s21, s9;
	[smem:$0x7F0] =	sst s10  }
0x2d: {  	s19 =	sor.u32 $0x200000, s16;
	s7 =	sadd.s32 s0, s1;
	[smem:$0x7F3] =	sst s17  }
0x2e: {  	s9 =	sor.u32 $0x280000, s15;
	s14 =	sadd.s32 s0, s13;
	[smem:$0x7F8] =	sst s7  }
0x2f: {  	s8 =	sor.u32 $0x300000, s12;
	s20 =	sadd.s32 s0, s19;
	[smem:$0x7F2] =	sst s14  }
0x30: {  	s24 =	simm.s32 $0x5;
	s22 =	sadd.s32 s21, s13;
	[smem:$0x7F4] =	sst s20  }
0x31: {  	s25 =	sadd.s32 s21, s19;
	s10 =	sshrl.u32 s3, $0x1;
	[smem:$0x7F5] =	sst s22  }
0x32: {  	s11 =	sadd.s32 s0, s9;
	s13 =	sadd.s32 s21, s1;
	[smem:$0x7F7] =	sst s25  }
0x33: {  	s19 =	sadd.s32 s21, s9;
	s5 =	sadd.s32 s0, s8;
	[smem:$0x7FA] =	sst s11  }
0x34: {  	s8 =	sadd.s32 s21, s8;
	s14 =	sor.u32 $0x280000, s16;
	[smem:$0x7FB] =	sst s13  }
0x35: {  	s22 =	ssub.s32 s3, s10;
	s20 =	sor.u32 $0x280000, s18;
	[smem:$0x7FD] =	sst s19  }
0x36: {  	s10 =	sor.u32 $0x300000, s15;
	s13 =	sor.u32 $0x300000, s16;
	s19 =	sor.u32 $0x380000, s15  }
0x37: {  	s25 =	simm.s32 $0x10020;
	s17 =	sadd.s32 s0, s14;
	s3 =	sadd.s32 s0, s20  }
0x38: {  	s4 =	sadd.s32 s21, s14;
	s6 =	sadd.s32 s21, s20;
	s7 =	sadd.s32 s0, s10  }
0x39: {  	s9 =	sadd.s32 s0, s13;
	s14 =	sor.u32 $0x300000, s18;
	s10 =	sadd.s32 s21, s10  }
0x3a: {  	s20 =	sor.u32 $0x380000, s16;
	s16 =	sadd.s32 s0, s19;
	[smem:$0x7FC] =	sst s17  }
0x3b: {  	s11 =	sadd.s32 s0, s14;
	s17 =	sor.u32 $0x380000, s12;
	s12 =	sadd.s32 s21, s13  }
0x3c: {  	s14 =	sadd.s32 s21, s14;
	s18 =	sadd.s32 s0, s20;
	s20 =	sadd.s32 s21, s20  }
0x3d: {  	s13 =	sadd.s32 s0, s17;
	s15 =	sadd.s32 s21, s17;
	s17 =	sadd.s32 s21, s19  }
0x3e: {  	s19 =	sadd.s32 s0, s23;
	s21 =	sadd.s32 s21, s23;
	s23 =	sadd.s32 $0x40, s26  }
0x3f: {  	v0 =	vmov s26;
	s22 =	smax.u32 s22, $0x1;
	s26 =	simm.s32 $0x10040;
	s0 =	simm.s32 $0x4;
	v4 =	vmov s23  }
.LBB2_1:
0x40: {  	s1 =	rddreg [dreg:$0x6];
	s23 =	simm.s32 $0x10000  }
0x41: {  	[tilespmem:s23], [sflag:$0x5] =	stream.linear.gather [hbm4b:s1+s2], $0x20, $0x38;
	[tilespmem:$0x10140] =	vst v63  }
0x42: {  	_ =	swait.ge [sflag:s24], $0x20  }
0x43: {  	[sflag:s24] =	ssyncset.done $0x0  }
0x44: {  	s23 =	rddreg [dreg:$0x7];
	[sflag:s24] =	ssyncadd.s32 $0xFFFFFFE0  }
0x45: {  	[tilespmem:s25], [sflag:$0x5] =	stream.linear.gather [hbm4b:s23+s2], $0x20, $0x38;
	[tilespmem:$0x10140] =	vst v63  }
0x46: {  	_ =	swait.ge [sflag:s24], $0x20  }
0x47: {  	[sflag:s24] =	ssyncset.done $0x0  }
0x48: {  	s23 =	rddreg [dreg:$0x5];
	[sflag:s24] =	ssyncadd.s32 $0xFFFFFFE0  }
0x49: {  	[tilespmem:s26], [sflag:$0x5] =	stream.linear.gather [hbm4b:s23+s2], $0x100, $0x38;
	[tilespmem:$0x10140] =	vst v63  }
0x4a: {  	_ =	swait.ge [sflag:s24], $0x100  }
0x4b: {  	[sflag:s24] =	ssyncset.done $0x0  }
0x4c: {  	s1 =	rddreg [dreg:$0x8];
	[sflag:s24] =	ssyncadd.s32 $0xFFFFFF00  }
0x4d: {  	[tilespmem:s2], [sflag:$0x1] =	stream.linear.gather [hbm4b:s1+s2], $0x8000, $0x38;
	[tilespmem:$0x10140] =	vst v63  }
0x4e: {  	s23 =	rddreg [dreg:$0x9]  }
0x4f: {  	[tilespmem:s28], [sflag:$0x2] =	stream.linear.gather [hbm4b:s23+s2], $0x8000, $0x38;
	[tilespmem:$0x10140] =	vst v63  }
0x50: {  	_ =	swait.ge [sflag:s29], $0x8000  }
0x51: {  	[sflag:s29] =	ssyncset.done $0x0  }
0x52: {  	[sflag:s29] =	ssyncadd.s32 $0xFFFF8000  }
0x53: {  	v5 =	vld [tilespmem:$0x10000];
	_ =	sdelay $0x1  }
0x54: {  	v6 =	vld [tilespmem:$0x10020];
	_ =	sdelay $0x2  }
0x55: {  	vm0 =	vge.s32 v5, v0;
	vm1 =	vlt.s32 v5, v1;
	v5 =	vsub.s32 v5, v0  }
0x56: {  	vm0 =	vmand vm0, vm1;
	v5 =	vshll.u32 v5, $0xB  }
0x57: {  	v7 =	vand.u32 $0xFFFFFFF8, v6;
	v5 =	vnsel vm0, $0x0, v5  }
0x58: {  	v6 =	vand.u32 $0x7, v6;
	v5 =	vadd.s32 v7, v5  }
0x59: {  	v7 =	vld [tilespmem:$0x10040];
	v5 =	vor.u32 v6, v5;
	_ =	sdelay $0x4  }
0x5a: {  	[tilespmem:v5+s2+$0x0] =	vst.idx.add.f32.msk vm0, v7  }
0x5b: {  	v5 =	vld [tilespmem:$0x10010];
	_ =	sdelay $0x1  }
0x5c: {  	v6 =	vld [tilespmem:$0x10030];
	_ =	sdelay $0x2  }
0x5d: {  	vm10 =	vge.s32 v5, v0;
	vm11 =	vlt.s32 v5, v1;
	v5 =	vsub.s32 v5, v0  }
0x5e: {  	vm0 =	vmand vm10, vm11;
	v5 =	vshll.u32 v5, $0xB  }
0x5f: {  	v7 =	vand.u32 $0xFFFFFFF8, v6;
	v5 =	vnsel vm0, $0x0, v5  }
0x60: {  	v6 =	vand.u32 $0x7, v6;
	v5 =	vadd.s32 v7, v5  }
0x61: {  	v7 =	vld [tilespmem:$0x10050];
	v5 =	vor.u32 v6, v5;
	_ =	sdelay $0x4  }
0x62: {  	s23 =	rddreg [dreg:$0xa];
	[tilespmem:v5+s2+$0x0] =	vst.idx.add.f32.msk vm0, v7  }
0x63: {  	[hbm4b:s23+s2] =	stream.linear.scatter [tilespmem:s2], [sflag:$0x3], $0x8000, $0x38;
	[tilespmem:$0x10140] =	vst v63  }
0x64: {  	_ =	swait.ge [sflag:s30], $0x8000  }
0x65: {  	[sflag:s30] =	ssyncset.done $0x0  }
0x66: {  	s23 =	rddreg [dreg:$0xb];
	[sflag:s30] =	ssyncadd.s32 $0xFFFF8000  }
0x67: {  	[tilespmem:s2], [sflag:$0x1] =	stream.linear.gather [hbm4b:s23+s2], $0x8000, $0x38;
	[tilespmem:$0x10140] =	vst v63  }
0x68: {  	_ =	swait.ge [sflag:s31], $0x8000  }
0x69: {  	[sflag:s31] =	ssyncset.done $0x0  }
0x6a: {  	[sflag:s31] =	ssyncadd.s32 $0xFFFF8000  }
0x6b: {  	v5 =	vld [tilespmem:$0x10000];
	_ =	sdelay $0x1  }
0x6c: {  	v6 =	vld [tilespmem:$0x10020];
	_ =	sdelay $0x2  }
0x6d: {  	vm12 =	vge.s32 v5, v1;
	vm13 =	vlt.s32 v5, v2;
	v5 =	vsub.s32 v5, v1  }
0x6e: {  	vm0 =	vmand vm12, vm13;
	v5 =	vshll.u32 v5, $0xB  }
0x6f: {  	v7 =	vand.u32 $0xFFFFFFF8, v6;
	v5 =	vnsel vm0, $0x0, v5  }
0x70: {  	v6 =	vand.u32 $0x7, v6;
	v5 =	vadd.s32 v7, v5  }
0x71: {  	v7 =	vld [tilespmem:$0x10040];
	v5 =	vor.u32 v6, v5;
	_ =	sdelay $0x4  }
0x72: {  	[tilespmem:v5+s28+$0x0] =	vst.idx.add.f32.msk vm0, v7  }
0x73: {  	v5 =	vld [tilespmem:$0x10010];
	_ =	sdelay $0x1  }
0x74: {  	v6 =	vld [tilespmem:$0x10030];
	_ =	sdelay $0x2  }
0x75: {  	vm14 =	vge.s32 v5, v1;
	vm15 =	vlt.s32 v5, v2;
	v5 =	vsub.s32 v5, v1  }
0x76: {  	vm0 =	vmand vm14, vm15;
	v5 =	vshll.u32 v5, $0xB  }
0x77: {  	v7 =	vand.u32 $0xFFFFFFF8, v6;
	v5 =	vnsel vm0, $0x0, v5  }
0x78: {  	v6 =	vand.u32 $0x7, v6;
	v5 =	vadd.s32 v7, v5  }
0x79: {  	v7 =	vld [tilespmem:$0x10050];
	v5 =	vor.u32 v6, v5;
	_ =	sdelay $0x4  }
0x7a: {  	s23 =	rddreg [dreg:$0xc];
	[tilespmem:v5+s28+$0x0] =	vst.idx.add.f32.msk vm0, v7  }
0x7b: {  	[hbm4b:s23+s2] =	stream.linear.scatter [tilespmem:s28], [sflag:$0x4], $0x8000, $0x38;
	[tilespmem:$0x10140] =	vst v63  }
0x7c: {  	_ =	swait.ge [sflag:s0], $0x8000  }
0x7d: {  	[sflag:s0] =	ssyncset.done $0x0  }
0x7e: {  	s23 =	rddreg [dreg:$0xd];
	[sflag:s0] =	ssyncadd.s32 $0xFFFF8000  }
0x7f: {  	[tilespmem:s28], [sflag:$0x2] =	stream.linear.gather [hbm4b:s23+s2], $0x8000, $0x38;
	[tilespmem:$0x10140] =	vst v63  }
0x80: {  	_ =	swait.ge [sflag:s29], $0x8000  }
0x81: {  	[sflag:s29] =	ssyncset.done $0x0  }
0x82: {  	[sflag:s29] =	ssyncadd.s32 $0xFFFF8000  }
0x83: {  	v5 =	vld [tilespmem:$0x10000];
	_ =	sdelay $0x1  }
0x84: {  	v6 =	vld [tilespmem:$0x10020];
	_ =	sdelay $0x2  }
0x85: {  	vm4 =	vge.s32 v5, v2;
	vm5 =	vlt.s32 v5, v3;
	v5 =	vsub.s32 v5, v2  }
0x86: {  	vm0 =	vmand vm4, vm5;
	v5 =	vshll.u32 v5, $0xB  }
0x87: {  	v7 =	vand.u32 $0xFFFFFFF8, v6;
	v5 =	vnsel vm0, $0x0, v5  }
0x88: {  	v6 =	vand.u32 $0x7, v6;
	v5 =	vadd.s32 v7, v5  }
0x89: {  	v7 =	vld [tilespmem:$0x10040];
	v5 =	vor.u32 v6, v5;
	_ =	sdelay $0x4  }
0x8a: {  	[tilespmem:v5+s2+$0x0] =	vst.idx.add.f32.msk vm0, v7  }
0x8b: {  	v5 =	vld [tilespmem:$0x10010];
	_ =	sdelay $0x1  }
0x8c: {  	v6 =	vld [tilespmem:$0x10030];
	_ =	sdelay $0x2  }
0x8d: {  	vm6 =	vge.s32 v5, v2;
	vm7 =	vlt.s32 v5, v3;
	v5 =	vsub.s32 v5, v2  }
0x8e: {  	vm0 =	vmand vm6, vm7;
	v5 =	vshll.u32 v5, $0xB  }
0x8f: {  	v7 =	vand.u32 $0xFFFFFFF8, v6;
	v5 =	vnsel vm0, $0x0, v5  }
0x90: {  	v6 =	vand.u32 $0x7, v6;
	v5 =	vadd.s32 v7, v5  }
0x91: {  	v7 =	vld [tilespmem:$0x10050];
	v5 =	vor.u32 v6, v5;
	_ =	sdelay $0x4  }
0x92: {  	s23 =	rddreg [dreg:$0xe];
	[tilespmem:v5+s2+$0x0] =	vst.idx.add.f32.msk vm0, v7  }
0x93: {  	[hbm4b:s23+s2] =	stream.linear.scatter [tilespmem:s2], [sflag:$0x3], $0x8000, $0x38;
	[tilespmem:$0x10140] =	vst v63  }
0x94: {  	_ =	swait.ge [sflag:s30], $0x8000  }
0x95: {  	[sflag:s30] =	ssyncset.done $0x0  }
0x96: {  	s23 =	rddreg [dreg:$0xf];
	[sflag:s30] =	ssyncadd.s32 $0xFFFF8000  }
0x97: {  	[tilespmem:s2], [sflag:$0x1] =	stream.linear.gather [hbm4b:s23+s2], $0x8000, $0x38;
	[tilespmem:$0x10140] =	vst v63  }
0x98: {  	_ =	swait.ge [sflag:s31], $0x8000  }
0x99: {  	[sflag:s31] =	ssyncset.done $0x0  }
0x9a: {  	[sflag:s31] =	ssyncadd.s32 $0xFFFF8000  }
0x9b: {  	v5 =	vld [tilespmem:$0x10000];
	_ =	sdelay $0x1  }
0x9c: {  	v6 =	vld [tilespmem:$0x10020];
	_ =	sdelay $0x2  }
0x9d: {  	vm8 =	vge.s32 v5, v3;
	vm9 =	vlt.s32 v5, v4;
	v5 =	vsub.s32 v5, v3  }
0x9e: {  	vm0 =	vmand vm8, vm9;
	v5 =	vshll.u32 v5, $0xB  }
0x9f: {  	v7 =	vand.u32 $0xFFFFFFF8, v6;
	v5 =	vnsel vm0, $0x0, v5  }
0xa0: {  	v6 =	vand.u32 $0x7, v6;
	v5 =	vadd.s32 v7, v5  }
0xa1: {  	v7 =	vld [tilespmem:$0x10040];
	v5 =	vor.u32 v6, v5;
	_ =	sdelay $0x4  }
0xa2: {  	[tilespmem:v5+s28+$0x0] =	vst.idx.add.f32.msk vm0, v7  }
0xa3: {  	v5 =	vld [tilespmem:$0x10010];
	_ =	sdelay $0x1  }
0xa4: {  	v6 =	vld [tilespmem:$0x10030];
	_ =	sdelay $0x2  }
0xa5: {  	vm10 =	vge.s32 v5, v3;
	vm11 =	vlt.s32 v5, v4;
	v5 =	vsub.s32 v5, v3  }
0xa6: {  	vm0 =	vmand vm10, vm11;
	v5 =	vshll.u32 v5, $0xB  }
0xa7: {  	v7 =	vand.u32 $0xFFFFFFF8, v6;
	v5 =	vnsel vm0, $0x0, v5  }
0xa8: {  	v6 =	vand.u32 $0x7, v6;
	v5 =	vadd.s32 v7, v5  }
0xa9: {  	v7 =	vld [tilespmem:$0x10050];
	v5 =	vor.u32 v6, v5;
	_ =	sdelay $0x4  }
0xaa: {  	s23 =	rddreg [dreg:$0x10];
	[tilespmem:v5+s28+$0x0] =	vst.idx.add.f32.msk vm0, v7  }
0xab: {  	[hbm4b:s23+s2] =	stream.linear.scatter [tilespmem:s28], [sflag:$0x4], $0x8000, $0x38;
	[tilespmem:$0x10140] =	vst v63  }
0xac: {  	_ =	swait.ge [sflag:s0], $0x8000  }
0xad: {  	[sflag:s0] =	ssyncset.done $0x0  }
0xae: {  	s23 =	rddreg [dreg:$0x11];
	[sflag:s0] =	ssyncadd.s32 $0xFFFF8000  }
0xaf: {  	[tilespmem:s28], [sflag:$0x2] =	stream.linear.gather [hbm4b:s23+s2], $0x8000, $0x38;
	[tilespmem:$0x10140] =	vst v63  }
0xb0: {  	_ =	swait.ge [sflag:s29], $0x8000  }
0xb1: {  	[sflag:s29] =	ssyncset.done $0x0  }
0xb2: {  	[sflag:s29] =	ssyncadd.s32 $0xFFFF8000  }
0xb3: {  	v5 =	vld [tilespmem:$0x10000];
	_ =	sdelay $0x1  }
0xb4: {  	v6 =	vld [tilespmem:$0x10020];
	_ =	sdelay $0x2  }
0xb5: {  	vm12 =	vge.s32 v5, v0;
	vm13 =	vlt.s32 v5, v1;
	v5 =	vsub.s32 v5, v0  }
0xb6: {  	vm0 =	vmand vm12, vm13;
	v5 =	vshll.u32 v5, $0xB  }
0xb7: {  	v7 =	vand.u32 $0xFFFFFFF8, v6;
	v5 =	vnsel vm0, $0x0, v5  }
0xb8: {  	v6 =	vand.u32 $0x7, v6;
	v5 =	vadd.s32 v7, v5  }
0xb9: {  	v7 =	vld [tilespmem:$0x10060];
	v5 =	vor.u32 v6, v5;
	_ =	sdelay $0x4  }
0xba: {  	[tilespmem:v5+s2+$0x0] =	vst.idx.add.f32.msk vm0, v7  }
0xbb: {  	v5 =	vld [tilespmem:$0x10010];
	_ =	sdelay $0x1  }
0xbc: {  	v6 =	vld [tilespmem:$0x10030];
	_ =	sdelay $0x2  }
0xbd: {  	vm14 =	vge.s32 v5, v0;
	vm15 =	vlt.s32 v5, v1;
	v5 =	vsub.s32 v5, v0  }
0xbe: {  	vm0 =	vmand vm14, vm15;
	v5 =	vshll.u32 v5, $0xB  }
0xbf: {  	v7 =	vand.u32 $0xFFFFFFF8, v6;
	v5 =	vnsel vm0, $0x0, v5  }
0xc0: {  	v6 =	vand.u32 $0x7, v6;
	v5 =	vadd.s32 v7, v5  }
0xc1: {  	v7 =	vld [tilespmem:$0x10070];
	v5 =	vor.u32 v6, v5;
	_ =	sdelay $0x4  }
0xc2: {  	s23 =	rddreg [dreg:$0x12];
	[tilespmem:v5+s2+$0x0] =	vst.idx.add.f32.msk vm0, v7  }
0xc3: {  	[hbm4b:s23+s2] =	stream.linear.scatter [tilespmem:s2], [sflag:$0x3], $0x8000, $0x38;
	[tilespmem:$0x10140] =	vst v63  }
0xc4: {  	_ =	swait.ge [sflag:s30], $0x8000  }
0xc5: {  	[sflag:s30] =	ssyncset.done $0x0  }
0xc6: {  	s23 =	rddreg [dreg:$0x13];
	[sflag:s30] =	ssyncadd.s32 $0xFFFF8000  }
0xc7: {  	[tilespmem:s2], [sflag:$0x1] =	stream.linear.gather [hbm4b:s23+s2], $0x8000, $0x38;
	[tilespmem:$0x10140] =	vst v63  }
0xc8: {  	_ =	swait.ge [sflag:s31], $0x8000  }
0xc9: {  	[sflag:s31] =	ssyncset.done $0x0  }
0xca: {  	[sflag:s31] =	ssyncadd.s32 $0xFFFF8000  }
0xcb: {  	v5 =	vld [tilespmem:$0x10000];
	_ =	sdelay $0x1  }
0xcc: {  	v6 =	vld [tilespmem:$0x10020];
	_ =	sdelay $0x2  }
0xcd: {  	vm4 =	vge.s32 v5, v1;
	vm5 =	vlt.s32 v5, v2;
	v5 =	vsub.s32 v5, v1  }
0xce: {  	vm0 =	vmand vm4, vm5;
	v5 =	vshll.u32 v5, $0xB  }
0xcf: {  	v7 =	vand.u32 $0xFFFFFFF8, v6;
	v5 =	vnsel vm0, $0x0, v5  }
0xd0: {  	v6 =	vand.u32 $0x7, v6;
	v5 =	vadd.s32 v7, v5  }
0xd1: {  	v7 =	vld [tilespmem:$0x10060];
	v5 =	vor.u32 v6, v5;
	_ =	sdelay $0x4  }
0xd2: {  	[tilespmem:v5+s28+$0x0] =	vst.idx.add.f32.msk vm0, v7  }
0xd3: {  	v5 =	vld [tilespmem:$0x10010];
	_ =	sdelay $0x1  }
0xd4: {  	v6 =	vld [tilespmem:$0x10030];
	_ =	sdelay $0x2  }
0xd5: {  	vm6 =	vge.s32 v5, v1;
	vm7 =	vlt.s32 v5, v2;
	v5 =	vsub.s32 v5, v1  }
0xd6: {  	vm0 =	vmand vm6, vm7;
	v5 =	vshll.u32 v5, $0xB  }
0xd7: {  	v7 =	vand.u32 $0xFFFFFFF8, v6;
	v5 =	vnsel vm0, $0x0, v5  }
0xd8: {  	v6 =	vand.u32 $0x7, v6;
	v5 =	vadd.s32 v7, v5  }
0xd9: {  	v7 =	vld [tilespmem:$0x10070];
	v5 =	vor.u32 v6, v5;
	_ =	sdelay $0x4  }
0xda: {  	s23 =	rddreg [dreg:$0x14];
	[tilespmem:v5+s28+$0x0] =	vst.idx.add.f32.msk vm0, v7  }
0xdb: {  	[hbm4b:s23+s2] =	stream.linear.scatter [tilespmem:s28], [sflag:$0x4], $0x8000, $0x38;
	[tilespmem:$0x10140] =	vst v63  }
0xdc: {  	_ =	swait.ge [sflag:s0], $0x8000  }
0xdd: {  	[sflag:s0] =	ssyncset.done $0x0  }
0xde: {  	s23 =	rddreg [dreg:$0x15];
	[sflag:s0] =	ssyncadd.s32 $0xFFFF8000  }
0xdf: {  	[tilespmem:s28], [sflag:$0x2] =	stream.linear.gather [hbm4b:s23+s2], $0x8000, $0x38;
	[tilespmem:$0x10140] =	vst v63  }
0xe0: {  	_ =	swait.ge [sflag:s29], $0x8000  }
0xe1: {  	[sflag:s29] =	ssyncset.done $0x0  }
0xe2: {  	[sflag:s29] =	ssyncadd.s32 $0xFFFF8000  }
0xe3: {  	v5 =	vld [tilespmem:$0x10000];
	_ =	sdelay $0x1  }
0xe4: {  	v6 =	vld [tilespmem:$0x10020];
	_ =	sdelay $0x2  }
0xe5: {  	vm8 =	vge.s32 v5, v2;
	vm9 =	vlt.s32 v5, v3;
	v5 =	vsub.s32 v5, v2  }
0xe6: {  	vm0 =	vmand vm8, vm9;
	v5 =	vshll.u32 v5, $0xB  }
0xe7: {  	v7 =	vand.u32 $0xFFFFFFF8, v6;
	v5 =	vnsel vm0, $0x0, v5  }
0xe8: {  	v6 =	vand.u32 $0x7, v6;
	v5 =	vadd.s32 v7, v5  }
0xe9: {  	v7 =	vld [tilespmem:$0x10060];
	v5 =	vor.u32 v6, v5;
	_ =	sdelay $0x4  }
0xea: {  	[tilespmem:v5+s2+$0x0] =	vst.idx.add.f32.msk vm0, v7  }
0xeb: {  	v5 =	vld [tilespmem:$0x10010];
	_ =	sdelay $0x1  }
0xec: {  	v6 =	vld [tilespmem:$0x10030];
	_ =	sdelay $0x2  }
0xed: {  	vm10 =	vge.s32 v5, v2;
	vm11 =	vlt.s32 v5, v3;
	v5 =	vsub.s32 v5, v2  }
0xee: {  	vm0 =	vmand vm10, vm11;
	v5 =	vshll.u32 v5, $0xB  }
0xef: {  	v7 =	vand.u32 $0xFFFFFFF8, v6;
	v5 =	vnsel vm0, $0x0, v5  }
0xf0: {  	v6 =	vand.u32 $0x7, v6;
	v5 =	vadd.s32 v7, v5  }
0xf1: {  	v7 =	vld [tilespmem:$0x10070];
	v5 =	vor.u32 v6, v5;
	_ =	sdelay $0x4  }
0xf2: {  	s23 =	rddreg [dreg:$0x16];
	[tilespmem:v5+s2+$0x0] =	vst.idx.add.f32.msk vm0, v7  }
0xf3: {  	[hbm4b:s23+s2] =	stream.linear.scatter [tilespmem:s2], [sflag:$0x3], $0x8000, $0x38;
	[tilespmem:$0x10140] =	vst v63  }
0xf4: {  	_ =	swait.ge [sflag:s30], $0x8000  }
0xf5: {  	[sflag:s30] =	ssyncset.done $0x0  }
0xf6: {  	s23 =	rddreg [dreg:$0x17];
	[sflag:s30] =	ssyncadd.s32 $0xFFFF8000  }
0xf7: {  	[tilespmem:s2], [sflag:$0x1] =	stream.linear.gather [hbm4b:s23+s2], $0x8000, $0x38;
	[tilespmem:$0x10140] =	vst v63  }
0xf8: {  	_ =	swait.ge [sflag:s31], $0x8000  }
0xf9: {  	[sflag:s31] =	ssyncset.done $0x0  }
0xfa: {  	[sflag:s31] =	ssyncadd.s32 $0xFFFF8000  }
0xfb: {  	v5 =	vld [tilespmem:$0x10000];
	_ =	sdelay $0x1  }
0xfc: {  	v6 =	vld [tilespmem:$0x10020];
	_ =	sdelay $0x2  }
0xfd: {  	vm12 =	vge.s32 v5, v3;
	vm13 =	vlt.s32 v5, v4;
	v5 =	vsub.s32 v5, v3  }
0xfe: {  	vm0 =	vmand vm12, vm13;
	v5 =	vshll.u32 v5, $0xB  }
0xff: {  	v7 =	vand.u32 $0xFFFFFFF8, v6;
	v5 =	vnsel vm0, $0x0, v5  }
0x100: {  	v6 =	vand.u32 $0x7, v6;
	v5 =	vadd.s32 v7, v5  }
0x101: {  	v7 =	vld [tilespmem:$0x10060];
	v5 =	vor.u32 v6, v5;
	_ =	sdelay $0x4  }
0x102: {  	[tilespmem:v5+s28+$0x0] =	vst.idx.add.f32.msk vm0, v7  }
0x103: {  	v5 =	vld [tilespmem:$0x10010];
	_ =	sdelay $0x1  }
0x104: {  	v6 =	vld [tilespmem:$0x10030];
	_ =	sdelay $0x2  }
0x105: {  	vm14 =	vge.s32 v5, v3;
	vm15 =	vlt.s32 v5, v4;
	v5 =	vsub.s32 v5, v3  }
0x106: {  	vm0 =	vmand vm14, vm15;
	v5 =	vshll.u32 v5, $0xB  }
0x107: {  	v7 =	vand.u32 $0xFFFFFFF8, v6;
	v5 =	vnsel vm0, $0x0, v5  }
0x108: {  	v6 =	vand.u32 $0x7, v6;
	v5 =	vadd.s32 v7, v5  }
0x109: {  	v7 =	vld [tilespmem:$0x10070];
	v5 =	vor.u32 v6, v5;
	_ =	sdelay $0x4  }
0x10a: {  	s23 =	rddreg [dreg:$0x18];
	[tilespmem:v5+s28+$0x0] =	vst.idx.add.f32.msk vm0, v7  }
0x10b: {  	[hbm4b:s23+s2] =	stream.linear.scatter [tilespmem:s28], [sflag:$0x4], $0x8000, $0x38;
	[tilespmem:$0x10140] =	vst v63  }
0x10c: {  	_ =	swait.ge [sflag:s0], $0x8000  }
0x10d: {  	[sflag:s0] =	ssyncset.done $0x0  }
0x10e: {  	s23 =	rddreg [dreg:$0x19];
	[sflag:s0] =	ssyncadd.s32 $0xFFFF8000  }
0x10f: {  	[tilespmem:s28], [sflag:$0x2] =	stream.linear.gather [hbm4b:s23+s2], $0x8000, $0x38;
	[tilespmem:$0x10140] =	vst v63  }
0x110: {  	_ =	swait.ge [sflag:s29], $0x8000  }
0x111: {  	[sflag:s29] =	ssyncset.done $0x0  }
0x112: {  	[sflag:s29] =	ssyncadd.s32 $0xFFFF8000  }
0x113: {  	v5 =	vld [tilespmem:$0x10000];
	_ =	sdelay $0x1  }
0x114: {  	v6 =	vld [tilespmem:$0x10020];
	_ =	sdelay $0x2  }
0x115: {  	vm4 =	vge.s32 v5, v0;
	vm5 =	vlt.s32 v5, v1;
	v5 =	vsub.s32 v5, v0  }
0x116: {  	vm0 =	vmand vm4, vm5;
	v5 =	vshll.u32 v5, $0xB  }
0x117: {  	v7 =	vand.u32 $0xFFFFFFF8, v6;
	v5 =	vnsel vm0, $0x0, v5  }
0x118: {  	v6 =	vand.u32 $0x7, v6;
	v5 =	vadd.s32 v7, v5  }
0x119: {  	v7 =	vld [tilespmem:$0x10080];
	v5 =	vor.u32 v6, v5;
	_ =	sdelay $0x4  }
0x11a: {  	[tilespmem:v5+s2+$0x0] =	vst.idx.add.f32.msk vm0, v7  }
0x11b: {  	v5 =	vld [tilespmem:$0x10010];
	_ =	sdelay $0x1  }
0x11c: {  	v6 =	vld [tilespmem:$0x10030];
	_ =	sdelay $0x2  }
0x11d: {  	vm6 =	vge.s32 v5, v0;
	vm7 =	vlt.s32 v5, v1;
	v5 =	vsub.s32 v5, v0  }
0x11e: {  	vm0 =	vmand vm6, vm7;
	v5 =	vshll.u32 v5, $0xB  }
0x11f: {  	v7 =	vand.u32 $0xFFFFFFF8, v6;
	v5 =	vnsel vm0, $0x0, v5  }
0x120: {  	v6 =	vand.u32 $0x7, v6;
	v5 =	vadd.s32 v7, v5  }
0x121: {  	v7 =	vld [tilespmem:$0x10090];
	v5 =	vor.u32 v6, v5;
	_ =	sdelay $0x4  }
0x122: {  	s23 =	rddreg [dreg:$0x1a];
	[tilespmem:v5+s2+$0x0] =	vst.idx.add.f32.msk vm0, v7  }
0x123: {  	[hbm4b:s23+s2] =	stream.linear.scatter [tilespmem:s2], [sflag:$0x3], $0x8000, $0x38;
	[tilespmem:$0x10140] =	vst v63  }
0x124: {  	_ =	swait.ge [sflag:s30], $0x8000  }
0x125: {  	[sflag:s30] =	ssyncset.done $0x0  }
0x126: {  	s23 =	rddreg [dreg:$0x1b];
	[sflag:s30] =	ssyncadd.s32 $0xFFFF8000  }
0x127: {  	[tilespmem:s2], [sflag:$0x1] =	stream.linear.gather [hbm4b:s23+s2], $0x8000, $0x38;
	[tilespmem:$0x10140] =	vst v63  }
0x128: {  	_ =	swait.ge [sflag:s31], $0x8000  }
0x129: {  	[sflag:s31] =	ssyncset.done $0x0  }
0x12a: {  	[sflag:s31] =	ssyncadd.s32 $0xFFFF8000  }
0x12b: {  	v5 =	vld [tilespmem:$0x10000];
	_ =	sdelay $0x1  }
0x12c: {  	v6 =	vld [tilespmem:$0x10020];
	_ =	sdelay $0x2  }
0x12d: {  	vm8 =	vge.s32 v5, v1;
	vm9 =	vlt.s32 v5, v2;
	v5 =	vsub.s32 v5, v1  }
0x12e: {  	vm0 =	vmand vm8, vm9;
	v5 =	vshll.u32 v5, $0xB  }
0x12f: {  	v7 =	vand.u32 $0xFFFFFFF8, v6;
	v5 =	vnsel vm0, $0x0, v5  }
0x130: {  	v6 =	vand.u32 $0x7, v6;
	v5 =	vadd.s32 v7, v5  }
0x131: {  	v7 =	vld [tilespmem:$0x10080];
	v5 =	vor.u32 v6, v5;
	_ =	sdelay $0x4  }
0x132: {  	[tilespmem:v5+s28+$0x0] =	vst.idx.add.f32.msk vm0, v7  }
0x133: {  	v5 =	vld [tilespmem:$0x10010];
	_ =	sdelay $0x1  }
0x134: {  	v6 =	vld [tilespmem:$0x10030];
	_ =	sdelay $0x2  }
0x135: {  	vm10 =	vge.s32 v5, v1;
	vm11 =	vlt.s32 v5, v2;
	v5 =	vsub.s32 v5, v1  }
0x136: {  	vm0 =	vmand vm10, vm11;
	v5 =	vshll.u32 v5, $0xB  }
0x137: {  	v7 =	vand.u32 $0xFFFFFFF8, v6;
	v5 =	vnsel vm0, $0x0, v5  }
0x138: {  	v6 =	vand.u32 $0x7, v6;
	v5 =	vadd.s32 v7, v5  }
0x139: {  	v7 =	vld [tilespmem:$0x10090];
	v5 =	vor.u32 v6, v5;
	_ =	sdelay $0x4  }
0x13a: {  	s23 =	rddreg [dreg:$0x1c];
	[tilespmem:v5+s28+$0x0] =	vst.idx.add.f32.msk vm0, v7  }
0x13b: {  	[hbm4b:s23+s2] =	stream.linear.scatter [tilespmem:s28], [sflag:$0x4], $0x8000, $0x38;
	[tilespmem:$0x10140] =	vst v63  }
0x13c: {  	_ =	swait.ge [sflag:s0], $0x8000  }
0x13d: {  	[sflag:s0] =	ssyncset.done $0x0  }
0x13e: {  	s23 =	rddreg [dreg:$0x1d];
	[sflag:s0] =	ssyncadd.s32 $0xFFFF8000  }
0x13f: {  	[tilespmem:s28], [sflag:$0x2] =	stream.linear.gather [hbm4b:s23+s2], $0x8000, $0x38;
	[tilespmem:$0x10140] =	vst v63  }
0x140: {  	_ =	swait.ge [sflag:s29], $0x8000  }
0x141: {  	[sflag:s29] =	ssyncset.done $0x0  }
0x142: {  	[sflag:s29] =	ssyncadd.s32 $0xFFFF8000  }
0x143: {  	v5 =	vld [tilespmem:$0x10000];
	_ =	sdelay $0x1  }
0x144: {  	v6 =	vld [tilespmem:$0x10020];
	_ =	sdelay $0x2  }
0x145: {  	vm12 =	vge.s32 v5, v2;
	vm13 =	vlt.s32 v5, v3;
	v5 =	vsub.s32 v5, v2  }
0x146: {  	vm0 =	vmand vm12, vm13;
	v5 =	vshll.u32 v5, $0xB  }
0x147: {  	v7 =	vand.u32 $0xFFFFFFF8, v6;
	v5 =	vnsel vm0, $0x0, v5  }
0x148: {  	v6 =	vand.u32 $0x7, v6;
	v5 =	vadd.s32 v7, v5  }
0x149: {  	v7 =	vld [tilespmem:$0x10080];
	v5 =	vor.u32 v6, v5;
	_ =	sdelay $0x4  }
0x14a: {  	[tilespmem:v5+s2+$0x0] =	vst.idx.add.f32.msk vm0, v7  }
0x14b: {  	v5 =	vld [tilespmem:$0x10010];
	_ =	sdelay $0x1  }
0x14c: {  	v6 =	vld [tilespmem:$0x10030];
	_ =	sdelay $0x2  }
0x14d: {  	vm14 =	vge.s32 v5, v2;
	vm15 =	vlt.s32 v5, v3;
	v5 =	vsub.s32 v5, v2  }
0x14e: {  	vm0 =	vmand vm14, vm15;
	v5 =	vshll.u32 v5, $0xB  }
0x14f: {  	v7 =	vand.u32 $0xFFFFFFF8, v6;
	v5 =	vnsel vm0, $0x0, v5  }
0x150: {  	v6 =	vand.u32 $0x7, v6;
	v5 =	vadd.s32 v7, v5  }
0x151: {  	v7 =	vld [tilespmem:$0x10090];
	v5 =	vor.u32 v6, v5;
	_ =	sdelay $0x4  }
0x152: {  	s23 =	rddreg [dreg:$0x1e];
	[tilespmem:v5+s2+$0x0] =	vst.idx.add.f32.msk vm0, v7  }
0x153: {  	[hbm4b:s23+s2] =	stream.linear.scatter [tilespmem:s2], [sflag:$0x3], $0x8000, $0x38;
	[tilespmem:$0x10140] =	vst v63  }
0x154: {  	_ =	swait.ge [sflag:s30], $0x8000  }
0x155: {  	[sflag:s30] =	ssyncset.done $0x0  }
0x156: {  	s23 =	rddreg [dreg:$0x1f];
	[sflag:s30] =	ssyncadd.s32 $0xFFFF8000  }
0x157: {  	[tilespmem:s2], [sflag:$0x1] =	stream.linear.gather [hbm4b:s23+s2], $0x8000, $0x38;
	[tilespmem:$0x10140] =	vst v63  }
0x158: {  	_ =	swait.ge [sflag:s31], $0x8000  }
0x159: {  	[sflag:s31] =	ssyncset.done $0x0  }
0x15a: {  	[sflag:s31] =	ssyncadd.s32 $0xFFFF8000  }
0x15b: {  	v5 =	vld [tilespmem:$0x10000];
	_ =	sdelay $0x1  }
0x15c: {  	v6 =	vld [tilespmem:$0x10020];
	_ =	sdelay $0x2  }
0x15d: {  	vm4 =	vge.s32 v5, v3;
	vm5 =	vlt.s32 v5, v4;
	v5 =	vsub.s32 v5, v3  }
0x15e: {  	vm0 =	vmand vm4, vm5;
	v5 =	vshll.u32 v5, $0xB  }
0x15f: {  	v7 =	vand.u32 $0xFFFFFFF8, v6;
	v5 =	vnsel vm0, $0x0, v5  }
0x160: {  	v6 =	vand.u32 $0x7, v6;
	v5 =	vadd.s32 v7, v5  }
0x161: {  	v7 =	vld [tilespmem:$0x10080];
	v5 =	vor.u32 v6, v5;
	_ =	sdelay $0x4  }
0x162: {  	[tilespmem:v5+s28+$0x0] =	vst.idx.add.f32.msk vm0, v7  }
0x163: {  	v5 =	vld [tilespmem:$0x10010];
	_ =	sdelay $0x1  }
0x164: {  	v6 =	vld [tilespmem:$0x10030];
	_ =	sdelay $0x2  }
0x165: {  	vm6 =	vge.s32 v5, v3;
	vm7 =	vlt.s32 v5, v4;
	v5 =	vsub.s32 v5, v3  }
0x166: {  	vm0 =	vmand vm6, vm7;
	v5 =	vshll.u32 v5, $0xB  }
0x167: {  	v7 =	vand.u32 $0xFFFFFFF8, v6;
	v5 =	vnsel vm0, $0x0, v5  }
0x168: {  	v6 =	vand.u32 $0x7, v6;
	v5 =	vadd.s32 v7, v5  }
0x169: {  	v7 =	vld [tilespmem:$0x10090];
	v5 =	vor.u32 v6, v5;
	_ =	sdelay $0x2  }
0x16a: {  	s23 =	sld [smem:$0x7E9];
	_ =	sdelay $0x1  }
0x16b: {  	[tilespmem:v5+s28+$0x0] =	vst.idx.add.f32.msk vm0, v7  }
0x16c: {  	[hbm4b:s23+s2] =	stream.linear.scatter [tilespmem:s28], [sflag:$0x4], $0x8000, $0x38;
	[tilespmem:$0x10140] =	vst v63  }
0x16d: {  	_ =	swait.ge [sflag:s0], $0x8000  }
0x16e: {  	s23 =	sld [smem:$0x7EA]  }
0x16f: {  	[sflag:s0] =	ssyncset.done $0x0  }
0x170: {  	[sflag:s0] =	ssyncadd.s32 $0xFFFF8000  }
0x171: {  	[tilespmem:s28], [sflag:$0x2] =	stream.linear.gather [hbm4b:s23+s2], $0x8000, $0x38;
	[tilespmem:$0x10140] =	vst v63  }
0x172: {  	_ =	swait.ge [sflag:s29], $0x8000  }
0x173: {  	[sflag:s29] =	ssyncset.done $0x0  }
0x174: {  	[sflag:s29] =	ssyncadd.s32 $0xFFFF8000  }
0x175: {  	v5 =	vld [tilespmem:$0x10000];
	_ =	sdelay $0x1  }
0x176: {  	v6 =	vld [tilespmem:$0x10020];
	_ =	sdelay $0x2  }
0x177: {  	vm8 =	vge.s32 v5, v0;
	vm9 =	vlt.s32 v5, v1;
	v5 =	vsub.s32 v5, v0  }
0x178: {  	vm0 =	vmand vm8, vm9;
	v5 =	vshll.u32 v5, $0xB  }
0x179: {  	v7 =	vand.u32 $0xFFFFFFF8, v6;
	v5 =	vnsel vm0, $0x0, v5  }
0x17a: {  	v6 =	vand.u32 $0x7, v6;
	v5 =	vadd.s32 v7, v5  }
0x17b: {  	v7 =	vld [tilespmem:$0x100A0];
	v5 =	vor.u32 v6, v5;
	_ =	sdelay $0x4  }
0x17c: {  	[tilespmem:v5+s2+$0x0] =	vst.idx.add.f32.msk vm0, v7  }
0x17d: {  	v5 =	vld [tilespmem:$0x10010];
	_ =	sdelay $0x1  }
0x17e: {  	v6 =	vld [tilespmem:$0x10030];
	_ =	sdelay $0x2  }
0x17f: {  	vm10 =	vge.s32 v5, v0;
	vm11 =	vlt.s32 v5, v1;
	v5 =	vsub.s32 v5, v0  }
0x180: {  	vm0 =	vmand vm10, vm11;
	v5 =	vshll.u32 v5, $0xB  }
0x181: {  	v7 =	vand.u32 $0xFFFFFFF8, v6;
	v5 =	vnsel vm0, $0x0, v5  }
0x182: {  	v6 =	vand.u32 $0x7, v6;
	v5 =	vadd.s32 v7, v5  }
0x183: {  	v7 =	vld [tilespmem:$0x100B0];
	v5 =	vor.u32 v6, v5;
	_ =	sdelay $0x2  }
0x184: {  	s23 =	sld [smem:$0x7EB];
	_ =	sdelay $0x1  }
0x185: {  	[tilespmem:v5+s2+$0x0] =	vst.idx.add.f32.msk vm0, v7  }
0x186: {  	[hbm4b:s23+s2] =	stream.linear.scatter [tilespmem:s2], [sflag:$0x3], $0x8000, $0x38;
	[tilespmem:$0x10140] =	vst v63  }
0x187: {  	_ =	swait.ge [sflag:s30], $0x8000  }
0x188: {  	s23 =	sld [smem:$0x7EC]  }
0x189: {  	[sflag:s30] =	ssyncset.done $0x0  }
0x18a: {  	[sflag:s30] =	ssyncadd.s32 $0xFFFF8000  }
0x18b: {  	[tilespmem:s2], [sflag:$0x1] =	stream.linear.gather [hbm4b:s23+s2], $0x8000, $0x38;
	[tilespmem:$0x10140] =	vst v63  }
0x18c: {  	_ =	swait.ge [sflag:s31], $0x8000  }
0x18d: {  	[sflag:s31] =	ssyncset.done $0x0  }
0x18e: {  	[sflag:s31] =	ssyncadd.s32 $0xFFFF8000  }
0x18f: {  	v5 =	vld [tilespmem:$0x10000];
	_ =	sdelay $0x1  }
0x190: {  	v6 =	vld [tilespmem:$0x10020];
	_ =	sdelay $0x2  }
0x191: {  	vm12 =	vge.s32 v5, v1;
	vm13 =	vlt.s32 v5, v2;
	v5 =	vsub.s32 v5, v1  }
0x192: {  	vm0 =	vmand vm12, vm13;
	v5 =	vshll.u32 v5, $0xB  }
0x193: {  	v7 =	vand.u32 $0xFFFFFFF8, v6;
	v5 =	vnsel vm0, $0x0, v5  }
0x194: {  	v6 =	vand.u32 $0x7, v6;
	v5 =	vadd.s32 v7, v5  }
0x195: {  	v7 =	vld [tilespmem:$0x100A0];
	v5 =	vor.u32 v6, v5;
	_ =	sdelay $0x4  }
0x196: {  	[tilespmem:v5+s28+$0x0] =	vst.idx.add.f32.msk vm0, v7  }
0x197: {  	v5 =	vld [tilespmem:$0x10010];
	_ =	sdelay $0x1  }
0x198: {  	v6 =	vld [tilespmem:$0x10030];
	_ =	sdelay $0x2  }
0x199: {  	vm14 =	vge.s32 v5, v1;
	vm15 =	vlt.s32 v5, v2;
	v5 =	vsub.s32 v5, v1  }
0x19a: {  	vm0 =	vmand vm14, vm15;
	v5 =	vshll.u32 v5, $0xB  }
0x19b: {  	v7 =	vand.u32 $0xFFFFFFF8, v6;
	v5 =	vnsel vm0, $0x0, v5  }
0x19c: {  	v6 =	vand.u32 $0x7, v6;
	v5 =	vadd.s32 v7, v5  }
0x19d: {  	v7 =	vld [tilespmem:$0x100B0];
	v5 =	vor.u32 v6, v5;
	_ =	sdelay $0x2  }
0x19e: {  	s23 =	sld [smem:$0x7ED];
	_ =	sdelay $0x1  }
0x19f: {  	[tilespmem:v5+s28+$0x0] =	vst.idx.add.f32.msk vm0, v7  }
0x1a0: {  	[hbm4b:s23+s2] =	stream.linear.scatter [tilespmem:s28], [sflag:$0x4], $0x8000, $0x38;
	[tilespmem:$0x10140] =	vst v63  }
0x1a1: {  	_ =	swait.ge [sflag:s0], $0x8000  }
0x1a2: {  	s23 =	sld [smem:$0x7EE]  }
0x1a3: {  	[sflag:s0] =	ssyncset.done $0x0  }
0x1a4: {  	[sflag:s0] =	ssyncadd.s32 $0xFFFF8000  }
0x1a5: {  	[tilespmem:s28], [sflag:$0x2] =	stream.linear.gather [hbm4b:s23+s2], $0x8000, $0x38;
	[tilespmem:$0x10140] =	vst v63  }
0x1a6: {  	_ =	swait.ge [sflag:s29], $0x8000  }
0x1a7: {  	[sflag:s29] =	ssyncset.done $0x0  }
0x1a8: {  	[sflag:s29] =	ssyncadd.s32 $0xFFFF8000  }
0x1a9: {  	v5 =	vld [tilespmem:$0x10000];
	_ =	sdelay $0x1  }
0x1aa: {  	v6 =	vld [tilespmem:$0x10020];
	_ =	sdelay $0x2  }
0x1ab: {  	vm4 =	vge.s32 v5, v2;
	vm5 =	vlt.s32 v5, v3;
	v5 =	vsub.s32 v5, v2  }
0x1ac: {  	vm0 =	vmand vm4, vm5;
	v5 =	vshll.u32 v5, $0xB  }
0x1ad: {  	v7 =	vand.u32 $0xFFFFFFF8, v6;
	v5 =	vnsel vm0, $0x0, v5  }
0x1ae: {  	v6 =	vand.u32 $0x7, v6;
	v5 =	vadd.s32 v7, v5  }
0x1af: {  	v7 =	vld [tilespmem:$0x100A0];
	v5 =	vor.u32 v6, v5;
	_ =	sdelay $0x4  }
0x1b0: {  	[tilespmem:v5+s2+$0x0] =	vst.idx.add.f32.msk vm0, v7  }
0x1b1: {  	v5 =	vld [tilespmem:$0x10010];
	_ =	sdelay $0x1  }
0x1b2: {  	v6 =	vld [tilespmem:$0x10030];
	_ =	sdelay $0x2  }
0x1b3: {  	vm6 =	vge.s32 v5, v2;
	vm7 =	vlt.s32 v5, v3;
	v5 =	vsub.s32 v5, v2  }
0x1b4: {  	vm0 =	vmand vm6, vm7;
	v5 =	vshll.u32 v5, $0xB  }
0x1b5: {  	v7 =	vand.u32 $0xFFFFFFF8, v6;
	v5 =	vnsel vm0, $0x0, v5  }
0x1b6: {  	v6 =	vand.u32 $0x7, v6;
	v5 =	vadd.s32 v7, v5  }
0x1b7: {  	v7 =	vld [tilespmem:$0x100B0];
	v5 =	vor.u32 v6, v5;
	_ =	sdelay $0x2  }
0x1b8: {  	s23 =	sld [smem:$0x7EF];
	_ =	sdelay $0x1  }
0x1b9: {  	[tilespmem:v5+s2+$0x0] =	vst.idx.add.f32.msk vm0, v7  }
0x1ba: {  	[hbm4b:s23+s2] =	stream.linear.scatter [tilespmem:s2], [sflag:$0x3], $0x8000, $0x38;
	[tilespmem:$0x10140] =	vst v63  }
0x1bb: {  	_ =	swait.ge [sflag:s30], $0x8000  }
0x1bc: {  	s23 =	sld [smem:$0x7F0]  }
0x1bd: {  	[sflag:s30] =	ssyncset.done $0x0  }
0x1be: {  	[sflag:s30] =	ssyncadd.s32 $0xFFFF8000  }
0x1bf: {  	[tilespmem:s2], [sflag:$0x1] =	stream.linear.gather [hbm4b:s23+s2], $0x8000, $0x38;
	[tilespmem:$0x10140] =	vst v63  }
0x1c0: {  	_ =	swait.ge [sflag:s31], $0x8000  }
0x1c1: {  	[sflag:s31] =	ssyncset.done $0x0  }
0x1c2: {  	[sflag:s31] =	ssyncadd.s32 $0xFFFF8000  }
0x1c3: {  	v5 =	vld [tilespmem:$0x10000];
	_ =	sdelay $0x1  }
0x1c4: {  	v6 =	vld [tilespmem:$0x10020];
	_ =	sdelay $0x2  }
0x1c5: {  	vm8 =	vge.s32 v5, v3;
	vm9 =	vlt.s32 v5, v4;
	v5 =	vsub.s32 v5, v3  }
0x1c6: {  	vm0 =	vmand vm8, vm9;
	v5 =	vshll.u32 v5, $0xB  }
0x1c7: {  	v7 =	vand.u32 $0xFFFFFFF8, v6;
	v5 =	vnsel vm0, $0x0, v5  }
0x1c8: {  	v6 =	vand.u32 $0x7, v6;
	v5 =	vadd.s32 v7, v5  }
0x1c9: {  	v7 =	vld [tilespmem:$0x100A0];
	v5 =	vor.u32 v6, v5;
	_ =	sdelay $0x4  }
0x1ca: {  	[tilespmem:v5+s28+$0x0] =	vst.idx.add.f32.msk vm0, v7  }
0x1cb: {  	v5 =	vld [tilespmem:$0x10010];
	_ =	sdelay $0x1  }
0x1cc: {  	v6 =	vld [tilespmem:$0x10030];
	_ =	sdelay $0x2  }
0x1cd: {  	vm10 =	vge.s32 v5, v3;
	vm11 =	vlt.s32 v5, v4;
	v5 =	vsub.s32 v5, v3  }
0x1ce: {  	vm0 =	vmand vm10, vm11;
	v5 =	vshll.u32 v5, $0xB  }
0x1cf: {  	v7 =	vand.u32 $0xFFFFFFF8, v6;
	v5 =	vnsel vm0, $0x0, v5  }
0x1d0: {  	v6 =	vand.u32 $0x7, v6;
	v5 =	vadd.s32 v7, v5  }
0x1d1: {  	v7 =	vld [tilespmem:$0x100B0];
	v5 =	vor.u32 v6, v5;
	_ =	sdelay $0x2  }
0x1d2: {  	s23 =	sld [smem:$0x7F1];
	_ =	sdelay $0x1  }
0x1d3: {  	[tilespmem:v5+s28+$0x0] =	vst.idx.add.f32.msk vm0, v7  }
0x1d4: {  	[hbm4b:s23+s2] =	stream.linear.scatter [tilespmem:s28], [sflag:$0x4], $0x8000, $0x38;
	[tilespmem:$0x10140] =	vst v63  }
0x1d5: {  	_ =	swait.ge [sflag:s0], $0x8000  }
0x1d6: {  	s23 =	sld [smem:$0x7F2]  }
0x1d7: {  	[sflag:s0] =	ssyncset.done $0x0  }
0x1d8: {  	[sflag:s0] =	ssyncadd.s32 $0xFFFF8000  }
0x1d9: {  	[tilespmem:s28], [sflag:$0x2] =	stream.linear.gather [hbm4b:s23+s2], $0x8000, $0x38;
	[tilespmem:$0x10140] =	vst v63  }
0x1da: {  	_ =	swait.ge [sflag:s29], $0x8000  }
0x1db: {  	[sflag:s29] =	ssyncset.done $0x0  }
0x1dc: {  	[sflag:s29] =	ssyncadd.s32 $0xFFFF8000  }
0x1dd: {  	v5 =	vld [tilespmem:$0x10000];
	_ =	sdelay $0x1  }
0x1de: {  	v6 =	vld [tilespmem:$0x10020];
	_ =	sdelay $0x2  }
0x1df: {  	vm12 =	vge.s32 v5, v0;
	vm13 =	vlt.s32 v5, v1;
	v5 =	vsub.s32 v5, v0  }
0x1e0: {  	vm0 =	vmand vm12, vm13;
	v5 =	vshll.u32 v5, $0xB  }
0x1e1: {  	v7 =	vand.u32 $0xFFFFFFF8, v6;
	v5 =	vnsel vm0, $0x0, v5  }
0x1e2: {  	v6 =	vand.u32 $0x7, v6;
	v5 =	vadd.s32 v7, v5  }
0x1e3: {  	v7 =	vld [tilespmem:$0x100C0];
	v5 =	vor.u32 v6, v5;
	_ =	sdelay $0x4  }
0x1e4: {  	[tilespmem:v5+s2+$0x0] =	vst.idx.add.f32.msk vm0, v7  }
0x1e5: {  	v5 =	vld [tilespmem:$0x10010];
	_ =	sdelay $0x1  }
0x1e6: {  	v6 =	vld [tilespmem:$0x10030];
	_ =	sdelay $0x2  }
0x1e7: {  	vm14 =	vge.s32 v5, v0;
	vm15 =	vlt.s32 v5, v1;
	v5 =	vsub.s32 v5, v0  }
0x1e8: {  	vm0 =	vmand vm14, vm15;
	v5 =	vshll.u32 v5, $0xB  }
0x1e9: {  	v7 =	vand.u32 $0xFFFFFFF8, v6;
	v5 =	vnsel vm0, $0x0, v5  }
0x1ea: {  	v6 =	vand.u32 $0x7, v6;
	v5 =	vadd.s32 v7, v5  }
0x1eb: {  	v7 =	vld [tilespmem:$0x100D0];
	v5 =	vor.u32 v6, v5;
	_ =	sdelay $0x2  }
0x1ec: {  	s23 =	sld [smem:$0x7F3];
	_ =	sdelay $0x1  }
0x1ed: {  	[tilespmem:v5+s2+$0x0] =	vst.idx.add.f32.msk vm0, v7  }
0x1ee: {  	[hbm4b:s23+s2] =	stream.linear.scatter [tilespmem:s2], [sflag:$0x3], $0x8000, $0x38;
	[tilespmem:$0x10140] =	vst v63  }
0x1ef: {  	_ =	swait.ge [sflag:s30], $0x8000  }
0x1f0: {  	s23 =	sld [smem:$0x7F4]  }
0x1f1: {  	[sflag:s30] =	ssyncset.done $0x0  }
0x1f2: {  	[sflag:s30] =	ssyncadd.s32 $0xFFFF8000  }
0x1f3: {  	[tilespmem:s2], [sflag:$0x1] =	stream.linear.gather [hbm4b:s23+s2], $0x8000, $0x38;
	[tilespmem:$0x10140] =	vst v63  }
0x1f4: {  	_ =	swait.ge [sflag:s31], $0x8000  }
0x1f5: {  	[sflag:s31] =	ssyncset.done $0x0  }
0x1f6: {  	[sflag:s31] =	ssyncadd.s32 $0xFFFF8000  }
0x1f7: {  	v5 =	vld [tilespmem:$0x10000];
	_ =	sdelay $0x1  }
0x1f8: {  	v6 =	vld [tilespmem:$0x10020];
	_ =	sdelay $0x2  }
0x1f9: {  	vm4 =	vge.s32 v5, v1;
	vm5 =	vlt.s32 v5, v2;
	v5 =	vsub.s32 v5, v1  }
0x1fa: {  	vm0 =	vmand vm4, vm5;
	v5 =	vshll.u32 v5, $0xB  }
0x1fb: {  	v7 =	vand.u32 $0xFFFFFFF8, v6;
	v5 =	vnsel vm0, $0x0, v5  }
0x1fc: {  	v6 =	vand.u32 $0x7, v6;
	v5 =	vadd.s32 v7, v5  }
0x1fd: {  	v7 =	vld [tilespmem:$0x100C0];
	v5 =	vor.u32 v6, v5;
	_ =	sdelay $0x4  }
0x1fe: {  	[tilespmem:v5+s28+$0x0] =	vst.idx.add.f32.msk vm0, v7  }
0x1ff: {  	v5 =	vld [tilespmem:$0x10010];
	_ =	sdelay $0x1  }
0x200: {  	v6 =	vld [tilespmem:$0x10030];
	_ =	sdelay $0x2  }
0x201: {  	vm6 =	vge.s32 v5, v1;
	vm7 =	vlt.s32 v5, v2;
	v5 =	vsub.s32 v5, v1  }
0x202: {  	vm0 =	vmand vm6, vm7;
	v5 =	vshll.u32 v5, $0xB  }
0x203: {  	v7 =	vand.u32 $0xFFFFFFF8, v6;
	v5 =	vnsel vm0, $0x0, v5  }
0x204: {  	v6 =	vand.u32 $0x7, v6;
	v5 =	vadd.s32 v7, v5  }
0x205: {  	v7 =	vld [tilespmem:$0x100D0];
	v5 =	vor.u32 v6, v5;
	_ =	sdelay $0x2  }
0x206: {  	s23 =	sld [smem:$0x7F5];
	_ =	sdelay $0x1  }
0x207: {  	[tilespmem:v5+s28+$0x0] =	vst.idx.add.f32.msk vm0, v7  }
0x208: {  	[hbm4b:s23+s2] =	stream.linear.scatter [tilespmem:s28], [sflag:$0x4], $0x8000, $0x38;
	[tilespmem:$0x10140] =	vst v63  }
0x209: {  	_ =	swait.ge [sflag:s0], $0x8000  }
0x20a: {  	s23 =	sld [smem:$0x7F6]  }
0x20b: {  	[sflag:s0] =	ssyncset.done $0x0  }
0x20c: {  	[sflag:s0] =	ssyncadd.s32 $0xFFFF8000  }
0x20d: {  	[tilespmem:s28], [sflag:$0x2] =	stream.linear.gather [hbm4b:s23+s2], $0x8000, $0x38;
	[tilespmem:$0x10140] =	vst v63  }
0x20e: {  	_ =	swait.ge [sflag:s29], $0x8000  }
0x20f: {  	[sflag:s29] =	ssyncset.done $0x0  }
0x210: {  	[sflag:s29] =	ssyncadd.s32 $0xFFFF8000  }
0x211: {  	v5 =	vld [tilespmem:$0x10000];
	_ =	sdelay $0x1  }
0x212: {  	v6 =	vld [tilespmem:$0x10020];
	_ =	sdelay $0x2  }
0x213: {  	vm8 =	vge.s32 v5, v2;
	vm9 =	vlt.s32 v5, v3;
	v5 =	vsub.s32 v5, v2  }
0x214: {  	vm0 =	vmand vm8, vm9;
	v5 =	vshll.u32 v5, $0xB  }
0x215: {  	v7 =	vand.u32 $0xFFFFFFF8, v6;
	v5 =	vnsel vm0, $0x0, v5  }
0x216: {  	v6 =	vand.u32 $0x7, v6;
	v5 =	vadd.s32 v7, v5  }
0x217: {  	v7 =	vld [tilespmem:$0x100C0];
	v5 =	vor.u32 v6, v5;
	_ =	sdelay $0x4  }
0x218: {  	[tilespmem:v5+s2+$0x0] =	vst.idx.add.f32.msk vm0, v7  }
0x219: {  	v5 =	vld [tilespmem:$0x10010];
	_ =	sdelay $0x1  }
0x21a: {  	v6 =	vld [tilespmem:$0x10030];
	_ =	sdelay $0x2  }
0x21b: {  	vm10 =	vge.s32 v5, v2;
	vm11 =	vlt.s32 v5, v3;
	v5 =	vsub.s32 v5, v2  }
0x21c: {  	vm0 =	vmand vm10, vm11;
	v5 =	vshll.u32 v5, $0xB  }
0x21d: {  	v7 =	vand.u32 $0xFFFFFFF8, v6;
	v5 =	vnsel vm0, $0x0, v5  }
0x21e: {  	v6 =	vand.u32 $0x7, v6;
	v5 =	vadd.s32 v7, v5  }
0x21f: {  	v7 =	vld [tilespmem:$0x100D0];
	v5 =	vor.u32 v6, v5;
	_ =	sdelay $0x2  }
0x220: {  	s23 =	sld [smem:$0x7F7];
	_ =	sdelay $0x1  }
0x221: {  	[tilespmem:v5+s2+$0x0] =	vst.idx.add.f32.msk vm0, v7  }
0x222: {  	[hbm4b:s23+s2] =	stream.linear.scatter [tilespmem:s2], [sflag:$0x3], $0x8000, $0x38;
	[tilespmem:$0x10140] =	vst v63  }
0x223: {  	_ =	swait.ge [sflag:s30], $0x8000  }
0x224: {  	s23 =	sld [smem:$0x7F8]  }
0x225: {  	[sflag:s30] =	ssyncset.done $0x0  }
0x226: {  	[sflag:s30] =	ssyncadd.s32 $0xFFFF8000  }
0x227: {  	[tilespmem:s2], [sflag:$0x1] =	stream.linear.gather [hbm4b:s23+s2], $0x8000, $0x38;
	[tilespmem:$0x10140] =	vst v63  }
0x228: {  	_ =	swait.ge [sflag:s31], $0x8000  }
0x229: {  	[sflag:s31] =	ssyncset.done $0x0  }
0x22a: {  	[sflag:s31] =	ssyncadd.s32 $0xFFFF8000  }
0x22b: {  	v5 =	vld [tilespmem:$0x10000];
	_ =	sdelay $0x1  }
0x22c: {  	v6 =	vld [tilespmem:$0x10020];
	_ =	sdelay $0x2  }
0x22d: {  	vm12 =	vge.s32 v5, v3;
	vm13 =	vlt.s32 v5, v4;
	v5 =	vsub.s32 v5, v3  }
0x22e: {  	vm0 =	vmand vm12, vm13;
	v5 =	vshll.u32 v5, $0xB  }
0x22f: {  	v7 =	vand.u32 $0xFFFFFFF8, v6;
	v5 =	vnsel vm0, $0x0, v5  }
0x230: {  	v6 =	vand.u32 $0x7, v6;
	v5 =	vadd.s32 v7, v5  }
0x231: {  	v7 =	vld [tilespmem:$0x100C0];
	v5 =	vor.u32 v6, v5;
	_ =	sdelay $0x4  }
0x232: {  	[tilespmem:v5+s28+$0x0] =	vst.idx.add.f32.msk vm0, v7  }
0x233: {  	v5 =	vld [tilespmem:$0x10010];
	_ =	sdelay $0x1  }
0x234: {  	v6 =	vld [tilespmem:$0x10030];
	_ =	sdelay $0x2  }
0x235: {  	vm14 =	vge.s32 v5, v3;
	vm15 =	vlt.s32 v5, v4;
	v5 =	vsub.s32 v5, v3  }
0x236: {  	vm0 =	vmand vm14, vm15;
	v5 =	vshll.u32 v5, $0xB  }
0x237: {  	v7 =	vand.u32 $0xFFFFFFF8, v6;
	v5 =	vnsel vm0, $0x0, v5  }
0x238: {  	v6 =	vand.u32 $0x7, v6;
	v5 =	vadd.s32 v7, v5  }
0x239: {  	v7 =	vld [tilespmem:$0x100D0];
	v5 =	vor.u32 v6, v5;
	_ =	sdelay $0x2  }
0x23a: {  	s23 =	sld [smem:$0x7F9];
	_ =	sdelay $0x1  }
0x23b: {  	[tilespmem:v5+s28+$0x0] =	vst.idx.add.f32.msk vm0, v7  }
0x23c: {  	[hbm4b:s23+s2] =	stream.linear.scatter [tilespmem:s28], [sflag:$0x4], $0x8000, $0x38;
	[tilespmem:$0x10140] =	vst v63  }
0x23d: {  	_ =	swait.ge [sflag:s0], $0x8000  }
0x23e: {  	s23 =	sld [smem:$0x7FA]  }
0x23f: {  	[sflag:s0] =	ssyncset.done $0x0  }
0x240: {  	[sflag:s0] =	ssyncadd.s32 $0xFFFF8000  }
0x241: {  	[tilespmem:s28], [sflag:$0x2] =	stream.linear.gather [hbm4b:s23+s2], $0x8000, $0x38;
	[tilespmem:$0x10140] =	vst v63  }
0x242: {  	_ =	swait.ge [sflag:s29], $0x8000  }
0x243: {  	[sflag:s29] =	ssyncset.done $0x0  }
0x244: {  	[sflag:s29] =	ssyncadd.s32 $0xFFFF8000  }
0x245: {  	v5 =	vld [tilespmem:$0x10000];
	_ =	sdelay $0x1  }
0x246: {  	v6 =	vld [tilespmem:$0x10020];
	_ =	sdelay $0x2  }
0x247: {  	vm4 =	vge.s32 v5, v0;
	vm5 =	vlt.s32 v5, v1;
	v5 =	vsub.s32 v5, v0  }
0x248: {  	vm0 =	vmand vm4, vm5;
	v5 =	vshll.u32 v5, $0xB  }
0x249: {  	v7 =	vand.u32 $0xFFFFFFF8, v6;
	v5 =	vnsel vm0, $0x0, v5  }
0x24a: {  	v6 =	vand.u32 $0x7, v6;
	v5 =	vadd.s32 v7, v5  }
0x24b: {  	v7 =	vld [tilespmem:$0x100E0];
	v5 =	vor.u32 v6, v5;
	_ =	sdelay $0x4  }
0x24c: {  	[tilespmem:v5+s2+$0x0] =	vst.idx.add.f32.msk vm0, v7  }
0x24d: {  	v5 =	vld [tilespmem:$0x10010];
	_ =	sdelay $0x1  }
0x24e: {  	v6 =	vld [tilespmem:$0x10030];
	_ =	sdelay $0x2  }
0x24f: {  	vm6 =	vge.s32 v5, v0;
	vm7 =	vlt.s32 v5, v1;
	v5 =	vsub.s32 v5, v0  }
0x250: {  	vm0 =	vmand vm6, vm7;
	v5 =	vshll.u32 v5, $0xB  }
0x251: {  	v7 =	vand.u32 $0xFFFFFFF8, v6;
	v5 =	vnsel vm0, $0x0, v5  }
0x252: {  	v6 =	vand.u32 $0x7, v6;
	v5 =	vadd.s32 v7, v5  }
0x253: {  	v7 =	vld [tilespmem:$0x100F0];
	v5 =	vor.u32 v6, v5;
	_ =	sdelay $0x2  }
0x254: {  	s23 =	sld [smem:$0x7FB];
	_ =	sdelay $0x1  }
0x255: {  	[tilespmem:v5+s2+$0x0] =	vst.idx.add.f32.msk vm0, v7  }
0x256: {  	[hbm4b:s23+s2] =	stream.linear.scatter [tilespmem:s2], [sflag:$0x3], $0x8000, $0x38;
	[tilespmem:$0x10140] =	vst v63  }
0x257: {  	_ =	swait.ge [sflag:s30], $0x8000  }
0x258: {  	s23 =	sld [smem:$0x7FC]  }
0x259: {  	[sflag:s30] =	ssyncset.done $0x0  }
0x25a: {  	[sflag:s30] =	ssyncadd.s32 $0xFFFF8000  }
0x25b: {  	[tilespmem:s2], [sflag:$0x1] =	stream.linear.gather [hbm4b:s23+s2], $0x8000, $0x38;
	[tilespmem:$0x10140] =	vst v63  }
0x25c: {  	_ =	swait.ge [sflag:s31], $0x8000  }
0x25d: {  	[sflag:s31] =	ssyncset.done $0x0  }
0x25e: {  	[sflag:s31] =	ssyncadd.s32 $0xFFFF8000  }
0x25f: {  	v5 =	vld [tilespmem:$0x10000];
	_ =	sdelay $0x1  }
0x260: {  	v6 =	vld [tilespmem:$0x10020];
	_ =	sdelay $0x2  }
0x261: {  	vm8 =	vge.s32 v5, v1;
	vm9 =	vlt.s32 v5, v2;
	v5 =	vsub.s32 v5, v1  }
0x262: {  	vm0 =	vmand vm8, vm9;
	v5 =	vshll.u32 v5, $0xB  }
0x263: {  	v7 =	vand.u32 $0xFFFFFFF8, v6;
	v5 =	vnsel vm0, $0x0, v5  }
0x264: {  	v6 =	vand.u32 $0x7, v6;
	v5 =	vadd.s32 v7, v5  }
0x265: {  	v7 =	vld [tilespmem:$0x100E0];
	v5 =	vor.u32 v6, v5;
	_ =	sdelay $0x4  }
0x266: {  	[tilespmem:v5+s28+$0x0] =	vst.idx.add.f32.msk vm0, v7  }
0x267: {  	v5 =	vld [tilespmem:$0x10010];
	_ =	sdelay $0x1  }
0x268: {  	v6 =	vld [tilespmem:$0x10030];
	_ =	sdelay $0x2  }
0x269: {  	vm10 =	vge.s32 v5, v1;
	vm11 =	vlt.s32 v5, v2;
	v5 =	vsub.s32 v5, v1  }
0x26a: {  	vm0 =	vmand vm10, vm11;
	v5 =	vshll.u32 v5, $0xB  }
0x26b: {  	v7 =	vand.u32 $0xFFFFFFF8, v6;
	v5 =	vnsel vm0, $0x0, v5  }
0x26c: {  	v6 =	vand.u32 $0x7, v6;
	v5 =	vadd.s32 v7, v5  }
0x26d: {  	v7 =	vld [tilespmem:$0x100F0];
	v5 =	vor.u32 v6, v5;
	_ =	sdelay $0x2  }
0x26e: {  	s23 =	sld [smem:$0x7FD];
	_ =	sdelay $0x1  }
0x26f: {  	[tilespmem:v5+s28+$0x0] =	vst.idx.add.f32.msk vm0, v7  }
0x270: {  	[hbm4b:s23+s2] =	stream.linear.scatter [tilespmem:s28], [sflag:$0x4], $0x8000, $0x38;
	[tilespmem:$0x10140] =	vst v63  }
0x271: {  	_ =	swait.ge [sflag:s0], $0x8000  }
0x272: {  	[sflag:s0] =	ssyncset.done $0x0  }
0x273: {  	[sflag:s0] =	ssyncadd.s32 $0xFFFF8000  }
0x274: {  	[tilespmem:s28], [sflag:$0x2] =	stream.linear.gather [hbm4b:s3+s2], $0x8000, $0x38;
	[tilespmem:$0x10140] =	vst v63  }
0x275: {  	_ =	swait.ge [sflag:s29], $0x8000  }
0x276: {  	[sflag:s29] =	ssyncset.done $0x0  }
0x277: {  	[sflag:s29] =	ssyncadd.s32 $0xFFFF8000  }
0x278: {  	v5 =	vld [tilespmem:$0x10000];
	_ =	sdelay $0x1  }
0x279: {  	v6 =	vld [tilespmem:$0x10020];
	_ =	sdelay $0x2  }
0x27a: {  	vm12 =	vge.s32 v5, v2;
	vm13 =	vlt.s32 v5, v3;
	v5 =	vsub.s32 v5, v2  }
0x27b: {  	vm0 =	vmand vm12, vm13;
	v5 =	vshll.u32 v5, $0xB  }
0x27c: {  	v7 =	vand.u32 $0xFFFFFFF8, v6;
	v5 =	vnsel vm0, $0x0, v5  }
0x27d: {  	v6 =	vand.u32 $0x7, v6;
	v5 =	vadd.s32 v7, v5  }
0x27e: {  	v7 =	vld [tilespmem:$0x100E0];
	v5 =	vor.u32 v6, v5;
	_ =	sdelay $0x4  }
0x27f: {  	[tilespmem:v5+s2+$0x0] =	vst.idx.add.f32.msk vm0, v7  }
0x280: {  	v5 =	vld [tilespmem:$0x10010];
	_ =	sdelay $0x1  }
0x281: {  	v6 =	vld [tilespmem:$0x10030];
	_ =	sdelay $0x2  }
0x282: {  	vm14 =	vge.s32 v5, v2;
	vm15 =	vlt.s32 v5, v3;
	v5 =	vsub.s32 v5, v2  }
0x283: {  	vm0 =	vmand vm14, vm15;
	v5 =	vshll.u32 v5, $0xB  }
0x284: {  	v7 =	vand.u32 $0xFFFFFFF8, v6;
	v5 =	vnsel vm0, $0x0, v5  }
0x285: {  	v6 =	vand.u32 $0x7, v6;
	v5 =	vadd.s32 v7, v5  }
0x286: {  	v7 =	vld [tilespmem:$0x100F0];
	v5 =	vor.u32 v6, v5;
	_ =	sdelay $0x4  }
0x287: {  	[tilespmem:v5+s2+$0x0] =	vst.idx.add.f32.msk vm0, v7  }
0x288: {  	[hbm4b:s4+s2] =	stream.linear.scatter [tilespmem:s2], [sflag:$0x3], $0x8000, $0x38;
	[tilespmem:$0x10140] =	vst v63  }
0x289: {  	_ =	swait.ge [sflag:s30], $0x8000  }
0x28a: {  	[sflag:s30] =	ssyncset.done $0x0  }
0x28b: {  	[sflag:s30] =	ssyncadd.s32 $0xFFFF8000  }
0x28c: {  	[tilespmem:s2], [sflag:$0x1] =	stream.linear.gather [hbm4b:s5+s2], $0x8000, $0x38;
	[tilespmem:$0x10140] =	vst v63  }
0x28d: {  	_ =	swait.ge [sflag:s31], $0x8000  }
0x28e: {  	[sflag:s31] =	ssyncset.done $0x0  }
0x28f: {  	[sflag:s31] =	ssyncadd.s32 $0xFFFF8000  }
0x290: {  	v5 =	vld [tilespmem:$0x10000];
	_ =	sdelay $0x1  }
0x291: {  	v6 =	vld [tilespmem:$0x10020];
	_ =	sdelay $0x2  }
0x292: {  	vm4 =	vge.s32 v5, v3;
	vm5 =	vlt.s32 v5, v4;
	v5 =	vsub.s32 v5, v3  }
0x293: {  	vm0 =	vmand vm4, vm5;
	v5 =	vshll.u32 v5, $0xB  }
0x294: {  	v7 =	vand.u32 $0xFFFFFFF8, v6;
	v5 =	vnsel vm0, $0x0, v5  }
0x295: {  	v6 =	vand.u32 $0x7, v6;
	v5 =	vadd.s32 v7, v5  }
0x296: {  	v7 =	vld [tilespmem:$0x100E0];
	v5 =	vor.u32 v6, v5;
	_ =	sdelay $0x4  }
0x297: {  	[tilespmem:v5+s28+$0x0] =	vst.idx.add.f32.msk vm0, v7  }
0x298: {  	v5 =	vld [tilespmem:$0x10010];
	_ =	sdelay $0x1  }
0x299: {  	v6 =	vld [tilespmem:$0x10030];
	_ =	sdelay $0x2  }
0x29a: {  	vm6 =	vge.s32 v5, v3;
	vm7 =	vlt.s32 v5, v4;
	v5 =	vsub.s32 v5, v3  }
0x29b: {  	vm0 =	vmand vm6, vm7;
	v5 =	vshll.u32 v5, $0xB  }
0x29c: {  	v7 =	vand.u32 $0xFFFFFFF8, v6;
	v5 =	vnsel vm0, $0x0, v5  }
0x29d: {  	v6 =	vand.u32 $0x7, v6;
	v5 =	vadd.s32 v7, v5  }
0x29e: {  	v7 =	vld [tilespmem:$0x100F0];
	v5 =	vor.u32 v6, v5;
	_ =	sdelay $0x4  }
0x29f: {  	[tilespmem:v5+s28+$0x0] =	vst.idx.add.f32.msk vm0, v7  }
0x2a0: {  	[hbm4b:s6+s2] =	stream.linear.scatter [tilespmem:s28], [sflag:$0x4], $0x8000, $0x38;
	[tilespmem:$0x10140] =	vst v63  }
0x2a1: {  	_ =	swait.ge [sflag:s0], $0x8000  }
0x2a2: {  	[sflag:s0] =	ssyncset.done $0x0  }
0x2a3: {  	[sflag:s0] =	ssyncadd.s32 $0xFFFF8000  }
0x2a4: {  	[tilespmem:s28], [sflag:$0x2] =	stream.linear.gather [hbm4b:s7+s2], $0x8000, $0x38;
	[tilespmem:$0x10140] =	vst v63  }
0x2a5: {  	_ =	swait.ge [sflag:s29], $0x8000  }
0x2a6: {  	[sflag:s29] =	ssyncset.done $0x0  }
0x2a7: {  	[sflag:s29] =	ssyncadd.s32 $0xFFFF8000  }
0x2a8: {  	v5 =	vld [tilespmem:$0x10000];
	_ =	sdelay $0x1  }
0x2a9: {  	v6 =	vld [tilespmem:$0x10020];
	_ =	sdelay $0x2  }
0x2aa: {  	vm8 =	vge.s32 v5, v0;
	vm9 =	vlt.s32 v5, v1;
	v5 =	vsub.s32 v5, v0  }
0x2ab: {  	vm0 =	vmand vm8, vm9;
	v5 =	vshll.u32 v5, $0xB  }
0x2ac: {  	v7 =	vand.u32 $0xFFFFFFF8, v6;
	v5 =	vnsel vm0, $0x0, v5  }
0x2ad: {  	v6 =	vand.u32 $0x7, v6;
	v5 =	vadd.s32 v7, v5  }
0x2ae: {  	v7 =	vld [tilespmem:$0x10100];
	v5 =	vor.u32 v6, v5;
	_ =	sdelay $0x4  }
0x2af: {  	[tilespmem:v5+s2+$0x0] =	vst.idx.add.f32.msk vm0, v7  }
0x2b0: {  	v5 =	vld [tilespmem:$0x10010];
	_ =	sdelay $0x1  }
0x2b1: {  	v6 =	vld [tilespmem:$0x10030];
	_ =	sdelay $0x2  }
0x2b2: {  	vm10 =	vge.s32 v5, v0;
	vm11 =	vlt.s32 v5, v1;
	v5 =	vsub.s32 v5, v0  }
0x2b3: {  	vm0 =	vmand vm10, vm11;
	v5 =	vshll.u32 v5, $0xB  }
0x2b4: {  	v7 =	vand.u32 $0xFFFFFFF8, v6;
	v5 =	vnsel vm0, $0x0, v5  }
0x2b5: {  	v6 =	vand.u32 $0x7, v6;
	v5 =	vadd.s32 v7, v5  }
0x2b6: {  	v7 =	vld [tilespmem:$0x10110];
	v5 =	vor.u32 v6, v5;
	_ =	sdelay $0x4  }
0x2b7: {  	[tilespmem:v5+s2+$0x0] =	vst.idx.add.f32.msk vm0, v7  }
0x2b8: {  	[hbm4b:s8+s2] =	stream.linear.scatter [tilespmem:s2], [sflag:$0x3], $0x8000, $0x38;
	[tilespmem:$0x10140] =	vst v63  }
0x2b9: {  	_ =	swait.ge [sflag:s30], $0x8000  }
0x2ba: {  	[sflag:s30] =	ssyncset.done $0x0  }
0x2bb: {  	[sflag:s30] =	ssyncadd.s32 $0xFFFF8000  }
0x2bc: {  	[tilespmem:s2], [sflag:$0x1] =	stream.linear.gather [hbm4b:s9+s2], $0x8000, $0x38;
	[tilespmem:$0x10140] =	vst v63  }
0x2bd: {  	_ =	swait.ge [sflag:s31], $0x8000  }
0x2be: {  	[sflag:s31] =	ssyncset.done $0x0  }
0x2bf: {  	[sflag:s31] =	ssyncadd.s32 $0xFFFF8000  }
0x2c0: {  	v5 =	vld [tilespmem:$0x10000];
	_ =	sdelay $0x1  }
0x2c1: {  	v6 =	vld [tilespmem:$0x10020];
	_ =	sdelay $0x2  }
0x2c2: {  	vm12 =	vge.s32 v5, v1;
	vm13 =	vlt.s32 v5, v2;
	v5 =	vsub.s32 v5, v1  }
0x2c3: {  	vm0 =	vmand vm12, vm13;
	v5 =	vshll.u32 v5, $0xB  }
0x2c4: {  	v7 =	vand.u32 $0xFFFFFFF8, v6;
	v5 =	vnsel vm0, $0x0, v5  }
0x2c5: {  	v6 =	vand.u32 $0x7, v6;
	v5 =	vadd.s32 v7, v5  }
0x2c6: {  	v7 =	vld [tilespmem:$0x10100];
	v5 =	vor.u32 v6, v5;
	_ =	sdelay $0x4  }
0x2c7: {  	[tilespmem:v5+s28+$0x0] =	vst.idx.add.f32.msk vm0, v7  }
0x2c8: {  	v5 =	vld [tilespmem:$0x10010];
	_ =	sdelay $0x1  }
0x2c9: {  	v6 =	vld [tilespmem:$0x10030];
	_ =	sdelay $0x2  }
0x2ca: {  	vm14 =	vge.s32 v5, v1;
	vm15 =	vlt.s32 v5, v2;
	v5 =	vsub.s32 v5, v1  }
0x2cb: {  	vm0 =	vmand vm14, vm15;
	v5 =	vshll.u32 v5, $0xB  }
0x2cc: {  	v7 =	vand.u32 $0xFFFFFFF8, v6;
	v5 =	vnsel vm0, $0x0, v5  }
0x2cd: {  	v6 =	vand.u32 $0x7, v6;
	v5 =	vadd.s32 v7, v5  }
0x2ce: {  	v7 =	vld [tilespmem:$0x10110];
	v5 =	vor.u32 v6, v5;
	_ =	sdelay $0x4  }
0x2cf: {  	[tilespmem:v5+s28+$0x0] =	vst.idx.add.f32.msk vm0, v7  }
0x2d0: {  	[hbm4b:s10+s2] =	stream.linear.scatter [tilespmem:s28], [sflag:$0x4], $0x8000, $0x38;
	[tilespmem:$0x10140] =	vst v63  }
0x2d1: {  	_ =	swait.ge [sflag:s0], $0x8000  }
0x2d2: {  	[sflag:s0] =	ssyncset.done $0x0  }
0x2d3: {  	[sflag:s0] =	ssyncadd.s32 $0xFFFF8000  }
0x2d4: {  	[tilespmem:s28], [sflag:$0x2] =	stream.linear.gather [hbm4b:s11+s2], $0x8000, $0x38;
	[tilespmem:$0x10140] =	vst v63  }
0x2d5: {  	_ =	swait.ge [sflag:s29], $0x8000  }
0x2d6: {  	[sflag:s29] =	ssyncset.done $0x0  }
0x2d7: {  	[sflag:s29] =	ssyncadd.s32 $0xFFFF8000  }
0x2d8: {  	v5 =	vld [tilespmem:$0x10000];
	_ =	sdelay $0x1  }
0x2d9: {  	v6 =	vld [tilespmem:$0x10020];
	_ =	sdelay $0x2  }
0x2da: {  	vm4 =	vge.s32 v5, v2;
	vm5 =	vlt.s32 v5, v3;
	v5 =	vsub.s32 v5, v2  }
0x2db: {  	vm0 =	vmand vm4, vm5;
	v5 =	vshll.u32 v5, $0xB  }
0x2dc: {  	v7 =	vand.u32 $0xFFFFFFF8, v6;
	v5 =	vnsel vm0, $0x0, v5  }
0x2dd: {  	v6 =	vand.u32 $0x7, v6;
	v5 =	vadd.s32 v7, v5  }
0x2de: {  	v7 =	vld [tilespmem:$0x10100];
	v5 =	vor.u32 v6, v5;
	_ =	sdelay $0x4  }
0x2df: {  	[tilespmem:v5+s2+$0x0] =	vst.idx.add.f32.msk vm0, v7  }
0x2e0: {  	v5 =	vld [tilespmem:$0x10010];
	_ =	sdelay $0x1  }
0x2e1: {  	v6 =	vld [tilespmem:$0x10030];
	_ =	sdelay $0x2  }
0x2e2: {  	vm6 =	vge.s32 v5, v2;
	vm7 =	vlt.s32 v5, v3;
	v5 =	vsub.s32 v5, v2  }
0x2e3: {  	vm0 =	vmand vm6, vm7;
	v5 =	vshll.u32 v5, $0xB  }
0x2e4: {  	v7 =	vand.u32 $0xFFFFFFF8, v6;
	v5 =	vnsel vm0, $0x0, v5  }
0x2e5: {  	v6 =	vand.u32 $0x7, v6;
	v5 =	vadd.s32 v7, v5  }
0x2e6: {  	v7 =	vld [tilespmem:$0x10110];
	v5 =	vor.u32 v6, v5;
	_ =	sdelay $0x4  }
0x2e7: {  	[tilespmem:v5+s2+$0x0] =	vst.idx.add.f32.msk vm0, v7  }
0x2e8: {  	[hbm4b:s12+s2] =	stream.linear.scatter [tilespmem:s2], [sflag:$0x3], $0x8000, $0x38;
	[tilespmem:$0x10140] =	vst v63  }
0x2e9: {  	_ =	swait.ge [sflag:s30], $0x8000  }
0x2ea: {  	[sflag:s30] =	ssyncset.done $0x0  }
0x2eb: {  	[sflag:s30] =	ssyncadd.s32 $0xFFFF8000  }
0x2ec: {  	[tilespmem:s2], [sflag:$0x1] =	stream.linear.gather [hbm4b:s13+s2], $0x8000, $0x38;
	[tilespmem:$0x10140] =	vst v63  }
0x2ed: {  	_ =	swait.ge [sflag:s31], $0x8000  }
0x2ee: {  	[sflag:s31] =	ssyncset.done $0x0  }
0x2ef: {  	[sflag:s31] =	ssyncadd.s32 $0xFFFF8000  }
0x2f0: {  	v5 =	vld [tilespmem:$0x10000];
	_ =	sdelay $0x1  }
0x2f1: {  	v6 =	vld [tilespmem:$0x10020];
	_ =	sdelay $0x2  }
0x2f2: {  	vm8 =	vge.s32 v5, v3;
	vm9 =	vlt.s32 v5, v4;
	v5 =	vsub.s32 v5, v3  }
0x2f3: {  	vm0 =	vmand vm8, vm9;
	v5 =	vshll.u32 v5, $0xB  }
0x2f4: {  	v7 =	vand.u32 $0xFFFFFFF8, v6;
	v5 =	vnsel vm0, $0x0, v5  }
0x2f5: {  	v6 =	vand.u32 $0x7, v6;
	v5 =	vadd.s32 v7, v5  }
0x2f6: {  	v7 =	vld [tilespmem:$0x10100];
	v5 =	vor.u32 v6, v5;
	_ =	sdelay $0x4  }
0x2f7: {  	[tilespmem:v5+s28+$0x0] =	vst.idx.add.f32.msk vm0, v7  }
0x2f8: {  	v5 =	vld [tilespmem:$0x10010];
	_ =	sdelay $0x1  }
0x2f9: {  	v6 =	vld [tilespmem:$0x10030];
	_ =	sdelay $0x2  }
0x2fa: {  	vm10 =	vge.s32 v5, v3;
	vm11 =	vlt.s32 v5, v4;
	v5 =	vsub.s32 v5, v3  }
0x2fb: {  	vm0 =	vmand vm10, vm11;
	v5 =	vshll.u32 v5, $0xB  }
0x2fc: {  	v7 =	vand.u32 $0xFFFFFFF8, v6;
	v5 =	vnsel vm0, $0x0, v5  }
0x2fd: {  	v6 =	vand.u32 $0x7, v6;
	v5 =	vadd.s32 v7, v5  }
0x2fe: {  	v7 =	vld [tilespmem:$0x10110];
	v5 =	vor.u32 v6, v5;
	_ =	sdelay $0x4  }
0x2ff: {  	[tilespmem:v5+s28+$0x0] =	vst.idx.add.f32.msk vm0, v7  }
0x300: {  	[hbm4b:s14+s2] =	stream.linear.scatter [tilespmem:s28], [sflag:$0x4], $0x8000, $0x38;
	[tilespmem:$0x10140] =	vst v63  }
0x301: {  	_ =	swait.ge [sflag:s0], $0x8000  }
0x302: {  	[sflag:s0] =	ssyncset.done $0x0  }
0x303: {  	[sflag:s0] =	ssyncadd.s32 $0xFFFF8000  }
0x304: {  	[tilespmem:s28], [sflag:$0x2] =	stream.linear.gather [hbm4b:s16+s2], $0x8000, $0x38;
	[tilespmem:$0x10140] =	vst v63  }
0x305: {  	_ =	swait.ge [sflag:s29], $0x8000  }
0x306: {  	[sflag:s29] =	ssyncset.done $0x0  }
0x307: {  	[sflag:s29] =	ssyncadd.s32 $0xFFFF8000  }
0x308: {  	v5 =	vld [tilespmem:$0x10000];
	_ =	sdelay $0x1  }
0x309: {  	v6 =	vld [tilespmem:$0x10020];
	_ =	sdelay $0x2  }
0x30a: {  	vm12 =	vge.s32 v5, v0;
	vm13 =	vlt.s32 v5, v1;
	v5 =	vsub.s32 v5, v0  }
0x30b: {  	vm0 =	vmand vm12, vm13;
	v5 =	vshll.u32 v5, $0xB  }
0x30c: {  	v7 =	vand.u32 $0xFFFFFFF8, v6;
	v5 =	vnsel vm0, $0x0, v5  }
0x30d: {  	v6 =	vand.u32 $0x7, v6;
	v5 =	vadd.s32 v7, v5  }
0x30e: {  	v7 =	vld [tilespmem:$0x10120];
	v5 =	vor.u32 v6, v5;
	_ =	sdelay $0x4  }
0x30f: {  	[tilespmem:v5+s2+$0x0] =	vst.idx.add.f32.msk vm0, v7  }
0x310: {  	v5 =	vld [tilespmem:$0x10010];
	_ =	sdelay $0x1  }
0x311: {  	v6 =	vld [tilespmem:$0x10030];
	_ =	sdelay $0x2  }
0x312: {  	vm14 =	vge.s32 v5, v0;
	vm15 =	vlt.s32 v5, v1;
	v5 =	vsub.s32 v5, v0  }
0x313: {  	vm0 =	vmand vm14, vm15;
	v5 =	vshll.u32 v5, $0xB  }
0x314: {  	v7 =	vand.u32 $0xFFFFFFF8, v6;
	v5 =	vnsel vm0, $0x0, v5  }
0x315: {  	v6 =	vand.u32 $0x7, v6;
	v5 =	vadd.s32 v7, v5  }
0x316: {  	v7 =	vld [tilespmem:$0x10130];
	v5 =	vor.u32 v6, v5;
	_ =	sdelay $0x4  }
0x317: {  	[tilespmem:v5+s2+$0x0] =	vst.idx.add.f32.msk vm0, v7  }
0x318: {  	[hbm4b:s15+s2] =	stream.linear.scatter [tilespmem:s2], [sflag:$0x3], $0x8000, $0x38;
	[tilespmem:$0x10140] =	vst v63  }
0x319: {  	_ =	swait.ge [sflag:s30], $0x8000  }
0x31a: {  	[sflag:s30] =	ssyncset.done $0x0  }
0x31b: {  	[sflag:s30] =	ssyncadd.s32 $0xFFFF8000  }
0x31c: {  	[tilespmem:s2], [sflag:$0x1] =	stream.linear.gather [hbm4b:s18+s2], $0x8000, $0x38;
	[tilespmem:$0x10140] =	vst v63  }
0x31d: {  	_ =	swait.ge [sflag:s31], $0x8000  }
0x31e: {  	[sflag:s31] =	ssyncset.done $0x0  }
0x31f: {  	[sflag:s31] =	ssyncadd.s32 $0xFFFF8000  }
0x320: {  	v5 =	vld [tilespmem:$0x10000];
	_ =	sdelay $0x1  }
0x321: {  	v6 =	vld [tilespmem:$0x10020];
	_ =	sdelay $0x2  }
0x322: {  	vm4 =	vge.s32 v5, v1;
	vm5 =	vlt.s32 v5, v2;
	v5 =	vsub.s32 v5, v1  }
0x323: {  	vm0 =	vmand vm4, vm5;
	v5 =	vshll.u32 v5, $0xB  }
0x324: {  	v7 =	vand.u32 $0xFFFFFFF8, v6;
	v5 =	vnsel vm0, $0x0, v5  }
0x325: {  	v6 =	vand.u32 $0x7, v6;
	v5 =	vadd.s32 v7, v5  }
0x326: {  	v7 =	vld [tilespmem:$0x10120];
	v5 =	vor.u32 v6, v5;
	_ =	sdelay $0x4  }
0x327: {  	[tilespmem:v5+s28+$0x0] =	vst.idx.add.f32.msk vm0, v7  }
0x328: {  	v5 =	vld [tilespmem:$0x10010];
	_ =	sdelay $0x1  }
0x329: {  	v6 =	vld [tilespmem:$0x10030];
	_ =	sdelay $0x2  }
0x32a: {  	vm6 =	vge.s32 v5, v1;
	vm7 =	vlt.s32 v5, v2;
	v5 =	vsub.s32 v5, v1  }
0x32b: {  	vm0 =	vmand vm6, vm7;
	v5 =	vshll.u32 v5, $0xB  }
0x32c: {  	v7 =	vand.u32 $0xFFFFFFF8, v6;
	v5 =	vnsel vm0, $0x0, v5  }
0x32d: {  	v6 =	vand.u32 $0x7, v6;
	v5 =	vadd.s32 v7, v5  }
0x32e: {  	v7 =	vld [tilespmem:$0x10130];
	v5 =	vor.u32 v6, v5;
	_ =	sdelay $0x4  }
0x32f: {  	[tilespmem:v5+s28+$0x0] =	vst.idx.add.f32.msk vm0, v7  }
0x330: {  	[hbm4b:s17+s2] =	stream.linear.scatter [tilespmem:s28], [sflag:$0x4], $0x8000, $0x38;
	[tilespmem:$0x10140] =	vst v63  }
0x331: {  	_ =	swait.ge [sflag:s0], $0x8000  }
0x332: {  	[sflag:s0] =	ssyncset.done $0x0  }
0x333: {  	[sflag:s0] =	ssyncadd.s32 $0xFFFF8000  }
0x334: {  	[tilespmem:s28], [sflag:$0x2] =	stream.linear.gather [hbm4b:s19+s2], $0x8000, $0x38;
	[tilespmem:$0x10140] =	vst v63  }
0x335: {  	_ =	swait.ge [sflag:s29], $0x8000  }
0x336: {  	[sflag:s29] =	ssyncset.done $0x0  }
0x337: {  	[sflag:s29] =	ssyncadd.s32 $0xFFFF8000  }
0x338: {  	v5 =	vld [tilespmem:$0x10000];
	_ =	sdelay $0x1  }
0x339: {  	v6 =	vld [tilespmem:$0x10020];
	_ =	sdelay $0x2  }
0x33a: {  	vm8 =	vge.s32 v5, v2;
	vm9 =	vlt.s32 v5, v3;
	v5 =	vsub.s32 v5, v2  }
0x33b: {  	vm0 =	vmand vm8, vm9;
	v5 =	vshll.u32 v5, $0xB  }
0x33c: {  	v7 =	vand.u32 $0xFFFFFFF8, v6;
	v5 =	vnsel vm0, $0x0, v5  }
0x33d: {  	v6 =	vand.u32 $0x7, v6;
	v5 =	vadd.s32 v7, v5  }
0x33e: {  	v7 =	vld [tilespmem:$0x10120];
	v5 =	vor.u32 v6, v5;
	_ =	sdelay $0x4  }
0x33f: {  	[tilespmem:v5+s2+$0x0] =	vst.idx.add.f32.msk vm0, v7  }
0x340: {  	v5 =	vld [tilespmem:$0x10010];
	_ =	sdelay $0x1  }
0x341: {  	v6 =	vld [tilespmem:$0x10030];
	_ =	sdelay $0x2  }
0x342: {  	vm10 =	vge.s32 v5, v2;
	vm11 =	vlt.s32 v5, v3;
	v5 =	vsub.s32 v5, v2  }
0x343: {  	vm0 =	vmand vm10, vm11;
	v5 =	vshll.u32 v5, $0xB  }
0x344: {  	v7 =	vand.u32 $0xFFFFFFF8, v6;
	v5 =	vnsel vm0, $0x0, v5  }
0x345: {  	v6 =	vand.u32 $0x7, v6;
	v5 =	vadd.s32 v7, v5  }
0x346: {  	v7 =	vld [tilespmem:$0x10130];
	v5 =	vor.u32 v6, v5;
	_ =	sdelay $0x4  }
0x347: {  	[tilespmem:v5+s2+$0x0] =	vst.idx.add.f32.msk vm0, v7  }
0x348: {  	[hbm4b:s20+s2] =	stream.linear.scatter [tilespmem:s2], [sflag:$0x3], $0x8000, $0x38;
	[tilespmem:$0x10140] =	vst v63  }
0x349: {  	_ =	swait.ge [sflag:s31], $0x8000  }
0x34a: {  	[sflag:s31] =	ssyncset.done $0x0  }
0x34b: {  	[sflag:s31] =	ssyncadd.s32 $0xFFFF8000  }
0x34c: {  	v5 =	vld [tilespmem:$0x10000];
	_ =	sdelay $0x1  }
0x34d: {  	v6 =	vld [tilespmem:$0x10020];
	_ =	sdelay $0x2  }
0x34e: {  	vm12 =	vge.s32 v5, v3;
	vm13 =	vlt.s32 v5, v4;
	v5 =	vsub.s32 v5, v3  }
0x34f: {  	vm0 =	vmand vm12, vm13;
	v5 =	vshll.u32 v5, $0xB  }
0x350: {  	v7 =	vand.u32 $0xFFFFFFF8, v6;
	v5 =	vnsel vm0, $0x0, v5  }
0x351: {  	v6 =	vand.u32 $0x7, v6;
	v5 =	vadd.s32 v7, v5  }
0x352: {  	v7 =	vld [tilespmem:$0x10120];
	v5 =	vor.u32 v6, v5;
	_ =	sdelay $0x4  }
0x353: {  	[tilespmem:v5+s28+$0x0] =	vst.idx.add.f32.msk vm0, v7  }
0x354: {  	v5 =	vld [tilespmem:$0x10010];
	_ =	sdelay $0x1  }
0x355: {  	v6 =	vld [tilespmem:$0x10030];
	_ =	sdelay $0x2  }
0x356: {  	vm14 =	vge.s32 v5, v3;
	vm15 =	vlt.s32 v5, v4;
	v5 =	vsub.s32 v5, v3  }
0x357: {  	vm0 =	vmand vm14, vm15;
	v5 =	vshll.u32 v5, $0xB  }
0x358: {  	v7 =	vand.u32 $0xFFFFFFF8, v6;
	v5 =	vnsel vm0, $0x0, v5  }
0x359: {  	v6 =	vand.u32 $0x7, v6;
	v5 =	vadd.s32 v7, v5  }
0x35a: {  	v7 =	vld [tilespmem:$0x10130];
	v5 =	vor.u32 v6, v5;
	_ =	sdelay $0x4  }
0x35b: {  	[tilespmem:v5+s28+$0x0] =	vst.idx.add.f32.msk vm0, v7  }
0x35c: {  	[hbm4b:s21+s2] =	stream.linear.scatter [tilespmem:s28], [sflag:$0x4], $0x8000, $0x38;
	[tilespmem:$0x10140] =	vst v63  }
0x35d: {  	p0 =	sne.s32 s22, $0x1;
	_ =	swait.ge [sflag:s30], $0x8000  }
.Ltmp0:
0x35e: {  	[sflag:s30] =	ssyncset.done $0x0;
	(pc) =	sbr.rel @p0 .LBB2_1-.Ltmp0, $4  }
0x35f: {  	[sflag:s30] =	ssyncadd.s32 $0xFFFF8000  }
0x360: {  	_ =	swait.ge [sflag:s0], $0x8000  }
0x361: {  	[sflag:s0] =	ssyncset.done $0x0  }
0x362: {  	s22 =	sadd.s32 $0xFFFFFFFF, s22;
	[sflag:s0] =	ssyncadd.s32 $0xFFFF8000  }
0x363: {  	_ =	sfence.sel $0x180000  }
0x364: {  	[bflag:$0x0] =	sbarrier.arrive $0xFFFF  }
0x365: {  	_ =	strace $0x9000004A  }
0x366: {  	s0 =	stileid.u32;
	[bflag:$0x2] =	sbarrier.arrive $0xFFFF  }
0x367: {  	p0 =	sne.s32 s0, $0x0;
	s0 =	rddreg [dreg:$0x4]  }
0x368: {  	s0 =	sadd.s32 @!p0 $0x100000, s0  }
0x369: {  	[sflag:s0] =	ssyncadd.tile.s32 @!p0 $0x1;
	_ =	shalt  }
.Lfunc_end2:
_tile_overlayer_lowered:
.L_overlay_start_2:
0x36a: {  	(tag) =	ssettag $0x2  }
0x36b: {  	s0 =	rddreg [dreg:$0x0];
	s2 =	stileid.u32  }
0x36c: {  	s1 =	rddreg [dreg:$0x1];
	p0 =	sne.s32 s2, $0x0  }
0x36d: {  	s3 =	rddreg [dreg:$0x2];
	[bflag:$0x3] =	sbarrier.arrive $0xFFFF;
	s2 =	simm.s32 @!p0 $0x1C05  }
0x36e: {  	[timem:s3], [sflag:s2] =	dma.local @!p0 [hbm:s0], s1  }
0x36f: {  	s0 =	simm.s32 @!p0 $0x5  }
0x370: {  	_ =	swait.ge @!p0 [sflag:s0], s1  }
0x371: {  	s1 =	ssub.s32 @!p0 $0x0, s1;
	[sflag:s0] =	ssyncset.done @!p0 $0x0  }
0x372: {  	[sflag:s0] =	ssyncadd.s32 @!p0 s1  }
0x373: {  	[bflag:$0x3] =	sbarrier.arrive $0xFFFF  }
0x374: {  	_ =	shalt  }

// kernel: sparse-core-data-format-call.cloned.1.call-start
scs
called_computation_lowered:
.L_overlay_start_0:
0x0: {  	s2 =	sld [smem:$0x3FD9]  }
0x1: {  	s3 =	sld [smem:$0x3FFE];
	_ =	sdelay $0x1  }
0x2: {  	s1 =	srdreg.scid  }
0x3: {  	s0 =	sand.u32 $0x1, s1  }
0x4: {  	s19 =	sshll.u32 s0, $0xA;
	s2 =	sadd.s32 s3, s2  }
0x5: {  	s2 =	sadd.s32 s2, s19  }
0x6: {  	[smem:$0x3FC4] =	sst s2  }
0x7: {  	_ = 	snop  }
0x8: {  	s2 =	sld [smem:$0x3FC9]  }
0x9: {  	s20 =	sld [smem:$0x3FD0];
	(tm) =	ssettm $0x1  }
0xa: {  	s4 =	sld [smem:$0x3FFB];
	_ =	sdelay $0x3  }
0xb: {  	_ =	strace s4  }
0xc: {  	s4 =	sld [smem:$0x3FFC];
	_ =	sdelay $0x3  }
0xd: {  	_ =	strace s4  }
0xe: {  	s4 =	sld [smem:$0x3FFD];
	_ =	sdelay $0x3  }
0xf: {  	_ =	strace s4  }
0x10: {  	_ =	strace $0x8FFFFFFF  }
0x11: {  	s21 =	sld [smem:$0x3FDB];
	_ =	sdelay $0x1  }
0x12: {  	s5 =	simm.s32 $_scs_section_size  }
0x13: {  	s6 =	simm.s32 $_size__tile_overlayer_lowered;
	s7 =	simm.s32 $_tile_overlayer_lowered  }
0x14: {  	s24 =	simm.s32 $0x1BFF;
	s23 =	sshll.u32 s7, $0x1;
	s4 =	sadd.s32 s5, s21  }
0x15: {  	s8 =	simm.s32 $0x0;
	s22 =	sshll.u32 s6, $0x1;
	s6 =	sadd.s32 s23, s4  }
0x16: {  	[timem:s8], [sflag:s24] =	dma.local [hbm:s6], s22  }
0x17: {  	_ =	swait.ge [sflag:s24], s22  }
0x18: {  	s5 =	ssub.s32 $0x0, s22;
	[sflag:s24] =	ssyncset.done $0x0  }
0x19: {  	[sflag:s24] =	ssyncadd.s32 s5;
	_ =	sdelay $0x1  }
0x1a: {  	s25 =	simm.s32 $0x1B8B  }
0x1b: {  	_ =	swait.ge [sflag:s25], $0x1  }
0x1c: {  	[sflag:s25] =	ssyncset.done $0x0  }
0x1d: {  	s26 =	simm.s32 $0x1B8E;
	[sflag:s25] =	ssyncadd.s32 $0xFFFFFFFF  }
0x1e: {  	s27 =	simm.s32 $execute0_lowered;
	[smem:$0x3FD2] =	sst s26  }
0x1f: {  	s5 =	sshll.u32 s27, $0x1;
	_ =	strace $0x80000046;
	[dreg:$0x1] =	wrdreg $0xFFFFFFFF  }
0x20: {  	s28 =	simm.s32 $_size_execute0_lowered;
	s4 =	sadd.s32 s4, s5;
	[dreg:$0x0] =	wrdreg $0x0  }
0x21: {  	s5 =	sshll.u32 s28, $0x1;
	[dreg:$0x2] =	wrdreg s4  }
0x22: {  	[dreg:$0x3] =	wrdreg s5  }
0x23: {  	[dreg:$0x4] =	wrdreg $0xC0  }
0x24: {  	_ =	task [dreg:s8], $0x5FFFF  }
0x25: {  	[dreg:$0x1] =	wrdreg $0xFFFFFFFF  }
0x26: {  	[dreg:$0x0] =	wrdreg $0x60  }
0x27: {  	[dreg:$0x2] =	wrdreg s2  }
0x28: {  	[dreg:$0x3] =	wrdreg s20  }
0x29: {  	[dreg:$0x4] =	wrdreg $0x9  }
0x2a: {  	_ =	task.clear_ibuf [dreg:s8], $0x5FFFF;
	_ =	strace $0x90000046  }
0x2b: {  	s29 =	simm.s32 $0x9;
	_ =	strace $0x80000048  }
0x2c: {  	_ =	swait.ge [sflag:s29], $0x1  }
0x2d: {  	[sflag:s29] =	ssyncadd.s32 $0xFFFFFFFF  }
0x2e: {  	_ =	strace $0x90000048  }
0x2f: {  	_ =	sfence  }
0x30: {  	s30 =	sld [smem:$0x0];
	_ =	sdelay $0x2  }
0x31: {  	s31 =	sshll.u32 s1, $0xD;
	s1 =	sshrl.u32 s1, $0x2  }
0x32: {  	s3 =	sand.u32 $0x4000, s31;
	s1 =	sadd.s32 s1, s30  }
0x33: {  	s0 =	sor.u32 s3, s0;
	s1 =	sshll.u32 s1, $0x11  }
0x34: {  	s0 =	sor.u32 s1, s0  }
0x35: {  	s0 =	sadd.s32 $0x8F2B, s0  }
0x36: {  	[sflag:s0] =	ssyncadd.remote.s32 $0x1  }
0x37: {  	_ =	sfence.sel $0xFFFF  }
0x38: {  	[dreg:$0x0] =	wrdreg $0xFFFFFFFF;
	(pc) =	sbr.abs _section_cstart, $3  }
0x39: {  	[dreg:$0x1] =	wrdreg $0xFFFFFFFF  }
0x3a: {  	_ =	task.clear_ibuf [dreg:s8], $0x2FFFF;
	_ =	strace $0x9FFFFFFF  }
0x3b: {  	(tm) =	ssettm $0x7FFFFFFF  }
tec
execute0_lowered:
.L_overlay_start_1:
0x0: {  	(tag) =	ssettag $0x1  }
0x1: {  	s2 =	rddreg [dreg:$0x0]  }
0x2: {  	s3 =	rddreg [dreg:$0x1]  }
0x3: {  	s0 =	rddreg [dreg:$0x2];
	s4 =	srdreg.scid  }
.Ltmp0:
0x4: {  	_ =	strace $0x80000047;
	s1 =	stileid.u32;
	(pc) =	sbr.rel .LBB1_1-.Ltmp0, $4  }
0x5: {  	s6 =	simm.s32 $0x2;
	p0 =	por $0x0, $0x0;
	s5 =	sshll.u32 s4, $0x4  }
0x6: {  	s9 =	simm.s32 $0x0;
	s4 =	simm.s32 $0x1;
	s5 =	sand.u32 $0x10, s5  }
0x7: {  	s7 =	simm.s32 $0x0;
	[sflag:s4] =	ssyncpa.u1 $0x0;
	s5 =	sor.u32 s1, s5  }
0x8: {  	[sflag:s6] =	ssyncpa.u1 $0x0;
	s6 =	simm.s32 $0x0;
	s8 =	smov.u32 s5  }
.LBB1_7:
0x9: {  	s11 =	sadd.s32 $0x20, s8  }
0xa: {  	p1 =	slt.u32 s7, $0x2;
	s7 =	sadd.s32 $0x1, s7;
	p2 =	sgt.s32 s11, $0x7FF  }
0xb: {  	s11 =	smov.u32 @p2 s5;
	p2 =	sne.s32 s7, $0x42  }
.Ltmp1:
0xc: {  	_ = 	snop;
	(pc) =	sbr.rel @!p2 .LBB1_8-.Ltmp1, $4  }
0xd: {  	s10 =	simm.s32 @!p1 $0x2  }
0xe: {  	_ =	swait.ge @!p1 [sflag:s10], $0x4000  }
0xf: {  	s9 =	smov.u32 s8;
	[sflag:s10] =	ssyncset.done @!p1 $0x0  }
0x10: {  	p0 =	por !p0, !p0;
	s8 =	smov.u32 s11;
	[sflag:s10] =	ssyncadd.s32 @!p1 $0xFFFFC000  }
.LBB1_1:
0x11: {  	p1 =	sgt.u32 s7, $0x3F  }
0x12: {  	s10 =	sxor.u32 @!p1 $0xFFFFFFFF, s7  }
0x13: {  	s11 =	sshll.u32 @!p1 s8, $0xB;
	s10 =	sshll.u32 @!p1 s10, $0xE  }
0x14: {  	s12 =	simm.s32 @!p1 $0x0;
	s11 =	sadd.s32 @!p1 s2, s11;
	s10 =	sand.u32 @!p1 $0x4000, s10  }
0x15: {  	[tilespmem:s10], [sflag:$0x1] =	stream.linear.gather @!p1 [hbm4b:s11+s12], $0x4000, $0x38;
	[tilespmem:$0x10000] =	vst v63  }
0x16: {  	p1 =	seq.s32 s7, $0x0  }
0x17: {  	p2 =	seq.s32 @!p1 s7, $0x41  }
0x18: {  	p1 =	por p1, p2  }
.Ltmp2:
0x19: {  	_ = 	snop;
	(pc) =	sbr.rel @p1 .LBB1_7-.Ltmp2, $1  }
0x1a: {  	_ =	sdelay $0x3  }
0x1b: {  	s10 =	simm.s32 $0x1;
	_ =	swait.ge [sflag:s4], $0x4000;
	s12 =	sshll.u32 s7, $0xE  }
0x1c: {  	s13 =	simm.s32 $0x0;
	s10 =	simm.s32 @!p0 $0x0;
	[sflag:s4] =	ssyncset.done $0x0  }
0x1d: {  	s12 =	sand.u32 $0x4000, s12;
	s11 =	sshll.u32 s10, $0xE;
	[sflag:s4] =	ssyncadd.s32 $0xFFFFC000  }
0x1e: {  	s12 =	sor.u32 $0x8000, s12;
	s10 =	sor.u32 $0x8040, s11;
	s11 =	sor.u32 $0x40, s11  }
.LBB1_3:
0x1f: {  	v0 =	vmov s11;
	_ =	sdelay $0x3  }
0x20: {  	s15 =	simm.s32 $0x0  }
0x21: {  	v6 =	vld.idx.msk [tilespmem:v0+s15+$0x30 ss:$0x1], $0xffff  }
0x22: {  	v7 =	vld.idx.msk [tilespmem:v0+s15+$0xFFFFFFC0 ss:$0x1], $0xffff  }
0x23: {  	v5 =	vld.idx.msk [tilespmem:v0+s15+$0xFFFFFFD0 ss:$0x1], $0xffff  }
0x24: {  	v4 =	vld.idx.msk [tilespmem:v0+s15+$0xFFFFFFE0 ss:$0x1], $0xffff  }
0x25: {  	v3 =	vld.idx.msk [tilespmem:v0+s15+$0xFFFFFFF0 ss:$0x1], $0xffff  }
0x26: {  	v1 =	vld.idx.msk [tilespmem:v0+s15+$0x0 ss:$0x1], $0xffff  }
0x27: {  	v2 =	vld.idx.msk [tilespmem:v0+s15+$0x10 ss:$0x1], $0xffff;
	[tilespmem:s10+$0x30] =	vst v6  }
0x28: {  	s14 =	simm.s32 $0x80;
	s16 =	simm.s32 $0x400;
	[tilespmem:s10+$0xFFFFFFC0] =	vst v7;
	v6 =	vld.idx.msk [tilespmem:v0+s15+$0x20 ss:$0x1], $0xffff;
	s15 =	smov.u32 s10  }
.LBB1_4:
0x29: {  	p1 =	sne.s32 s16, $0xE00;
	v7 =	vld.idx.msk [tilespmem:v0+s14+$0x30 ss:$0x1], $0xffff;
	[tilespmem:s15+$0xFFFFFFD0] =	vst v5  }
0x2a: {  	v8 =	vld.idx.msk [tilespmem:v0+s14+$0xFFFFFFC0 ss:$0x1], $0xffff;
	[tilespmem:s15+$0xFFFFFFE0] =	vst v4  }
0x2b: {  	v5 =	vld.idx.msk [tilespmem:v0+s14+$0xFFFFFFD0 ss:$0x1], $0xffff;
	[tilespmem:s15+$0xFFFFFFF0] =	vst v3  }
.Ltmp3:
0x2c: {  	v4 =	vld.idx.msk [tilespmem:v0+s14+$0xFFFFFFE0 ss:$0x1], $0xffff;
	[tilespmem:s15+$0x0] =	vst v1;
	(pc) =	sbr.rel @p1 .LBB1_4-.Ltmp3, $4  }
0x2d: {  	v3 =	vld.idx.msk [tilespmem:v0+s14+$0xFFFFFFF0 ss:$0x1], $0xffff;
	[tilespmem:s15+$0x10] =	vst v2  }
0x2e: {  	v1 =	vld.idx.msk [tilespmem:v0+s14+$0x0 ss:$0x1], $0xffff;
	[tilespmem:s15+$0x20] =	vst v6;
	s15 =	sadd.s32 $0x800, s15  }
0x2f: {  	v2 =	vld.idx.msk [tilespmem:v0+s14+$0x10 ss:$0x1], $0xffff;
	[tilespmem:s15+$0x30] =	vst v7  }
0x30: {  	[tilespmem:s15+$0xFFFFFFC0] =	vst v8;
	v6 =	vld.idx.msk [tilespmem:v0+s14+$0x20 ss:$0x1], $0xffff;
	s14 =	sshra.s32 s16, $0x2;
	s16 =	sadd.s32 $0x200, s16  }
0x31: {  	_ =	sdelay $0x2  }
0x32: {  	[tilespmem:s15+$0xFFFFFFD0] =	vst v5  }
0x33: {  	v56 =	vld.idx.msk [tilespmem:v0+s14+$0x30 ss:$0x1], $0xffff;
	[tilespmem:s15+$0xFFFFFFE0] =	vst v4  }
0x34: {  	v57 =	vld.idx.msk [tilespmem:v0+s14+$0xFFFFFFC0 ss:$0x1], $0xffff;
	[tilespmem:s15+$0xFFFFFFF0] =	vst v3  }
0x35: {  	v58 =	vld.idx.msk [tilespmem:v0+s14+$0xFFFFFFD0 ss:$0x1], $0xffff;
	[tilespmem:s15+$0x0] =	vst v1  }
0x36: {  	v59 =	vld.idx.msk [tilespmem:v0+s14+$0xFFFFFFE0 ss:$0x1], $0xffff;
	[tilespmem:s15+$0x10] =	vst v2  }
0x37: {  	v60 =	vld.idx.msk [tilespmem:v0+s14+$0xFFFFFFF0 ss:$0x1], $0xffff;
	s31 =	sadd.s32 $0x800, s15;
	[tilespmem:s15+$0x20] =	vst v6  }
0x38: {  	v61 =	vld.idx.msk [tilespmem:v0+s14+$0x0 ss:$0x1], $0xffff;
	[tilespmem:s31+$0x30] =	vst v56  }
0x39: {  	v62 =	vld.idx.msk [tilespmem:v0+s14+$0x10 ss:$0x1], $0xffff;
	s13 =	sadd.s32 $0x1, s13;
	[tilespmem:s31+$0xFFFFFFC0] =	vst v57  }
0x3a: {  	v63 =	vld.idx.msk [tilespmem:v0+s14+$0x20 ss:$0x1], $0xffff;
	p1 =	sne.s32 s13, $0x10;
	[tilespmem:s31+$0xFFFFFFD0] =	vst v58  }
.Ltmp4:
0x3b: {  	[tilespmem:s31+$0xFFFFFFE0] =	vst v59;
	(pc) =	sbr.rel @p1 .LBB1_3-.Ltmp4, $4  }
0x3c: {  	[tilespmem:s31+$0xFFFFFFF0] =	vst v60  }
0x3d: {  	[tilespmem:s31+$0x0] =	vst v61  }
0x3e: {  	[tilespmem:s31+$0x10] =	vst v62  }
0x3f: {  	s10 =	sadd.s32 $0x80, s10;
	s11 =	sadd.s32 $0x400, s11;
	[tilespmem:s31+$0x20] =	vst v63  }
.Ltmp5:
0x40: {  	(pc) =	sbr.rel .LBB1_7-.Ltmp5, $4  }
0x41: {  	_ = 	snop  }
0x42: {  	s9 =	sshll.u32 s9, $0xB  }
0x43: {  	s9 =	sadd.s32 s3, s9  }
0x44: {  	[hbm4b:s9+s6] =	stream.linear.scatter [tilespmem:s12], [sflag:$0x2], $0x4000, $0x38;
	[tilespmem:$0x10000] =	vst v63  }
.LBB1_8:
0x45: {  	_ =	sfence.sel $0x180000  }
0x46: {  	s2 =	simm.s32 $0x1;
	[bflag:$0x0] =	sbarrier.arrive $0xFFFF  }
0x47: {  	s31 =	simm.s32 $0x2;
	[sflag:s2] =	ssyncpa.u1 $0x1  }
0x48: {  	[sflag:s31] =	ssyncpa.u1 $0x1  }
0x49: {  	p0 =	sne.s32 s1, $0x0;
	_ =	strace $0x90000047  }
0x4a: {  	s0 =	sadd.s32 @!p0 $0x100000, s0;
	[bflag:$0x2] =	sbarrier.arrive $0xFFFF  }
0x4b: {  	[sflag:s0] =	ssyncadd.tile.s32 @!p0 $0x1;
	_ =	shalt  }
.Lfunc_end1:
_tile_overlayer_lowered:
.L_overlay_start_2:
0x4c: {  	(tag) =	ssettag $0x2  }
0x4d: {  	s0 =	rddreg [dreg:$0x0];
	s2 =	stileid.u32  }
0x4e: {  	s1 =	rddreg [dreg:$0x1];
	p0 =	sne.s32 s2, $0x0  }
0x4f: {  	s3 =	rddreg [dreg:$0x2];
	[bflag:$0x3] =	sbarrier.arrive $0xFFFF;
	s2 =	simm.s32 @!p0 $0x1C01  }
0x50: {  	[timem:s3], [sflag:s2] =	dma.local @!p0 [hbm:s0], s1  }
0x51: {  	s0 =	simm.s32 @!p0 $0x1  }
0x52: {  	_ =	swait.ge @!p0 [sflag:s0], s1  }
0x53: {  	s1 =	ssub.s32 @!p0 $0x0, s1;
	[sflag:s0] =	ssyncset.done @!p0 $0x0  }
0x54: {  	[sflag:s0] =	ssyncadd.s32 @!p0 s1  }
0x55: {  	[bflag:$0x3] =	sbarrier.arrive $0xFFFF  }
0x56: {  	_ =	shalt  }

</sc_bundles>
